<compile_context>
chip_gen: v7x
topology: tpu7x:2x2x1
jax: 0.10.2.dev20260603
libtpu: 0.0.44.dev20260713+nightly
codegen_flags: <defaults>
</compile_context>

<pallas_src>
import functools

import jax
import jax.numpy as jnp
from jax import lax
from jax.experimental import pallas as pl
from jax.experimental.pallas import tpu as pltpu
from jax.experimental.pallas import tpu_sc as plsc

EMBED_DIM = 64
BATCH = 16384

NC = 2
NS = 16
L = 16
NW = NC * NS
BPW = BATCH // NW
CHUNK = 32
NCHUNK = BPW // CHUNK
CGROUPS = CHUNK // L

_mesh = plsc.VectorSubcoreMesh(
    core_axis_name="c", subcore_axis_name="s", num_cores=NC, num_subcores=NS
)


@functools.partial(
    pl.kernel,
    out_type=jax.ShapeDtypeStruct((BATCH,), jnp.float32),
    mesh=_mesh,
    scratch_types=[
        pltpu.VMEM((BPW,), jnp.int32),
        pltpu.VMEM((BPW,), jnp.int32),
        pltpu.VMEM((CHUNK, 8, EMBED_DIM), jnp.float32),
        pltpu.VMEM((CHUNK, 8, EMBED_DIM), jnp.float32),
        pltpu.VMEM((BPW,), jnp.float32),
        pltpu.SemaphoreType.DMA,
    ],
    compiler_params=pltpu.CompilerParams(needs_layout_passes=False),
)
def _sc_dot(uid_hbm, iid_hbm, ut_hbm, it_hbm, out_hbm,
            uid_v, iid_v, ubuf_v, ibuf_v, out_v, sem):
    wid = lax.axis_index("s") * NC + lax.axis_index("c")
    base = wid * BPW
    pltpu.sync_copy(uid_hbm.at[pl.ds(base, BPW)], uid_v)
    pltpu.sync_copy(iid_hbm.at[pl.ds(base, BPW)], iid_v)

    lane = lax.broadcasted_iota(jnp.int32, (L,), 0)

    def chunk_body(chunk, carry):
        coff = chunk * CHUNK
        cps = []
        for g in range(CGROUPS):
            ublks = lax.shift_right_logical(uid_v[pl.ds(coff + g * L, L)], 3) * 8
            iblks = lax.shift_right_logical(iid_v[pl.ds(coff + g * L, L)], 3) * 8
            for j in range(L):
                ub = pl.multiple_of(ublks[j], 8)
                ib = pl.multiple_of(iblks[j], 8)
                cps.append(pltpu.async_copy(
                    ut_hbm.at[pl.ds(ub, 8)], ubuf_v.at[g * L + j], sem))
                cps.append(pltpu.async_copy(
                    it_hbm.at[pl.ds(ib, 8)], ibuf_v.at[g * L + j], sem))
        for cp in cps:
            cp.wait()

        for g in range(CGROUPS):
            gsl = pl.ds(coff + g * L, L)
            rows = g * L + lane
            usub = jnp.bitwise_and(uid_v[gsl], 7)
            isub = jnp.bitwise_and(iid_v[gsl], 7)
            acc = jnp.zeros((L,), jnp.float32)
            for c in range(EMBED_DIM):
                col = jnp.full((L,), c, jnp.int32)
                ug = plsc.load_gather(ubuf_v, [rows, usub, col])
                ig = plsc.load_gather(ibuf_v, [rows, isub, col])
                acc = acc + ug * ig
            out_v[gsl] = acc
        return carry

    lax.fori_loop(0, NCHUNK, chunk_body, 0)

    pltpu.sync_copy(out_v, out_hbm.at[pl.ds(base, BPW)])


def kernel(user_ids, item_ids, user_table, item_table):
    return _sc_dot(user_ids.astype(jnp.int32), item_ids.astype(jnp.int32),
                   user_table, item_table)

# --- scband reference (transcript-rebuilt; emitter-appended) ---
"""Pipeline reference for scband-matrix-factorization-60404420051406 (READ-ONLY COPY).

The authoritative reference and input builder live on the scoring server;
editing this copy changes nothing except your own understanding.
"""

import jax, jax.numpy as jnp
import numpy as np

NUM_USERS = 1000000
NUM_ITEMS = 1000000
EMBED_DIM = 64
BATCH = 16384


def setup_inputs(seed: int = 0) -> dict:
    key = jax.random.key(seed)
    k1, k2, k3, k4 = jax.random.split(key, 4)
    user_ids = jax.random.randint(k1, (BATCH,), 0, NUM_USERS, dtype=jnp.int64 if jax.config.jax_enable_x64 else jnp.int32)
    item_ids = jax.random.randint(k2, (BATCH,), 0, NUM_ITEMS, dtype=jnp.int64 if jax.config.jax_enable_x64 else jnp.int32)
    user_table = jax.random.normal(k3, (NUM_USERS, EMBED_DIM), dtype=jnp.float32)
    item_table = jax.random.normal(k4, (NUM_ITEMS, EMBED_DIM), dtype=jnp.float32)
    return {"user_ids": user_ids, "item_ids": item_ids, "user_table": user_table, "item_table": item_table}


def reference(user_ids, item_ids, user_table, item_table):
    user_embedding = jnp.take(user_table, user_ids, axis=0)
    item_embedding = jnp.take(item_table, item_ids, axis=0)
    return jnp.sum(user_embedding * item_embedding, axis=1)

if __name__ == "__main__":
    import jax
    _d = setup_inputs()
    print(jax.jit(kernel)(*tuple(_d.values())))

</pallas_src>

<mosaic_0001>
#map = affine_map<(d0, d1) -> (0)>
#map1 = affine_map<(d0, d1) -> (0, 0)>
module attributes {stable_mosaic.version = 14 : i64} {
  func.func @_sc_dot(%arg0: i32, %arg1: i32, %arg2: memref<16384xi32, #tpu.memory_space<hbm>>, %arg3: memref<16384xi32, #tpu.memory_space<hbm>>, %arg4: memref<1000000x64xf32, #tpu.memory_space<hbm>>, %arg5: memref<1000000x64xf32, #tpu.memory_space<hbm>>, %arg6: memref<16384xf32, #tpu.memory_space<hbm>>, %arg7: memref<512xi32, #tpu.memory_space<vmem>>, %arg8: memref<512xi32, #tpu.memory_space<vmem>>, %arg9: memref<32x8x64xf32, #tpu.memory_space<vmem>>, %arg10: memref<32x8x64xf32, #tpu.memory_space<vmem>>, %arg11: memref<512xf32, #tpu.memory_space<vmem>>, %arg12: memref<!tpu.dma_semaphore, #tpu.memory_space<semaphore_mem>>) attributes {dimension_semantics = [#tpu.dimension_semantics<core_parallel>, #tpu.dimension_semantics<subcore_parallel>], iteration_bounds = array<i64: 2, 16>, scalar_prefetch = 0 : i64, scratch_operands = 6 : i64, tpu.core_type = #tpu.core_type<sc_vector_subcore>, window_params = [{transform_indices = #map}, {transform_indices = #map}, {transform_indices = #map1}, {transform_indices = #map1}, {transform_indices = #map}]} {
    %mul3A = arith.constant 2 : i32
    %mul3A_0 = arith.muli %arg1, %mul3A : i32
    %add3A = arith.addi %mul3A_0, %arg0 : i32
    %mul3A_1 = arith.constant 512 : i32
    %mul3A_2 = arith.muli %add3A, %mul3A_1 : i32
    "tpu.region"() ({
      %run_scoped3A = tpu.sem_alloc : memref<!tpu.dma_semaphore, #tpu.memory_space<semaphore_mem>>
      %dma_start3A = tpu.memref_slice %arg2[%mul3A_2] : memref<16384xi32, #tpu.memory_space<hbm>> -> memref<512xi32, #tpu.memory_space<hbm>>
      %dma_start3A_8 = tpu.memref_slice %arg2[%mul3A_2] : memref<16384xi32, #tpu.memory_space<hbm>> -> memref<512xi32, #tpu.memory_space<hbm>>
      tpu.enqueue_dma source(%dma_start3A_8 : memref<512xi32, #tpu.memory_space<hbm>>) target(%arg7 : memref<512xi32, #tpu.memory_space<vmem>>) target_semaphore(%run_scoped3A : memref<!tpu.dma_semaphore, #tpu.memory_space<semaphore_mem>>)
      %dma_wait3A = tpu.memref_slice %arg2[%mul3A_2] : memref<16384xi32, #tpu.memory_space<hbm>> -> memref<512xi32, #tpu.memory_space<hbm>>
      %dma_wait3A_9 = tpu.memref_slice %arg2[%mul3A_2] : memref<16384xi32, #tpu.memory_space<hbm>> -> memref<512xi32, #tpu.memory_space<hbm>>
      tpu.wait_dma2 semaphore(%run_scoped3A : memref<!tpu.dma_semaphore, #tpu.memory_space<semaphore_mem>>) src(%dma_wait3A_9 : memref<512xi32, #tpu.memory_space<hbm>>) dst(%arg7 : memref<512xi32, #tpu.memory_space<vmem>>)
      tpu.yield
    }) : () -> ()
    "tpu.region"() ({
      %run_scoped3A = tpu.sem_alloc : memref<!tpu.dma_semaphore, #tpu.memory_space<semaphore_mem>>
      %dma_start3A = tpu.memref_slice %arg3[%mul3A_2] : memref<16384xi32, #tpu.memory_space<hbm>> -> memref<512xi32, #tpu.memory_space<hbm>>
      %dma_start3A_8 = tpu.memref_slice %arg3[%mul3A_2] : memref<16384xi32, #tpu.memory_space<hbm>> -> memref<512xi32, #tpu.memory_space<hbm>>
      tpu.enqueue_dma source(%dma_start3A_8 : memref<512xi32, #tpu.memory_space<hbm>>) target(%arg8 : memref<512xi32, #tpu.memory_space<vmem>>) target_semaphore(%run_scoped3A : memref<!tpu.dma_semaphore, #tpu.memory_space<semaphore_mem>>)
      %dma_wait3A = tpu.memref_slice %arg3[%mul3A_2] : memref<16384xi32, #tpu.memory_space<hbm>> -> memref<512xi32, #tpu.memory_space<hbm>>
      %dma_wait3A_9 = tpu.memref_slice %arg3[%mul3A_2] : memref<16384xi32, #tpu.memory_space<hbm>> -> memref<512xi32, #tpu.memory_space<hbm>>
      tpu.wait_dma2 semaphore(%run_scoped3A : memref<!tpu.dma_semaphore, #tpu.memory_space<semaphore_mem>>) src(%dma_wait3A_9 : memref<512xi32, #tpu.memory_space<hbm>>) dst(%arg8 : memref<512xi32, #tpu.memory_space<vmem>>)
      tpu.yield
    }) : () -> ()
    %iota3A = tpu.iota {dimensions = array<i32: 0>} : vector<16xi32>
    %scan3A = arith.constant 0 : i32
    %scan3A_3 = arith.constant 0 : i32
    %scan3A_4 = arith.constant 16 : i32
    %scan3A_5 = arith.addi %scan3A_3, %scan3A_4 : i32
    %scan3A_6 = arith.constant 1 : i32
    scf.for %scan3A_8 = %scan3A_3 to %scan3A_5 step %scan3A_6  : i32 {
      %mul3A_9 = arith.constant 32 : i32
      %mul3A_10 = arith.muli %scan3A_8, %mul3A_9 : i32
      %add3A_11 = arith.constant 0 : i32
      %add3A_12 = arith.addi %mul3A_10, %add3A_11 : i32
      %get3A = arith.index_cast %add3A_12 : i32 to index
      %get3A_13 = tpu.vector_load %arg7[%get3A] {strides = array<i32>} : memref<512xi32, #tpu.memory_space<vmem>>, vector<16xi32>,
      %shift_right_logical3A = arith.constant 3 : i32
      %shift_right_logical3A_14 = vector.broadcast %shift_right_logical3A : i32 to vector<16xi32>
      %shift_right_logical3A_15 = arith.shrui %get3A_13, %shift_right_logical3A_14 : vector<16xi32>
      %mul3A_16 = arith.constant 8 : i32
      %mul3A_17 = vector.broadcast %mul3A_16 : i32 to vector<16xi32>
      %mul3A_18 = arith.muli %shift_right_logical3A_15, %mul3A_17 : vector<16xi32>
      %add3A_19 = arith.constant 0 : i32
      %add3A_20 = arith.addi %mul3A_10, %add3A_19 : i32
      %get3A_21 = arith.index_cast %add3A_20 : i32 to index
      %get3A_22 = tpu.vector_load %arg8[%get3A_21] {strides = array<i32>} : memref<512xi32, #tpu.memory_space<vmem>>, vector<16xi32>,
      %shift_right_logical3A_23 = arith.constant 3 : i32
      %shift_right_logical3A_24 = vector.broadcast %shift_right_logical3A_23 : i32 to vector<16xi32>
      %shift_right_logical3A_25 = arith.shrui %get3A_22, %shift_right_logical3A_24 : vector<16xi32>
      %mul3A_26 = arith.constant 8 : i32
      %mul3A_27 = vector.broadcast %mul3A_26 : i32 to vector<16xi32>
      %mul3A_28 = arith.muli %shift_right_logical3A_25, %mul3A_27 : vector<16xi32>
      %slice3A = vector.extract_strided_slice %mul3A_18 {offsets = [0], sizes = [1], strides = [1]} : vector<16xi32> to vector<1xi32>
      %squeeze3A = vector.extract %slice3A[0] : i32 from vector<1xi32>
      %multiple_of3A = tpu.assume_multiple %squeeze3A, 8 : i32
      %slice3A_29 = vector.extract_strided_slice %mul3A_28 {offsets = [0], sizes = [1], strides = [1]} : vector<16xi32> to vector<1xi32>
      %squeeze3A_30 = vector.extract %slice3A_29[0] : i32 from vector<1xi32>
      %multiple_of3A_31 = tpu.assume_multiple %squeeze3A_30, 8 : i32
      %dma_start3A = arith.constant 0 : i32
      %dma_start3A_32 = arith.constant 0 : i32
      %dma_start3A_33 = arith.constant 0 : i32
      %dma_start3A_34 = tpu.memref_slice %arg9[%dma_start3A, %dma_start3A_32, %dma_start3A_33] : memref<32x8x64xf32, #tpu.memory_space<vmem>> -> memref<1x8x64xf32, #tpu.memory_space<vmem>>
      %dma_start3A_35 = tpu.memref_squeeze %dma_start3A_34 : memref<1x8x64xf32, #tpu.memory_space<vmem>> -> memref<8x64xf32, #tpu.memory_space<vmem>>
      %dma_start3A_36 = arith.constant 0 : i32
      %dma_start3A_37 = tpu.memref_slice %arg4[%multiple_of3A, %dma_start3A_36] : memref<1000000x64xf32, #tpu.memory_space<hbm>> -> memref<8x64xf32, #tpu.memory_space<hbm>>
      %dma_start3A_38 = arith.constant 0 : i32
      %dma_start3A_39 = arith.constant 0 : i32
      %dma_start3A_40 = tpu.memref_slice %arg9[%dma_start3A, %dma_start3A_38, %dma_start3A_39] : memref<32x8x64xf32, #tpu.memory_space<vmem>> -> memref<1x8x64xf32, #tpu.memory_space<vmem>>
      %dma_start3A_41 = tpu.memref_squeeze %dma_start3A_40 : memref<1x8x64xf32, #tpu.memory_space<vmem>> -> memref<8x64xf32, #tpu.memory_space<vmem>>
      %dma_start3A_42 = arith.constant 0 : i32
      %dma_start3A_43 = tpu.memref_slice %arg4[%multiple_of3A, %dma_start3A_42] : memref<1000000x64xf32, #tpu.memory_space<hbm>> -> memref<8x64xf32, #tpu.memory_space<hbm>>
      tpu.enqueue_dma source(%dma_start3A_43 : memref<8x64xf32, #tpu.memory_space<hbm>>) target(%dma_start3A_41 : memref<8x64xf32, #tpu.memory_space<vmem>>) target_semaphore(%arg12 : memref<!tpu.dma_semaphore, #tpu.memory_space<semaphore_mem>>)
      %dma_start3A_44 = arith.constant 0 : i32
      %dma_start3A_45 = arith.constant 0 : i32
      %dma_start3A_46 = arith.constant 0 : i32
      %dma_start3A_47 = tpu.memref_slice %arg10[%dma_start3A_44, %dma_start3A_45, %dma_start3A_46] : memref<32x8x64xf32, #tpu.memory_space<vmem>> -> memref<1x8x64xf32, #tpu.memory_space<vmem>>
      %dma_start3A_48 = tpu.memref_squeeze %dma_start3A_47 : memref<1x8x64xf32, #tpu.memory_space<vmem>> -> memref<8x64xf32, #tpu.memory_space<vmem>>
      %dma_start3A_49 = arith.constant 0 : i32
      %dma_start3A_50 = tpu.memref_slice %arg5[%multiple_of3A_31, %dma_start3A_49] : memref<1000000x64xf32, #tpu.memory_space<hbm>> -> memref<8x64xf32, #tpu.memory_space<hbm>>
      %dma_start3A_51 = arith.constant 0 : i32
      %dma_start3A_52 = arith.constant 0 : i32
      %dma_start3A_53 = tpu.memref_slice %arg10[%dma_start3A_44, %dma_start3A_51, %dma_start3A_52] : memref<32x8x64xf32, #tpu.memory_space<vmem>> -> memref<1x8x64xf32, #tpu.memory_space<vmem>>
      %dma_start3A_54 = tpu.memref_squeeze %dma_start3A_53 : memref<1x8x64xf32, #tpu.memory_space<vmem>> -> memref<8x64xf32, #tpu.memory_space<vmem>>
      %dma_start3A_55 = arith.constant 0 : i32
      %dma_start3A_56 = tpu.memref_slice %arg5[%multiple_of3A_31, %dma_start3A_55] : memref<1000000x64xf32, #tpu.memory_space<hbm>> -> memref<8x64xf32, #tpu.memory_space<hbm>>
      tpu.enqueue_dma source(%dma_start3A_56 : memref<8x64xf32, #tpu.memory_space<hbm>>) target(%dma_start3A_54 : memref<8x64xf32, #tpu.memory_space<vmem>>) target_semaphore(%arg12 : memref<!tpu.dma_semaphore, #tpu.memory_space<semaphore_mem>>)
      %slice3A_57 = vector.extract_strided_slice %mul3A_18 {offsets = [1], sizes = [1], strides = [1]} : vector<16xi32> to vector<1xi32>
      %squeeze3A_58 = vector.extract %slice3A_57[0] : i32 from vector<1xi32>
      %multiple_of3A_59 = tpu.assume_multiple %squeeze3A_58, 8 : i32
      %slice3A_60 = vector.extract_strided_slice %mul3A_28 {offsets = [1], sizes = [1], strides = [1]} : vector<16xi32> to vector<1xi32>
      %squeeze3A_61 = vector.extract %slice3A_60[0] : i32 from vector<1xi32>
      %multiple_of3A_62 = tpu.assume_multiple %squeeze3A_61, 8 : i32
      %dma_start3A_63 = arith.constant 1 : i32
      %dma_start3A_64 = arith.constant 0 : i32
      %dma_start3A_65 = arith.constant 0 : i32
      %dma_start3A_66 = tpu.memref_slice %arg9[%dma_start3A_63, %dma_start3A_64, %dma_start3A_65] : memref<32x8x64xf32, #tpu.memory_space<vmem>> -> memref<1x8x64xf32, #tpu.memory_space<vmem>>
      %dma_start3A_67 = tpu.memref_squeeze %dma_start3A_66 : memref<1x8x64xf32, #tpu.memory_space<vmem>> -> memref<8x64xf32, #tpu.memory_space<vmem>>
      %dma_start3A_68 = arith.constant 0 : i32
      %dma_start3A_69 = tpu.memref_slice %arg4[%multiple_of3A_59, %dma_start3A_68] : memref<1000000x64xf32, #tpu.memory_space<hbm>> -> memref<8x64xf32, #tpu.memory_space<hbm>>
      %dma_start3A_70 = arith.constant 0 : i32
      %dma_start3A_71 = arith.constant 0 : i32
      %dma_start3A_72 = tpu.memref_slice %arg9[%dma_start3A_63, %dma_start3A_70, %dma_start3A_71] : memref<32x8x64xf32, #tpu.memory_space<vmem>> -> memref<1x8x64xf32, #tpu.memory_space<vmem>>
      %dma_start3A_73 = tpu.memref_squeeze %dma_start3A_72 : memref<1x8x64xf32, #tpu.memory_space<vmem>> -> memref<8x64xf32, #tpu.memory_space<vmem>>
      %dma_start3A_74 = arith.constant 0 : i32
      %dma_start3A_75 = tpu.memref_slice %arg4[%multiple_of3A_59, %dma_start3A_74] : memref<1000000x64xf32, #tpu.memory_space<hbm>> -> memref<8x64xf32, #tpu.memory_space<hbm>>
      tpu.enqueue_dma source(%dma_start3A_75 : memref<8x64xf32, #tpu.memory_space<hbm>>) target(%dma_start3A_73 : memref<8x64xf32, #tpu.memory_space<vmem>>) target_semaphore(%arg12 : memref<!tpu.dma_semaphore, #tpu.memory_space<semaphore_mem>>)
      %dma_start3A_76 = arith.constant 1 : i32
      %dma_start3A_77 = arith.constant 0 : i32
      %dma_start3A_78 = arith.constant 0 : i32
      %dma_start3A_79 = tpu.memref_slice %arg10[%dma_start3A_76, %dma_start3A_77, %dma_start3A_78] : memref<32x8x64xf32, #tpu.memory_space<vmem>> -> memref<1x8x64xf32, #tpu.memory_space<vmem>>
      %dma_start3A_80 = tpu.memref_squeeze %dma_start3A_79 : memref<1x8x64xf32, #tpu.memory_space<vmem>> -> memref<8x64xf32, #tpu.memory_space<vmem>>
      %dma_start3A_81 = arith.constant 0 : i32
      %dma_start3A_82 = tpu.memref_slice %arg5[%multiple_of3A_62, %dma_start3A_81] : memref<1000000x64xf32, #tpu.memory_space<hbm>> -> memref<8x64xf32, #tpu.memory_space<hbm>>
      %dma_start3A_83 = arith.constant 0 : i32
      %dma_start3A_84 = arith.constant 0 : i32
      %dma_start3A_85 = tpu.memref_slice %arg10[%dma_start3A_76, %dma_start3A_83, %dma_start3A_84] : memref<32x8x64xf32, #tpu.memory_space<vmem>> -> memref<1x8x64xf32, #tpu.memory_space<vmem>>
      %dma_start3A_86 = tpu.memref_squeeze %dma_start3A_85 : memref<1x8x64xf32, #tpu.memory_space<vmem>> -> memref<8x64xf32, #tpu.memory_space<vmem>>
      %dma_start3A_87 = arith.constant 0 : i32
      %dma_start3A_88 = tpu.memref_slice %arg5[%multiple_of3A_62, %dma_start3A_87] : memref<1000000x64xf32, #tpu.memory_space<hbm>> -> memref<8x64xf32, #tpu.memory_space<hbm>>
      tpu.enqueue_dma source(%dma_start3A_88 : memref<8x64xf32, #tpu.memory_space<hbm>>) target(%dma_start3A_86 : memref<8x64xf32, #tpu.memory_space<vmem>>) target_semaphore(%arg12 : memref<!tpu.dma_semaphore, #tpu.memory_space<semaphore_mem>>)
      %slice3A_89 = vector.extract_strided_slice %mul3A_18 {offsets = [2], sizes = [1], strides = [1]} : vector<16xi32> to vector<1xi32>
      %squeeze3A_90 = vector.extract %slice3A_89[0] : i32 from vector<1xi32>
      %multiple_of3A_91 = tpu.assume_multiple %squeeze3A_90, 8 : i32
      %slice3A_92 = vector.extract_strided_slice %mul3A_28 {offsets = [2], sizes = [1], strides = [1]} : vector<16xi32> to vector<1xi32>
      %squeeze3A_93 = vector.extract %slice3A_92[0] : i32 from vector<1xi32>
      %multiple_of3A_94 = tpu.assume_multiple %squeeze3A_93, 8 : i32
      %dma_start3A_95 = arith.constant 2 : i32
      %dma_start3A_96 = arith.constant 0 : i32
      %dma_start3A_97 = arith.constant 0 : i32
      %dma_start3A_98 = tpu.memref_slice %arg9[%dma_start3A_95, %dma_start3A_96, %dma_start3A_97] : memref<32x8x64xf32, #tpu.memory_space<vmem>> -> memref<1x8x64xf32, #tpu.memory_space<vmem>>
      %dma_start3A_99 = tpu.memref_squeeze %dma_start3A_98 : memref<1x8x64xf32, #tpu.memory_space<vmem>> -> memref<8x64xf32, #tpu.memory_space<vmem>>
      %dma_start3A_100 = arith.constant 0 : i32
      %dma_start3A_101 = tpu.memref_slice %arg4[%multiple_of3A_91, %dma_start3A_100] : memref<1000000x64xf32, #tpu.memory_space<hbm>> -> memref<8x64xf32, #tpu.memory_space<hbm>>
      %dma_start3A_102 = arith.constant 0 : i32
      %dma_start3A_103 = arith.constant 0 : i32
      %dma_start3A_104 = tpu.memref_slice %arg9[%dma_start3A_95, %dma_start3A_102, %dma_start3A_103] : memref<32x8x64xf32, #tpu.memory_space<vmem>> -> memref<1x8x64xf32, #tpu.memory_space<vmem>>
      %dma_start3A_105 = tpu.memref_squeeze %dma_start3A_104 : memref<1x8x64xf32, #tpu.memory_space<vmem>> -> memref<8x64xf32, #tpu.memory_space<vmem>>
      %dma_start3A_106 = arith.constant 0 : i32
      %dma_start3A_107 = tpu.memref_slice %arg4[%multiple_of3A_91, %dma_start3A_106] : memref<1000000x64xf32, #tpu.memory_space<hbm>> -> memref<8x64xf32, #tpu.memory_space<hbm>>
      tpu.enqueue_dma source(%dma_start3A_107 : memref<8x64xf32, #tpu.memory_space<hbm>>) target(%dma_start3A_105 : memref<8x64xf32, #tpu.memory_space<vmem>>) target_semaphore(%arg12 : memref<!tpu.dma_semaphore, #tpu.memory_space<semaphore_mem>>)
      %dma_start3A_108 = arith.constant 2 : i32
      %dma_start3A_109 = arith.constant 0 : i32
      %dma_start3A_110 = arith.constant 0 : i32
      %dma_start3A_111 = tpu.memref_slice %arg10[%dma_start3A_108, %dma_start3A_109, %dma_start3A_110] : memref<32x8x64xf32, #tpu.memory_space<vmem>> -> memref<1x8x64xf32, #tpu.memory_space<vmem>>
      %dma_start3A_112 = tpu.memref_squeeze %dma_start3A_111 : memref<1x8x64xf32, #tpu.memory_space<vmem>> -> memref<8x64xf32, #tpu.memory_space<vmem>>
      %dma_start3A_113 = arith.constant 0 : i32
      %dma_start3A_114 = tpu.memref_slice %arg5[%multiple_of3A_94, %dma_start3A_113] : memref<1000000x64xf32, #tpu.memory_space<hbm>> -> memref<8x64xf32, #tpu.memory_space<hbm>>
      %dma_start3A_115 = arith.constant 0 : i32
      %dma_start3A_116 = arith.constant 0 : i32
      %dma_start3A_117 = tpu.memref_slice %arg10[%dma_start3A_108, %dma_start3A_115, %dma_start3A_116] : memref<32x8x64xf32, #tpu.memory_space<vmem>> -> memref<1x8x64xf32, #tpu.memory_space<vmem>>
      %dma_start3A_118 = tpu.memref_squeeze %dma_start3A_117 : memref<1x8x64xf32, #tpu.memory_space<vmem>> -> memref<8x64xf32, #tpu.memory_space<vmem>>
      %dma_start3A_119 = arith.constant 0 : i32
      %dma_start3A_120 = tpu.memref_slice %arg5[%multiple_of3A_94, %dma_start3A_119] : memref<1000000x64xf32, #tpu.memory_space<hbm>> -> memref<8x64xf32, #tpu.memory_space<hbm>>
      tpu.enqueue_dma source(%dma_start3A_120 : memref<8x64xf32, #tpu.memory_space<hbm>>) target(%dma_start3A_118 : memref<8x64xf32, #tpu.memory_space<vmem>>) target_semaphore(%arg12 : memref<!tpu.dma_semaphore, #tpu.memory_space<semaphore_mem>>)
      %slice3A_121 = vector.extract_strided_slice %mul3A_18 {offsets = [3], sizes = [1], strides = [1]} : vector<16xi32> to vector<1xi32>
      %squeeze3A_122 = vector.extract %slice3A_121[0] : i32 from vector<1xi32>
      %multiple_of3A_123 = tpu.assume_multiple %squeeze3A_122, 8 : i32
      %slice3A_124 = vector.extract_strided_slice %mul3A_28 {offsets = [3], sizes = [1], strides = [1]} : vector<16xi32> to vector<1xi32>
      %squeeze3A_125 = vector.extract %slice3A_124[0] : i32 from vector<1xi32>
      %multiple_of3A_126 = tpu.assume_multiple %squeeze3A_125, 8 : i32
      %dma_start3A_127 = arith.constant 3 : i32
      %dma_start3A_128 = arith.constant 0 : i32
      %dma_start3A_129 = arith.constant 0 : i32
      %dma_start3A_130 = tpu.memref_slice %arg9[%dma_start3A_127, %dma_start3A_128, %dma_start3A_129] : memref<32x8x64xf32, #tpu.memory_space<vmem>> -> memref<1x8x64xf32, #tpu.memory_space<vmem>>
      %dma_start3A_131 = tpu.memref_squeeze %dma_start3A_130 : memref<1x8x64xf32, #tpu.memory_space<vmem>> -> memref<8x64xf32, #tpu.memory_space<vmem>>
      %dma_start3A_132 = arith.constant 0 : i32
      %dma_start3A_133 = tpu.memref_slice %arg4[%multiple_of3A_123, %dma_start3A_132] : memref<1000000x64xf32, #tpu.memory_space<hbm>> -> memref<8x64xf32, #tpu.memory_space<hbm>>
      %dma_start3A_134 = arith.constant 0 : i32
      %dma_start3A_135 = arith.constant 0 : i32
      %dma_start3A_136 = tpu.memref_slice %arg9[%dma_start3A_127, %dma_start3A_134, %dma_start3A_135] : memref<32x8x64xf32, #tpu.memory_space<vmem>> -> memref<1x8x64xf32, #tpu.memory_space<vmem>>
      %dma_start3A_137 = tpu.memref_squeeze %dma_start3A_136 : memref<1x8x64xf32, #tpu.memory_space<vmem>> -> memref<8x64xf32, #tpu.memory_space<vmem>>
      %dma_start3A_138 = arith.constant 0 : i32
      %dma_start3A_139 = tpu.memref_slice %arg4[%multiple_of3A_123, %dma_start3A_138] : memref<1000000x64xf32, #tpu.memory_space<hbm>> -> memref<8x64xf32, #tpu.memory_space<hbm>>
      tpu.enqueue_dma source(%dma_start3A_139 : memref<8x64xf32, #tpu.memory_space<hbm>>) target(%dma_start3A_137 : memref<8x64xf32, #tpu.memory_space<vmem>>) target_semaphore(%arg12 : memref<!tpu.dma_semaphore, #tpu.memory_space<semaphore_mem>>)
      %dma_start3A_140 = arith.constant 3 : i32
      %dma_start3A_141 = arith.constant 0 : i32
      %dma_start3A_142 = arith.constant 0 : i32
      %dma_start3A_143 = tpu.memref_slice %arg10[%dma_start3A_140, %dma_start3A_141, %dma_start3A_142] : memref<32x8x64xf32, #tpu.memory_space<vmem>> -> memref<1x8x64xf32, #tpu.memory_space<vmem>>
      %dma_start3A_144 = tpu.memref_squeeze %dma_start3A_143 : memref<1x8x64xf32, #tpu.memory_space<vmem>> -> memref<8x64xf32, #tpu.memory_space<vmem>>
      %dma_start3A_145 = arith.constant 0 : i32
      %dma_start3A_146 = tpu.memref_slice %arg5[%multiple_of3A_126, %dma_start3A_145] : memref<1000000x64xf32, #tpu.memory_space<hbm>> -> memref<8x64xf32, #tpu.memory_space<hbm>>
      %dma_start3A_147 = arith.constant 0 : i32
      %dma_start3A_148 = arith.constant 0 : i32
      %dma_start3A_149 = tpu.memref_slice %arg10[%dma_start3A_140, %dma_start3A_147, %dma_start3A_148] : memref<32x8x64xf32, #tpu.memory_space<vmem>> -> memref<1x8x64xf32, #tpu.memory_space<vmem>>
      %dma_start3A_150 = tpu.memref_squeeze %dma_start3A_149 : memref<1x8x64xf32, #tpu.memory_space<vmem>> -> memref<8x64xf32, #tpu.memory_space<vmem>>
      %dma_start3A_151 = arith.constant 0 : i32
      %dma_start3A_152 = tpu.memref_slice %arg5[%multiple_of3A_126, %dma_start3A_151] : memref<1000000x64xf32, #tpu.memory_space<hbm>> -> memref<8x64xf32, #tpu.memory_space<hbm>>
      tpu.enqueue_dma source(%dma_start3A_152 : memref<8x64xf32, #tpu.memory_space<hbm>>) target(%dma_start3A_150 : memref<8x64xf32, #tpu.memory_space<vmem>>) target_semaphore(%arg12 : memref<!tpu.dma_semaphore, #tpu.memory_space<semaphore_mem>>)
      %slice3A_153 = vector.extract_strided_slice %mul3A_18 {offsets = [4], sizes = [1], strides = [1]} : vector<16xi32> to vector<1xi32>
      %squeeze3A_154 = vector.extract %slice3A_153[0] : i32 from vector<1xi32>
      %multiple_of3A_155 = tpu.assume_multiple %squeeze3A_154, 8 : i32
      %slice3A_156 = vector.extract_strided_slice %mul3A_28 {offsets = [4], sizes = [1], strides = [1]} : vector<16xi32> to vector<1xi32>
      %squeeze3A_157 = vector.extract %slice3A_156[0] : i32 from vector<1xi32>
      %multiple_of3A_158 = tpu.assume_multiple %squeeze3A_157, 8 : i32
      %dma_start3A_159 = arith.constant 4 : i32
      %dma_start3A_160 = arith.constant 0 : i32
      %dma_start3A_161 = arith.constant 0 : i32
      %dma_start3A_162 = tpu.memref_slice %arg9[%dma_start3A_159, %dma_start3A_160, %dma_start3A_161] : memref<32x8x64xf32, #tpu.memory_space<vmem>> -> memref<1x8x64xf32, #tpu.memory_space<vmem>>
      %dma_start3A_163 = tpu.memref_squeeze %dma_start3A_162 : memref<1x8x64xf32, #tpu.memory_space<vmem>> -> memref<8x64xf32, #tpu.memory_space<vmem>>
      %dma_start3A_164 = arith.constant 0 : i32
      %dma_start3A_165 = tpu.memref_slice %arg4[%multiple_of3A_155, %dma_start3A_164] : memref<1000000x64xf32, #tpu.memory_space<hbm>> -> memref<8x64xf32, #tpu.memory_space<hbm>>
      %dma_start3A_166 = arith.constant 0 : i32
      %dma_start3A_167 = arith.constant 0 : i32
      %dma_start3A_168 = tpu.memref_slice %arg9[%dma_start3A_159, %dma_start3A_166, %dma_start3A_167] : memref<32x8x64xf32, #tpu.memory_space<vmem>> -> memref<1x8x64xf32, #tpu.memory_space<vmem>>
      %dma_start3A_169 = tpu.memref_squeeze %dma_start3A_168 : memref<1x8x64xf32, #tpu.memory_space<vmem>> -> memref<8x64xf32, #tpu.memory_space<vmem>>
      %dma_start3A_170 = arith.constant 0 : i32
      %dma_start3A_171 = tpu.memref_slice %arg4[%multiple_of3A_155, %dma_start3A_170] : memref<1000000x64xf32, #tpu.memory_space<hbm>> -> memref<8x64xf32, #tpu.memory_space<hbm>>
      tpu.enqueue_dma source(%dma_start3A_171 : memref<8x64xf32, #tpu.memory_space<hbm>>) target(%dma_start3A_169 : memref<8x64xf32, #tpu.memory_space<vmem>>) target_semaphore(%arg12 : memref<!tpu.dma_semaphore, #tpu.memory_space<semaphore_mem>>)
      %dma_start3A_172 = arith.constant 4 : i32
      %dma_start3A_173 = arith.constant 0 : i32
      %dma_start3A_174 = arith.constant 0 : i32
      %dma_start3A_175 = tpu.memref_slice %arg10[%dma_start3A_172, %dma_start3A_173, %dma_start3A_174] : memref<32x8x64xf32, #tpu.memory_space<vmem>> -> memref<1x8x64xf32, #tpu.memory_space<vmem>>
      %dma_start3A_176 = tpu.memref_squeeze %dma_start3A_175 : memref<1x8x64xf32, #tpu.memory_space<vmem>> -> memref<8x64xf32, #tpu.memory_space<vmem>>
      %dma_start3A_177 = arith.constant 0 : i32
      %dma_start3A_178 = tpu.memref_slice %arg5[%multiple_of3A_158, %dma_start3A_177] : memref<1000000x64xf32, #tpu.memory_space<hbm>> -> memref<8x64xf32, #tpu.memory_space<hbm>>
      %dma_start3A_179 = arith.constant 0 : i32
      %dma_start3A_180 = arith.constant 0 : i32
      %dma_start3A_181 = tpu.memref_slice %arg10[%dma_start3A_172, %dma_start3A_179, %dma_start3A_180] : memref<32x8x64xf32, #tpu.memory_space<vmem>> -> memref<1x8x64xf32, #tpu.memory_space<vmem>>
      %dma_start3A_182 = tpu.memref_squeeze %dma_start3A_181 : memref<1x8x64xf32, #tpu.memory_space<vmem>> -> memref<8x64xf32, #tpu.memory_space<vmem>>
      %dma_start3A_183 = arith.constant 0 : i32
      %dma_start3A_184 = tpu.memref_slice %arg5[%multiple_of3A_158, %dma_start3A_183] : memref<1000000x64xf32, #tpu.memory_space<hbm>> -> memref<8x64xf32, #tpu.memory_space<hbm>>
      tpu.enqueue_dma source(%dma_start3A_184 : memref<8x64xf32, #tpu.memory_space<hbm>>) target(%dma_start3A_182 : memref<8x64xf32, #tpu.memory_space<vmem>>) target_semaphore(%arg12 : memref<!tpu.dma_semaphore, #tpu.memory_space<semaphore_mem>>)
      %slice3A_185 = vector.extract_strided_slice %mul3A_18 {offsets = [5], sizes = [1], strides = [1]} : vector<16xi32> to vector<1xi32>
      %squeeze3A_186 = vector.extract %slice3A_185[0] : i32 from vector<1xi32>
      %multiple_of3A_187 = tpu.assume_multiple %squeeze3A_186, 8 : i32
      %slice3A_188 = vector.extract_strided_slice %mul3A_28 {offsets = [5], sizes = [1], strides = [1]} : vector<16xi32> to vector<1xi32>
      %squeeze3A_189 = vector.extract %slice3A_188[0] : i32 from vector<1xi32>
      %multiple_of3A_190 = tpu.assume_multiple %squeeze3A_189, 8 : i32
      %dma_start3A_191 = arith.constant 5 : i32
      %dma_start3A_192 = arith.constant 0 : i32
      %dma_start3A_193 = arith.constant 0 : i32
      %dma_start3A_194 = tpu.memref_slice %arg9[%dma_start3A_191, %dma_start3A_192, %dma_start3A_193] : memref<32x8x64xf32, #tpu.memory_space<vmem>> -> memref<1x8x64xf32, #tpu.memory_space<vmem>>
      %dma_start3A_195 = tpu.memref_squeeze %dma_start3A_194 : memref<1x8x64xf32, #tpu.memory_space<vmem>> -> memref<8x64xf32, #tpu.memory_space<vmem>>
      %dma_start3A_196 = arith.constant 0 : i32
      %dma_start3A_197 = tpu.memref_slice %arg4[%multiple_of3A_187, %dma_start3A_196] : memref<1000000x64xf32, #tpu.memory_space<hbm>> -> memref<8x64xf32, #tpu.memory_space<hbm>>
      %dma_start3A_198 = arith.constant 0 : i32
      %dma_start3A_199 = arith.constant 0 : i32
      %dma_start3A_200 = tpu.memref_slice %arg9[%dma_start3A_191, %dma_start3A_198, %dma_start3A_199] : memref<32x8x64xf32, #tpu.memory_space<vmem>> -> memref<1x8x64xf32, #tpu.memory_space<vmem>>
      %dma_start3A_201 = tpu.memref_squeeze %dma_start3A_200 : memref<1x8x64xf32, #tpu.memory_space<vmem>> -> memref<8x64xf32, #tpu.memory_space<vmem>>
      %dma_start3A_202 = arith.constant 0 : i32
      %dma_start3A_203 = tpu.memref_slice %arg4[%multiple_of3A_187, %dma_start3A_202] : memref<1000000x64xf32, #tpu.memory_space<hbm>> -> memref<8x64xf32, #tpu.memory_space<hbm>>
      tpu.enqueue_dma source(%dma_start3A_203 : memref<8x64xf32, #tpu.memory_space<hbm>>) target(%dma_start3A_201 : memref<8x64xf32, #tpu.memory_space<vmem>>) target_semaphore(%arg12 : memref<!tpu.dma_semaphore, #tpu.memory_space<semaphore_mem>>)
      %dma_start3A_204 = arith.constant 5 : i32
      %dma_start3A_205 = arith.constant 0 : i32
      %dma_start3A_206 = arith.constant 0 : i32
      %dma_start3A_207 = tpu.memref_slice %arg10[%dma_start3A_204, %dma_start3A_205, %dma_start3A_206] : memref<32x8x64xf32, #tpu.memory_space<vmem>> -> memref<1x8x64xf32, #tpu.memory_space<vmem>>
      %dma_start3A_208 = tpu.memref_squeeze %dma_start3A_207 : memref<1x8x64xf32, #tpu.memory_space<vmem>> -> memref<8x64xf32, #tpu.memory_space<vmem>>
      %dma_start3A_209 = arith.constant 0 : i32
      %dma_start3A_210 = tpu.memref_slice %arg5[%multiple_of3A_190, %dma_start3A_209] : memref<1000000x64xf32, #tpu.memory_space<hbm>> -> memref<8x64xf32, #tpu.memory_space<hbm>>
      %dma_start3A_211 = arith.constant 0 : i32
      %dma_start3A_212 = arith.constant 0 : i32
      %dma_start3A_213 = tpu.memref_slice %arg10[%dma_start3A_204, %dma_start3A_211, %dma_start3A_212] : memref<32x8x64xf32, #tpu.memory_space<vmem>> -> memref<1x8x64xf32, #tpu.memory_space<vmem>>
      %dma_start3A_214 = tpu.memref_squeeze %dma_start3A_213 : memref<1x8x64xf32, #tpu.memory_space<vmem>> -> memref<8x64xf32, #tpu.memory_space<vmem>>
      %dma_start3A_215 = arith.constant 0 : i32
      %dma_start3A_216 = tpu.memref_slice %arg5[%multiple_of3A_190, %dma_start3A_215] : memref<1000000x64xf32, #tpu.memory_space<hbm>> -> memref<8x64xf32, #tpu.memory_space<hbm>>
      tpu.enqueue_dma source(%dma_start3A_216 : memref<8x64xf32, #tpu.memory_space<hbm>>) target(%dma_start3A_214 : memref<8x64xf32, #tpu.memory_space<vmem>>) target_semaphore(%arg12 : memref<!tpu.dma_semaphore, #tpu.memory_space<semaphore_mem>>)
      %slice3A_217 = vector.extract_strided_slice %mul3A_18 {offsets = [6], sizes = [1], strides = [1]} : vector<16xi32> to vector<1xi32>
      %squeeze3A_218 = vector.extract %slice3A_217[0] : i32 from vector<1xi32>
      %multiple_of3A_219 = tpu.assume_multiple %squeeze3A_218, 8 : i32
      %slice3A_220 = vector.extract_strided_slice %mul3A_28 {offsets = [6], sizes = [1], strides = [1]} : vector<16xi32> to vector<1xi32>
      %squeeze3A_221 = vector.extract %slice3A_220[0] : i32 from vector<1xi32>
      %multiple_of3A_222 = tpu.assume_multiple %squeeze3A_221, 8 : i32
      %dma_start3A_223 = arith.constant 6 : i32
      %dma_start3A_224 = arith.constant 0 : i32
      %dma_start3A_225 = arith.constant 0 : i32
      %dma_start3A_226 = tpu.memref_slice %arg9[%dma_start3A_223, %dma_start3A_224, %dma_start3A_225] : memref<32x8x64xf32, #tpu.memory_space<vmem>> -> memref<1x8x64xf32, #tpu.memory_space<vmem>>
      %dma_start3A_227 = tpu.memref_squeeze %dma_start3A_226 : memref<1x8x64xf32, #tpu.memory_space<vmem>> -> memref<8x64xf32, #tpu.memory_space<vmem>>
      %dma_start3A_228 = arith.constant 0 : i32
      %dma_start3A_229 = tpu.memref_slice %arg4[%multiple_of3A_219, %dma_start3A_228] : memref<1000000x64xf32, #tpu.memory_space<hbm>> -> memref<8x64xf32, #tpu.memory_space<hbm>>
      %dma_start3A_230 = arith.constant 0 : i32
      %dma_start3A_231 = arith.constant 0 : i32
      %dma_start3A_232 = tpu.memref_slice %arg9[%dma_start3A_223, %dma_start3A_230, %dma_start3A_231] : memref<32x8x64xf32, #tpu.memory_space<vmem>> -> memref<1x8x64xf32, #tpu.memory_space<vmem>>
      %dma_start3A_233 = tpu.memref_squeeze %dma_start3A_232 : memref<1x8x64xf32, #tpu.memory_space<vmem>> -> memref<8x64xf32, #tpu.memory_space<vmem>>
      %dma_start3A_234 = arith.constant 0 : i32
      %dma_start3A_235 = tpu.memref_slice %arg4[%multiple_of3A_219, %dma_start3A_234] : memref<1000000x64xf32, #tpu.memory_space<hbm>> -> memref<8x64xf32, #tpu.memory_space<hbm>>
      tpu.enqueue_dma source(%dma_start3A_235 : memref<8x64xf32, #tpu.memory_space<hbm>>) target(%dma_start3A_233 : memref<8x64xf32, #tpu.memory_space<vmem>>) target_semaphore(%arg12 : memref<!tpu.dma_semaphore, #tpu.memory_space<semaphore_mem>>)
      %dma_start3A_236 = arith.constant 6 : i32
      %dma_start3A_237 = arith.constant 0 : i32
      %dma_start3A_238 = arith.constant 0 : i32
      %dma_start3A_239 = tpu.memref_slice %arg10[%dma_start3A_236, %dma_start3A_237, %dma_start3A_238] : memref<32x8x64xf32, #tpu.memory_space<vmem>> -> memref<1x8x64xf32, #tpu.memory_space<vmem>>
      %dma_start3A_240 = tpu.memref_squeeze %dma_start3A_239 : memref<1x8x64xf32, #tpu.memory_space<vmem>> -> memref<8x64xf32, #tpu.memory_space<vmem>>
      %dma_start3A_241 = arith.constant 0 : i32
      %dma_start3A_242 = tpu.memref_slice %arg5[%multiple_of3A_222, %dma_start3A_241] : memref<1000000x64xf32, #tpu.memory_space<hbm>> -> memref<8x64xf32, #tpu.memory_space<hbm>>
      %dma_start3A_243 = arith.constant 0 : i32
      %dma_start3A_244 = arith.constant 0 : i32
      %dma_start3A_245 = tpu.memref_slice %arg10[%dma_start3A_236, %dma_start3A_243, %dma_start3A_244] : memref<32x8x64xf32, #tpu.memory_space<vmem>> -> memref<1x8x64xf32, #tpu.memory_space<vmem>>
      %dma_start3A_246 = tpu.memref_squeeze %dma_start3A_245 : memref<1x8x64xf32, #tpu.memory_space<vmem>> -> memref<8x64xf32, #tpu.memory_space<vmem>>
      %dma_start3A_247 = arith.constant 0 : i32
      %dma_start3A_248 = tpu.memref_slice %arg5[%multiple_of3A_222, %dma_start3A_247] : memref<1000000x64xf32, #tpu.memory_space<hbm>> -> memref<8x64xf32, #tpu.memory_space<hbm>>
      tpu.enqueue_dma source(%dma_start3A_248 : memref<8x64xf32, #tpu.memory_space<hbm>>) target(%dma_start3A_246 : memref<8x64xf32, #tpu.memory_space<vmem>>) target_semaphore(%arg12 : memref<!tpu.dma_semaphore, #tpu.memory_space<semaphore_mem>>)
      %slice3A_249 = vector.extract_strided_slice %mul3A_18 {offsets = [7], sizes = [1], strides = [1]} : vector<16xi32> to vector<1xi32>
      %squeeze3A_250 = vector.extract %slice3A_249[0] : i32 from vector<1xi32>
      %multiple_of3A_251 = tpu.assume_multiple %squeeze3A_250, 8 : i32
      %slice3A_252 = vector.extract_strided_slice %mul3A_28 {offsets = [7], sizes = [1], strides = [1]} : vector<16xi32> to vector<1xi32>
      %squeeze3A_253 = vector.extract %slice3A_252[0] : i32 from vector<1xi32>
      %multiple_of3A_254 = tpu.assume_multiple %squeeze3A_253, 8 : i32
      %dma_start3A_255 = arith.constant 7 : i32
      %dma_start3A_256 = arith.constant 0 : i32
      %dma_start3A_257 = arith.constant 0 : i32
      %dma_start3A_258 = tpu.memref_slice %arg9[%dma_start3A_255, %dma_start3A_256, %dma_start3A_257] : memref<32x8x64xf32, #tpu.memory_space<vmem>> -> memref<1x8x64xf32, #tpu.memory_space<vmem>>
      %dma_start3A_259 = tpu.memref_squeeze %dma_start3A_258 : memref<1x8x64xf32, #tpu.memory_space<vmem>> -> memref<8x64xf32, #tpu.memory_space<vmem>>
      %dma_start3A_260 = arith.constant 0 : i32
      %dma_start3A_261 = tpu.memref_slice %arg4[%multiple_of3A_251, %dma_start3A_260] : memref<1000000x64xf32, #tpu.memory_space<hbm>> -> memref<8x64xf32, #tpu.memory_space<hbm>>
      %dma_start3A_262 = arith.constant 0 : i32
      %dma_start3A_263 = arith.constant 0 : i32
      %dma_start3A_264 = tpu.memref_slice %arg9[%dma_start3A_255, %dma_start3A_262, %dma_start3A_263] : memref<32x8x64xf32, #tpu.memory_space<vmem>> -> memref<1x8x64xf32, #tpu.memory_space<vmem>>
      %dma_start3A_265 = tpu.memref_squeeze %dma_start3A_264 : memref<1x8x64xf32, #tpu.memory_space<vmem>> -> memref<8x64xf32, #tpu.memory_space<vmem>>
      %dma_start3A_266 = arith.constant 0 : i32
      %dma_start3A_267 = tpu.memref_slice %arg4[%multiple_of3A_251, %dma_start3A_266] : memref<1000000x64xf32, #tpu.memory_space<hbm>> -> memref<8x64xf32, #tpu.memory_space<hbm>>
      tpu.enqueue_dma source(%dma_start3A_267 : memref<8x64xf32, #tpu.memory_space<hbm>>) target(%dma_start3A_265 : memref<8x64xf32, #tpu.memory_space<vmem>>) target_semaphore(%arg12 : memref<!tpu.dma_semaphore, #tpu.memory_space<semaphore_mem>>)
      %dma_start3A_268 = arith.constant 7 : i32
      %dma_start3A_269 = arith.constant 0 : i32
      %dma_start3A_270 = arith.constant 0 : i32
      %dma_start3A_271 = tpu.memref_slice %arg10[%dma_start3A_268, %dma_start3A_269, %dma_start3A_270] : memref<32x8x64xf32, #tpu.memory_space<vmem>> -> memref<1x8x64xf32, #tpu.memory_space<vmem>>
      %dma_start3A_272 = tpu.memref_squeeze %dma_start3A_271 : memref<1x8x64xf32, #tpu.memory_space<vmem>> -> memref<8x64xf32, #tpu.memory_space<vmem>>
      %dma_start3A_273 = arith.constant 0 : i32
      %dma_start3A_274 = tpu.memref_slice %arg5[%multiple_of3A_254, %dma_start3A_273] : memref<1000000x64xf32, #tpu.memory_space<hbm>> -> memref<8x64xf32, #tpu.memory_space<hbm>>
      %dma_start3A_275 = arith.constant 0 : i32
      %dma_start3A_276 = arith.constant 0 : i32
      %dma_start3A_277 = tpu.memref_slice %arg10[%dma_start3A_268, %dma_start3A_275, %dma_start3A_276] : memref<32x8x64xf32, #tpu.memory_space<vmem>> -> memref<1x8x64xf32, #tpu.memory_space<vmem>>
      %dma_start3A_278 = tpu.memref_squeeze %dma_start3A_277 : memref<1x8x64xf32, #tpu.memory_space<vmem>> -> memref<8x64xf32, #tpu.memory_space<vmem>>
      %dma_start3A_279 = arith.constant 0 : i32
      %dma_start3A_280 = tpu.memref_slice %arg5[%multiple_of3A_254, %dma_start3A_279] : memref<1000000x64xf32, #tpu.memory_space<hbm>> -> memref<8x64xf32, #tpu.memory_space<hbm>>
      tpu.enqueue_dma source(%dma_start3A_280 : memref<8x64xf32, #tpu.memory_space<hbm>>) target(%dma_start3A_278 : memref<8x64xf32, #tpu.memory_space<vmem>>) target_semaphore(%arg12 : memref<!tpu.dma_semaphore, #tpu.memory_space<semaphore_mem>>)
      %slice3A_281 = vector.extract_strided_slice %mul3A_18 {offsets = [8], sizes = [1], strides = [1]} : vector<16xi32> to vector<1xi32>
      %squeeze3A_282 = vector.extract %slice3A_281[0] : i32 from vector<1xi32>
      %multiple_of3A_283 = tpu.assume_multiple %squeeze3A_282, 8 : i32
      %slice3A_284 = vector.extract_strided_slice %mul3A_28 {offsets = [8], sizes = [1], strides = [1]} : vector<16xi32> to vector<1xi32>
      %squeeze3A_285 = vector.extract %slice3A_284[0] : i32 from vector<1xi32>
      %multiple_of3A_286 = tpu.assume_multiple %squeeze3A_285, 8 : i32
      %dma_start3A_287 = arith.constant 8 : i32
      %dma_start3A_288 = arith.constant 0 : i32
      %dma_start3A_289 = arith.constant 0 : i32
      %dma_start3A_290 = tpu.memref_slice %arg9[%dma_start3A_287, %dma_start3A_288, %dma_start3A_289] : memref<32x8x64xf32, #tpu.memory_space<vmem>> -> memref<1x8x64xf32, #tpu.memory_space<vmem>>
      %dma_start3A_291 = tpu.memref_squeeze %dma_start3A_290 : memref<1x8x64xf32, #tpu.memory_space<vmem>> -> memref<8x64xf32, #tpu.memory_space<vmem>>
      %dma_start3A_292 = arith.constant 0 : i32
      %dma_start3A_293 = tpu.memref_slice %arg4[%multiple_of3A_283, %dma_start3A_292] : memref<1000000x64xf32, #tpu.memory_space<hbm>> -> memref<8x64xf32, #tpu.memory_space<hbm>>
      %dma_start3A_294 = arith.constant 0 : i32
      %dma_start3A_295 = arith.constant 0 : i32
      %dma_start3A_296 = tpu.memref_slice %arg9[%dma_start3A_287, %dma_start3A_294, %dma_start3A_295] : memref<32x8x64xf32, #tpu.memory_space<vmem>> -> memref<1x8x64xf32, #tpu.memory_space<vmem>>
      %dma_start3A_297 = tpu.memref_squeeze %dma_start3A_296 : memref<1x8x64xf32, #tpu.memory_space<vmem>> -> memref<8x64xf32, #tpu.memory_space<vmem>>
      %dma_start3A_298 = arith.constant 0 : i32
      %dma_start3A_299 = tpu.memref_slice %arg4[%multiple_of3A_283, %dma_start3A_298] : memref<1000000x64xf32, #tpu.memory_space<hbm>> -> memref<8x64xf32, #tpu.memory_space<hbm>>
      tpu.enqueue_dma source(%dma_start3A_299 : memref<8x64xf32, #tpu.memory_space<hbm>>) target(%dma_start3A_297 : memref<8x64xf32, #tpu.memory_space<vmem>>) target_semaphore(%arg12 : memref<!tpu.dma_semaphore, #tpu.memory_space<semaphore_mem>>)
      %dma_start3A_300 = arith.constant 8 : i32
      %dma_start3A_301 = arith.constant 0 : i32
      %dma_start3A_302 = arith.constant 0 : i32
      %dma_start3A_303 = tpu.memref_slice %arg10[%dma_start3A_300, %dma_start3A_301, %dma_start3A_302] : memref<32x8x64xf32, #tpu.memory_space<vmem>> -> memref<1x8x64xf32, #tpu.memory_space<vmem>>
      %dma_start3A_304 = tpu.memref_squeeze %dma_start3A_303 : memref<1x8x64xf32, #tpu.memory_space<vmem>> -> memref<8x64xf32, #tpu.memory_space<vmem>>
      %dma_start3A_305 = arith.constant 0 : i32
      %dma_start3A_306 = tpu.memref_slice %arg5[%multiple_of3A_286, %dma_start3A_305] : memref<1000000x64xf32, #tpu.memory_space<hbm>> -> memref<8x64xf32, #tpu.memory_space<hbm>>
      %dma_start3A_307 = arith.constant 0 : i32
      %dma_start3A_308 = arith.constant 0 : i32
      %dma_start3A_309 = tpu.memref_slice %arg10[%dma_start3A_300, %dma_start3A_307, %dma_start3A_308] : memref<32x8x64xf32, #tpu.memory_space<vmem>> -> memref<1x8x64xf32, #tpu.memory_space<vmem>>
      %dma_start3A_310 = tpu.memref_squeeze %dma_start3A_309 : memref<1x8x64xf32, #tpu.memory_space<vmem>> -> memref<8x64xf32, #tpu.memory_space<vmem>>
      %dma_start3A_311 = arith.constant 0 : i32
      %dma_start3A_312 = tpu.memref_slice %arg5[%multiple_of3A_286, %dma_start3A_311] : memref<1000000x64xf32, #tpu.memory_space<hbm>> -> memref<8x64xf32, #tpu.memory_space<hbm>>
      tpu.enqueue_dma source(%dma_start3A_312 : memref<8x64xf32, #tpu.memory_space<hbm>>) target(%dma_start3A_310 : memref<8x64xf32, #tpu.memory_space<vmem>>) target_semaphore(%arg12 : memref<!tpu.dma_semaphore, #tpu.memory_space<semaphore_mem>>)
      %slice3A_313 = vector.extract_strided_slice %mul3A_18 {offsets = [9], sizes = [1], strides = [1]} : vector<16xi32> to vector<1xi32>
      %squeeze3A_314 = vector.extract %slice3A_313[0] : i32 from vector<1xi32>
      %multiple_of3A_315 = tpu.assume_multiple %squeeze3A_314, 8 : i32
      %slice3A_316 = vector.extract_strided_slice %mul3A_28 {offsets = [9], sizes = [1], strides = [1]} : vector<16xi32> to vector<1xi32>
      %squeeze3A_317 = vector.extract %slice3A_316[0] : i32 from vector<1xi32>
      %multiple_of3A_318 = tpu.assume_multiple %squeeze3A_317, 8 : i32
      %dma_start3A_319 = arith.constant 9 : i32
      %dma_start3A_320 = arith.constant 0 : i32
      %dma_start3A_321 = arith.constant 0 : i32
      %dma_start3A_322 = tpu.memref_slice %arg9[%dma_start3A_319, %dma_start3A_320, %dma_start3A_321] : memref<32x8x64xf32, #tpu.memory_space<vmem>> -> memref<1x8x64xf32, #tpu.memory_space<vmem>>
      %dma_start3A_323 = tpu.memref_squeeze %dma_start3A_322 : memref<1x8x64xf32, #tpu.memory_space<vmem>> -> memref<8x64xf32, #tpu.memory_space<vmem>>
      %dma_start3A_324 = arith.constant 0 : i32
      %dma_start3A_325 = tpu.memref_slice %arg4[%multiple_of3A_315, %dma_start3A_324] : memref<1000000x64xf32, #tpu.memory_space<hbm>> -> memref<8x64xf32, #tpu.memory_space<hbm>>
      %dma_start3A_326 = arith.constant 0 : i32
      %dma_start3A_327 = arith.constant 0 : i32
      %dma_start3A_328 = tpu.memref_slice %arg9[%dma_start3A_319, %dma_start3A_326, %dma_start3A_327] : memref<32x8x64xf32, #tpu.memory_space<vmem>> -> memref<1x8x64xf32, #tpu.memory_space<vmem>>
      %dma_start3A_329 = tpu.memref_squeeze %dma_start3A_328 : memref<1x8x64xf32, #tpu.memory_space<vmem>> -> memref<8x64xf32, #tpu.memory_space<vmem>>
      %dma_start3A_330 = arith.constant 0 : i32
      %dma_start3A_331 = tpu.memref_slice %arg4[%multiple_of3A_315, %dma_start3A_330] : memref<1000000x64xf32, #tpu.memory_space<hbm>> -> memref<8x64xf32, #tpu.memory_space<hbm>>
      tpu.enqueue_dma source(%dma_start3A_331 : memref<8x64xf32, #tpu.memory_space<hbm>>) target(%dma_start3A_329 : memref<8x64xf32, #tpu.memory_space<vmem>>) target_semaphore(%arg12 : memref<!tpu.dma_semaphore, #tpu.memory_space<semaphore_mem>>)
      %dma_start3A_332 = arith.constant 9 : i32
      %dma_start3A_333 = arith.constant 0 : i32
      %dma_start3A_334 = arith.constant 0 : i32
      %dma_start3A_335 = tpu.memref_slice %arg10[%dma_start3A_332, %dma_start3A_333, %dma_start3A_334] : memref<32x8x64xf32, #tpu.memory_space<vmem>> -> memref<1x8x64xf32, #tpu.memory_space<vmem>>
      %dma_start3A_336 = tpu.memref_squeeze %dma_start3A_335 : memref<1x8x64xf32, #tpu.memory_space<vmem>> -> memref<8x64xf32, #tpu.memory_space<vmem>>
      %dma_start3A_337 = arith.constant 0 : i32
      %dma_start3A_338 = tpu.memref_slice %arg5[%multiple_of3A_318, %dma_start3A_337] : memref<1000000x64xf32, #tpu.memory_space<hbm>> -> memref<8x64xf32, #tpu.memory_space<hbm>>
      %dma_start3A_339 = arith.constant 0 : i32
      %dma_start3A_340 = arith.constant 0 : i32
      %dma_start3A_341 = tpu.memref_slice %arg10[%dma_start3A_332, %dma_start3A_339, %dma_start3A_340] : memref<32x8x64xf32, #tpu.memory_space<vmem>> -> memref<1x8x64xf32, #tpu.memory_space<vmem>>
      %dma_start3A_342 = tpu.memref_squeeze %dma_start3A_341 : memref<1x8x64xf32, #tpu.memory_space<vmem>> -> memref<8x64xf32, #tpu.memory_space<vmem>>
      %dma_start3A_343 = arith.constant 0 : i32
      %dma_start3A_344 = tpu.memref_slice %arg5[%multiple_of3A_318, %dma_start3A_343] : memref<1000000x64xf32, #tpu.memory_space<hbm>> -> memref<8x64xf32, #tpu.memory_space<hbm>>
      tpu.enqueue_dma source(%dma_start3A_344 : memref<8x64xf32, #tpu.memory_space<hbm>>) target(%dma_start3A_342 : memref<8x64xf32, #tpu.memory_space<vmem>>) target_semaphore(%arg12 : memref<!tpu.dma_semaphore, #tpu.memory_space<semaphore_mem>>)
      %slice3A_345 = vector.extract_strided_slice %mul3A_18 {offsets = [10], sizes = [1], strides = [1]} : vector<16xi32> to vector<1xi32>
      %squeeze3A_346 = vector.extract %slice3A_345[0] : i32 from vector<1xi32>
      %multiple_of3A_347 = tpu.assume_multiple %squeeze3A_346, 8 : i32
      %slice3A_348 = vector.extract_strided_slice %mul3A_28 {offsets = [10], sizes = [1], strides = [1]} : vector<16xi32> to vector<1xi32>
      %squeeze3A_349 = vector.extract %slice3A_348[0] : i32 from vector<1xi32>
      %multiple_of3A_350 = tpu.assume_multiple %squeeze3A_349, 8 : i32
      %dma_start3A_351 = arith.constant 10 : i32
      %dma_start3A_352 = arith.constant 0 : i32
      %dma_start3A_353 = arith.constant 0 : i32
      %dma_start3A_354 = tpu.memref_slice %arg9[%dma_start3A_351, %dma_start3A_352, %dma_start3A_353] : memref<32x8x64xf32, #tpu.memory_space<vmem>> -> memref<1x8x64xf32, #tpu.memory_space<vmem>>
      %dma_start3A_355 = tpu.memref_squeeze %dma_start3A_354 : memref<1x8x64xf32, #tpu.memory_space<vmem>> -> memref<8x64xf32, #tpu.memory_space<vmem>>
      %dma_start3A_356 = arith.constant 0 : i32
      %dma_start3A_357 = tpu.memref_slice %arg4[%multiple_of3A_347, %dma_start3A_356] : memref<1000000x64xf32, #tpu.memory_space<hbm>> -> memref<8x64xf32, #tpu.memory_space<hbm>>
      %dma_start3A_358 = arith.constant 0 : i32
      %dma_start3A_359 = arith.constant 0 : i32
      %dma_start3A_360 = tpu.memref_slice %arg9[%dma_start3A_351, %dma_start3A_358, %dma_start3A_359] : memref<32x8x64xf32, #tpu.memory_space<vmem>> -> memref<1x8x64xf32, #tpu.memory_space<vmem>>
      %dma_start3A_361 = tpu.memref_squeeze %dma_start3A_360 : memref<1x8x64xf32, #tpu.memory_space<vmem>> -> memref<8x64xf32, #tpu.memory_space<vmem>>
      %dma_start3A_362 = arith.constant 0 : i32
      %dma_start3A_363 = tpu.memref_slice %arg4[%multiple_of3A_347, %dma_start3A_362] : memref<1000000x64xf32, #tpu.memory_space<hbm>> -> memref<8x64xf32, #tpu.memory_space<hbm>>
      tpu.enqueue_dma source(%dma_start3A_363 : memref<8x64xf32, #tpu.memory_space<hbm>>) target(%dma_start3A_361 : memref<8x64xf32, #tpu.memory_space<vmem>>) target_semaphore(%arg12 : memref<!tpu.dma_semaphore, #tpu.memory_space<semaphore_mem>>)
      %dma_start3A_364 = arith.constant 10 : i32
      %dma_start3A_365 = arith.constant 0 : i32
      %dma_start3A_366 = arith.constant 0 : i32
      %dma_start3A_367 = tpu.memref_slice %arg10[%dma_start3A_364, %dma_start3A_365, %dma_start3A_366] : memref<32x8x64xf32, #tpu.memory_space<vmem>> -> memref<1x8x64xf32, #tpu.memory_space<vmem>>
      %dma_start3A_368 = tpu.memref_squeeze %dma_start3A_367 : memref<1x8x64xf32, #tpu.memory_space<vmem>> -> memref<8x64xf32, #tpu.memory_space<vmem>>
      %dma_start3A_369 = arith.constant 0 : i32
      %dma_start3A_370 = tpu.memref_slice %arg5[%multiple_of3A_350, %dma_start3A_369] : memref<1000000x64xf32, #tpu.memory_space<hbm>> -> memref<8x64xf32, #tpu.memory_space<hbm>>
      %dma_start3A_371 = arith.constant 0 : i32
      %dma_start3A_372 = arith.constant 0 : i32
      %dma_start3A_373 = tpu.memref_slice %arg10[%dma_start3A_364, %dma_start3A_371, %dma_start3A_372] : memref<32x8x64xf32, #tpu.memory_space<vmem>> -> memref<1x8x64xf32, #tpu.memory_space<vmem>>
      %dma_start3A_374 = tpu.memref_squeeze %dma_start3A_373 : memref<1x8x64xf32, #tpu.memory_space<vmem>> -> memref<8x64xf32, #tpu.memory_space<vmem>>
      %dma_start3A_375 = arith.constant 0 : i32
      %dma_start3A_376 = tpu.memref_slice %arg5[%multiple_of3A_350, %dma_start3A_375] : memref<1000000x64xf32, #tpu.memory_space<hbm>> -> memref<8x64xf32, #tpu.memory_space<hbm>>
      tpu.enqueue_dma source(%dma_start3A_376 : memref<8x64xf32, #tpu.memory_space<hbm>>) target(%dma_start3A_374 : memref<8x64xf32, #tpu.memory_space<vmem>>) target_semaphore(%arg12 : memref<!tpu.dma_semaphore, #tpu.memory_space<semaphore_mem>>)
      %slice3A_377 = vector.extract_strided_slice %mul3A_18 {offsets = [11], sizes = [1], strides = [1]} : vector<16xi32> to vector<1xi32>
      %squeeze3A_378 = vector.extract %slice3A_377[0] : i32 from vector<1xi32>
      %multiple_of3A_379 = tpu.assume_multiple %squeeze3A_378, 8 : i32
      %slice3A_380 = vector.extract_strided_slice %mul3A_28 {offsets = [11], sizes = [1], strides = [1]} : vector<16xi32> to vector<1xi32>
      %squeeze3A_381 = vector.extract %slice3A_380[0] : i32 from vector<1xi32>
      %multiple_of3A_382 = tpu.assume_multiple %squeeze3A_381, 8 : i32
      %dma_start3A_383 = arith.constant 11 : i32
      %dma_start3A_384 = arith.constant 0 : i32
      %dma_start3A_385 = arith.constant 0 : i32
      %dma_start3A_386 = tpu.memref_slice %arg9[%dma_start3A_383, %dma_start3A_384, %dma_start3A_385] : memref<32x8x64xf32, #tpu.memory_space<vmem>> -> memref<1x8x64xf32, #tpu.memory_space<vmem>>
      %dma_start3A_387 = tpu.memref_squeeze %dma_start3A_386 : memref<1x8x64xf32, #tpu.memory_space<vmem>> -> memref<8x64xf32, #tpu.memory_space<vmem>>
      %dma_start3A_388 = arith.constant 0 : i32
      %dma_start3A_389 = tpu.memref_slice %arg4[%multiple_of3A_379, %dma_start3A_388] : memref<1000000x64xf32, #tpu.memory_space<hbm>> -> memref<8x64xf32, #tpu.memory_space<hbm>>
      %dma_start3A_390 = arith.constant 0 : i32
      %dma_start3A_391 = arith.constant 0 : i32
      %dma_start3A_392 = tpu.memref_slice %arg9[%dma_start3A_383, %dma_start3A_390, %dma_start3A_391] : memref<32x8x64xf32, #tpu.memory_space<vmem>> -> memref<1x8x64xf32, #tpu.memory_space<vmem>>
      %dma_start3A_393 = tpu.memref_squeeze %dma_start3A_392 : memref<1x8x64xf32, #tpu.memory_space<vmem>> -> memref<8x64xf32, #tpu.memory_space<vmem>>
      %dma_start3A_394 = arith.constant 0 : i32
      %dma_start3A_395 = tpu.memref_slice %arg4[%multiple_of3A_379, %dma_start3A_394] : memref<1000000x64xf32, #tpu.memory_space<hbm>> -> memref<8x64xf32, #tpu.memory_space<hbm>>
      tpu.enqueue_dma source(%dma_start3A_395 : memref<8x64xf32, #tpu.memory_space<hbm>>) target(%dma_start3A_393 : memref<8x64xf32, #tpu.memory_space<vmem>>) target_semaphore(%arg12 : memref<!tpu.dma_semaphore, #tpu.memory_space<semaphore_mem>>)
      %dma_start3A_396 = arith.constant 11 : i32
      %dma_start3A_397 = arith.constant 0 : i32
      %dma_start3A_398 = arith.constant 0 : i32
      %dma_start3A_399 = tpu.memref_slice %arg10[%dma_start3A_396, %dma_start3A_397, %dma_start3A_398] : memref<32x8x64xf32, #tpu.memory_space<vmem>> -> memref<1x8x64xf32, #tpu.memory_space<vmem>>
      %dma_start3A_400 = tpu.memref_squeeze %dma_start3A_399 : memref<1x8x64xf32, #tpu.memory_space<vmem>> -> memref<8x64xf32, #tpu.memory_space<vmem>>
      %dma_start3A_401 = arith.constant 0 : i32
      %dma_start3A_402 = tpu.memref_slice %arg5[%multiple_of3A_382, %dma_start3A_401] : memref<1000000x64xf32, #tpu.memory_space<hbm>> -> memref<8x64xf32, #tpu.memory_space<hbm>>
      %dma_start3A_403 = arith.constant 0 : i32
      %dma_start3A_404 = arith.constant 0 : i32
      %dma_start3A_405 = tpu.memref_slice %arg10[%dma_start3A_396, %dma_start3A_403, %dma_start3A_404] : memref<32x8x64xf32, #tpu.memory_space<vmem>> -> memref<1x8x64xf32, #tpu.memory_space<vmem>>
      %dma_start3A_406 = tpu.memref_squeeze %dma_start3A_405 : memref<1x8x64xf32, #tpu.memory_space<vmem>> -> memref<8x64xf32, #tpu.memory_space<vmem>>
      %dma_start3A_407 = arith.constant 0 : i32
      %dma_start3A_408 = tpu.memref_slice %arg5[%multiple_of3A_382, %dma_start3A_407] : memref<1000000x64xf32, #tpu.memory_space<hbm>> -> memref<8x64xf32, #tpu.memory_space<hbm>>
      tpu.enqueue_dma source(%dma_start3A_408 : memref<8x64xf32, #tpu.memory_space<hbm>>) target(%dma_start3A_406 : memref<8x64xf32, #tpu.memory_space<vmem>>) target_semaphore(%arg12 : memref<!tpu.dma_semaphore, #tpu.memory_space<semaphore_mem>>)
      %slice3A_409 = vector.extract_strided_slice %mul3A_18 {offsets = [12], sizes = [1], strides = [1]} : vector<16xi32> to vector<1xi32>
      %squeeze3A_410 = vector.extract %slice3A_409[0] : i32 from vector<1xi32>
      %multiple_of3A_411 = tpu.assume_multiple %squeeze3A_410, 8 : i32
      %slice3A_412 = vector.extract_strided_slice %mul3A_28 {offsets = [12], sizes = [1], strides = [1]} : vector<16xi32> to vector<1xi32>
      %squeeze3A_413 = vector.extract %slice3A_412[0] : i32 from vector<1xi32>
      %multiple_of3A_414 = tpu.assume_multiple %squeeze3A_413, 8 : i32
      %dma_start3A_415 = arith.constant 12 : i32
      %dma_start3A_416 = arith.constant 0 : i32
      %dma_start3A_417 = arith.constant 0 : i32
      %dma_start3A_418 = tpu.memref_slice %arg9[%dma_start3A_415, %dma_start3A_416, %dma_start3A_417] : memref<32x8x64xf32, #tpu.memory_space<vmem>> -> memref<1x8x64xf32, #tpu.memory_space<vmem>>
      %dma_start3A_419 = tpu.memref_squeeze %dma_start3A_418 : memref<1x8x64xf32, #tpu.memory_space<vmem>> -> memref<8x64xf32, #tpu.memory_space<vmem>>
      %dma_start3A_420 = arith.constant 0 : i32
      %dma_start3A_421 = tpu.memref_slice %arg4[%multiple_of3A_411, %dma_start3A_420] : memref<1000000x64xf32, #tpu.memory_space<hbm>> -> memref<8x64xf32, #tpu.memory_space<hbm>>
      %dma_start3A_422 = arith.constant 0 : i32
      %dma_start3A_423 = arith.constant 0 : i32
      %dma_start3A_424 = tpu.memref_slice %arg9[%dma_start3A_415, %dma_start3A_422, %dma_start3A_423] : memref<32x8x64xf32, #tpu.memory_space<vmem>> -> memref<1x8x64xf32, #tpu.memory_space<vmem>>
      %dma_start3A_425 = tpu.memref_squeeze %dma_start3A_424 : memref<1x8x64xf32, #tpu.memory_space<vmem>> -> memref<8x64xf32, #tpu.memory_space<vmem>>
      %dma_start3A_426 = arith.constant 0 : i32
      %dma_start3A_427 = tpu.memref_slice %arg4[%multiple_of3A_411, %dma_start3A_426] : memref<1000000x64xf32, #tpu.memory_space<hbm>> -> memref<8x64xf32, #tpu.memory_space<hbm>>
      tpu.enqueue_dma source(%dma_start3A_427 : memref<8x64xf32, #tpu.memory_space<hbm>>) target(%dma_start3A_425 : memref<8x64xf32, #tpu.memory_space<vmem>>) target_semaphore(%arg12 : memref<!tpu.dma_semaphore, #tpu.memory_space<semaphore_mem>>)
      %dma_start3A_428 = arith.constant 12 : i32
      %dma_start3A_429 = arith.constant 0 : i32
      %dma_start3A_430 = arith.constant 0 : i32
      %dma_start3A_431 = tpu.memref_slice %arg10[%dma_start3A_428, %dma_start3A_429, %dma_start3A_430] : memref<32x8x64xf32, #tpu.memory_space<vmem>> -> memref<1x8x64xf32, #tpu.memory_space<vmem>>
      %dma_start3A_432 = tpu.memref_squeeze %dma_start3A_431 : memref<1x8x64xf32, #tpu.memory_space<vmem>> -> memref<8x64xf32, #tpu.memory_space<vmem>>
      %dma_start3A_433 = arith.constant 0 : i32
      %dma_start3A_434 = tpu.memref_slice %arg5[%multiple_of3A_414, %dma_start3A_433] : memref<1000000x64xf32, #tpu.memory_space<hbm>> -> memref<8x64xf32, #tpu.memory_space<hbm>>
      %dma_start3A_435 = arith.constant 0 : i32
      %dma_start3A_436 = arith.constant 0 : i32
      %dma_start3A_437 = tpu.memref_slice %arg10[%dma_start3A_428, %dma_start3A_435, %dma_start3A_436] : memref<32x8x64xf32, #tpu.memory_space<vmem>> -> memref<1x8x64xf32, #tpu.memory_space<vmem>>
      %dma_start3A_438 = tpu.memref_squeeze %dma_start3A_437 : memref<1x8x64xf32, #tpu.memory_space<vmem>> -> memref<8x64xf32, #tpu.memory_space<vmem>>
      %dma_start3A_439 = arith.constant 0 : i32
      %dma_start3A_440 = tpu.memref_slice %arg5[%multiple_of3A_414, %dma_start3A_439] : memref<1000000x64xf32, #tpu.memory_space<hbm>> -> memref<8x64xf32, #tpu.memory_space<hbm>>
      tpu.enqueue_dma source(%dma_start3A_440 : memref<8x64xf32, #tpu.memory_space<hbm>>) target(%dma_start3A_438 : memref<8x64xf32, #tpu.memory_space<vmem>>) target_semaphore(%arg12 : memref<!tpu.dma_semaphore, #tpu.memory_space<semaphore_mem>>)
      %slice3A_441 = vector.extract_strided_slice %mul3A_18 {offsets = [13], sizes = [1], strides = [1]} : vector<16xi32> to vector<1xi32>
      %squeeze3A_442 = vector.extract %slice3A_441[0] : i32 from vector<1xi32>
      %multiple_of3A_443 = tpu.assume_multiple %squeeze3A_442, 8 : i32
      %slice3A_444 = vector.extract_strided_slice %mul3A_28 {offsets = [13], sizes = [1], strides = [1]} : vector<16xi32> to vector<1xi32>
      %squeeze3A_445 = vector.extract %slice3A_444[0] : i32 from vector<1xi32>
      %multiple_of3A_446 = tpu.assume_multiple %squeeze3A_445, 8 : i32
      %dma_start3A_447 = arith.constant 13 : i32
      %dma_start3A_448 = arith.constant 0 : i32
      %dma_start3A_449 = arith.constant 0 : i32
      %dma_start3A_450 = tpu.memref_slice %arg9[%dma_start3A_447, %dma_start3A_448, %dma_start3A_449] : memref<32x8x64xf32, #tpu.memory_space<vmem>> -> memref<1x8x64xf32, #tpu.memory_space<vmem>>
      %dma_start3A_451 = tpu.memref_squeeze %dma_start3A_450 : memref<1x8x64xf32, #tpu.memory_space<vmem>> -> memref<8x64xf32, #tpu.memory_space<vmem>>
      %dma_start3A_452 = arith.constant 0 : i32
      %dma_start3A_453 = tpu.memref_slice %arg4[%multiple_of3A_443, %dma_start3A_452] : memref<1000000x64xf32, #tpu.memory_space<hbm>> -> memref<8x64xf32, #tpu.memory_space<hbm>>
      %dma_start3A_454 = arith.constant 0 : i32
      %dma_start3A_455 = arith.constant 0 : i32
      %dma_start3A_456 = tpu.memref_slice %arg9[%dma_start3A_447, %dma_start3A_454, %dma_start3A_455] : memref<32x8x64xf32, #tpu.memory_space<vmem>> -> memref<1x8x64xf32, #tpu.memory_space<vmem>>
      %dma_start3A_457 = tpu.memref_squeeze %dma_start3A_456 : memref<1x8x64xf32, #tpu.memory_space<vmem>> -> memref<8x64xf32, #tpu.memory_space<vmem>>
      %dma_start3A_458 = arith.constant 0 : i32
      %dma_start3A_459 = tpu.memref_slice %arg4[%multiple_of3A_443, %dma_start3A_458] : memref<1000000x64xf32, #tpu.memory_space<hbm>> -> memref<8x64xf32, #tpu.memory_space<hbm>>
      tpu.enqueue_dma source(%dma_start3A_459 : memref<8x64xf32, #tpu.memory_space<hbm>>) target(%dma_start3A_457 : memref<8x64xf32, #tpu.memory_space<vmem>>) target_semaphore(%arg12 : memref<!tpu.dma_semaphore, #tpu.memory_space<semaphore_mem>>)
      %dma_start3A_460 = arith.constant 13 : i32
      %dma_start3A_461 = arith.constant 0 : i32
      %dma_start3A_462 = arith.constant 0 : i32
      %dma_start3A_463 = tpu.memref_slice %arg10[%dma_start3A_460, %dma_start3A_461, %dma_start3A_462] : memref<32x8x64xf32, #tpu.memory_space<vmem>> -> memref<1x8x64xf32, #tpu.memory_space<vmem>>
      %dma_start3A_464 = tpu.memref_squeeze %dma_start3A_463 : memref<1x8x64xf32, #tpu.memory_space<vmem>> -> memref<8x64xf32, #tpu.memory_space<vmem>>
      %dma_start3A_465 = arith.constant 0 : i32
      %dma_start3A_466 = tpu.memref_slice %arg5[%multiple_of3A_446, %dma_start3A_465] : memref<1000000x64xf32, #tpu.memory_space<hbm>> -> memref<8x64xf32, #tpu.memory_space<hbm>>
      %dma_start3A_467 = arith.constant 0 : i32
      %dma_start3A_468 = arith.constant 0 : i32
      %dma_start3A_469 = tpu.memref_slice %arg10[%dma_start3A_460, %dma_start3A_467, %dma_start3A_468] : memref<32x8x64xf32, #tpu.memory_space<vmem>> -> memref<1x8x64xf32, #tpu.memory_space<vmem>>
      %dma_start3A_470 = tpu.memref_squeeze %dma_start3A_469 : memref<1x8x64xf32, #tpu.memory_space<vmem>> -> memref<8x64xf32, #tpu.memory_space<vmem>>
      %dma_start3A_471 = arith.constant 0 : i32
      %dma_start3A_472 = tpu.memref_slice %arg5[%multiple_of3A_446, %dma_start3A_471] : memref<1000000x64xf32, #tpu.memory_space<hbm>> -> memref<8x64xf32, #tpu.memory_space<hbm>>
      tpu.enqueue_dma source(%dma_start3A_472 : memref<8x64xf32, #tpu.memory_space<hbm>>) target(%dma_start3A_470 : memref<8x64xf32, #tpu.memory_space<vmem>>) target_semaphore(%arg12 : memref<!tpu.dma_semaphore, #tpu.memory_space<semaphore_mem>>)
      %slice3A_473 = vector.extract_strided_slice %mul3A_18 {offsets = [14], sizes = [1], strides = [1]} : vector<16xi32> to vector<1xi32>
      %squeeze3A_474 = vector.extract %slice3A_473[0] : i32 from vector<1xi32>
      %multiple_of3A_475 = tpu.assume_multiple %squeeze3A_474, 8 : i32
      %slice3A_476 = vector.extract_strided_slice %mul3A_28 {offsets = [14], sizes = [1], strides = [1]} : vector<16xi32> to vector<1xi32>
      %squeeze3A_477 = vector.extract %slice3A_476[0] : i32 from vector<1xi32>
      %multiple_of3A_478 = tpu.assume_multiple %squeeze3A_477, 8 : i32
      %dma_start3A_479 = arith.constant 14 : i32
      %dma_start3A_480 = arith.constant 0 : i32
      %dma_start3A_481 = arith.constant 0 : i32
      %dma_start3A_482 = tpu.memref_slice %arg9[%dma_start3A_479, %dma_start3A_480, %dma_start3A_481] : memref<32x8x64xf32, #tpu.memory_space<vmem>> -> memref<1x8x64xf32, #tpu.memory_space<vmem>>
      %dma_start3A_483 = tpu.memref_squeeze %dma_start3A_482 : memref<1x8x64xf32, #tpu.memory_space<vmem>> -> memref<8x64xf32, #tpu.memory_space<vmem>>
      %dma_start3A_484 = arith.constant 0 : i32
      %dma_start3A_485 = tpu.memref_slice %arg4[%multiple_of3A_475, %dma_start3A_484] : memref<1000000x64xf32, #tpu.memory_space<hbm>> -> memref<8x64xf32, #tpu.memory_space<hbm>>
      %dma_start3A_486 = arith.constant 0 : i32
      %dma_start3A_487 = arith.constant 0 : i32
      %dma_start3A_488 = tpu.memref_slice %arg9[%dma_start3A_479, %dma_start3A_486, %dma_start3A_487] : memref<32x8x64xf32, #tpu.memory_space<vmem>> -> memref<1x8x64xf32, #tpu.memory_space<vmem>>
      %dma_start3A_489 = tpu.memref_squeeze %dma_start3A_488 : memref<1x8x64xf32, #tpu.memory_space<vmem>> -> memref<8x64xf32, #tpu.memory_space<vmem>>
      %dma_start3A_490 = arith.constant 0 : i32
      %dma_start3A_491 = tpu.memref_slice %arg4[%multiple_of3A_475, %dma_start3A_490] : memref<1000000x64xf32, #tpu.memory_space<hbm>> -> memref<8x64xf32, #tpu.memory_space<hbm>>
      tpu.enqueue_dma source(%dma_start3A_491 : memref<8x64xf32, #tpu.memory_space<hbm>>) target(%dma_start3A_489 : memref<8x64xf32, #tpu.memory_space<vmem>>) target_semaphore(%arg12 : memref<!tpu.dma_semaphore, #tpu.memory_space<semaphore_mem>>)
      %dma_start3A_492 = arith.constant 14 : i32
      %dma_start3A_493 = arith.constant 0 : i32
      %dma_start3A_494 = arith.constant 0 : i32
      %dma_start3A_495 = tpu.memref_slice %arg10[%dma_start3A_492, %dma_start3A_493, %dma_start3A_494] : memref<32x8x64xf32, #tpu.memory_space<vmem>> -> memref<1x8x64xf32, #tpu.memory_space<vmem>>
      %dma_start3A_496 = tpu.memref_squeeze %dma_start3A_495 : memref<1x8x64xf32, #tpu.memory_space<vmem>> -> memref<8x64xf32, #tpu.memory_space<vmem>>
      %dma_start3A_497 = arith.constant 0 : i32
      %dma_start3A_498 = tpu.memref_slice %arg5[%multiple_of3A_478, %dma_start3A_497] : memref<1000000x64xf32, #tpu.memory_space<hbm>> -> memref<8x64xf32, #tpu.memory_space<hbm>>
      %dma_start3A_499 = arith.constant 0 : i32
      %dma_start3A_500 = arith.constant 0 : i32
      %dma_start3A_501 = tpu.memref_slice %arg10[%dma_start3A_492, %dma_start3A_499, %dma_start3A_500] : memref<32x8x64xf32, #tpu.memory_space<vmem>> -> memref<1x8x64xf32, #tpu.memory_space<vmem>>
      %dma_start3A_502 = tpu.memref_squeeze %dma_start3A_501 : memref<1x8x64xf32, #tpu.memory_space<vmem>> -> memref<8x64xf32, #tpu.memory_space<vmem>>
      %dma_start3A_503 = arith.constant 0 : i32
      %dma_start3A_504 = tpu.memref_slice %arg5[%multiple_of3A_478, %dma_start3A_503] : memref<1000000x64xf32, #tpu.memory_space<hbm>> -> memref<8x64xf32, #tpu.memory_space<hbm>>
      tpu.enqueue_dma source(%dma_start3A_504 : memref<8x64xf32, #tpu.memory_space<hbm>>) target(%dma_start3A_502 : memref<8x64xf32, #tpu.memory_space<vmem>>) target_semaphore(%arg12 : memref<!tpu.dma_semaphore, #tpu.memory_space<semaphore_mem>>)
      %slice3A_505 = vector.extract_strided_slice %mul3A_18 {offsets = [15], sizes = [1], strides = [1]} : vector<16xi32> to vector<1xi32>
      %squeeze3A_506 = vector.extract %slice3A_505[0] : i32 from vector<1xi32>
      %multiple_of3A_507 = tpu.assume_multiple %squeeze3A_506, 8 : i32
      %slice3A_508 = vector.extract_strided_slice %mul3A_28 {offsets = [15], sizes = [1], strides = [1]} : vector<16xi32> to vector<1xi32>
      %squeeze3A_509 = vector.extract %slice3A_508[0] : i32 from vector<1xi32>
      %multiple_of3A_510 = tpu.assume_multiple %squeeze3A_509, 8 : i32
      %dma_start3A_511 = arith.constant 15 : i32
      %dma_start3A_512 = arith.constant 0 : i32
      %dma_start3A_513 = arith.constant 0 : i32
      %dma_start3A_514 = tpu.memref_slice %arg9[%dma_start3A_511, %dma_start3A_512, %dma_start3A_513] : memref<32x8x64xf32, #tpu.memory_space<vmem>> -> memref<1x8x64xf32, #tpu.memory_space<vmem>>
      %dma_start3A_515 = tpu.memref_squeeze %dma_start3A_514 : memref<1x8x64xf32, #tpu.memory_space<vmem>> -> memref<8x64xf32, #tpu.memory_space<vmem>>
      %dma_start3A_516 = arith.constant 0 : i32
      %dma_start3A_517 = tpu.memref_slice %arg4[%multiple_of3A_507, %dma_start3A_516] : memref<1000000x64xf32, #tpu.memory_space<hbm>> -> memref<8x64xf32, #tpu.memory_space<hbm>>
      %dma_start3A_518 = arith.constant 0 : i32
      %dma_start3A_519 = arith.constant 0 : i32
      %dma_start3A_520 = tpu.memref_slice %arg9[%dma_start3A_511, %dma_start3A_518, %dma_start3A_519] : memref<32x8x64xf32, #tpu.memory_space<vmem>> -> memref<1x8x64xf32, #tpu.memory_space<vmem>>
      %dma_start3A_521 = tpu.memref_squeeze %dma_start3A_520 : memref<1x8x64xf32, #tpu.memory_space<vmem>> -> memref<8x64xf32, #tpu.memory_space<vmem>>
      %dma_start3A_522 = arith.constant 0 : i32
      %dma_start3A_523 = tpu.memref_slice %arg4[%multiple_of3A_507, %dma_start3A_522] : memref<1000000x64xf32, #tpu.memory_space<hbm>> -> memref<8x64xf32, #tpu.memory_space<hbm>>
      tpu.enqueue_dma source(%dma_start3A_523 : memref<8x64xf32, #tpu.memory_space<hbm>>) target(%dma_start3A_521 : memref<8x64xf32, #tpu.memory_space<vmem>>) target_semaphore(%arg12 : memref<!tpu.dma_semaphore, #tpu.memory_space<semaphore_mem>>)
      %dma_start3A_524 = arith.constant 15 : i32
      %dma_start3A_525 = arith.constant 0 : i32
      %dma_start3A_526 = arith.constant 0 : i32
      %dma_start3A_527 = tpu.memref_slice %arg10[%dma_start3A_524, %dma_start3A_525, %dma_start3A_526] : memref<32x8x64xf32, #tpu.memory_space<vmem>> -> memref<1x8x64xf32, #tpu.memory_space<vmem>>
      %dma_start3A_528 = tpu.memref_squeeze %dma_start3A_527 : memref<1x8x64xf32, #tpu.memory_space<vmem>> -> memref<8x64xf32, #tpu.memory_space<vmem>>
      %dma_start3A_529 = arith.constant 0 : i32
      %dma_start3A_530 = tpu.memref_slice %arg5[%multiple_of3A_510, %dma_start3A_529] : memref<1000000x64xf32, #tpu.memory_space<hbm>> -> memref<8x64xf32, #tpu.memory_space<hbm>>
      %dma_start3A_531 = arith.constant 0 : i32
      %dma_start3A_532 = arith.constant 0 : i32
      %dma_start3A_533 = tpu.memref_slice %arg10[%dma_start3A_524, %dma_start3A_531, %dma_start3A_532] : memref<32x8x64xf32, #tpu.memory_space<vmem>> -> memref<1x8x64xf32, #tpu.memory_space<vmem>>
      %dma_start3A_534 = tpu.memref_squeeze %dma_start3A_533 : memref<1x8x64xf32, #tpu.memory_space<vmem>> -> memref<8x64xf32, #tpu.memory_space<vmem>>
      %dma_start3A_535 = arith.constant 0 : i32
      %dma_start3A_536 = tpu.memref_slice %arg5[%multiple_of3A_510, %dma_start3A_535] : memref<1000000x64xf32, #tpu.memory_space<hbm>> -> memref<8x64xf32, #tpu.memory_space<hbm>>
      tpu.enqueue_dma source(%dma_start3A_536 : memref<8x64xf32, #tpu.memory_space<hbm>>) target(%dma_start3A_534 : memref<8x64xf32, #tpu.memory_space<vmem>>) target_semaphore(%arg12 : memref<!tpu.dma_semaphore, #tpu.memory_space<semaphore_mem>>)
      %add3A_537 = arith.constant 16 : i32
      %add3A_538 = arith.addi %mul3A_10, %add3A_537 : i32
      %get3A_539 = arith.index_cast %add3A_538 : i32 to index
      %get3A_540 = tpu.vector_load %arg7[%get3A_539] {strides = array<i32>} : memref<512xi32, #tpu.memory_space<vmem>>, vector<16xi32>,
      %shift_right_logical3A_541 = arith.constant 3 : i32
      %shift_right_logical3A_542 = vector.broadcast %shift_right_logical3A_541 : i32 to vector<16xi32>
      %shift_right_logical3A_543 = arith.shrui %get3A_540, %shift_right_logical3A_542 : vector<16xi32>
      %mul3A_544 = arith.constant 8 : i32
      %mul3A_545 = vector.broadcast %mul3A_544 : i32 to vector<16xi32>
      %mul3A_546 = arith.muli %shift_right_logical3A_543, %mul3A_545 : vector<16xi32>
      %add3A_547 = arith.constant 16 : i32
      %add3A_548 = arith.addi %mul3A_10, %add3A_547 : i32
      %get3A_549 = arith.index_cast %add3A_548 : i32 to index
      %get3A_550 = tpu.vector_load %arg8[%get3A_549] {strides = array<i32>} : memref<512xi32, #tpu.memory_space<vmem>>, vector<16xi32>,
      %shift_right_logical3A_551 = arith.constant 3 : i32
      %shift_right_logical3A_552 = vector.broadcast %shift_right_logical3A_551 : i32 to vector<16xi32>
      %shift_right_logical3A_553 = arith.shrui %get3A_550, %shift_right_logical3A_552 : vector<16xi32>
      %mul3A_554 = arith.constant 8 : i32
      %mul3A_555 = vector.broadcast %mul3A_554 : i32 to vector<16xi32>
      %mul3A_556 = arith.muli %shift_right_logical3A_553, %mul3A_555 : vector<16xi32>
      %slice3A_557 = vector.extract_strided_slice %mul3A_546 {offsets = [0], sizes = [1], strides = [1]} : vector<16xi32> to vector<1xi32>
      %squeeze3A_558 = vector.extract %slice3A_557[0] : i32 from vector<1xi32>
      %multiple_of3A_559 = tpu.assume_multiple %squeeze3A_558, 8 : i32
      %slice3A_560 = vector.extract_strided_slice %mul3A_556 {offsets = [0], sizes = [1], strides = [1]} : vector<16xi32> to vector<1xi32>
      %squeeze3A_561 = vector.extract %slice3A_560[0] : i32 from vector<1xi32>
      %multiple_of3A_562 = tpu.assume_multiple %squeeze3A_561, 8 : i32
      %dma_start3A_563 = arith.constant 16 : i32
      %dma_start3A_564 = arith.constant 0 : i32
      %dma_start3A_565 = arith.constant 0 : i32
      %dma_start3A_566 = tpu.memref_slice %arg9[%dma_start3A_563, %dma_start3A_564, %dma_start3A_565] : memref<32x8x64xf32, #tpu.memory_space<vmem>> -> memref<1x8x64xf32, #tpu.memory_space<vmem>>
      %dma_start3A_567 = tpu.memref_squeeze %dma_start3A_566 : memref<1x8x64xf32, #tpu.memory_space<vmem>> -> memref<8x64xf32, #tpu.memory_space<vmem>>
      %dma_start3A_568 = arith.constant 0 : i32
      %dma_start3A_569 = tpu.memref_slice %arg4[%multiple_of3A_559, %dma_start3A_568] : memref<1000000x64xf32, #tpu.memory_space<hbm>> -> memref<8x64xf32, #tpu.memory_space<hbm>>
      %dma_start3A_570 = arith.constant 0 : i32
      %dma_start3A_571 = arith.constant 0 : i32
      %dma_start3A_572 = tpu.memref_slice %arg9[%dma_start3A_563, %dma_start3A_570, %dma_start3A_571] : memref<32x8x64xf32, #tpu.memory_space<vmem>> -> memref<1x8x64xf32, #tpu.memory_space<vmem>>
      %dma_start3A_573 = tpu.memref_squeeze %dma_start3A_572 : memref<1x8x64xf32, #tpu.memory_space<vmem>> -> memref<8x64xf32, #tpu.memory_space<vmem>>
      %dma_start3A_574 = arith.constant 0 : i32
      %dma_start3A_575 = tpu.memref_slice %arg4[%multiple_of3A_559, %dma_start3A_574] : memref<1000000x64xf32, #tpu.memory_space<hbm>> -> memref<8x64xf32, #tpu.memory_space<hbm>>
      tpu.enqueue_dma source(%dma_start3A_575 : memref<8x64xf32, #tpu.memory_space<hbm>>) target(%dma_start3A_573 : memref<8x64xf32, #tpu.memory_space<vmem>>) target_semaphore(%arg12 : memref<!tpu.dma_semaphore, #tpu.memory_space<semaphore_mem>>)
      %dma_start3A_576 = arith.constant 16 : i32
      %dma_start3A_577 = arith.constant 0 : i32
      %dma_start3A_578 = arith.constant 0 : i32
      %dma_start3A_579 = tpu.memref_slice %arg10[%dma_start3A_576, %dma_start3A_577, %dma_start3A_578] : memref<32x8x64xf32, #tpu.memory_space<vmem>> -> memref<1x8x64xf32, #tpu.memory_space<vmem>>
      %dma_start3A_580 = tpu.memref_squeeze %dma_start3A_579 : memref<1x8x64xf32, #tpu.memory_space<vmem>> -> memref<8x64xf32, #tpu.memory_space<vmem>>
      %dma_start3A_581 = arith.constant 0 : i32
      %dma_start3A_582 = tpu.memref_slice %arg5[%multiple_of3A_562, %dma_start3A_581] : memref<1000000x64xf32, #tpu.memory_space<hbm>> -> memref<8x64xf32, #tpu.memory_space<hbm>>
      %dma_start3A_583 = arith.constant 0 : i32
      %dma_start3A_584 = arith.constant 0 : i32
      %dma_start3A_585 = tpu.memref_slice %arg10[%dma_start3A_576, %dma_start3A_583, %dma_start3A_584] : memref<32x8x64xf32, #tpu.memory_space<vmem>> -> memref<1x8x64xf32, #tpu.memory_space<vmem>>
      %dma_start3A_586 = tpu.memref_squeeze %dma_start3A_585 : memref<1x8x64xf32, #tpu.memory_space<vmem>> -> memref<8x64xf32, #tpu.memory_space<vmem>>
      %dma_start3A_587 = arith.constant 0 : i32
      %dma_start3A_588 = tpu.memref_slice %arg5[%multiple_of3A_562, %dma_start3A_587] : memref<1000000x64xf32, #tpu.memory_space<hbm>> -> memref<8x64xf32, #tpu.memory_space<hbm>>
      tpu.enqueue_dma source(%dma_start3A_588 : memref<8x64xf32, #tpu.memory_space<hbm>>) target(%dma_start3A_586 : memref<8x64xf32, #tpu.memory_space<vmem>>) target_semaphore(%arg12 : memref<!tpu.dma_semaphore, #tpu.memory_space<semaphore_mem>>)
      %slice3A_589 = vector.extract_strided_slice %mul3A_546 {offsets = [1], sizes = [1], strides = [1]} : vector<16xi32> to vector<1xi32>
      %squeeze3A_590 = vector.extract %slice3A_589[0] : i32 from vector<1xi32>
      %multiple_of3A_591 = tpu.assume_multiple %squeeze3A_590, 8 : i32
      %slice3A_592 = vector.extract_strided_slice %mul3A_556 {offsets = [1], sizes = [1], strides = [1]} : vector<16xi32> to vector<1xi32>
      %squeeze3A_593 = vector.extract %slice3A_592[0] : i32 from vector<1xi32>
      %multiple_of3A_594 = tpu.assume_multiple %squeeze3A_593, 8 : i32
      %dma_start3A_595 = arith.constant 17 : i32
      %dma_start3A_596 = arith.constant 0 : i32
      %dma_start3A_597 = arith.constant 0 : i32
      %dma_start3A_598 = tpu.memref_slice %arg9[%dma_start3A_595, %dma_start3A_596, %dma_start3A_597] : memref<32x8x64xf32, #tpu.memory_space<vmem>> -> memref<1x8x64xf32, #tpu.memory_space<vmem>>
      %dma_start3A_599 = tpu.memref_squeeze %dma_start3A_598 : memref<1x8x64xf32, #tpu.memory_space<vmem>> -> memref<8x64xf32, #tpu.memory_space<vmem>>
      %dma_start3A_600 = arith.constant 0 : i32
      %dma_start3A_601 = tpu.memref_slice %arg4[%multiple_of3A_591, %dma_start3A_600] : memref<1000000x64xf32, #tpu.memory_space<hbm>> -> memref<8x64xf32, #tpu.memory_space<hbm>>
      %dma_start3A_602 = arith.constant 0 : i32
      %dma_start3A_603 = arith.constant 0 : i32
      %dma_start3A_604 = tpu.memref_slice %arg9[%dma_start3A_595, %dma_start3A_602, %dma_start3A_603] : memref<32x8x64xf32, #tpu.memory_space<vmem>> -> memref<1x8x64xf32, #tpu.memory_space<vmem>>
      %dma_start3A_605 = tpu.memref_squeeze %dma_start3A_604 : memref<1x8x64xf32, #tpu.memory_space<vmem>> -> memref<8x64xf32, #tpu.memory_space<vmem>>
      %dma_start3A_606 = arith.constant 0 : i32
      %dma_start3A_607 = tpu.memref_slice %arg4[%multiple_of3A_591, %dma_start3A_606] : memref<1000000x64xf32, #tpu.memory_space<hbm>> -> memref<8x64xf32, #tpu.memory_space<hbm>>
      tpu.enqueue_dma source(%dma_start3A_607 : memref<8x64xf32, #tpu.memory_space<hbm>>) target(%dma_start3A_605 : memref<8x64xf32, #tpu.memory_space<vmem>>) target_semaphore(%arg12 : memref<!tpu.dma_semaphore, #tpu.memory_space<semaphore_mem>>)
      %dma_start3A_608 = arith.constant 17 : i32
      %dma_start3A_609 = arith.constant 0 : i32
      %dma_start3A_610 = arith.constant 0 : i32
      %dma_start3A_611 = tpu.memref_slice %arg10[%dma_start3A_608, %dma_start3A_609, %dma_start3A_610] : memref<32x8x64xf32, #tpu.memory_space<vmem>> -> memref<1x8x64xf32, #tpu.memory_space<vmem>>
      %dma_start3A_612 = tpu.memref_squeeze %dma_start3A_611 : memref<1x8x64xf32, #tpu.memory_space<vmem>> -> memref<8x64xf32, #tpu.memory_space<vmem>>
      %dma_start3A_613 = arith.constant 0 : i32
      %dma_start3A_614 = tpu.memref_slice %arg5[%multiple_of3A_594, %dma_start3A_613] : memref<1000000x64xf32, #tpu.memory_space<hbm>> -> memref<8x64xf32, #tpu.memory_space<hbm>>
      %dma_start3A_615 = arith.constant 0 : i32
      %dma_start3A_616 = arith.constant 0 : i32
      %dma_start3A_617 = tpu.memref_slice %arg10[%dma_start3A_608, %dma_start3A_615, %dma_start3A_616] : memref<32x8x64xf32, #tpu.memory_space<vmem>> -> memref<1x8x64xf32, #tpu.memory_space<vmem>>
      %dma_start3A_618 = tpu.memref_squeeze %dma_start3A_617 : memref<1x8x64xf32, #tpu.memory_space<vmem>> -> memref<8x64xf32, #tpu.memory_space<vmem>>
      %dma_start3A_619 = arith.constant 0 : i32
      %dma_start3A_620 = tpu.memref_slice %arg5[%multiple_of3A_594, %dma_start3A_619] : memref<1000000x64xf32, #tpu.memory_space<hbm>> -> memref<8x64xf32, #tpu.memory_space<hbm>>
      tpu.enqueue_dma source(%dma_start3A_620 : memref<8x64xf32, #tpu.memory_space<hbm>>) target(%dma_start3A_618 : memref<8x64xf32, #tpu.memory_space<vmem>>) target_semaphore(%arg12 : memref<!tpu.dma_semaphore, #tpu.memory_space<semaphore_mem>>)
      %slice3A_621 = vector.extract_strided_slice %mul3A_546 {offsets = [2], sizes = [1], strides = [1]} : vector<16xi32> to vector<1xi32>
      %squeeze3A_622 = vector.extract %slice3A_621[0] : i32 from vector<1xi32>
      %multiple_of3A_623 = tpu.assume_multiple %squeeze3A_622, 8 : i32
      %slice3A_624 = vector.extract_strided_slice %mul3A_556 {offsets = [2], sizes = [1], strides = [1]} : vector<16xi32> to vector<1xi32>
      %squeeze3A_625 = vector.extract %slice3A_624[0] : i32 from vector<1xi32>
      %multiple_of3A_626 = tpu.assume_multiple %squeeze3A_625, 8 : i32
      %dma_start3A_627 = arith.constant 18 : i32
      %dma_start3A_628 = arith.constant 0 : i32
      %dma_start3A_629 = arith.constant 0 : i32
      %dma_start3A_630 = tpu.memref_slice %arg9[%dma_start3A_627, %dma_start3A_628, %dma_start3A_629] : memref<32x8x64xf32, #tpu.memory_space<vmem>> -> memref<1x8x64xf32, #tpu.memory_space<vmem>>
      %dma_start3A_631 = tpu.memref_squeeze %dma_start3A_630 : memref<1x8x64xf32, #tpu.memory_space<vmem>> -> memref<8x64xf32, #tpu.memory_space<vmem>>
      %dma_start3A_632 = arith.constant 0 : i32
      %dma_start3A_633 = tpu.memref_slice %arg4[%multiple_of3A_623, %dma_start3A_632] : memref<1000000x64xf32, #tpu.memory_space<hbm>> -> memref<8x64xf32, #tpu.memory_space<hbm>>
      %dma_start3A_634 = arith.constant 0 : i32
      %dma_start3A_635 = arith.constant 0 : i32
      %dma_start3A_636 = tpu.memref_slice %arg9[%dma_start3A_627, %dma_start3A_634, %dma_start3A_635] : memref<32x8x64xf32, #tpu.memory_space<vmem>> -> memref<1x8x64xf32, #tpu.memory_space<vmem>>
      %dma_start3A_637 = tpu.memref_squeeze %dma_start3A_636 : memref<1x8x64xf32, #tpu.memory_space<vmem>> -> memref<8x64xf32, #tpu.memory_space<vmem>>
      %dma_start3A_638 = arith.constant 0 : i32
      %dma_start3A_639 = tpu.memref_slice %arg4[%multiple_of3A_623, %dma_start3A_638] : memref<1000000x64xf32, #tpu.memory_space<hbm>> -> memref<8x64xf32, #tpu.memory_space<hbm>>
      tpu.enqueue_dma source(%dma_start3A_639 : memref<8x64xf32, #tpu.memory_space<hbm>>) target(%dma_start3A_637 : memref<8x64xf32, #tpu.memory_space<vmem>>) target_semaphore(%arg12 : memref<!tpu.dma_semaphore, #tpu.memory_space<semaphore_mem>>)
      %dma_start3A_640 = arith.constant 18 : i32
      %dma_start3A_641 = arith.constant 0 : i32
      %dma_start3A_642 = arith.constant 0 : i32
      %dma_start3A_643 = tpu.memref_slice %arg10[%dma_start3A_640, %dma_start3A_641, %dma_start3A_642] : memref<32x8x64xf32, #tpu.memory_space<vmem>> -> memref<1x8x64xf32, #tpu.memory_space<vmem>>
      %dma_start3A_644 = tpu.memref_squeeze %dma_start3A_643 : memref<1x8x64xf32, #tpu.memory_space<vmem>> -> memref<8x64xf32, #tpu.memory_space<vmem>>
      %dma_start3A_645 = arith.constant 0 : i32
      %dma_start3A_646 = tpu.memref_slice %arg5[%multiple_of3A_626, %dma_start3A_645] : memref<1000000x64xf32, #tpu.memory_space<hbm>> -> memref<8x64xf32, #tpu.memory_space<hbm>>
      %dma_start3A_647 = arith.constant 0 : i32
      %dma_start3A_648 = arith.constant 0 : i32
      %dma_start3A_649 = tpu.memref_slice %arg10[%dma_start3A_640, %dma_start3A_647, %dma_start3A_648] : memref<32x8x64xf32, #tpu.memory_space<vmem>> -> memref<1x8x64xf32, #tpu.memory_space<vmem>>
      %dma_start3A_650 = tpu.memref_squeeze %dma_start3A_649 : memref<1x8x64xf32, #tpu.memory_space<vmem>> -> memref<8x64xf32, #tpu.memory_space<vmem>>
      %dma_start3A_651 = arith.constant 0 : i32
      %dma_start3A_652 = tpu.memref_slice %arg5[%multiple_of3A_626, %dma_start3A_651] : memref<1000000x64xf32, #tpu.memory_space<hbm>> -> memref<8x64xf32, #tpu.memory_space<hbm>>
      tpu.enqueue_dma source(%dma_start3A_652 : memref<8x64xf32, #tpu.memory_space<hbm>>) target(%dma_start3A_650 : memref<8x64xf32, #tpu.memory_space<vmem>>) target_semaphore(%arg12 : memref<!tpu.dma_semaphore, #tpu.memory_space<semaphore_mem>>)
      %slice3A_653 = vector.extract_strided_slice %mul3A_546 {offsets = [3], sizes = [1], strides = [1]} : vector<16xi32> to vector<1xi32>
      %squeeze3A_654 = vector.extract %slice3A_653[0] : i32 from vector<1xi32>
      %multiple_of3A_655 = tpu.assume_multiple %squeeze3A_654, 8 : i32
      %slice3A_656 = vector.extract_strided_slice %mul3A_556 {offsets = [3], sizes = [1], strides = [1]} : vector<16xi32> to vector<1xi32>
      %squeeze3A_657 = vector.extract %slice3A_656[0] : i32 from vector<1xi32>
      %multiple_of3A_658 = tpu.assume_multiple %squeeze3A_657, 8 : i32
      %dma_start3A_659 = arith.constant 19 : i32
      %dma_start3A_660 = arith.constant 0 : i32
      %dma_start3A_661 = arith.constant 0 : i32
      %dma_start3A_662 = tpu.memref_slice %arg9[%dma_start3A_659, %dma_start3A_660, %dma_start3A_661] : memref<32x8x64xf32, #tpu.memory_space<vmem>> -> memref<1x8x64xf32, #tpu.memory_space<vmem>>
      %dma_start3A_663 = tpu.memref_squeeze %dma_start3A_662 : memref<1x8x64xf32, #tpu.memory_space<vmem>> -> memref<8x64xf32, #tpu.memory_space<vmem>>
      %dma_start3A_664 = arith.constant 0 : i32
      %dma_start3A_665 = tpu.memref_slice %arg4[%multiple_of3A_655, %dma_start3A_664] : memref<1000000x64xf32, #tpu.memory_space<hbm>> -> memref<8x64xf32, #tpu.memory_space<hbm>>
      %dma_start3A_666 = arith.constant 0 : i32
      %dma_start3A_667 = arith.constant 0 : i32
      %dma_start3A_668 = tpu.memref_slice %arg9[%dma_start3A_659, %dma_start3A_666, %dma_start3A_667] : memref<32x8x64xf32, #tpu.memory_space<vmem>> -> memref<1x8x64xf32, #tpu.memory_space<vmem>>
      %dma_start3A_669 = tpu.memref_squeeze %dma_start3A_668 : memref<1x8x64xf32, #tpu.memory_space<vmem>> -> memref<8x64xf32, #tpu.memory_space<vmem>>
      %dma_start3A_670 = arith.constant 0 : i32
      %dma_start3A_671 = tpu.memref_slice %arg4[%multiple_of3A_655, %dma_start3A_670] : memref<1000000x64xf32, #tpu.memory_space<hbm>> -> memref<8x64xf32, #tpu.memory_space<hbm>>
      tpu.enqueue_dma source(%dma_start3A_671 : memref<8x64xf32, #tpu.memory_space<hbm>>) target(%dma_start3A_669 : memref<8x64xf32, #tpu.memory_space<vmem>>) target_semaphore(%arg12 : memref<!tpu.dma_semaphore, #tpu.memory_space<semaphore_mem>>)
      %dma_start3A_672 = arith.constant 19 : i32
      %dma_start3A_673 = arith.constant 0 : i32
      %dma_start3A_674 = arith.constant 0 : i32
      %dma_start3A_675 = tpu.memref_slice %arg10[%dma_start3A_672, %dma_start3A_673, %dma_start3A_674] : memref<32x8x64xf32, #tpu.memory_space<vmem>> -> memref<1x8x64xf32, #tpu.memory_space<vmem>>
      %dma_start3A_676 = tpu.memref_squeeze %dma_start3A_675 : memref<1x8x64xf32, #tpu.memory_space<vmem>> -> memref<8x64xf32, #tpu.memory_space<vmem>>
      %dma_start3A_677 = arith.constant 0 : i32
      %dma_start3A_678 = tpu.memref_slice %arg5[%multiple_of3A_658, %dma_start3A_677] : memref<1000000x64xf32, #tpu.memory_space<hbm>> -> memref<8x64xf32, #tpu.memory_space<hbm>>
      %dma_start3A_679 = arith.constant 0 : i32
      %dma_start3A_680 = arith.constant 0 : i32
      %dma_start3A_681 = tpu.memref_slice %arg10[%dma_start3A_672, %dma_start3A_679, %dma_start3A_680] : memref<32x8x64xf32, #tpu.memory_space<vmem>> -> memref<1x8x64xf32, #tpu.memory_space<vmem>>
      %dma_start3A_682 = tpu.memref_squeeze %dma_start3A_681 : memref<1x8x64xf32, #tpu.memory_space<vmem>> -> memref<8x64xf32, #tpu.memory_space<vmem>>
      %dma_start3A_683 = arith.constant 0 : i32
      %dma_start3A_684 = tpu.memref_slice %arg5[%multiple_of3A_658, %dma_start3A_683] : memref<1000000x64xf32, #tpu.memory_space<hbm>> -> memref<8x64xf32, #tpu.memory_space<hbm>>
      tpu.enqueue_dma source(%dma_start3A_684 : memref<8x64xf32, #tpu.memory_space<hbm>>) target(%dma_start3A_682 : memref<8x64xf32, #tpu.memory_space<vmem>>) target_semaphore(%arg12 : memref<!tpu.dma_semaphore, #tpu.memory_space<semaphore_mem>>)
      %slice3A_685 = vector.extract_strided_slice %mul3A_546 {offsets = [4], sizes = [1], strides = [1]} : vector<16xi32> to vector<1xi32>
      %squeeze3A_686 = vector.extract %slice3A_685[0] : i32 from vector<1xi32>
      %multiple_of3A_687 = tpu.assume_multiple %squeeze3A_686, 8 : i32
      %slice3A_688 = vector.extract_strided_slice %mul3A_556 {offsets = [4], sizes = [1], strides = [1]} : vector<16xi32> to vector<1xi32>
      %squeeze3A_689 = vector.extract %slice3A_688[0] : i32 from vector<1xi32>
      %multiple_of3A_690 = tpu.assume_multiple %squeeze3A_689, 8 : i32
      %dma_start3A_691 = arith.constant 20 : i32
      %dma_start3A_692 = arith.constant 0 : i32
      %dma_start3A_693 = arith.constant 0 : i32
      %dma_start3A_694 = tpu.memref_slice %arg9[%dma_start3A_691, %dma_start3A_692, %dma_start3A_693] : memref<32x8x64xf32, #tpu.memory_space<vmem>> -> memref<1x8x64xf32, #tpu.memory_space<vmem>>
      %dma_start3A_695 = tpu.memref_squeeze %dma_start3A_694 : memref<1x8x64xf32, #tpu.memory_space<vmem>> -> memref<8x64xf32, #tpu.memory_space<vmem>>
      %dma_start3A_696 = arith.constant 0 : i32
      %dma_start3A_697 = tpu.memref_slice %arg4[%multiple_of3A_687, %dma_start3A_696] : memref<1000000x64xf32, #tpu.memory_space<hbm>> -> memref<8x64xf32, #tpu.memory_space<hbm>>
      %dma_start3A_698 = arith.constant 0 : i32
      %dma_start3A_699 = arith.constant 0 : i32
      %dma_start3A_700 = tpu.memref_slice %arg9[%dma_start3A_691, %dma_start3A_698, %dma_start3A_699] : memref<32x8x64xf32, #tpu.memory_space<vmem>> -> memref<1x8x64xf32, #tpu.memory_space<vmem>>
      %dma_start3A_701 = tpu.memref_squeeze %dma_start3A_700 : memref<1x8x64xf32, #tpu.memory_space<vmem>> -> memref<8x64xf32, #tpu.memory_space<vmem>>
      %dma_start3A_702 = arith.constant 0 : i32
      %dma_start3A_703 = tpu.memref_slice %arg4[%multiple_of3A_687, %dma_start3A_702] : memref<1000000x64xf32, #tpu.memory_space<hbm>> -> memref<8x64xf32, #tpu.memory_space<hbm>>
      tpu.enqueue_dma source(%dma_start3A_703 : memref<8x64xf32, #tpu.memory_space<hbm>>) target(%dma_start3A_701 : memref<8x64xf32, #tpu.memory_space<vmem>>) target_semaphore(%arg12 : memref<!tpu.dma_semaphore, #tpu.memory_space<semaphore_mem>>)
      %dma_start3A_704 = arith.constant 20 : i32
      %dma_start3A_705 = arith.constant 0 : i32
      %dma_start3A_706 = arith.constant 0 : i32
      %dma_start3A_707 = tpu.memref_slice %arg10[%dma_start3A_704, %dma_start3A_705, %dma_start3A_706] : memref<32x8x64xf32, #tpu.memory_space<vmem>> -> memref<1x8x64xf32, #tpu.memory_space<vmem>>
      %dma_start3A_708 = tpu.memref_squeeze %dma_start3A_707 : memref<1x8x64xf32, #tpu.memory_space<vmem>> -> memref<8x64xf32, #tpu.memory_space<vmem>>
      %dma_start3A_709 = arith.constant 0 : i32
      %dma_start3A_710 = tpu.memref_slice %arg5[%multiple_of3A_690, %dma_start3A_709] : memref<1000000x64xf32, #tpu.memory_space<hbm>> -> memref<8x64xf32, #tpu.memory_space<hbm>>
      %dma_start3A_711 = arith.constant 0 : i32
      %dma_start3A_712 = arith.constant 0 : i32
      %dma_start3A_713 = tpu.memref_slice %arg10[%dma_start3A_704, %dma_start3A_711, %dma_start3A_712] : memref<32x8x64xf32, #tpu.memory_space<vmem>> -> memref<1x8x64xf32, #tpu.memory_space<vmem>>
      %dma_start3A_714 = tpu.memref_squeeze %dma_start3A_713 : memref<1x8x64xf32, #tpu.memory_space<vmem>> -> memref<8x64xf32, #tpu.memory_space<vmem>>
      %dma_start3A_715 = arith.constant 0 : i32
      %dma_start3A_716 = tpu.memref_slice %arg5[%multiple_of3A_690, %dma_start3A_715] : memref<1000000x64xf32, #tpu.memory_space<hbm>> -> memref<8x64xf32, #tpu.memory_space<hbm>>
      tpu.enqueue_dma source(%dma_start3A_716 : memref<8x64xf32, #tpu.memory_space<hbm>>) target(%dma_start3A_714 : memref<8x64xf32, #tpu.memory_space<vmem>>) target_semaphore(%arg12 : memref<!tpu.dma_semaphore, #tpu.memory_space<semaphore_mem>>)
      %slice3A_717 = vector.extract_strided_slice %mul3A_546 {offsets = [5], sizes = [1], strides = [1]} : vector<16xi32> to vector<1xi32>
      %squeeze3A_718 = vector.extract %slice3A_717[0] : i32 from vector<1xi32>
      %multiple_of3A_719 = tpu.assume_multiple %squeeze3A_718, 8 : i32
      %slice3A_720 = vector.extract_strided_slice %mul3A_556 {offsets = [5], sizes = [1], strides = [1]} : vector<16xi32> to vector<1xi32>
      %squeeze3A_721 = vector.extract %slice3A_720[0] : i32 from vector<1xi32>
      %multiple_of3A_722 = tpu.assume_multiple %squeeze3A_721, 8 : i32
      %dma_start3A_723 = arith.constant 21 : i32
      %dma_start3A_724 = arith.constant 0 : i32
      %dma_start3A_725 = arith.constant 0 : i32
      %dma_start3A_726 = tpu.memref_slice %arg9[%dma_start3A_723, %dma_start3A_724, %dma_start3A_725] : memref<32x8x64xf32, #tpu.memory_space<vmem>> -> memref<1x8x64xf32, #tpu.memory_space<vmem>>
      %dma_start3A_727 = tpu.memref_squeeze %dma_start3A_726 : memref<1x8x64xf32, #tpu.memory_space<vmem>> -> memref<8x64xf32, #tpu.memory_space<vmem>>
      %dma_start3A_728 = arith.constant 0 : i32
      %dma_start3A_729 = tpu.memref_slice %arg4[%multiple_of3A_719, %dma_start3A_728] : memref<1000000x64xf32, #tpu.memory_space<hbm>> -> memref<8x64xf32, #tpu.memory_space<hbm>>
      %dma_start3A_730 = arith.constant 0 : i32
      %dma_start3A_731 = arith.constant 0 : i32
      %dma_start3A_732 = tpu.memref_slice %arg9[%dma_start3A_723, %dma_start3A_730, %dma_start3A_731] : memref<32x8x64xf32, #tpu.memory_space<vmem>> -> memref<1x8x64xf32, #tpu.memory_space<vmem>>
      %dma_start3A_733 = tpu.memref_squeeze %dma_start3A_732 : memref<1x8x64xf32, #tpu.memory_space<vmem>> -> memref<8x64xf32, #tpu.memory_space<vmem>>
      %dma_start3A_734 = arith.constant 0 : i32
      %dma_start3A_735 = tpu.memref_slice %arg4[%multiple_of3A_719, %dma_start3A_734] : memref<1000000x64xf32, #tpu.memory_space<hbm>> -> memref<8x64xf32, #tpu.memory_space<hbm>>
      tpu.enqueue_dma source(%dma_start3A_735 : memref<8x64xf32, #tpu.memory_space<hbm>>) target(%dma_start3A_733 : memref<8x64xf32, #tpu.memory_space<vmem>>) target_semaphore(%arg12 : memref<!tpu.dma_semaphore, #tpu.memory_space<semaphore_mem>>)
      %dma_start3A_736 = arith.constant 21 : i32
      %dma_start3A_737 = arith.constant 0 : i32
      %dma_start3A_738 = arith.constant 0 : i32
      %dma_start3A_739 = tpu.memref_slice %arg10[%dma_start3A_736, %dma_start3A_737, %dma_start3A_738] : memref<32x8x64xf32, #tpu.memory_space<vmem>> -> memref<1x8x64xf32, #tpu.memory_space<vmem>>
      %dma_start3A_740 = tpu.memref_squeeze %dma_start3A_739 : memref<1x8x64xf32, #tpu.memory_space<vmem>> -> memref<8x64xf32, #tpu.memory_space<vmem>>
      %dma_start3A_741 = arith.constant 0 : i32
      %dma_start3A_742 = tpu.memref_slice %arg5[%multiple_of3A_722, %dma_start3A_741] : memref<1000000x64xf32, #tpu.memory_space<hbm>> -> memref<8x64xf32, #tpu.memory_space<hbm>>
      %dma_start3A_743 = arith.constant 0 : i32
      %dma_start3A_744 = arith.constant 0 : i32
      %dma_start3A_745 = tpu.memref_slice %arg10[%dma_start3A_736, %dma_start3A_743, %dma_start3A_744] : memref<32x8x64xf32, #tpu.memory_space<vmem>> -> memref<1x8x64xf32, #tpu.memory_space<vmem>>
      %dma_start3A_746 = tpu.memref_squeeze %dma_start3A_745 : memref<1x8x64xf32, #tpu.memory_space<vmem>> -> memref<8x64xf32, #tpu.memory_space<vmem>>
      %dma_start3A_747 = arith.constant 0 : i32
      %dma_start3A_748 = tpu.memref_slice %arg5[%multiple_of3A_722, %dma_start3A_747] : memref<1000000x64xf32, #tpu.memory_space<hbm>> -> memref<8x64xf32, #tpu.memory_space<hbm>>
      tpu.enqueue_dma source(%dma_start3A_748 : memref<8x64xf32, #tpu.memory_space<hbm>>) target(%dma_start3A_746 : memref<8x64xf32, #tpu.memory_space<vmem>>) target_semaphore(%arg12 : memref<!tpu.dma_semaphore, #tpu.memory_space<semaphore_mem>>)
      %slice3A_749 = vector.extract_strided_slice %mul3A_546 {offsets = [6], sizes = [1], strides = [1]} : vector<16xi32> to vector<1xi32>
      %squeeze3A_750 = vector.extract %slice3A_749[0] : i32 from vector<1xi32>
      %multiple_of3A_751 = tpu.assume_multiple %squeeze3A_750, 8 : i32
      %slice3A_752 = vector.extract_strided_slice %mul3A_556 {offsets = [6], sizes = [1], strides = [1]} : vector<16xi32> to vector<1xi32>
      %squeeze3A_753 = vector.extract %slice3A_752[0] : i32 from vector<1xi32>
      %multiple_of3A_754 = tpu.assume_multiple %squeeze3A_753, 8 : i32
      %dma_start3A_755 = arith.constant 22 : i32
      %dma_start3A_756 = arith.constant 0 : i32
      %dma_start3A_757 = arith.constant 0 : i32
      %dma_start3A_758 = tpu.memref_slice %arg9[%dma_start3A_755, %dma_start3A_756, %dma_start3A_757] : memref<32x8x64xf32, #tpu.memory_space<vmem>> -> memref<1x8x64xf32, #tpu.memory_space<vmem>>
      %dma_start3A_759 = tpu.memref_squeeze %dma_start3A_758 : memref<1x8x64xf32, #tpu.memory_space<vmem>> -> memref<8x64xf32, #tpu.memory_space<vmem>>
      %dma_start3A_760 = arith.constant 0 : i32
      %dma_start3A_761 = tpu.memref_slice %arg4[%multiple_of3A_751, %dma_start3A_760] : memref<1000000x64xf32, #tpu.memory_space<hbm>> -> memref<8x64xf32, #tpu.memory_space<hbm>>
      %dma_start3A_762 = arith.constant 0 : i32
      %dma_start3A_763 = arith.constant 0 : i32
      %dma_start3A_764 = tpu.memref_slice %arg9[%dma_start3A_755, %dma_start3A_762, %dma_start3A_763] : memref<32x8x64xf32, #tpu.memory_space<vmem>> -> memref<1x8x64xf32, #tpu.memory_space<vmem>>
      %dma_start3A_765 = tpu.memref_squeeze %dma_start3A_764 : memref<1x8x64xf32, #tpu.memory_space<vmem>> -> memref<8x64xf32, #tpu.memory_space<vmem>>
      %dma_start3A_766 = arith.constant 0 : i32
      %dma_start3A_767 = tpu.memref_slice %arg4[%multiple_of3A_751, %dma_start3A_766] : memref<1000000x64xf32, #tpu.memory_space<hbm>> -> memref<8x64xf32, #tpu.memory_space<hbm>>
      tpu.enqueue_dma source(%dma_start3A_767 : memref<8x64xf32, #tpu.memory_space<hbm>>) target(%dma_start3A_765 : memref<8x64xf32, #tpu.memory_space<vmem>>) target_semaphore(%arg12 : memref<!tpu.dma_semaphore, #tpu.memory_space<semaphore_mem>>)
      %dma_start3A_768 = arith.constant 22 : i32
      %dma_start3A_769 = arith.constant 0 : i32
      %dma_start3A_770 = arith.constant 0 : i32
      %dma_start3A_771 = tpu.memref_slice %arg10[%dma_start3A_768, %dma_start3A_769, %dma_start3A_770] : memref<32x8x64xf32, #tpu.memory_space<vmem>> -> memref<1x8x64xf32, #tpu.memory_space<vmem>>
      %dma_start3A_772 = tpu.memref_squeeze %dma_start3A_771 : memref<1x8x64xf32, #tpu.memory_space<vmem>> -> memref<8x64xf32, #tpu.memory_space<vmem>>
      %dma_start3A_773 = arith.constant 0 : i32
      %dma_start3A_774 = tpu.memref_slice %arg5[%multiple_of3A_754, %dma_start3A_773] : memref<1000000x64xf32, #tpu.memory_space<hbm>> -> memref<8x64xf32, #tpu.memory_space<hbm>>
      %dma_start3A_775 = arith.constant 0 : i32
      %dma_start3A_776 = arith.constant 0 : i32
      %dma_start3A_777 = tpu.memref_slice %arg10[%dma_start3A_768, %dma_start3A_775, %dma_start3A_776] : memref<32x8x64xf32, #tpu.memory_space<vmem>> -> memref<1x8x64xf32, #tpu.memory_space<vmem>>
      %dma_start3A_778 = tpu.memref_squeeze %dma_start3A_777 : memref<1x8x64xf32, #tpu.memory_space<vmem>> -> memref<8x64xf32, #tpu.memory_space<vmem>>
      %dma_start3A_779 = arith.constant 0 : i32
      %dma_start3A_780 = tpu.memref_slice %arg5[%multiple_of3A_754, %dma_start3A_779] : memref<1000000x64xf32, #tpu.memory_space<hbm>> -> memref<8x64xf32, #tpu.memory_space<hbm>>
      tpu.enqueue_dma source(%dma_start3A_780 : memref<8x64xf32, #tpu.memory_space<hbm>>) target(%dma_start3A_778 : memref<8x64xf32, #tpu.memory_space<vmem>>) target_semaphore(%arg12 : memref<!tpu.dma_semaphore, #tpu.memory_space<semaphore_mem>>)
      %slice3A_781 = vector.extract_strided_slice %mul3A_546 {offsets = [7], sizes = [1], strides = [1]} : vector<16xi32> to vector<1xi32>
      %squeeze3A_782 = vector.extract %slice3A_781[0] : i32 from vector<1xi32>
      %multiple_of3A_783 = tpu.assume_multiple %squeeze3A_782, 8 : i32
      %slice3A_784 = vector.extract_strided_slice %mul3A_556 {offsets = [7], sizes = [1], strides = [1]} : vector<16xi32> to vector<1xi32>
      %squeeze3A_785 = vector.extract %slice3A_784[0] : i32 from vector<1xi32>
      %multiple_of3A_786 = tpu.assume_multiple %squeeze3A_785, 8 : i32
      %dma_start3A_787 = arith.constant 23 : i32
      %dma_start3A_788 = arith.constant 0 : i32
      %dma_start3A_789 = arith.constant 0 : i32
      %dma_start3A_790 = tpu.memref_slice %arg9[%dma_start3A_787, %dma_start3A_788, %dma_start3A_789] : memref<32x8x64xf32, #tpu.memory_space<vmem>> -> memref<1x8x64xf32, #tpu.memory_space<vmem>>
      %dma_start3A_791 = tpu.memref_squeeze %dma_start3A_790 : memref<1x8x64xf32, #tpu.memory_space<vmem>> -> memref<8x64xf32, #tpu.memory_space<vmem>>
      %dma_start3A_792 = arith.constant 0 : i32
      %dma_start3A_793 = tpu.memref_slice %arg4[%multiple_of3A_783, %dma_start3A_792] : memref<1000000x64xf32, #tpu.memory_space<hbm>> -> memref<8x64xf32, #tpu.memory_space<hbm>>
      %dma_start3A_794 = arith.constant 0 : i32
      %dma_start3A_795 = arith.constant 0 : i32
      %dma_start3A_796 = tpu.memref_slice %arg9[%dma_start3A_787, %dma_start3A_794, %dma_start3A_795] : memref<32x8x64xf32, #tpu.memory_space<vmem>> -> memref<1x8x64xf32, #tpu.memory_space<vmem>>
      %dma_start3A_797 = tpu.memref_squeeze %dma_start3A_796 : memref<1x8x64xf32, #tpu.memory_space<vmem>> -> memref<8x64xf32, #tpu.memory_space<vmem>>
      %dma_start3A_798 = arith.constant 0 : i32
      %dma_start3A_799 = tpu.memref_slice %arg4[%multiple_of3A_783, %dma_start3A_798] : memref<1000000x64xf32, #tpu.memory_space<hbm>> -> memref<8x64xf32, #tpu.memory_space<hbm>>
      tpu.enqueue_dma source(%dma_start3A_799 : memref<8x64xf32, #tpu.memory_space<hbm>>) target(%dma_start3A_797 : memref<8x64xf32, #tpu.memory_space<vmem>>) target_semaphore(%arg12 : memref<!tpu.dma_semaphore, #tpu.memory_space<semaphore_mem>>)
      %dma_start3A_800 = arith.constant 23 : i32
      %dma_start3A_801 = arith.constant 0 : i32
      %dma_start3A_802 = arith.constant 0 : i32
      %dma_start3A_803 = tpu.memref_slice %arg10[%dma_start3A_800, %dma_start3A_801, %dma_start3A_802] : memref<32x8x64xf32, #tpu.memory_space<vmem>> -> memref<1x8x64xf32, #tpu.memory_space<vmem>>
      %dma_start3A_804 = tpu.memref_squeeze %dma_start3A_803 : memref<1x8x64xf32, #tpu.memory_space<vmem>> -> memref<8x64xf32, #tpu.memory_space<vmem>>
      %dma_start3A_805 = arith.constant 0 : i32
      %dma_start3A_806 = tpu.memref_slice %arg5[%multiple_of3A_786, %dma_start3A_805] : memref<1000000x64xf32, #tpu.memory_space<hbm>> -> memref<8x64xf32, #tpu.memory_space<hbm>>
      %dma_start3A_807 = arith.constant 0 : i32
      %dma_start3A_808 = arith.constant 0 : i32
      %dma_start3A_809 = tpu.memref_slice %arg10[%dma_start3A_800, %dma_start3A_807, %dma_start3A_808] : memref<32x8x64xf32, #tpu.memory_space<vmem>> -> memref<1x8x64xf32, #tpu.memory_space<vmem>>
      %dma_start3A_810 = tpu.memref_squeeze %dma_start3A_809 : memref<1x8x64xf32, #tpu.memory_space<vmem>> -> memref<8x64xf32, #tpu.memory_space<vmem>>
      %dma_start3A_811 = arith.constant 0 : i32
      %dma_start3A_812 = tpu.memref_slice %arg5[%multiple_of3A_786, %dma_start3A_811] : memref<1000000x64xf32, #tpu.memory_space<hbm>> -> memref<8x64xf32, #tpu.memory_space<hbm>>
      tpu.enqueue_dma source(%dma_start3A_812 : memref<8x64xf32, #tpu.memory_space<hbm>>) target(%dma_start3A_810 : memref<8x64xf32, #tpu.memory_space<vmem>>) target_semaphore(%arg12 : memref<!tpu.dma_semaphore, #tpu.memory_space<semaphore_mem>>)
      %slice3A_813 = vector.extract_strided_slice %mul3A_546 {offsets = [8], sizes = [1], strides = [1]} : vector<16xi32> to vector<1xi32>
      %squeeze3A_814 = vector.extract %slice3A_813[0] : i32 from vector<1xi32>
      %multiple_of3A_815 = tpu.assume_multiple %squeeze3A_814, 8 : i32
      %slice3A_816 = vector.extract_strided_slice %mul3A_556 {offsets = [8], sizes = [1], strides = [1]} : vector<16xi32> to vector<1xi32>
      %squeeze3A_817 = vector.extract %slice3A_816[0] : i32 from vector<1xi32>
      %multiple_of3A_818 = tpu.assume_multiple %squeeze3A_817, 8 : i32
      %dma_start3A_819 = arith.constant 24 : i32
      %dma_start3A_820 = arith.constant 0 : i32
      %dma_start3A_821 = arith.constant 0 : i32
      %dma_start3A_822 = tpu.memref_slice %arg9[%dma_start3A_819, %dma_start3A_820, %dma_start3A_821] : memref<32x8x64xf32, #tpu.memory_space<vmem>> -> memref<1x8x64xf32, #tpu.memory_space<vmem>>
      %dma_start3A_823 = tpu.memref_squeeze %dma_start3A_822 : memref<1x8x64xf32, #tpu.memory_space<vmem>> -> memref<8x64xf32, #tpu.memory_space<vmem>>
      %dma_start3A_824 = arith.constant 0 : i32
      %dma_start3A_825 = tpu.memref_slice %arg4[%multiple_of3A_815, %dma_start3A_824] : memref<1000000x64xf32, #tpu.memory_space<hbm>> -> memref<8x64xf32, #tpu.memory_space<hbm>>
      %dma_start3A_826 = arith.constant 0 : i32
      %dma_start3A_827 = arith.constant 0 : i32
      %dma_start3A_828 = tpu.memref_slice %arg9[%dma_start3A_819, %dma_start3A_826, %dma_start3A_827] : memref<32x8x64xf32, #tpu.memory_space<vmem>> -> memref<1x8x64xf32, #tpu.memory_space<vmem>>
      %dma_start3A_829 = tpu.memref_squeeze %dma_start3A_828 : memref<1x8x64xf32, #tpu.memory_space<vmem>> -> memref<8x64xf32, #tpu.memory_space<vmem>>
      %dma_start3A_830 = arith.constant 0 : i32
      %dma_start3A_831 = tpu.memref_slice %arg4[%multiple_of3A_815, %dma_start3A_830] : memref<1000000x64xf32, #tpu.memory_space<hbm>> -> memref<8x64xf32, #tpu.memory_space<hbm>>
      tpu.enqueue_dma source(%dma_start3A_831 : memref<8x64xf32, #tpu.memory_space<hbm>>) target(%dma_start3A_829 : memref<8x64xf32, #tpu.memory_space<vmem>>) target_semaphore(%arg12 : memref<!tpu.dma_semaphore, #tpu.memory_space<semaphore_mem>>)
      %dma_start3A_832 = arith.constant 24 : i32
      %dma_start3A_833 = arith.constant 0 : i32
      %dma_start3A_834 = arith.constant 0 : i32
      %dma_start3A_835 = tpu.memref_slice %arg10[%dma_start3A_832, %dma_start3A_833, %dma_start3A_834] : memref<32x8x64xf32, #tpu.memory_space<vmem>> -> memref<1x8x64xf32, #tpu.memory_space<vmem>>
      %dma_start3A_836 = tpu.memref_squeeze %dma_start3A_835 : memref<1x8x64xf32, #tpu.memory_space<vmem>> -> memref<8x64xf32, #tpu.memory_space<vmem>>
      %dma_start3A_837 = arith.constant 0 : i32
      %dma_start3A_838 = tpu.memref_slice %arg5[%multiple_of3A_818, %dma_start3A_837] : memref<1000000x64xf32, #tpu.memory_space<hbm>> -> memref<8x64xf32, #tpu.memory_space<hbm>>
      %dma_start3A_839 = arith.constant 0 : i32
      %dma_start3A_840 = arith.constant 0 : i32
      %dma_start3A_841 = tpu.memref_slice %arg10[%dma_start3A_832, %dma_start3A_839, %dma_start3A_840] : memref<32x8x64xf32, #tpu.memory_space<vmem>> -> memref<1x8x64xf32, #tpu.memory_space<vmem>>
      %dma_start3A_842 = tpu.memref_squeeze %dma_start3A_841 : memref<1x8x64xf32, #tpu.memory_space<vmem>> -> memref<8x64xf32, #tpu.memory_space<vmem>>
      %dma_start3A_843 = arith.constant 0 : i32
      %dma_start3A_844 = tpu.memref_slice %arg5[%multiple_of3A_818, %dma_start3A_843] : memref<1000000x64xf32, #tpu.memory_space<hbm>> -> memref<8x64xf32, #tpu.memory_space<hbm>>
      tpu.enqueue_dma source(%dma_start3A_844 : memref<8x64xf32, #tpu.memory_space<hbm>>) target(%dma_start3A_842 : memref<8x64xf32, #tpu.memory_space<vmem>>) target_semaphore(%arg12 : memref<!tpu.dma_semaphore, #tpu.memory_space<semaphore_mem>>)
      %slice3A_845 = vector.extract_strided_slice %mul3A_546 {offsets = [9], sizes = [1], strides = [1]} : vector<16xi32> to vector<1xi32>
      %squeeze3A_846 = vector.extract %slice3A_845[0] : i32 from vector<1xi32>
      %multiple_of3A_847 = tpu.assume_multiple %squeeze3A_846, 8 : i32
      %slice3A_848 = vector.extract_strided_slice %mul3A_556 {offsets = [9], sizes = [1], strides = [1]} : vector<16xi32> to vector<1xi32>
      %squeeze3A_849 = vector.extract %slice3A_848[0] : i32 from vector<1xi32>
      %multiple_of3A_850 = tpu.assume_multiple %squeeze3A_849, 8 : i32
      %dma_start3A_851 = arith.constant 25 : i32
      %dma_start3A_852 = arith.constant 0 : i32
      %dma_start3A_853 = arith.constant 0 : i32
      %dma_start3A_854 = tpu.memref_slice %arg9[%dma_start3A_851, %dma_start3A_852, %dma_start3A_853] : memref<32x8x64xf32, #tpu.memory_space<vmem>> -> memref<1x8x64xf32, #tpu.memory_space<vmem>>
      %dma_start3A_855 = tpu.memref_squeeze %dma_start3A_854 : memref<1x8x64xf32, #tpu.memory_space<vmem>> -> memref<8x64xf32, #tpu.memory_space<vmem>>
      %dma_start3A_856 = arith.constant 0 : i32
      %dma_start3A_857 = tpu.memref_slice %arg4[%multiple_of3A_847, %dma_start3A_856] : memref<1000000x64xf32, #tpu.memory_space<hbm>> -> memref<8x64xf32, #tpu.memory_space<hbm>>
      %dma_start3A_858 = arith.constant 0 : i32
      %dma_start3A_859 = arith.constant 0 : i32
      %dma_start3A_860 = tpu.memref_slice %arg9[%dma_start3A_851, %dma_start3A_858, %dma_start3A_859] : memref<32x8x64xf32, #tpu.memory_space<vmem>> -> memref<1x8x64xf32, #tpu.memory_space<vmem>>
      %dma_start3A_861 = tpu.memref_squeeze %dma_start3A_860 : memref<1x8x64xf32, #tpu.memory_space<vmem>> -> memref<8x64xf32, #tpu.memory_space<vmem>>
      %dma_start3A_862 = arith.constant 0 : i32
      %dma_start3A_863 = tpu.memref_slice %arg4[%multiple_of3A_847, %dma_start3A_862] : memref<1000000x64xf32, #tpu.memory_space<hbm>> -> memref<8x64xf32, #tpu.memory_space<hbm>>
      tpu.enqueue_dma source(%dma_start3A_863 : memref<8x64xf32, #tpu.memory_space<hbm>>) target(%dma_start3A_861 : memref<8x64xf32, #tpu.memory_space<vmem>>) target_semaphore(%arg12 : memref<!tpu.dma_semaphore, #tpu.memory_space<semaphore_mem>>)
      %dma_start3A_864 = arith.constant 25 : i32
      %dma_start3A_865 = arith.constant 0 : i32
      %dma_start3A_866 = arith.constant 0 : i32
      %dma_start3A_867 = tpu.memref_slice %arg10[%dma_start3A_864, %dma_start3A_865, %dma_start3A_866] : memref<32x8x64xf32, #tpu.memory_space<vmem>> -> memref<1x8x64xf32, #tpu.memory_space<vmem>>
      %dma_start3A_868 = tpu.memref_squeeze %dma_start3A_867 : memref<1x8x64xf32, #tpu.memory_space<vmem>> -> memref<8x64xf32, #tpu.memory_space<vmem>>
      %dma_start3A_869 = arith.constant 0 : i32
      %dma_start3A_870 = tpu.memref_slice %arg5[%multiple_of3A_850, %dma_start3A_869] : memref<1000000x64xf32, #tpu.memory_space<hbm>> -> memref<8x64xf32, #tpu.memory_space<hbm>>
      %dma_start3A_871 = arith.constant 0 : i32
      %dma_start3A_872 = arith.constant 0 : i32
      %dma_start3A_873 = tpu.memref_slice %arg10[%dma_start3A_864, %dma_start3A_871, %dma_start3A_872] : memref<32x8x64xf32, #tpu.memory_space<vmem>> -> memref<1x8x64xf32, #tpu.memory_space<vmem>>
      %dma_start3A_874 = tpu.memref_squeeze %dma_start3A_873 : memref<1x8x64xf32, #tpu.memory_space<vmem>> -> memref<8x64xf32, #tpu.memory_space<vmem>>
      %dma_start3A_875 = arith.constant 0 : i32
      %dma_start3A_876 = tpu.memref_slice %arg5[%multiple_of3A_850, %dma_start3A_875] : memref<1000000x64xf32, #tpu.memory_space<hbm>> -> memref<8x64xf32, #tpu.memory_space<hbm>>
      tpu.enqueue_dma source(%dma_start3A_876 : memref<8x64xf32, #tpu.memory_space<hbm>>) target(%dma_start3A_874 : memref<8x64xf32, #tpu.memory_space<vmem>>) target_semaphore(%arg12 : memref<!tpu.dma_semaphore, #tpu.memory_space<semaphore_mem>>)
      %slice3A_877 = vector.extract_strided_slice %mul3A_546 {offsets = [10], sizes = [1], strides = [1]} : vector<16xi32> to vector<1xi32>
      %squeeze3A_878 = vector.extract %slice3A_877[0] : i32 from vector<1xi32>
      %multiple_of3A_879 = tpu.assume_multiple %squeeze3A_878, 8 : i32
      %slice3A_880 = vector.extract_strided_slice %mul3A_556 {offsets = [10], sizes = [1], strides = [1]} : vector<16xi32> to vector<1xi32>
      %squeeze3A_881 = vector.extract %slice3A_880[0] : i32 from vector<1xi32>
      %multiple_of3A_882 = tpu.assume_multiple %squeeze3A_881, 8 : i32
      %dma_start3A_883 = arith.constant 26 : i32
      %dma_start3A_884 = arith.constant 0 : i32
      %dma_start3A_885 = arith.constant 0 : i32
      %dma_start3A_886 = tpu.memref_slice %arg9[%dma_start3A_883, %dma_start3A_884, %dma_start3A_885] : memref<32x8x64xf32, #tpu.memory_space<vmem>> -> memref<1x8x64xf32, #tpu.memory_space<vmem>>
      %dma_start3A_887 = tpu.memref_squeeze %dma_start3A_886 : memref<1x8x64xf32, #tpu.memory_space<vmem>> -> memref<8x64xf32, #tpu.memory_space<vmem>>
      %dma_start3A_888 = arith.constant 0 : i32
      %dma_start3A_889 = tpu.memref_slice %arg4[%multiple_of3A_879, %dma_start3A_888] : memref<1000000x64xf32, #tpu.memory_space<hbm>> -> memref<8x64xf32, #tpu.memory_space<hbm>>
      %dma_start3A_890 = arith.constant 0 : i32
      %dma_start3A_891 = arith.constant 0 : i32
      %dma_start3A_892 = tpu.memref_slice %arg9[%dma_start3A_883, %dma_start3A_890, %dma_start3A_891] : memref<32x8x64xf32, #tpu.memory_space<vmem>> -> memref<1x8x64xf32, #tpu.memory_space<vmem>>
      %dma_start3A_893 = tpu.memref_squeeze %dma_start3A_892 : memref<1x8x64xf32, #tpu.memory_space<vmem>> -> memref<8x64xf32, #tpu.memory_space<vmem>>
      %dma_start3A_894 = arith.constant 0 : i32
      %dma_start3A_895 = tpu.memref_slice %arg4[%multiple_of3A_879, %dma_start3A_894] : memref<1000000x64xf32, #tpu.memory_space<hbm>> -> memref<8x64xf32, #tpu.memory_space<hbm>>
      tpu.enqueue_dma source(%dma_start3A_895 : memref<8x64xf32, #tpu.memory_space<hbm>>) target(%dma_start3A_893 : memref<8x64xf32, #tpu.memory_space<vmem>>) target_semaphore(%arg12 : memref<!tpu.dma_semaphore, #tpu.memory_space<semaphore_mem>>)
      %dma_start3A_896 = arith.constant 26 : i32
      %dma_start3A_897 = arith.constant 0 : i32
      %dma_start3A_898 = arith.constant 0 : i32
      %dma_start3A_899 = tpu.memref_slice %arg10[%dma_start3A_896, %dma_start3A_897, %dma_start3A_898] : memref<32x8x64xf32, #tpu.memory_space<vmem>> -> memref<1x8x64xf32, #tpu.memory_space<vmem>>
      %dma_start3A_900 = tpu.memref_squeeze %dma_start3A_899 : memref<1x8x64xf32, #tpu.memory_space<vmem>> -> memref<8x64xf32, #tpu.memory_space<vmem>>
      %dma_start3A_901 = arith.constant 0 : i32
      %dma_start3A_902 = tpu.memref_slice %arg5[%multiple_of3A_882, %dma_start3A_901] : memref<1000000x64xf32, #tpu.memory_space<hbm>> -> memref<8x64xf32, #tpu.memory_space<hbm>>
      %dma_start3A_903 = arith.constant 0 : i32
      %dma_start3A_904 = arith.constant 0 : i32
      %dma_start3A_905 = tpu.memref_slice %arg10[%dma_start3A_896, %dma_start3A_903, %dma_start3A_904] : memref<32x8x64xf32, #tpu.memory_space<vmem>> -> memref<1x8x64xf32, #tpu.memory_space<vmem>>
      %dma_start3A_906 = tpu.memref_squeeze %dma_start3A_905 : memref<1x8x64xf32, #tpu.memory_space<vmem>> -> memref<8x64xf32, #tpu.memory_space<vmem>>
      %dma_start3A_907 = arith.constant 0 : i32
      %dma_start3A_908 = tpu.memref_slice %arg5[%multiple_of3A_882, %dma_start3A_907] : memref<1000000x64xf32, #tpu.memory_space<hbm>> -> memref<8x64xf32, #tpu.memory_space<hbm>>
      tpu.enqueue_dma source(%dma_start3A_908 : memref<8x64xf32, #tpu.memory_space<hbm>>) target(%dma_start3A_906 : memref<8x64xf32, #tpu.memory_space<vmem>>) target_semaphore(%arg12 : memref<!tpu.dma_semaphore, #tpu.memory_space<semaphore_mem>>)
      %slice3A_909 = vector.extract_strided_slice %mul3A_546 {offsets = [11], sizes = [1], strides = [1]} : vector<16xi32> to vector<1xi32>
      %squeeze3A_910 = vector.extract %slice3A_909[0] : i32 from vector<1xi32>
      %multiple_of3A_911 = tpu.assume_multiple %squeeze3A_910, 8 : i32
      %slice3A_912 = vector.extract_strided_slice %mul3A_556 {offsets = [11], sizes = [1], strides = [1]} : vector<16xi32> to vector<1xi32>
      %squeeze3A_913 = vector.extract %slice3A_912[0] : i32 from vector<1xi32>
      %multiple_of3A_914 = tpu.assume_multiple %squeeze3A_913, 8 : i32
      %dma_start3A_915 = arith.constant 27 : i32
      %dma_start3A_916 = arith.constant 0 : i32
      %dma_start3A_917 = arith.constant 0 : i32
      %dma_start3A_918 = tpu.memref_slice %arg9[%dma_start3A_915, %dma_start3A_916, %dma_start3A_917] : memref<32x8x64xf32, #tpu.memory_space<vmem>> -> memref<1x8x64xf32, #tpu.memory_space<vmem>>
      %dma_start3A_919 = tpu.memref_squeeze %dma_start3A_918 : memref<1x8x64xf32, #tpu.memory_space<vmem>> -> memref<8x64xf32, #tpu.memory_space<vmem>>
      %dma_start3A_920 = arith.constant 0 : i32
      %dma_start3A_921 = tpu.memref_slice %arg4[%multiple_of3A_911, %dma_start3A_920] : memref<1000000x64xf32, #tpu.memory_space<hbm>> -> memref<8x64xf32, #tpu.memory_space<hbm>>
      %dma_start3A_922 = arith.constant 0 : i32
      %dma_start3A_923 = arith.constant 0 : i32
      %dma_start3A_924 = tpu.memref_slice %arg9[%dma_start3A_915, %dma_start3A_922, %dma_start3A_923] : memref<32x8x64xf32, #tpu.memory_space<vmem>> -> memref<1x8x64xf32, #tpu.memory_space<vmem>>
      %dma_start3A_925 = tpu.memref_squeeze %dma_start3A_924 : memref<1x8x64xf32, #tpu.memory_space<vmem>> -> memref<8x64xf32, #tpu.memory_space<vmem>>
      %dma_start3A_926 = arith.constant 0 : i32
      %dma_start3A_927 = tpu.memref_slice %arg4[%multiple_of3A_911, %dma_start3A_926] : memref<1000000x64xf32, #tpu.memory_space<hbm>> -> memref<8x64xf32, #tpu.memory_space<hbm>>
      tpu.enqueue_dma source(%dma_start3A_927 : memref<8x64xf32, #tpu.memory_space<hbm>>) target(%dma_start3A_925 : memref<8x64xf32, #tpu.memory_space<vmem>>) target_semaphore(%arg12 : memref<!tpu.dma_semaphore, #tpu.memory_space<semaphore_mem>>)
      %dma_start3A_928 = arith.constant 27 : i32
      %dma_start3A_929 = arith.constant 0 : i32
      %dma_start3A_930 = arith.constant 0 : i32
      %dma_start3A_931 = tpu.memref_slice %arg10[%dma_start3A_928, %dma_start3A_929, %dma_start3A_930] : memref<32x8x64xf32, #tpu.memory_space<vmem>> -> memref<1x8x64xf32, #tpu.memory_space<vmem>>
      %dma_start3A_932 = tpu.memref_squeeze %dma_start3A_931 : memref<1x8x64xf32, #tpu.memory_space<vmem>> -> memref<8x64xf32, #tpu.memory_space<vmem>>
      %dma_start3A_933 = arith.constant 0 : i32
      %dma_start3A_934 = tpu.memref_slice %arg5[%multiple_of3A_914, %dma_start3A_933] : memref<1000000x64xf32, #tpu.memory_space<hbm>> -> memref<8x64xf32, #tpu.memory_space<hbm>>
      %dma_start3A_935 = arith.constant 0 : i32
      %dma_start3A_936 = arith.constant 0 : i32
      %dma_start3A_937 = tpu.memref_slice %arg10[%dma_start3A_928, %dma_start3A_935, %dma_start3A_936] : memref<32x8x64xf32, #tpu.memory_space<vmem>> -> memref<1x8x64xf32, #tpu.memory_space<vmem>>
      %dma_start3A_938 = tpu.memref_squeeze %dma_start3A_937 : memref<1x8x64xf32, #tpu.memory_space<vmem>> -> memref<8x64xf32, #tpu.memory_space<vmem>>
      %dma_start3A_939 = arith.constant 0 : i32
      %dma_start3A_940 = tpu.memref_slice %arg5[%multiple_of3A_914, %dma_start3A_939] : memref<1000000x64xf32, #tpu.memory_space<hbm>> -> memref<8x64xf32, #tpu.memory_space<hbm>>
      tpu.enqueue_dma source(%dma_start3A_940 : memref<8x64xf32, #tpu.memory_space<hbm>>) target(%dma_start3A_938 : memref<8x64xf32, #tpu.memory_space<vmem>>) target_semaphore(%arg12 : memref<!tpu.dma_semaphore, #tpu.memory_space<semaphore_mem>>)
      %slice3A_941 = vector.extract_strided_slice %mul3A_546 {offsets = [12], sizes = [1], strides = [1]} : vector<16xi32> to vector<1xi32>
      %squeeze3A_942 = vector.extract %slice3A_941[0] : i32 from vector<1xi32>
      %multiple_of3A_943 = tpu.assume_multiple %squeeze3A_942, 8 : i32
      %slice3A_944 = vector.extract_strided_slice %mul3A_556 {offsets = [12], sizes = [1], strides = [1]} : vector<16xi32> to vector<1xi32>
      %squeeze3A_945 = vector.extract %slice3A_944[0] : i32 from vector<1xi32>
      %multiple_of3A_946 = tpu.assume_multiple %squeeze3A_945, 8 : i32
      %dma_start3A_947 = arith.constant 28 : i32
      %dma_start3A_948 = arith.constant 0 : i32
      %dma_start3A_949 = arith.constant 0 : i32
      %dma_start3A_950 = tpu.memref_slice %arg9[%dma_start3A_947, %dma_start3A_948, %dma_start3A_949] : memref<32x8x64xf32, #tpu.memory_space<vmem>> -> memref<1x8x64xf32, #tpu.memory_space<vmem>>
      %dma_start3A_951 = tpu.memref_squeeze %dma_start3A_950 : memref<1x8x64xf32, #tpu.memory_space<vmem>> -> memref<8x64xf32, #tpu.memory_space<vmem>>
      %dma_start3A_952 = arith.constant 0 : i32
      %dma_start3A_953 = tpu.memref_slice %arg4[%multiple_of3A_943, %dma_start3A_952] : memref<1000000x64xf32, #tpu.memory_space<hbm>> -> memref<8x64xf32, #tpu.memory_space<hbm>>
      %dma_start3A_954 = arith.constant 0 : i32
      %dma_start3A_955 = arith.constant 0 : i32
      %dma_start3A_956 = tpu.memref_slice %arg9[%dma_start3A_947, %dma_start3A_954, %dma_start3A_955] : memref<32x8x64xf32, #tpu.memory_space<vmem>> -> memref<1x8x64xf32, #tpu.memory_space<vmem>>
      %dma_start3A_957 = tpu.memref_squeeze %dma_start3A_956 : memref<1x8x64xf32, #tpu.memory_space<vmem>> -> memref<8x64xf32, #tpu.memory_space<vmem>>
      %dma_start3A_958 = arith.constant 0 : i32
      %dma_start3A_959 = tpu.memref_slice %arg4[%multiple_of3A_943, %dma_start3A_958] : memref<1000000x64xf32, #tpu.memory_space<hbm>> -> memref<8x64xf32, #tpu.memory_space<hbm>>
      tpu.enqueue_dma source(%dma_start3A_959 : memref<8x64xf32, #tpu.memory_space<hbm>>) target(%dma_start3A_957 : memref<8x64xf32, #tpu.memory_space<vmem>>) target_semaphore(%arg12 : memref<!tpu.dma_semaphore, #tpu.memory_space<semaphore_mem>>)
      %dma_start3A_960 = arith.constant 28 : i32
      %dma_start3A_961 = arith.constant 0 : i32
      %dma_start3A_962 = arith.constant 0 : i32
      %dma_start3A_963 = tpu.memref_slice %arg10[%dma_start3A_960, %dma_start3A_961, %dma_start3A_962] : memref<32x8x64xf32, #tpu.memory_space<vmem>> -> memref<1x8x64xf32, #tpu.memory_space<vmem>>
      %dma_start3A_964 = tpu.memref_squeeze %dma_start3A_963 : memref<1x8x64xf32, #tpu.memory_space<vmem>> -> memref<8x64xf32, #tpu.memory_space<vmem>>
      %dma_start3A_965 = arith.constant 0 : i32
      %dma_start3A_966 = tpu.memref_slice %arg5[%multiple_of3A_946, %dma_start3A_965] : memref<1000000x64xf32, #tpu.memory_space<hbm>> -> memref<8x64xf32, #tpu.memory_space<hbm>>
      %dma_start3A_967 = arith.constant 0 : i32
      %dma_start3A_968 = arith.constant 0 : i32
      %dma_start3A_969 = tpu.memref_slice %arg10[%dma_start3A_960, %dma_start3A_967, %dma_start3A_968] : memref<32x8x64xf32, #tpu.memory_space<vmem>> -> memref<1x8x64xf32, #tpu.memory_space<vmem>>
      %dma_start3A_970 = tpu.memref_squeeze %dma_start3A_969 : memref<1x8x64xf32, #tpu.memory_space<vmem>> -> memref<8x64xf32, #tpu.memory_space<vmem>>
      %dma_start3A_971 = arith.constant 0 : i32
      %dma_start3A_972 = tpu.memref_slice %arg5[%multiple_of3A_946, %dma_start3A_971] : memref<1000000x64xf32, #tpu.memory_space<hbm>> -> memref<8x64xf32, #tpu.memory_space<hbm>>
      tpu.enqueue_dma source(%dma_start3A_972 : memref<8x64xf32, #tpu.memory_space<hbm>>) target(%dma_start3A_970 : memref<8x64xf32, #tpu.memory_space<vmem>>) target_semaphore(%arg12 : memref<!tpu.dma_semaphore, #tpu.memory_space<semaphore_mem>>)
      %slice3A_973 = vector.extract_strided_slice %mul3A_546 {offsets = [13], sizes = [1], strides = [1]} : vector<16xi32> to vector<1xi32>
      %squeeze3A_974 = vector.extract %slice3A_973[0] : i32 from vector<1xi32>
      %multiple_of3A_975 = tpu.assume_multiple %squeeze3A_974, 8 : i32
      %slice3A_976 = vector.extract_strided_slice %mul3A_556 {offsets = [13], sizes = [1], strides = [1]} : vector<16xi32> to vector<1xi32>
      %squeeze3A_977 = vector.extract %slice3A_976[0] : i32 from vector<1xi32>
      %multiple_of3A_978 = tpu.assume_multiple %squeeze3A_977, 8 : i32
      %dma_start3A_979 = arith.constant 29 : i32
      %dma_start3A_980 = arith.constant 0 : i32
      %dma_start3A_981 = arith.constant 0 : i32
      %dma_start3A_982 = tpu.memref_slice %arg9[%dma_start3A_979, %dma_start3A_980, %dma_start3A_981] : memref<32x8x64xf32, #tpu.memory_space<vmem>> -> memref<1x8x64xf32, #tpu.memory_space<vmem>>
      %dma_start3A_983 = tpu.memref_squeeze %dma_start3A_982 : memref<1x8x64xf32, #tpu.memory_space<vmem>> -> memref<8x64xf32, #tpu.memory_space<vmem>>
      %dma_start3A_984 = arith.constant 0 : i32
      %dma_start3A_985 = tpu.memref_slice %arg4[%multiple_of3A_975, %dma_start3A_984] : memref<1000000x64xf32, #tpu.memory_space<hbm>> -> memref<8x64xf32, #tpu.memory_space<hbm>>
      %dma_start3A_986 = arith.constant 0 : i32
      %dma_start3A_987 = arith.constant 0 : i32
      %dma_start3A_988 = tpu.memref_slice %arg9[%dma_start3A_979, %dma_start3A_986, %dma_start3A_987] : memref<32x8x64xf32, #tpu.memory_space<vmem>> -> memref<1x8x64xf32, #tpu.memory_space<vmem>>
      %dma_start3A_989 = tpu.memref_squeeze %dma_start3A_988 : memref<1x8x64xf32, #tpu.memory_space<vmem>> -> memref<8x64xf32, #tpu.memory_space<vmem>>
      %dma_start3A_990 = arith.constant 0 : i32
      %dma_start3A_991 = tpu.memref_slice %arg4[%multiple_of3A_975, %dma_start3A_990] : memref<1000000x64xf32, #tpu.memory_space<hbm>> -> memref<8x64xf32, #tpu.memory_space<hbm>>
      tpu.enqueue_dma source(%dma_start3A_991 : memref<8x64xf32, #tpu.memory_space<hbm>>) target(%dma_start3A_989 : memref<8x64xf32, #tpu.memory_space<vmem>>) target_semaphore(%arg12 : memref<!tpu.dma_semaphore, #tpu.memory_space<semaphore_mem>>)
      %dma_start3A_992 = arith.constant 29 : i32
      %dma_start3A_993 = arith.constant 0 : i32
      %dma_start3A_994 = arith.constant 0 : i32
      %dma_start3A_995 = tpu.memref_slice %arg10[%dma_start3A_992, %dma_start3A_993, %dma_start3A_994] : memref<32x8x64xf32, #tpu.memory_space<vmem>> -> memref<1x8x64xf32, #tpu.memory_space<vmem>>
      %dma_start3A_996 = tpu.memref_squeeze %dma_start3A_995 : memref<1x8x64xf32, #tpu.memory_space<vmem>> -> memref<8x64xf32, #tpu.memory_space<vmem>>
      %dma_start3A_997 = arith.constant 0 : i32
      %dma_start3A_998 = tpu.memref_slice %arg5[%multiple_of3A_978, %dma_start3A_997] : memref<1000000x64xf32, #tpu.memory_space<hbm>> -> memref<8x64xf32, #tpu.memory_space<hbm>>
      %dma_start3A_999 = arith.constant 0 : i32
      %dma_start3A_1000 = arith.constant 0 : i32
      %dma_start3A_1001 = tpu.memref_slice %arg10[%dma_start3A_992, %dma_start3A_999, %dma_start3A_1000] : memref<32x8x64xf32, #tpu.memory_space<vmem>> -> memref<1x8x64xf32, #tpu.memory_space<vmem>>
      %dma_start3A_1002 = tpu.memref_squeeze %dma_start3A_1001 : memref<1x8x64xf32, #tpu.memory_space<vmem>> -> memref<8x64xf32, #tpu.memory_space<vmem>>
      %dma_start3A_1003 = arith.constant 0 : i32
      %dma_start3A_1004 = tpu.memref_slice %arg5[%multiple_of3A_978, %dma_start3A_1003] : memref<1000000x64xf32, #tpu.memory_space<hbm>> -> memref<8x64xf32, #tpu.memory_space<hbm>>
      tpu.enqueue_dma source(%dma_start3A_1004 : memref<8x64xf32, #tpu.memory_space<hbm>>) target(%dma_start3A_1002 : memref<8x64xf32, #tpu.memory_space<vmem>>) target_semaphore(%arg12 : memref<!tpu.dma_semaphore, #tpu.memory_space<semaphore_mem>>)
      %slice3A_1005 = vector.extract_strided_slice %mul3A_546 {offsets = [14], sizes = [1], strides = [1]} : vector<16xi32> to vector<1xi32>
      %squeeze3A_1006 = vector.extract %slice3A_1005[0] : i32 from vector<1xi32>
      %multiple_of3A_1007 = tpu.assume_multiple %squeeze3A_1006, 8 : i32
      %slice3A_1008 = vector.extract_strided_slice %mul3A_556 {offsets = [14], sizes = [1], strides = [1]} : vector<16xi32> to vector<1xi32>
      %squeeze3A_1009 = vector.extract %slice3A_1008[0] : i32 from vector<1xi32>
      %multiple_of3A_1010 = tpu.assume_multiple %squeeze3A_1009, 8 : i32
      %dma_start3A_1011 = arith.constant 30 : i32
      %dma_start3A_1012 = arith.constant 0 : i32
      %dma_start3A_1013 = arith.constant 0 : i32
      %dma_start3A_1014 = tpu.memref_slice %arg9[%dma_start3A_1011, %dma_start3A_1012, %dma_start3A_1013] : memref<32x8x64xf32, #tpu.memory_space<vmem>> -> memref<1x8x64xf32, #tpu.memory_space<vmem>>
      %dma_start3A_1015 = tpu.memref_squeeze %dma_start3A_1014 : memref<1x8x64xf32, #tpu.memory_space<vmem>> -> memref<8x64xf32, #tpu.memory_space<vmem>>
      %dma_start3A_1016 = arith.constant 0 : i32
      %dma_start3A_1017 = tpu.memref_slice %arg4[%multiple_of3A_1007, %dma_start3A_1016] : memref<1000000x64xf32, #tpu.memory_space<hbm>> -> memref<8x64xf32, #tpu.memory_space<hbm>>
      %dma_start3A_1018 = arith.constant 0 : i32
      %dma_start3A_1019 = arith.constant 0 : i32
      %dma_start3A_1020 = tpu.memref_slice %arg9[%dma_start3A_1011, %dma_start3A_1018, %dma_start3A_1019] : memref<32x8x64xf32, #tpu.memory_space<vmem>> -> memref<1x8x64xf32, #tpu.memory_space<vmem>>
      %dma_start3A_1021 = tpu.memref_squeeze %dma_start3A_1020 : memref<1x8x64xf32, #tpu.memory_space<vmem>> -> memref<8x64xf32, #tpu.memory_space<vmem>>
      %dma_start3A_1022 = arith.constant 0 : i32
      %dma_start3A_1023 = tpu.memref_slice %arg4[%multiple_of3A_1007, %dma_start3A_1022] : memref<1000000x64xf32, #tpu.memory_space<hbm>> -> memref<8x64xf32, #tpu.memory_space<hbm>>
      tpu.enqueue_dma source(%dma_start3A_1023 : memref<8x64xf32, #tpu.memory_space<hbm>>) target(%dma_start3A_1021 : memref<8x64xf32, #tpu.memory_space<vmem>>) target_semaphore(%arg12 : memref<!tpu.dma_semaphore, #tpu.memory_space<semaphore_mem>>)
      %dma_start3A_1024 = arith.constant 30 : i32
      %dma_start3A_1025 = arith.constant 0 : i32
      %dma_start3A_1026 = arith.constant 0 : i32
      %dma_start3A_1027 = tpu.memref_slice %arg10[%dma_start3A_1024, %dma_start3A_1025, %dma_start3A_1026] : memref<32x8x64xf32, #tpu.memory_space<vmem>> -> memref<1x8x64xf32, #tpu.memory_space<vmem>>
      %dma_start3A_1028 = tpu.memref_squeeze %dma_start3A_1027 : memref<1x8x64xf32, #tpu.memory_space<vmem>> -> memref<8x64xf32, #tpu.memory_space<vmem>>
      %dma_start3A_1029 = arith.constant 0 : i32
      %dma_start3A_1030 = tpu.memref_slice %arg5[%multiple_of3A_1010, %dma_start3A_1029] : memref<1000000x64xf32, #tpu.memory_space<hbm>> -> memref<8x64xf32, #tpu.memory_space<hbm>>
      %dma_start3A_1031 = arith.constant 0 : i32
      %dma_start3A_1032 = arith.constant 0 : i32
      %dma_start3A_1033 = tpu.memref_slice %arg10[%dma_start3A_1024, %dma_start3A_1031, %dma_start3A_1032] : memref<32x8x64xf32, #tpu.memory_space<vmem>> -> memref<1x8x64xf32, #tpu.memory_space<vmem>>
      %dma_start3A_1034 = tpu.memref_squeeze %dma_start3A_1033 : memref<1x8x64xf32, #tpu.memory_space<vmem>> -> memref<8x64xf32, #tpu.memory_space<vmem>>
      %dma_start3A_1035 = arith.constant 0 : i32
      %dma_start3A_1036 = tpu.memref_slice %arg5[%multiple_of3A_1010, %dma_start3A_1035] : memref<1000000x64xf32, #tpu.memory_space<hbm>> -> memref<8x64xf32, #tpu.memory_space<hbm>>
      tpu.enqueue_dma source(%dma_start3A_1036 : memref<8x64xf32, #tpu.memory_space<hbm>>) target(%dma_start3A_1034 : memref<8x64xf32, #tpu.memory_space<vmem>>) target_semaphore(%arg12 : memref<!tpu.dma_semaphore, #tpu.memory_space<semaphore_mem>>)
      %slice3A_1037 = vector.extract_strided_slice %mul3A_546 {offsets = [15], sizes = [1], strides = [1]} : vector<16xi32> to vector<1xi32>
      %squeeze3A_1038 = vector.extract %slice3A_1037[0] : i32 from vector<1xi32>
      %multiple_of3A_1039 = tpu.assume_multiple %squeeze3A_1038, 8 : i32
      %slice3A_1040 = vector.extract_strided_slice %mul3A_556 {offsets = [15], sizes = [1], strides = [1]} : vector<16xi32> to vector<1xi32>
      %squeeze3A_1041 = vector.extract %slice3A_1040[0] : i32 from vector<1xi32>
      %multiple_of3A_1042 = tpu.assume_multiple %squeeze3A_1041, 8 : i32
      %dma_start3A_1043 = arith.constant 31 : i32
      %dma_start3A_1044 = arith.constant 0 : i32
      %dma_start3A_1045 = arith.constant 0 : i32
      %dma_start3A_1046 = tpu.memref_slice %arg9[%dma_start3A_1043, %dma_start3A_1044, %dma_start3A_1045] : memref<32x8x64xf32, #tpu.memory_space<vmem>> -> memref<1x8x64xf32, #tpu.memory_space<vmem>>
      %dma_start3A_1047 = tpu.memref_squeeze %dma_start3A_1046 : memref<1x8x64xf32, #tpu.memory_space<vmem>> -> memref<8x64xf32, #tpu.memory_space<vmem>>
      %dma_start3A_1048 = arith.constant 0 : i32
      %dma_start3A_1049 = tpu.memref_slice %arg4[%multiple_of3A_1039, %dma_start3A_1048] : memref<1000000x64xf32, #tpu.memory_space<hbm>> -> memref<8x64xf32, #tpu.memory_space<hbm>>
      %dma_start3A_1050 = arith.constant 0 : i32
      %dma_start3A_1051 = arith.constant 0 : i32
      %dma_start3A_1052 = tpu.memref_slice %arg9[%dma_start3A_1043, %dma_start3A_1050, %dma_start3A_1051] : memref<32x8x64xf32, #tpu.memory_space<vmem>> -> memref<1x8x64xf32, #tpu.memory_space<vmem>>
      %dma_start3A_1053 = tpu.memref_squeeze %dma_start3A_1052 : memref<1x8x64xf32, #tpu.memory_space<vmem>> -> memref<8x64xf32, #tpu.memory_space<vmem>>
      %dma_start3A_1054 = arith.constant 0 : i32
      %dma_start3A_1055 = tpu.memref_slice %arg4[%multiple_of3A_1039, %dma_start3A_1054] : memref<1000000x64xf32, #tpu.memory_space<hbm>> -> memref<8x64xf32, #tpu.memory_space<hbm>>
      tpu.enqueue_dma source(%dma_start3A_1055 : memref<8x64xf32, #tpu.memory_space<hbm>>) target(%dma_start3A_1053 : memref<8x64xf32, #tpu.memory_space<vmem>>) target_semaphore(%arg12 : memref<!tpu.dma_semaphore, #tpu.memory_space<semaphore_mem>>)
      %dma_start3A_1056 = arith.constant 31 : i32
      %dma_start3A_1057 = arith.constant 0 : i32
      %dma_start3A_1058 = arith.constant 0 : i32
      %dma_start3A_1059 = tpu.memref_slice %arg10[%dma_start3A_1056, %dma_start3A_1057, %dma_start3A_1058] : memref<32x8x64xf32, #tpu.memory_space<vmem>> -> memref<1x8x64xf32, #tpu.memory_space<vmem>>
      %dma_start3A_1060 = tpu.memref_squeeze %dma_start3A_1059 : memref<1x8x64xf32, #tpu.memory_space<vmem>> -> memref<8x64xf32, #tpu.memory_space<vmem>>
      %dma_start3A_1061 = arith.constant 0 : i32
      %dma_start3A_1062 = tpu.memref_slice %arg5[%multiple_of3A_1042, %dma_start3A_1061] : memref<1000000x64xf32, #tpu.memory_space<hbm>> -> memref<8x64xf32, #tpu.memory_space<hbm>>
      %dma_start3A_1063 = arith.constant 0 : i32
      %dma_start3A_1064 = arith.constant 0 : i32
      %dma_start3A_1065 = tpu.memref_slice %arg10[%dma_start3A_1056, %dma_start3A_1063, %dma_start3A_1064] : memref<32x8x64xf32, #tpu.memory_space<vmem>> -> memref<1x8x64xf32, #tpu.memory_space<vmem>>
      %dma_start3A_1066 = tpu.memref_squeeze %dma_start3A_1065 : memref<1x8x64xf32, #tpu.memory_space<vmem>> -> memref<8x64xf32, #tpu.memory_space<vmem>>
      %dma_start3A_1067 = arith.constant 0 : i32
      %dma_start3A_1068 = tpu.memref_slice %arg5[%multiple_of3A_1042, %dma_start3A_1067] : memref<1000000x64xf32, #tpu.memory_space<hbm>> -> memref<8x64xf32, #tpu.memory_space<hbm>>
      tpu.enqueue_dma source(%dma_start3A_1068 : memref<8x64xf32, #tpu.memory_space<hbm>>) target(%dma_start3A_1066 : memref<8x64xf32, #tpu.memory_space<vmem>>) target_semaphore(%arg12 : memref<!tpu.dma_semaphore, #tpu.memory_space<semaphore_mem>>)
      %dma_wait3A = arith.constant 0 : i32
      %dma_wait3A_1069 = arith.constant 0 : i32
      %dma_wait3A_1070 = arith.constant 0 : i32
      %dma_wait3A_1071 = tpu.memref_slice %arg9[%dma_wait3A, %dma_wait3A_1069, %dma_wait3A_1070] : memref<32x8x64xf32, #tpu.memory_space<vmem>> -> memref<1x8x64xf32, #tpu.memory_space<vmem>>
      %dma_wait3A_1072 = tpu.memref_squeeze %dma_wait3A_1071 : memref<1x8x64xf32, #tpu.memory_space<vmem>> -> memref<8x64xf32, #tpu.memory_space<vmem>>
      %dma_wait3A_1073 = arith.constant 0 : i32
      %dma_wait3A_1074 = tpu.memref_slice %arg4[%multiple_of3A, %dma_wait3A_1073] : memref<1000000x64xf32, #tpu.memory_space<hbm>> -> memref<8x64xf32, #tpu.memory_space<hbm>>
      %dma_wait3A_1075 = arith.constant 0 : i32
      %dma_wait3A_1076 = arith.constant 0 : i32
      %dma_wait3A_1077 = tpu.memref_slice %arg9[%dma_wait3A, %dma_wait3A_1075, %dma_wait3A_1076] : memref<32x8x64xf32, #tpu.memory_space<vmem>> -> memref<1x8x64xf32, #tpu.memory_space<vmem>>
      %dma_wait3A_1078 = tpu.memref_squeeze %dma_wait3A_1077 : memref<1x8x64xf32, #tpu.memory_space<vmem>> -> memref<8x64xf32, #tpu.memory_space<vmem>>
      %dma_wait3A_1079 = arith.constant 0 : i32
      %dma_wait3A_1080 = tpu.memref_slice %arg4[%multiple_of3A, %dma_wait3A_1079] : memref<1000000x64xf32, #tpu.memory_space<hbm>> -> memref<8x64xf32, #tpu.memory_space<hbm>>
      tpu.wait_dma2 semaphore(%arg12 : memref<!tpu.dma_semaphore, #tpu.memory_space<semaphore_mem>>) src(%dma_wait3A_1080 : memref<8x64xf32, #tpu.memory_space<hbm>>) dst(%dma_wait3A_1078 : memref<8x64xf32, #tpu.memory_space<vmem>>)
      %dma_wait3A_1081 = arith.constant 0 : i32
      %dma_wait3A_1082 = arith.constant 0 : i32
      %dma_wait3A_1083 = arith.constant 0 : i32
      %dma_wait3A_1084 = tpu.memref_slice %arg10[%dma_wait3A_1081, %dma_wait3A_1082, %dma_wait3A_1083] : memref<32x8x64xf32, #tpu.memory_space<vmem>> -> memref<1x8x64xf32, #tpu.memory_space<vmem>>
      %dma_wait3A_1085 = tpu.memref_squeeze %dma_wait3A_1084 : memref<1x8x64xf32, #tpu.memory_space<vmem>> -> memref<8x64xf32, #tpu.memory_space<vmem>>
      %dma_wait3A_1086 = arith.constant 0 : i32
      %dma_wait3A_1087 = tpu.memref_slice %arg5[%multiple_of3A_31, %dma_wait3A_1086] : memref<1000000x64xf32, #tpu.memory_space<hbm>> -> memref<8x64xf32, #tpu.memory_space<hbm>>
      %dma_wait3A_1088 = arith.constant 0 : i32
      %dma_wait3A_1089 = arith.constant 0 : i32
      %dma_wait3A_1090 = tpu.memref_slice %arg10[%dma_wait3A_1081, %dma_wait3A_1088, %dma_wait3A_1089] : memref<32x8x64xf32, #tpu.memory_space<vmem>> -> memref<1x8x64xf32, #tpu.memory_space<vmem>>
      %dma_wait3A_1091 = tpu.memref_squeeze %dma_wait3A_1090 : memref<1x8x64xf32, #tpu.memory_space<vmem>> -> memref<8x64xf32, #tpu.memory_space<vmem>>
      %dma_wait3A_1092 = arith.constant 0 : i32
      %dma_wait3A_1093 = tpu.memref_slice %arg5[%multiple_of3A_31, %dma_wait3A_1092] : memref<1000000x64xf32, #tpu.memory_space<hbm>> -> memref<8x64xf32, #tpu.memory_space<hbm>>
      tpu.wait_dma2 semaphore(%arg12 : memref<!tpu.dma_semaphore, #tpu.memory_space<semaphore_mem>>) src(%dma_wait3A_1093 : memref<8x64xf32, #tpu.memory_space<hbm>>) dst(%dma_wait3A_1091 : memref<8x64xf32, #tpu.memory_space<vmem>>)
      %dma_wait3A_1094 = arith.constant 1 : i32
      %dma_wait3A_1095 = arith.constant 0 : i32
      %dma_wait3A_1096 = arith.constant 0 : i32
      %dma_wait3A_1097 = tpu.memref_slice %arg9[%dma_wait3A_1094, %dma_wait3A_1095, %dma_wait3A_1096] : memref<32x8x64xf32, #tpu.memory_space<vmem>> -> memref<1x8x64xf32, #tpu.memory_space<vmem>>
      %dma_wait3A_1098 = tpu.memref_squeeze %dma_wait3A_1097 : memref<1x8x64xf32, #tpu.memory_space<vmem>> -> memref<8x64xf32, #tpu.memory_space<vmem>>
      %dma_wait3A_1099 = arith.constant 0 : i32
      %dma_wait3A_1100 = tpu.memref_slice %arg4[%multiple_of3A_59, %dma_wait3A_1099] : memref<1000000x64xf32, #tpu.memory_space<hbm>> -> memref<8x64xf32, #tpu.memory_space<hbm>>
      %dma_wait3A_1101 = arith.constant 0 : i32
      %dma_wait3A_1102 = arith.constant 0 : i32
      %dma_wait3A_1103 = tpu.memref_slice %arg9[%dma_wait3A_1094, %dma_wait3A_1101, %dma_wait3A_1102] : memref<32x8x64xf32, #tpu.memory_space<vmem>> -> memref<1x8x64xf32, #tpu.memory_space<vmem>>
      %dma_wait3A_1104 = tpu.memref_squeeze %dma_wait3A_1103 : memref<1x8x64xf32, #tpu.memory_space<vmem>> -> memref<8x64xf32, #tpu.memory_space<vmem>>
      %dma_wait3A_1105 = arith.constant 0 : i32
      %dma_wait3A_1106 = tpu.memref_slice %arg4[%multiple_of3A_59, %dma_wait3A_1105] : memref<1000000x64xf32, #tpu.memory_space<hbm>> -> memref<8x64xf32, #tpu.memory_space<hbm>>
      tpu.wait_dma2 semaphore(%arg12 : memref<!tpu.dma_semaphore, #tpu.memory_space<semaphore_mem>>) src(%dma_wait3A_1106 : memref<8x64xf32, #tpu.memory_space<hbm>>) dst(%dma_wait3A_1104 : memref<8x64xf32, #tpu.memory_space<vmem>>)
      %dma_wait3A_1107 = arith.constant 1 : i32
      %dma_wait3A_1108 = arith.constant 0 : i32
      %dma_wait3A_1109 = arith.constant 0 : i32
      %dma_wait3A_1110 = tpu.memref_slice %arg10[%dma_wait3A_1107, %dma_wait3A_1108, %dma_wait3A_1109] : memref<32x8x64xf32, #tpu.memory_space<vmem>> -> memref<1x8x64xf32, #tpu.memory_space<vmem>>
      %dma_wait3A_1111 = tpu.memref_squeeze %dma_wait3A_1110 : memref<1x8x64xf32, #tpu.memory_space<vmem>> -> memref<8x64xf32, #tpu.memory_space<vmem>>
      %dma_wait3A_1112 = arith.constant 0 : i32
      %dma_wait3A_1113 = tpu.memref_slice %arg5[%multiple_of3A_62, %dma_wait3A_1112] : memref<1000000x64xf32, #tpu.memory_space<hbm>> -> memref<8x64xf32, #tpu.memory_space<hbm>>
      %dma_wait3A_1114 = arith.constant 0 : i32
      %dma_wait3A_1115 = arith.constant 0 : i32
      %dma_wait3A_1116 = tpu.memref_slice %arg10[%dma_wait3A_1107, %dma_wait3A_1114, %dma_wait3A_1115] : memref<32x8x64xf32, #tpu.memory_space<vmem>> -> memref<1x8x64xf32, #tpu.memory_space<vmem>>
      %dma_wait3A_1117 = tpu.memref_squeeze %dma_wait3A_1116 : memref<1x8x64xf32, #tpu.memory_space<vmem>> -> memref<8x64xf32, #tpu.memory_space<vmem>>
      %dma_wait3A_1118 = arith.constant 0 : i32
      %dma_wait3A_1119 = tpu.memref_slice %arg5[%multiple_of3A_62, %dma_wait3A_1118] : memref<1000000x64xf32, #tpu.memory_space<hbm>> -> memref<8x64xf32, #tpu.memory_space<hbm>>
      tpu.wait_dma2 semaphore(%arg12 : memref<!tpu.dma_semaphore, #tpu.memory_space<semaphore_mem>>) src(%dma_wait3A_1119 : memref<8x64xf32, #tpu.memory_space<hbm>>) dst(%dma_wait3A_1117 : memref<8x64xf32, #tpu.memory_space<vmem>>)
      %dma_wait3A_1120 = arith.constant 2 : i32
      %dma_wait3A_1121 = arith.constant 0 : i32
      %dma_wait3A_1122 = arith.constant 0 : i32
      %dma_wait3A_1123 = tpu.memref_slice %arg9[%dma_wait3A_1120, %dma_wait3A_1121, %dma_wait3A_1122] : memref<32x8x64xf32, #tpu.memory_space<vmem>> -> memref<1x8x64xf32, #tpu.memory_space<vmem>>
      %dma_wait3A_1124 = tpu.memref_squeeze %dma_wait3A_1123 : memref<1x8x64xf32, #tpu.memory_space<vmem>> -> memref<8x64xf32, #tpu.memory_space<vmem>>
      %dma_wait3A_1125 = arith.constant 0 : i32
      %dma_wait3A_1126 = tpu.memref_slice %arg4[%multiple_of3A_91, %dma_wait3A_1125] : memref<1000000x64xf32, #tpu.memory_space<hbm>> -> memref<8x64xf32, #tpu.memory_space<hbm>>
      %dma_wait3A_1127 = arith.constant 0 : i32
      %dma_wait3A_1128 = arith.constant 0 : i32
      %dma_wait3A_1129 = tpu.memref_slice %arg9[%dma_wait3A_1120, %dma_wait3A_1127, %dma_wait3A_1128] : memref<32x8x64xf32, #tpu.memory_space<vmem>> -> memref<1x8x64xf32, #tpu.memory_space<vmem>>
      %dma_wait3A_1130 = tpu.memref_squeeze %dma_wait3A_1129 : memref<1x8x64xf32, #tpu.memory_space<vmem>> -> memref<8x64xf32, #tpu.memory_space<vmem>>
      %dma_wait3A_1131 = arith.constant 0 : i32
      %dma_wait3A_1132 = tpu.memref_slice %arg4[%multiple_of3A_91, %dma_wait3A_1131] : memref<1000000x64xf32, #tpu.memory_space<hbm>> -> memref<8x64xf32, #tpu.memory_space<hbm>>
      tpu.wait_dma2 semaphore(%arg12 : memref<!tpu.dma_semaphore, #tpu.memory_space<semaphore_mem>>) src(%dma_wait3A_1132 : memref<8x64xf32, #tpu.memory_space<hbm>>) dst(%dma_wait3A_1130 : memref<8x64xf32, #tpu.memory_space<vmem>>)
      %dma_wait3A_1133 = arith.constant 2 : i32
      %dma_wait3A_1134 = arith.constant 0 : i32
      %dma_wait3A_1135 = arith.constant 0 : i32
      %dma_wait3A_1136 = tpu.memref_slice %arg10[%dma_wait3A_1133, %dma_wait3A_1134, %dma_wait3A_1135] : memref<32x8x64xf32, #tpu.memory_space<vmem>> -> memref<1x8x64xf32, #tpu.memory_space<vmem>>
      %dma_wait3A_1137 = tpu.memref_squeeze %dma_wait3A_1136 : memref<1x8x64xf32, #tpu.memory_space<vmem>> -> memref<8x64xf32, #tpu.memory_space<vmem>>
      %dma_wait3A_1138 = arith.constant 0 : i32
      %dma_wait3A_1139 = tpu.memref_slice %arg5[%multiple_of3A_94, %dma_wait3A_1138] : memref<1000000x64xf32, #tpu.memory_space<hbm>> -> memref<8x64xf32, #tpu.memory_space<hbm>>
      %dma_wait3A_1140 = arith.constant 0 : i32
      %dma_wait3A_1141 = arith.constant 0 : i32
      %dma_wait3A_1142 = tpu.memref_slice %arg10[%dma_wait3A_1133, %dma_wait3A_1140, %dma_wait3A_1141] : memref<32x8x64xf32, #tpu.memory_space<vmem>> -> memref<1x8x64xf32, #tpu.memory_space<vmem>>
      %dma_wait3A_1143 = tpu.memref_squeeze %dma_wait3A_1142 : memref<1x8x64xf32, #tpu.memory_space<vmem>> -> memref<8x64xf32, #tpu.memory_space<vmem>>
      %dma_wait3A_1144 = arith.constant 0 : i32
      %dma_wait3A_1145 = tpu.memref_slice %arg5[%multiple_of3A_94, %dma_wait3A_1144] : memref<1000000x64xf32, #tpu.memory_space<hbm>> -> memref<8x64xf32, #tpu.memory_space<hbm>>
      tpu.wait_dma2 semaphore(%arg12 : memref<!tpu.dma_semaphore, #tpu.memory_space<semaphore_mem>>) src(%dma_wait3A_1145 : memref<8x64xf32, #tpu.memory_space<hbm>>) dst(%dma_wait3A_1143 : memref<8x64xf32, #tpu.memory_space<vmem>>)
      %dma_wait3A_1146 = arith.constant 3 : i32
      %dma_wait3A_1147 = arith.constant 0 : i32
      %dma_wait3A_1148 = arith.constant 0 : i32
      %dma_wait3A_1149 = tpu.memref_slice %arg9[%dma_wait3A_1146, %dma_wait3A_1147, %dma_wait3A_1148] : memref<32x8x64xf32, #tpu.memory_space<vmem>> -> memref<1x8x64xf32, #tpu.memory_space<vmem>>
      %dma_wait3A_1150 = tpu.memref_squeeze %dma_wait3A_1149 : memref<1x8x64xf32, #tpu.memory_space<vmem>> -> memref<8x64xf32, #tpu.memory_space<vmem>>
      %dma_wait3A_1151 = arith.constant 0 : i32
      %dma_wait3A_1152 = tpu.memref_slice %arg4[%multiple_of3A_123, %dma_wait3A_1151] : memref<1000000x64xf32, #tpu.memory_space<hbm>> -> memref<8x64xf32, #tpu.memory_space<hbm>>
      %dma_wait3A_1153 = arith.constant 0 : i32
      %dma_wait3A_1154 = arith.constant 0 : i32
      %dma_wait3A_1155 = tpu.memref_slice %arg9[%dma_wait3A_1146, %dma_wait3A_1153, %dma_wait3A_1154] : memref<32x8x64xf32, #tpu.memory_space<vmem>> -> memref<1x8x64xf32, #tpu.memory_space<vmem>>
      %dma_wait3A_1156 = tpu.memref_squeeze %dma_wait3A_1155 : memref<1x8x64xf32, #tpu.memory_space<vmem>> -> memref<8x64xf32, #tpu.memory_space<vmem>>
      %dma_wait3A_1157 = arith.constant 0 : i32
      %dma_wait3A_1158 = tpu.memref_slice %arg4[%multiple_of3A_123, %dma_wait3A_1157] : memref<1000000x64xf32, #tpu.memory_space<hbm>> -> memref<8x64xf32, #tpu.memory_space<hbm>>
      tpu.wait_dma2 semaphore(%arg12 : memref<!tpu.dma_semaphore, #tpu.memory_space<semaphore_mem>>) src(%dma_wait3A_1158 : memref<8x64xf32, #tpu.memory_space<hbm>>) dst(%dma_wait3A_1156 : memref<8x64xf32, #tpu.memory_space<vmem>>)
      %dma_wait3A_1159 = arith.constant 3 : i32
      %dma_wait3A_1160 = arith.constant 0 : i32
      %dma_wait3A_1161 = arith.constant 0 : i32
      %dma_wait3A_1162 = tpu.memref_slice %arg10[%dma_wait3A_1159, %dma_wait3A_1160, %dma_wait3A_1161] : memref<32x8x64xf32, #tpu.memory_space<vmem>> -> memref<1x8x64xf32, #tpu.memory_space<vmem>>
      %dma_wait3A_1163 = tpu.memref_squeeze %dma_wait3A_1162 : memref<1x8x64xf32, #tpu.memory_space<vmem>> -> memref<8x64xf32, #tpu.memory_space<vmem>>
      %dma_wait3A_1164 = arith.constant 0 : i32
      %dma_wait3A_1165 = tpu.memref_slice %arg5[%multiple_of3A_126, %dma_wait3A_1164] : memref<1000000x64xf32, #tpu.memory_space<hbm>> -> memref<8x64xf32, #tpu.memory_space<hbm>>
      %dma_wait3A_1166 = arith.constant 0 : i32
      %dma_wait3A_1167 = arith.constant 0 : i32
      %dma_wait3A_1168 = tpu.memref_slice %arg10[%dma_wait3A_1159, %dma_wait3A_1166, %dma_wait3A_1167] : memref<32x8x64xf32, #tpu.memory_space<vmem>> -> memref<1x8x64xf32, #tpu.memory_space<vmem>>
      %dma_wait3A_1169 = tpu.memref_squeeze %dma_wait3A_1168 : memref<1x8x64xf32, #tpu.memory_space<vmem>> -> memref<8x64xf32, #tpu.memory_space<vmem>>
      %dma_wait3A_1170 = arith.constant 0 : i32
      %dma_wait3A_1171 = tpu.memref_slice %arg5[%multiple_of3A_126, %dma_wait3A_1170] : memref<1000000x64xf32, #tpu.memory_space<hbm>> -> memref<8x64xf32, #tpu.memory_space<hbm>>
      tpu.wait_dma2 semaphore(%arg12 : memref<!tpu.dma_semaphore, #tpu.memory_space<semaphore_mem>>) src(%dma_wait3A_1171 : memref<8x64xf32, #tpu.memory_space<hbm>>) dst(%dma_wait3A_1169 : memref<8x64xf32, #tpu.memory_space<vmem>>)
      %dma_wait3A_1172 = arith.constant 4 : i32
      %dma_wait3A_1173 = arith.constant 0 : i32
      %dma_wait3A_1174 = arith.constant 0 : i32
      %dma_wait3A_1175 = tpu.memref_slice %arg9[%dma_wait3A_1172, %dma_wait3A_1173, %dma_wait3A_1174] : memref<32x8x64xf32, #tpu.memory_space<vmem>> -> memref<1x8x64xf32, #tpu.memory_space<vmem>>
      %dma_wait3A_1176 = tpu.memref_squeeze %dma_wait3A_1175 : memref<1x8x64xf32, #tpu.memory_space<vmem>> -> memref<8x64xf32, #tpu.memory_space<vmem>>
      %dma_wait3A_1177 = arith.constant 0 : i32
      %dma_wait3A_1178 = tpu.memref_slice %arg4[%multiple_of3A_155, %dma_wait3A_1177] : memref<1000000x64xf32, #tpu.memory_space<hbm>> -> memref<8x64xf32, #tpu.memory_space<hbm>>
      %dma_wait3A_1179 = arith.constant 0 : i32
      %dma_wait3A_1180 = arith.constant 0 : i32
      %dma_wait3A_1181 = tpu.memref_slice %arg9[%dma_wait3A_1172, %dma_wait3A_1179, %dma_wait3A_1180] : memref<32x8x64xf32, #tpu.memory_space<vmem>> -> memref<1x8x64xf32, #tpu.memory_space<vmem>>
      %dma_wait3A_1182 = tpu.memref_squeeze %dma_wait3A_1181 : memref<1x8x64xf32, #tpu.memory_space<vmem>> -> memref<8x64xf32, #tpu.memory_space<vmem>>
      %dma_wait3A_1183 = arith.constant 0 : i32
      %dma_wait3A_1184 = tpu.memref_slice %arg4[%multiple_of3A_155, %dma_wait3A_1183] : memref<1000000x64xf32, #tpu.memory_space<hbm>> -> memref<8x64xf32, #tpu.memory_space<hbm>>
      tpu.wait_dma2 semaphore(%arg12 : memref<!tpu.dma_semaphore, #tpu.memory_space<semaphore_mem>>) src(%dma_wait3A_1184 : memref<8x64xf32, #tpu.memory_space<hbm>>) dst(%dma_wait3A_1182 : memref<8x64xf32, #tpu.memory_space<vmem>>)
      %dma_wait3A_1185 = arith.constant 4 : i32
      %dma_wait3A_1186 = arith.constant 0 : i32
      %dma_wait3A_1187 = arith.constant 0 : i32
      %dma_wait3A_1188 = tpu.memref_slice %arg10[%dma_wait3A_1185, %dma_wait3A_1186, %dma_wait3A_1187] : memref<32x8x64xf32, #tpu.memory_space<vmem>> -> memref<1x8x64xf32, #tpu.memory_space<vmem>>
      %dma_wait3A_1189 = tpu.memref_squeeze %dma_wait3A_1188 : memref<1x8x64xf32, #tpu.memory_space<vmem>> -> memref<8x64xf32, #tpu.memory_space<vmem>>
      %dma_wait3A_1190 = arith.constant 0 : i32
      %dma_wait3A_1191 = tpu.memref_slice %arg5[%multiple_of3A_158, %dma_wait3A_1190] : memref<1000000x64xf32, #tpu.memory_space<hbm>> -> memref<8x64xf32, #tpu.memory_space<hbm>>
      %dma_wait3A_1192 = arith.constant 0 : i32
      %dma_wait3A_1193 = arith.constant 0 : i32
      %dma_wait3A_1194 = tpu.memref_slice %arg10[%dma_wait3A_1185, %dma_wait3A_1192, %dma_wait3A_1193] : memref<32x8x64xf32, #tpu.memory_space<vmem>> -> memref<1x8x64xf32, #tpu.memory_space<vmem>>
      %dma_wait3A_1195 = tpu.memref_squeeze %dma_wait3A_1194 : memref<1x8x64xf32, #tpu.memory_space<vmem>> -> memref<8x64xf32, #tpu.memory_space<vmem>>
      %dma_wait3A_1196 = arith.constant 0 : i32
      %dma_wait3A_1197 = tpu.memref_slice %arg5[%multiple_of3A_158, %dma_wait3A_1196] : memref<1000000x64xf32, #tpu.memory_space<hbm>> -> memref<8x64xf32, #tpu.memory_space<hbm>>
      tpu.wait_dma2 semaphore(%arg12 : memref<!tpu.dma_semaphore, #tpu.memory_space<semaphore_mem>>) src(%dma_wait3A_1197 : memref<8x64xf32, #tpu.memory_space<hbm>>) dst(%dma_wait3A_1195 : memref<8x64xf32, #tpu.memory_space<vmem>>)
      %dma_wait3A_1198 = arith.constant 5 : i32
      %dma_wait3A_1199 = arith.constant 0 : i32
      %dma_wait3A_1200 = arith.constant 0 : i32
      %dma_wait3A_1201 = tpu.memref_slice %arg9[%dma_wait3A_1198, %dma_wait3A_1199, %dma_wait3A_1200] : memref<32x8x64xf32, #tpu.memory_space<vmem>> -> memref<1x8x64xf32, #tpu.memory_space<vmem>>
      %dma_wait3A_1202 = tpu.memref_squeeze %dma_wait3A_1201 : memref<1x8x64xf32, #tpu.memory_space<vmem>> -> memref<8x64xf32, #tpu.memory_space<vmem>>
      %dma_wait3A_1203 = arith.constant 0 : i32
      %dma_wait3A_1204 = tpu.memref_slice %arg4[%multiple_of3A_187, %dma_wait3A_1203] : memref<1000000x64xf32, #tpu.memory_space<hbm>> -> memref<8x64xf32, #tpu.memory_space<hbm>>
      %dma_wait3A_1205 = arith.constant 0 : i32
      %dma_wait3A_1206 = arith.constant 0 : i32
      %dma_wait3A_1207 = tpu.memref_slice %arg9[%dma_wait3A_1198, %dma_wait3A_1205, %dma_wait3A_1206] : memref<32x8x64xf32, #tpu.memory_space<vmem>> -> memref<1x8x64xf32, #tpu.memory_space<vmem>>
      %dma_wait3A_1208 = tpu.memref_squeeze %dma_wait3A_1207 : memref<1x8x64xf32, #tpu.memory_space<vmem>> -> memref<8x64xf32, #tpu.memory_space<vmem>>
      %dma_wait3A_1209 = arith.constant 0 : i32
      %dma_wait3A_1210 = tpu.memref_slice %arg4[%multiple_of3A_187, %dma_wait3A_1209] : memref<1000000x64xf32, #tpu.memory_space<hbm>> -> memref<8x64xf32, #tpu.memory_space<hbm>>
      tpu.wait_dma2 semaphore(%arg12 : memref<!tpu.dma_semaphore, #tpu.memory_space<semaphore_mem>>) src(%dma_wait3A_1210 : memref<8x64xf32, #tpu.memory_space<hbm>>) dst(%dma_wait3A_1208 : memref<8x64xf32, #tpu.memory_space<vmem>>)
      %dma_wait3A_1211 = arith.constant 5 : i32
      %dma_wait3A_1212 = arith.constant 0 : i32
      %dma_wait3A_1213 = arith.constant 0 : i32
      %dma_wait3A_1214 = tpu.memref_slice %arg10[%dma_wait3A_1211, %dma_wait3A_1212, %dma_wait3A_1213] : memref<32x8x64xf32, #tpu.memory_space<vmem>> -> memref<1x8x64xf32, #tpu.memory_space<vmem>>
      %dma_wait3A_1215 = tpu.memref_squeeze %dma_wait3A_1214 : memref<1x8x64xf32, #tpu.memory_space<vmem>> -> memref<8x64xf32, #tpu.memory_space<vmem>>
      %dma_wait3A_1216 = arith.constant 0 : i32
      %dma_wait3A_1217 = tpu.memref_slice %arg5[%multiple_of3A_190, %dma_wait3A_1216] : memref<1000000x64xf32, #tpu.memory_space<hbm>> -> memref<8x64xf32, #tpu.memory_space<hbm>>
      %dma_wait3A_1218 = arith.constant 0 : i32
      %dma_wait3A_1219 = arith.constant 0 : i32
      %dma_wait3A_1220 = tpu.memref_slice %arg10[%dma_wait3A_1211, %dma_wait3A_1218, %dma_wait3A_1219] : memref<32x8x64xf32, #tpu.memory_space<vmem>> -> memref<1x8x64xf32, #tpu.memory_space<vmem>>
      %dma_wait3A_1221 = tpu.memref_squeeze %dma_wait3A_1220 : memref<1x8x64xf32, #tpu.memory_space<vmem>> -> memref<8x64xf32, #tpu.memory_space<vmem>>
      %dma_wait3A_1222 = arith.constant 0 : i32
      %dma_wait3A_1223 = tpu.memref_slice %arg5[%multiple_of3A_190, %dma_wait3A_1222] : memref<1000000x64xf32, #tpu.memory_space<hbm>> -> memref<8x64xf32, #tpu.memory_space<hbm>>
      tpu.wait_dma2 semaphore(%arg12 : memref<!tpu.dma_semaphore, #tpu.memory_space<semaphore_mem>>) src(%dma_wait3A_1223 : memref<8x64xf32, #tpu.memory_space<hbm>>) dst(%dma_wait3A_1221 : memref<8x64xf32, #tpu.memory_space<vmem>>)
      %dma_wait3A_1224 = arith.constant 6 : i32
      %dma_wait3A_1225 = arith.constant 0 : i32
      %dma_wait3A_1226 = arith.constant 0 : i32
      %dma_wait3A_1227 = tpu.memref_slice %arg9[%dma_wait3A_1224, %dma_wait3A_1225, %dma_wait3A_1226] : memref<32x8x64xf32, #tpu.memory_space<vmem>> -> memref<1x8x64xf32, #tpu.memory_space<vmem>>
      %dma_wait3A_1228 = tpu.memref_squeeze %dma_wait3A_1227 : memref<1x8x64xf32, #tpu.memory_space<vmem>> -> memref<8x64xf32, #tpu.memory_space<vmem>>
      %dma_wait3A_1229 = arith.constant 0 : i32
      %dma_wait3A_1230 = tpu.memref_slice %arg4[%multiple_of3A_219, %dma_wait3A_1229] : memref<1000000x64xf32, #tpu.memory_space<hbm>> -> memref<8x64xf32, #tpu.memory_space<hbm>>
      %dma_wait3A_1231 = arith.constant 0 : i32
      %dma_wait3A_1232 = arith.constant 0 : i32
      %dma_wait3A_1233 = tpu.memref_slice %arg9[%dma_wait3A_1224, %dma_wait3A_1231, %dma_wait3A_1232] : memref<32x8x64xf32, #tpu.memory_space<vmem>> -> memref<1x8x64xf32, #tpu.memory_space<vmem>>
      %dma_wait3A_1234 = tpu.memref_squeeze %dma_wait3A_1233 : memref<1x8x64xf32, #tpu.memory_space<vmem>> -> memref<8x64xf32, #tpu.memory_space<vmem>>
      %dma_wait3A_1235 = arith.constant 0 : i32
      %dma_wait3A_1236 = tpu.memref_slice %arg4[%multiple_of3A_219, %dma_wait3A_1235] : memref<1000000x64xf32, #tpu.memory_space<hbm>> -> memref<8x64xf32, #tpu.memory_space<hbm>>
      tpu.wait_dma2 semaphore(%arg12 : memref<!tpu.dma_semaphore, #tpu.memory_space<semaphore_mem>>) src(%dma_wait3A_1236 : memref<8x64xf32, #tpu.memory_space<hbm>>) dst(%dma_wait3A_1234 : memref<8x64xf32, #tpu.memory_space<vmem>>)
      %dma_wait3A_1237 = arith.constant 6 : i32
      %dma_wait3A_1238 = arith.constant 0 : i32
      %dma_wait3A_1239 = arith.constant 0 : i32
      %dma_wait3A_1240 = tpu.memref_slice %arg10[%dma_wait3A_1237, %dma_wait3A_1238, %dma_wait3A_1239] : memref<32x8x64xf32, #tpu.memory_space<vmem>> -> memref<1x8x64xf32, #tpu.memory_space<vmem>>
      %dma_wait3A_1241 = tpu.memref_squeeze %dma_wait3A_1240 : memref<1x8x64xf32, #tpu.memory_space<vmem>> -> memref<8x64xf32, #tpu.memory_space<vmem>>
      %dma_wait3A_1242 = arith.constant 0 : i32
      %dma_wait3A_1243 = tpu.memref_slice %arg5[%multiple_of3A_222, %dma_wait3A_1242] : memref<1000000x64xf32, #tpu.memory_space<hbm>> -> memref<8x64xf32, #tpu.memory_space<hbm>>
      %dma_wait3A_1244 = arith.constant 0 : i32
      %dma_wait3A_1245 = arith.constant 0 : i32
      %dma_wait3A_1246 = tpu.memref_slice %arg10[%dma_wait3A_1237, %dma_wait3A_1244, %dma_wait3A_1245] : memref<32x8x64xf32, #tpu.memory_space<vmem>> -> memref<1x8x64xf32, #tpu.memory_space<vmem>>
      %dma_wait3A_1247 = tpu.memref_squeeze %dma_wait3A_1246 : memref<1x8x64xf32, #tpu.memory_space<vmem>> -> memref<8x64xf32, #tpu.memory_space<vmem>>
      %dma_wait3A_1248 = arith.constant 0 : i32
      %dma_wait3A_1249 = tpu.memref_slice %arg5[%multiple_of3A_222, %dma_wait3A_1248] : memref<1000000x64xf32, #tpu.memory_space<hbm>> -> memref<8x64xf32, #tpu.memory_space<hbm>>
      tpu.wait_dma2 semaphore(%arg12 : memref<!tpu.dma_semaphore, #tpu.memory_space<semaphore_mem>>) src(%dma_wait3A_1249 : memref<8x64xf32, #tpu.memory_space<hbm>>) dst(%dma_wait3A_1247 : memref<8x64xf32, #tpu.memory_space<vmem>>)
      %dma_wait3A_1250 = arith.constant 7 : i32
      %dma_wait3A_1251 = arith.constant 0 : i32
      %dma_wait3A_1252 = arith.constant 0 : i32
      %dma_wait3A_1253 = tpu.memref_slice %arg9[%dma_wait3A_1250, %dma_wait3A_1251, %dma_wait3A_1252] : memref<32x8x64xf32, #tpu.memory_space<vmem>> -> memref<1x8x64xf32, #tpu.memory_space<vmem>>
      %dma_wait3A_1254 = tpu.memref_squeeze %dma_wait3A_1253 : memref<1x8x64xf32, #tpu.memory_space<vmem>> -> memref<8x64xf32, #tpu.memory_space<vmem>>
      %dma_wait3A_1255 = arith.constant 0 : i32
      %dma_wait3A_1256 = tpu.memref_slice %arg4[%multiple_of3A_251, %dma_wait3A_1255] : memref<1000000x64xf32, #tpu.memory_space<hbm>> -> memref<8x64xf32, #tpu.memory_space<hbm>>
      %dma_wait3A_1257 = arith.constant 0 : i32
      %dma_wait3A_1258 = arith.constant 0 : i32
      %dma_wait3A_1259 = tpu.memref_slice %arg9[%dma_wait3A_1250, %dma_wait3A_1257, %dma_wait3A_1258] : memref<32x8x64xf32, #tpu.memory_space<vmem>> -> memref<1x8x64xf32, #tpu.memory_space<vmem>>
      %dma_wait3A_1260 = tpu.memref_squeeze %dma_wait3A_1259 : memref<1x8x64xf32, #tpu.memory_space<vmem>> -> memref<8x64xf32, #tpu.memory_space<vmem>>
      %dma_wait3A_1261 = arith.constant 0 : i32
      %dma_wait3A_1262 = tpu.memref_slice %arg4[%multiple_of3A_251, %dma_wait3A_1261] : memref<1000000x64xf32, #tpu.memory_space<hbm>> -> memref<8x64xf32, #tpu.memory_space<hbm>>
      tpu.wait_dma2 semaphore(%arg12 : memref<!tpu.dma_semaphore, #tpu.memory_space<semaphore_mem>>) src(%dma_wait3A_1262 : memref<8x64xf32, #tpu.memory_space<hbm>>) dst(%dma_wait3A_1260 : memref<8x64xf32, #tpu.memory_space<vmem>>)
      %dma_wait3A_1263 = arith.constant 7 : i32
      %dma_wait3A_1264 = arith.constant 0 : i32
      %dma_wait3A_1265 = arith.constant 0 : i32
      %dma_wait3A_1266 = tpu.memref_slice %arg10[%dma_wait3A_1263, %dma_wait3A_1264, %dma_wait3A_1265] : memref<32x8x64xf32, #tpu.memory_space<vmem>> -> memref<1x8x64xf32, #tpu.memory_space<vmem>>
      %dma_wait3A_1267 = tpu.memref_squeeze %dma_wait3A_1266 : memref<1x8x64xf32, #tpu.memory_space<vmem>> -> memref<8x64xf32, #tpu.memory_space<vmem>>
      %dma_wait3A_1268 = arith.constant 0 : i32
      %dma_wait3A_1269 = tpu.memref_slice %arg5[%multiple_of3A_254, %dma_wait3A_1268] : memref<1000000x64xf32, #tpu.memory_space<hbm>> -> memref<8x64xf32, #tpu.memory_space<hbm>>
      %dma_wait3A_1270 = arith.constant 0 : i32
      %dma_wait3A_1271 = arith.constant 0 : i32
      %dma_wait3A_1272 = tpu.memref_slice %arg10[%dma_wait3A_1263, %dma_wait3A_1270, %dma_wait3A_1271] : memref<32x8x64xf32, #tpu.memory_space<vmem>> -> memref<1x8x64xf32, #tpu.memory_space<vmem>>
      %dma_wait3A_1273 = tpu.memref_squeeze %dma_wait3A_1272 : memref<1x8x64xf32, #tpu.memory_space<vmem>> -> memref<8x64xf32, #tpu.memory_space<vmem>>
      %dma_wait3A_1274 = arith.constant 0 : i32
      %dma_wait3A_1275 = tpu.memref_slice %arg5[%multiple_of3A_254, %dma_wait3A_1274] : memref<1000000x64xf32, #tpu.memory_space<hbm>> -> memref<8x64xf32, #tpu.memory_space<hbm>>
      tpu.wait_dma2 semaphore(%arg12 : memref<!tpu.dma_semaphore, #tpu.memory_space<semaphore_mem>>) src(%dma_wait3A_1275 : memref<8x64xf32, #tpu.memory_space<hbm>>) dst(%dma_wait3A_1273 : memref<8x64xf32, #tpu.memory_space<vmem>>)
      %dma_wait3A_1276 = arith.constant 8 : i32
      %dma_wait3A_1277 = arith.constant 0 : i32
      %dma_wait3A_1278 = arith.constant 0 : i32
      %dma_wait3A_1279 = tpu.memref_slice %arg9[%dma_wait3A_1276, %dma_wait3A_1277, %dma_wait3A_1278] : memref<32x8x64xf32, #tpu.memory_space<vmem>> -> memref<1x8x64xf32, #tpu.memory_space<vmem>>
      %dma_wait3A_1280 = tpu.memref_squeeze %dma_wait3A_1279 : memref<1x8x64xf32, #tpu.memory_space<vmem>> -> memref<8x64xf32, #tpu.memory_space<vmem>>
      %dma_wait3A_1281 = arith.constant 0 : i32
      %dma_wait3A_1282 = tpu.memref_slice %arg4[%multiple_of3A_283, %dma_wait3A_1281] : memref<1000000x64xf32, #tpu.memory_space<hbm>> -> memref<8x64xf32, #tpu.memory_space<hbm>>
      %dma_wait3A_1283 = arith.constant 0 : i32
      %dma_wait3A_1284 = arith.constant 0 : i32
      %dma_wait3A_1285 = tpu.memref_slice %arg9[%dma_wait3A_1276, %dma_wait3A_1283, %dma_wait3A_1284] : memref<32x8x64xf32, #tpu.memory_space<vmem>> -> memref<1x8x64xf32, #tpu.memory_space<vmem>>
      %dma_wait3A_1286 = tpu.memref_squeeze %dma_wait3A_1285 : memref<1x8x64xf32, #tpu.memory_space<vmem>> -> memref<8x64xf32, #tpu.memory_space<vmem>>
      %dma_wait3A_1287 = arith.constant 0 : i32
      %dma_wait3A_1288 = tpu.memref_slice %arg4[%multiple_of3A_283, %dma_wait3A_1287] : memref<1000000x64xf32, #tpu.memory_space<hbm>> -> memref<8x64xf32, #tpu.memory_space<hbm>>
      tpu.wait_dma2 semaphore(%arg12 : memref<!tpu.dma_semaphore, #tpu.memory_space<semaphore_mem>>) src(%dma_wait3A_1288 : memref<8x64xf32, #tpu.memory_space<hbm>>) dst(%dma_wait3A_1286 : memref<8x64xf32, #tpu.memory_space<vmem>>)
      %dma_wait3A_1289 = arith.constant 8 : i32
      %dma_wait3A_1290 = arith.constant 0 : i32
      %dma_wait3A_1291 = arith.constant 0 : i32
      %dma_wait3A_1292 = tpu.memref_slice %arg10[%dma_wait3A_1289, %dma_wait3A_1290, %dma_wait3A_1291] : memref<32x8x64xf32, #tpu.memory_space<vmem>> -> memref<1x8x64xf32, #tpu.memory_space<vmem>>
      %dma_wait3A_1293 = tpu.memref_squeeze %dma_wait3A_1292 : memref<1x8x64xf32, #tpu.memory_space<vmem>> -> memref<8x64xf32, #tpu.memory_space<vmem>>
      %dma_wait3A_1294 = arith.constant 0 : i32
      %dma_wait3A_1295 = tpu.memref_slice %arg5[%multiple_of3A_286, %dma_wait3A_1294] : memref<1000000x64xf32, #tpu.memory_space<hbm>> -> memref<8x64xf32, #tpu.memory_space<hbm>>
      %dma_wait3A_1296 = arith.constant 0 : i32
      %dma_wait3A_1297 = arith.constant 0 : i32
      %dma_wait3A_1298 = tpu.memref_slice %arg10[%dma_wait3A_1289, %dma_wait3A_1296, %dma_wait3A_1297] : memref<32x8x64xf32, #tpu.memory_space<vmem>> -> memref<1x8x64xf32, #tpu.memory_space<vmem>>
      %dma_wait3A_1299 = tpu.memref_squeeze %dma_wait3A_1298 : memref<1x8x64xf32, #tpu.memory_space<vmem>> -> memref<8x64xf32, #tpu.memory_space<vmem>>
      %dma_wait3A_1300 = arith.constant 0 : i32
      %dma_wait3A_1301 = tpu.memref_slice %arg5[%multiple_of3A_286, %dma_wait3A_1300] : memref<1000000x64xf32, #tpu.memory_space<hbm>> -> memref<8x64xf32, #tpu.memory_space<hbm>>
      tpu.wait_dma2 semaphore(%arg12 : memref<!tpu.dma_semaphore, #tpu.memory_space<semaphore_mem>>) src(%dma_wait3A_1301 : memref<8x64xf32, #tpu.memory_space<hbm>>) dst(%dma_wait3A_1299 : memref<8x64xf32, #tpu.memory_space<vmem>>)
      %dma_wait3A_1302 = arith.constant 9 : i32
      %dma_wait3A_1303 = arith.constant 0 : i32
      %dma_wait3A_1304 = arith.constant 0 : i32
      %dma_wait3A_1305 = tpu.memref_slice %arg9[%dma_wait3A_1302, %dma_wait3A_1303, %dma_wait3A_1304] : memref<32x8x64xf32, #tpu.memory_space<vmem>> -> memref<1x8x64xf32, #tpu.memory_space<vmem>>
      %dma_wait3A_1306 = tpu.memref_squeeze %dma_wait3A_1305 : memref<1x8x64xf32, #tpu.memory_space<vmem>> -> memref<8x64xf32, #tpu.memory_space<vmem>>
      %dma_wait3A_1307 = arith.constant 0 : i32
      %dma_wait3A_1308 = tpu.memref_slice %arg4[%multiple_of3A_315, %dma_wait3A_1307] : memref<1000000x64xf32, #tpu.memory_space<hbm>> -> memref<8x64xf32, #tpu.memory_space<hbm>>
      %dma_wait3A_1309 = arith.constant 0 : i32
      %dma_wait3A_1310 = arith.constant 0 : i32
      %dma_wait3A_1311 = tpu.memref_slice %arg9[%dma_wait3A_1302, %dma_wait3A_1309, %dma_wait3A_1310] : memref<32x8x64xf32, #tpu.memory_space<vmem>> -> memref<1x8x64xf32, #tpu.memory_space<vmem>>
      %dma_wait3A_1312 = tpu.memref_squeeze %dma_wait3A_1311 : memref<1x8x64xf32, #tpu.memory_space<vmem>> -> memref<8x64xf32, #tpu.memory_space<vmem>>
      %dma_wait3A_1313 = arith.constant 0 : i32
      %dma_wait3A_1314 = tpu.memref_slice %arg4[%multiple_of3A_315, %dma_wait3A_1313] : memref<1000000x64xf32, #tpu.memory_space<hbm>> -> memref<8x64xf32, #tpu.memory_space<hbm>>
      tpu.wait_dma2 semaphore(%arg12 : memref<!tpu.dma_semaphore, #tpu.memory_space<semaphore_mem>>) src(%dma_wait3A_1314 : memref<8x64xf32, #tpu.memory_space<hbm>>) dst(%dma_wait3A_1312 : memref<8x64xf32, #tpu.memory_space<vmem>>)
      %dma_wait3A_1315 = arith.constant 9 : i32
      %dma_wait3A_1316 = arith.constant 0 : i32
      %dma_wait3A_1317 = arith.constant 0 : i32
      %dma_wait3A_1318 = tpu.memref_slice %arg10[%dma_wait3A_1315, %dma_wait3A_1316, %dma_wait3A_1317] : memref<32x8x64xf32, #tpu.memory_space<vmem>> -> memref<1x8x64xf32, #tpu.memory_space<vmem>>
      %dma_wait3A_1319 = tpu.memref_squeeze %dma_wait3A_1318 : memref<1x8x64xf32, #tpu.memory_space<vmem>> -> memref<8x64xf32, #tpu.memory_space<vmem>>
      %dma_wait3A_1320 = arith.constant 0 : i32
      %dma_wait3A_1321 = tpu.memref_slice %arg5[%multiple_of3A_318, %dma_wait3A_1320] : memref<1000000x64xf32, #tpu.memory_space<hbm>> -> memref<8x64xf32, #tpu.memory_space<hbm>>
      %dma_wait3A_1322 = arith.constant 0 : i32
      %dma_wait3A_1323 = arith.constant 0 : i32
      %dma_wait3A_1324 = tpu.memref_slice %arg10[%dma_wait3A_1315, %dma_wait3A_1322, %dma_wait3A_1323] : memref<32x8x64xf32, #tpu.memory_space<vmem>> -> memref<1x8x64xf32, #tpu.memory_space<vmem>>
      %dma_wait3A_1325 = tpu.memref_squeeze %dma_wait3A_1324 : memref<1x8x64xf32, #tpu.memory_space<vmem>> -> memref<8x64xf32, #tpu.memory_space<vmem>>
      %dma_wait3A_1326 = arith.constant 0 : i32
      %dma_wait3A_1327 = tpu.memref_slice %arg5[%multiple_of3A_318, %dma_wait3A_1326] : memref<1000000x64xf32, #tpu.memory_space<hbm>> -> memref<8x64xf32, #tpu.memory_space<hbm>>
      tpu.wait_dma2 semaphore(%arg12 : memref<!tpu.dma_semaphore, #tpu.memory_space<semaphore_mem>>) src(%dma_wait3A_1327 : memref<8x64xf32, #tpu.memory_space<hbm>>) dst(%dma_wait3A_1325 : memref<8x64xf32, #tpu.memory_space<vmem>>)
      %dma_wait3A_1328 = arith.constant 10 : i32
      %dma_wait3A_1329 = arith.constant 0 : i32
      %dma_wait3A_1330 = arith.constant 0 : i32
      %dma_wait3A_1331 = tpu.memref_slice %arg9[%dma_wait3A_1328, %dma_wait3A_1329, %dma_wait3A_1330] : memref<32x8x64xf32, #tpu.memory_space<vmem>> -> memref<1x8x64xf32, #tpu.memory_space<vmem>>
      %dma_wait3A_1332 = tpu.memref_squeeze %dma_wait3A_1331 : memref<1x8x64xf32, #tpu.memory_space<vmem>> -> memref<8x64xf32, #tpu.memory_space<vmem>>
      %dma_wait3A_1333 = arith.constant 0 : i32
      %dma_wait3A_1334 = tpu.memref_slice %arg4[%multiple_of3A_347, %dma_wait3A_1333] : memref<1000000x64xf32, #tpu.memory_space<hbm>> -> memref<8x64xf32, #tpu.memory_space<hbm>>
      %dma_wait3A_1335 = arith.constant 0 : i32
      %dma_wait3A_1336 = arith.constant 0 : i32
      %dma_wait3A_1337 = tpu.memref_slice %arg9[%dma_wait3A_1328, %dma_wait3A_1335, %dma_wait3A_1336] : memref<32x8x64xf32, #tpu.memory_space<vmem>> -> memref<1x8x64xf32, #tpu.memory_space<vmem>>
      %dma_wait3A_1338 = tpu.memref_squeeze %dma_wait3A_1337 : memref<1x8x64xf32, #tpu.memory_space<vmem>> -> memref<8x64xf32, #tpu.memory_space<vmem>>
      %dma_wait3A_1339 = arith.constant 0 : i32
      %dma_wait3A_1340 = tpu.memref_slice %arg4[%multiple_of3A_347, %dma_wait3A_1339] : memref<1000000x64xf32, #tpu.memory_space<hbm>> -> memref<8x64xf32, #tpu.memory_space<hbm>>
      tpu.wait_dma2 semaphore(%arg12 : memref<!tpu.dma_semaphore, #tpu.memory_space<semaphore_mem>>) src(%dma_wait3A_1340 : memref<8x64xf32, #tpu.memory_space<hbm>>) dst(%dma_wait3A_1338 : memref<8x64xf32, #tpu.memory_space<vmem>>)
      %dma_wait3A_1341 = arith.constant 10 : i32
      %dma_wait3A_1342 = arith.constant 0 : i32
      %dma_wait3A_1343 = arith.constant 0 : i32
      %dma_wait3A_1344 = tpu.memref_slice %arg10[%dma_wait3A_1341, %dma_wait3A_1342, %dma_wait3A_1343] : memref<32x8x64xf32, #tpu.memory_space<vmem>> -> memref<1x8x64xf32, #tpu.memory_space<vmem>>
      %dma_wait3A_1345 = tpu.memref_squeeze %dma_wait3A_1344 : memref<1x8x64xf32, #tpu.memory_space<vmem>> -> memref<8x64xf32, #tpu.memory_space<vmem>>
      %dma_wait3A_1346 = arith.constant 0 : i32
      %dma_wait3A_1347 = tpu.memref_slice %arg5[%multiple_of3A_350, %dma_wait3A_1346] : memref<1000000x64xf32, #tpu.memory_space<hbm>> -> memref<8x64xf32, #tpu.memory_space<hbm>>
      %dma_wait3A_1348 = arith.constant 0 : i32
      %dma_wait3A_1349 = arith.constant 0 : i32
      %dma_wait3A_1350 = tpu.memref_slice %arg10[%dma_wait3A_1341, %dma_wait3A_1348, %dma_wait3A_1349] : memref<32x8x64xf32, #tpu.memory_space<vmem>> -> memref<1x8x64xf32, #tpu.memory_space<vmem>>
      %dma_wait3A_1351 = tpu.memref_squeeze %dma_wait3A_1350 : memref<1x8x64xf32, #tpu.memory_space<vmem>> -> memref<8x64xf32, #tpu.memory_space<vmem>>
      %dma_wait3A_1352 = arith.constant 0 : i32
      %dma_wait3A_1353 = tpu.memref_slice %arg5[%multiple_of3A_350, %dma_wait3A_1352] : memref<1000000x64xf32, #tpu.memory_space<hbm>> -> memref<8x64xf32, #tpu.memory_space<hbm>>
      tpu.wait_dma2 semaphore(%arg12 : memref<!tpu.dma_semaphore, #tpu.memory_space<semaphore_mem>>) src(%dma_wait3A_1353 : memref<8x64xf32, #tpu.memory_space<hbm>>) dst(%dma_wait3A_1351 : memref<8x64xf32, #tpu.memory_space<vmem>>)
      %dma_wait3A_1354 = arith.constant 11 : i32
      %dma_wait3A_1355 = arith.constant 0 : i32
      %dma_wait3A_1356 = arith.constant 0 : i32
      %dma_wait3A_1357 = tpu.memref_slice %arg9[%dma_wait3A_1354, %dma_wait3A_1355, %dma_wait3A_1356] : memref<32x8x64xf32, #tpu.memory_space<vmem>> -> memref<1x8x64xf32, #tpu.memory_space<vmem>>
      %dma_wait3A_1358 = tpu.memref_squeeze %dma_wait3A_1357 : memref<1x8x64xf32, #tpu.memory_space<vmem>> -> memref<8x64xf32, #tpu.memory_space<vmem>>
      %dma_wait3A_1359 = arith.constant 0 : i32
      %dma_wait3A_1360 = tpu.memref_slice %arg4[%multiple_of3A_379, %dma_wait3A_1359] : memref<1000000x64xf32, #tpu.memory_space<hbm>> -> memref<8x64xf32, #tpu.memory_space<hbm>>
      %dma_wait3A_1361 = arith.constant 0 : i32
      %dma_wait3A_1362 = arith.constant 0 : i32
      %dma_wait3A_1363 = tpu.memref_slice %arg9[%dma_wait3A_1354, %dma_wait3A_1361, %dma_wait3A_1362] : memref<32x8x64xf32, #tpu.memory_space<vmem>> -> memref<1x8x64xf32, #tpu.memory_space<vmem>>
      %dma_wait3A_1364 = tpu.memref_squeeze %dma_wait3A_1363 : memref<1x8x64xf32, #tpu.memory_space<vmem>> -> memref<8x64xf32, #tpu.memory_space<vmem>>
      %dma_wait3A_1365 = arith.constant 0 : i32
      %dma_wait3A_1366 = tpu.memref_slice %arg4[%multiple_of3A_379, %dma_wait3A_1365] : memref<1000000x64xf32, #tpu.memory_space<hbm>> -> memref<8x64xf32, #tpu.memory_space<hbm>>
      tpu.wait_dma2 semaphore(%arg12 : memref<!tpu.dma_semaphore, #tpu.memory_space<semaphore_mem>>) src(%dma_wait3A_1366 : memref<8x64xf32, #tpu.memory_space<hbm>>) dst(%dma_wait3A_1364 : memref<8x64xf32, #tpu.memory_space<vmem>>)
      %dma_wait3A_1367 = arith.constant 11 : i32
      %dma_wait3A_1368 = arith.constant 0 : i32
      %dma_wait3A_1369 = arith.constant 0 : i32
      %dma_wait3A_1370 = tpu.memref_slice %arg10[%dma_wait3A_1367, %dma_wait3A_1368, %dma_wait3A_1369] : memref<32x8x64xf32, #tpu.memory_space<vmem>> -> memref<1x8x64xf32, #tpu.memory_space<vmem>>
      %dma_wait3A_1371 = tpu.memref_squeeze %dma_wait3A_1370 : memref<1x8x64xf32, #tpu.memory_space<vmem>> -> memref<8x64xf32, #tpu.memory_space<vmem>>
      %dma_wait3A_1372 = arith.constant 0 : i32
      %dma_wait3A_1373 = tpu.memref_slice %arg5[%multiple_of3A_382, %dma_wait3A_1372] : memref<1000000x64xf32, #tpu.memory_space<hbm>> -> memref<8x64xf32, #tpu.memory_space<hbm>>
      %dma_wait3A_1374 = arith.constant 0 : i32
      %dma_wait3A_1375 = arith.constant 0 : i32
      %dma_wait3A_1376 = tpu.memref_slice %arg10[%dma_wait3A_1367, %dma_wait3A_1374, %dma_wait3A_1375] : memref<32x8x64xf32, #tpu.memory_space<vmem>> -> memref<1x8x64xf32, #tpu.memory_space<vmem>>
      %dma_wait3A_1377 = tpu.memref_squeeze %dma_wait3A_1376 : memref<1x8x64xf32, #tpu.memory_space<vmem>> -> memref<8x64xf32, #tpu.memory_space<vmem>>
      %dma_wait3A_1378 = arith.constant 0 : i32
      %dma_wait3A_1379 = tpu.memref_slice %arg5[%multiple_of3A_382, %dma_wait3A_1378] : memref<1000000x64xf32, #tpu.memory_space<hbm>> -> memref<8x64xf32, #tpu.memory_space<hbm>>
      tpu.wait_dma2 semaphore(%arg12 : memref<!tpu.dma_semaphore, #tpu.memory_space<semaphore_mem>>) src(%dma_wait3A_1379 : memref<8x64xf32, #tpu.memory_space<hbm>>) dst(%dma_wait3A_1377 : memref<8x64xf32, #tpu.memory_space<vmem>>)
      %dma_wait3A_1380 = arith.constant 12 : i32
      %dma_wait3A_1381 = arith.constant 0 : i32
      %dma_wait3A_1382 = arith.constant 0 : i32
      %dma_wait3A_1383 = tpu.memref_slice %arg9[%dma_wait3A_1380, %dma_wait3A_1381, %dma_wait3A_1382] : memref<32x8x64xf32, #tpu.memory_space<vmem>> -> memref<1x8x64xf32, #tpu.memory_space<vmem>>
      %dma_wait3A_1384 = tpu.memref_squeeze %dma_wait3A_1383 : memref<1x8x64xf32, #tpu.memory_space<vmem>> -> memref<8x64xf32, #tpu.memory_space<vmem>>
      %dma_wait3A_1385 = arith.constant 0 : i32
      %dma_wait3A_1386 = tpu.memref_slice %arg4[%multiple_of3A_411, %dma_wait3A_1385] : memref<1000000x64xf32, #tpu.memory_space<hbm>> -> memref<8x64xf32, #tpu.memory_space<hbm>>
      %dma_wait3A_1387 = arith.constant 0 : i32
      %dma_wait3A_1388 = arith.constant 0 : i32
      %dma_wait3A_1389 = tpu.memref_slice %arg9[%dma_wait3A_1380, %dma_wait3A_1387, %dma_wait3A_1388] : memref<32x8x64xf32, #tpu.memory_space<vmem>> -> memref<1x8x64xf32, #tpu.memory_space<vmem>>
      %dma_wait3A_1390 = tpu.memref_squeeze %dma_wait3A_1389 : memref<1x8x64xf32, #tpu.memory_space<vmem>> -> memref<8x64xf32, #tpu.memory_space<vmem>>
      %dma_wait3A_1391 = arith.constant 0 : i32
      %dma_wait3A_1392 = tpu.memref_slice %arg4[%multiple_of3A_411, %dma_wait3A_1391] : memref<1000000x64xf32, #tpu.memory_space<hbm>> -> memref<8x64xf32, #tpu.memory_space<hbm>>
      tpu.wait_dma2 semaphore(%arg12 : memref<!tpu.dma_semaphore, #tpu.memory_space<semaphore_mem>>) src(%dma_wait3A_1392 : memref<8x64xf32, #tpu.memory_space<hbm>>) dst(%dma_wait3A_1390 : memref<8x64xf32, #tpu.memory_space<vmem>>)
      %dma_wait3A_1393 = arith.constant 12 : i32
      %dma_wait3A_1394 = arith.constant 0 : i32
      %dma_wait3A_1395 = arith.constant 0 : i32
      %dma_wait3A_1396 = tpu.memref_slice %arg10[%dma_wait3A_1393, %dma_wait3A_1394, %dma_wait3A_1395] : memref<32x8x64xf32, #tpu.memory_space<vmem>> -> memref<1x8x64xf32, #tpu.memory_space<vmem>>
      %dma_wait3A_1397 = tpu.memref_squeeze %dma_wait3A_1396 : memref<1x8x64xf32, #tpu.memory_space<vmem>> -> memref<8x64xf32, #tpu.memory_space<vmem>>
      %dma_wait3A_1398 = arith.constant 0 : i32
      %dma_wait3A_1399 = tpu.memref_slice %arg5[%multiple_of3A_414, %dma_wait3A_1398] : memref<1000000x64xf32, #tpu.memory_space<hbm>> -> memref<8x64xf32, #tpu.memory_space<hbm>>
      %dma_wait3A_1400 = arith.constant 0 : i32
      %dma_wait3A_1401 = arith.constant 0 : i32
      %dma_wait3A_1402 = tpu.memref_slice %arg10[%dma_wait3A_1393, %dma_wait3A_1400, %dma_wait3A_1401] : memref<32x8x64xf32, #tpu.memory_space<vmem>> -> memref<1x8x64xf32, #tpu.memory_space<vmem>>
      %dma_wait3A_1403 = tpu.memref_squeeze %dma_wait3A_1402 : memref<1x8x64xf32, #tpu.memory_space<vmem>> -> memref<8x64xf32, #tpu.memory_space<vmem>>
      %dma_wait3A_1404 = arith.constant 0 : i32
      %dma_wait3A_1405 = tpu.memref_slice %arg5[%multiple_of3A_414, %dma_wait3A_1404] : memref<1000000x64xf32, #tpu.memory_space<hbm>> -> memref<8x64xf32, #tpu.memory_space<hbm>>
      tpu.wait_dma2 semaphore(%arg12 : memref<!tpu.dma_semaphore, #tpu.memory_space<semaphore_mem>>) src(%dma_wait3A_1405 : memref<8x64xf32, #tpu.memory_space<hbm>>) dst(%dma_wait3A_1403 : memref<8x64xf32, #tpu.memory_space<vmem>>)
      %dma_wait3A_1406 = arith.constant 13 : i32
      %dma_wait3A_1407 = arith.constant 0 : i32
      %dma_wait3A_1408 = arith.constant 0 : i32
      %dma_wait3A_1409 = tpu.memref_slice %arg9[%dma_wait3A_1406, %dma_wait3A_1407, %dma_wait3A_1408] : memref<32x8x64xf32, #tpu.memory_space<vmem>> -> memref<1x8x64xf32, #tpu.memory_space<vmem>>
      %dma_wait3A_1410 = tpu.memref_squeeze %dma_wait3A_1409 : memref<1x8x64xf32, #tpu.memory_space<vmem>> -> memref<8x64xf32, #tpu.memory_space<vmem>>
      %dma_wait3A_1411 = arith.constant 0 : i32
      %dma_wait3A_1412 = tpu.memref_slice %arg4[%multiple_of3A_443, %dma_wait3A_1411] : memref<1000000x64xf32, #tpu.memory_space<hbm>> -> memref<8x64xf32, #tpu.memory_space<hbm>>
      %dma_wait3A_1413 = arith.constant 0 : i32
      %dma_wait3A_1414 = arith.constant 0 : i32
      %dma_wait3A_1415 = tpu.memref_slice %arg9[%dma_wait3A_1406, %dma_wait3A_1413, %dma_wait3A_1414] : memref<32x8x64xf32, #tpu.memory_space<vmem>> -> memref<1x8x64xf32, #tpu.memory_space<vmem>>
      %dma_wait3A_1416 = tpu.memref_squeeze %dma_wait3A_1415 : memref<1x8x64xf32, #tpu.memory_space<vmem>> -> memref<8x64xf32, #tpu.memory_space<vmem>>
      %dma_wait3A_1417 = arith.constant 0 : i32
      %dma_wait3A_1418 = tpu.memref_slice %arg4[%multiple_of3A_443, %dma_wait3A_1417] : memref<1000000x64xf32, #tpu.memory_space<hbm>> -> memref<8x64xf32, #tpu.memory_space<hbm>>
      tpu.wait_dma2 semaphore(%arg12 : memref<!tpu.dma_semaphore, #tpu.memory_space<semaphore_mem>>) src(%dma_wait3A_1418 : memref<8x64xf32, #tpu.memory_space<hbm>>) dst(%dma_wait3A_1416 : memref<8x64xf32, #tpu.memory_space<vmem>>)
      %dma_wait3A_1419 = arith.constant 13 : i32
      %dma_wait3A_1420 = arith.constant 0 : i32
      %dma_wait3A_1421 = arith.constant 0 : i32
      %dma_wait3A_1422 = tpu.memref_slice %arg10[%dma_wait3A_1419, %dma_wait3A_1420, %dma_wait3A_1421] : memref<32x8x64xf32, #tpu.memory_space<vmem>> -> memref<1x8x64xf32, #tpu.memory_space<vmem>>
      %dma_wait3A_1423 = tpu.memref_squeeze %dma_wait3A_1422 : memref<1x8x64xf32, #tpu.memory_space<vmem>> -> memref<8x64xf32, #tpu.memory_space<vmem>>
      %dma_wait3A_1424 = arith.constant 0 : i32
      %dma_wait3A_1425 = tpu.memref_slice %arg5[%multiple_of3A_446, %dma_wait3A_1424] : memref<1000000x64xf32, #tpu.memory_space<hbm>> -> memref<8x64xf32, #tpu.memory_space<hbm>>
      %dma_wait3A_1426 = arith.constant 0 : i32
      %dma_wait3A_1427 = arith.constant 0 : i32
      %dma_wait3A_1428 = tpu.memref_slice %arg10[%dma_wait3A_1419, %dma_wait3A_1426, %dma_wait3A_1427] : memref<32x8x64xf32, #tpu.memory_space<vmem>> -> memref<1x8x64xf32, #tpu.memory_space<vmem>>
      %dma_wait3A_1429 = tpu.memref_squeeze %dma_wait3A_1428 : memref<1x8x64xf32, #tpu.memory_space<vmem>> -> memref<8x64xf32, #tpu.memory_space<vmem>>
      %dma_wait3A_1430 = arith.constant 0 : i32
      %dma_wait3A_1431 = tpu.memref_slice %arg5[%multiple_of3A_446, %dma_wait3A_1430] : memref<1000000x64xf32, #tpu.memory_space<hbm>> -> memref<8x64xf32, #tpu.memory_space<hbm>>
      tpu.wait_dma2 semaphore(%arg12 : memref<!tpu.dma_semaphore, #tpu.memory_space<semaphore_mem>>) src(%dma_wait3A_1431 : memref<8x64xf32, #tpu.memory_space<hbm>>) dst(%dma_wait3A_1429 : memref<8x64xf32, #tpu.memory_space<vmem>>)
      %dma_wait3A_1432 = arith.constant 14 : i32
      %dma_wait3A_1433 = arith.constant 0 : i32
      %dma_wait3A_1434 = arith.constant 0 : i32
      %dma_wait3A_1435 = tpu.memref_slice %arg9[%dma_wait3A_1432, %dma_wait3A_1433, %dma_wait3A_1434] : memref<32x8x64xf32, #tpu.memory_space<vmem>> -> memref<1x8x64xf32, #tpu.memory_space<vmem>>
      %dma_wait3A_1436 = tpu.memref_squeeze %dma_wait3A_1435 : memref<1x8x64xf32, #tpu.memory_space<vmem>> -> memref<8x64xf32, #tpu.memory_space<vmem>>
      %dma_wait3A_1437 = arith.constant 0 : i32
      %dma_wait3A_1438 = tpu.memref_slice %arg4[%multiple_of3A_475, %dma_wait3A_1437] : memref<1000000x64xf32, #tpu.memory_space<hbm>> -> memref<8x64xf32, #tpu.memory_space<hbm>>
      %dma_wait3A_1439 = arith.constant 0 : i32
      %dma_wait3A_1440 = arith.constant 0 : i32
      %dma_wait3A_1441 = tpu.memref_slice %arg9[%dma_wait3A_1432, %dma_wait3A_1439, %dma_wait3A_1440] : memref<32x8x64xf32, #tpu.memory_space<vmem>> -> memref<1x8x64xf32, #tpu.memory_space<vmem>>
      %dma_wait3A_1442 = tpu.memref_squeeze %dma_wait3A_1441 : memref<1x8x64xf32, #tpu.memory_space<vmem>> -> memref<8x64xf32, #tpu.memory_space<vmem>>
      %dma_wait3A_1443 = arith.constant 0 : i32
      %dma_wait3A_1444 = tpu.memref_slice %arg4[%multiple_of3A_475, %dma_wait3A_1443] : memref<1000000x64xf32, #tpu.memory_space<hbm>> -> memref<8x64xf32, #tpu.memory_space<hbm>>
      tpu.wait_dma2 semaphore(%arg12 : memref<!tpu.dma_semaphore, #tpu.memory_space<semaphore_mem>>) src(%dma_wait3A_1444 : memref<8x64xf32, #tpu.memory_space<hbm>>) dst(%dma_wait3A_1442 : memref<8x64xf32, #tpu.memory_space<vmem>>)
      %dma_wait3A_1445 = arith.constant 14 : i32
      %dma_wait3A_1446 = arith.constant 0 : i32
      %dma_wait3A_1447 = arith.constant 0 : i32
      %dma_wait3A_1448 = tpu.memref_slice %arg10[%dma_wait3A_1445, %dma_wait3A_1446, %dma_wait3A_1447] : memref<32x8x64xf32, #tpu.memory_space<vmem>> -> memref<1x8x64xf32, #tpu.memory_space<vmem>>
      %dma_wait3A_1449 = tpu.memref_squeeze %dma_wait3A_1448 : memref<1x8x64xf32, #tpu.memory_space<vmem>> -> memref<8x64xf32, #tpu.memory_space<vmem>>
      %dma_wait3A_1450 = arith.constant 0 : i32
      %dma_wait3A_1451 = tpu.memref_slice %arg5[%multiple_of3A_478, %dma_wait3A_1450] : memref<1000000x64xf32, #tpu.memory_space<hbm>> -> memref<8x64xf32, #tpu.memory_space<hbm>>
      %dma_wait3A_1452 = arith.constant 0 : i32
      %dma_wait3A_1453 = arith.constant 0 : i32
      %dma_wait3A_1454 = tpu.memref_slice %arg10[%dma_wait3A_1445, %dma_wait3A_1452, %dma_wait3A_1453] : memref<32x8x64xf32, #tpu.memory_space<vmem>> -> memref<1x8x64xf32, #tpu.memory_space<vmem>>
      %dma_wait3A_1455 = tpu.memref_squeeze %dma_wait3A_1454 : memref<1x8x64xf32, #tpu.memory_space<vmem>> -> memref<8x64xf32, #tpu.memory_space<vmem>>
      %dma_wait3A_1456 = arith.constant 0 : i32
      %dma_wait3A_1457 = tpu.memref_slice %arg5[%multiple_of3A_478, %dma_wait3A_1456] : memref<1000000x64xf32, #tpu.memory_space<hbm>> -> memref<8x64xf32, #tpu.memory_space<hbm>>
      tpu.wait_dma2 semaphore(%arg12 : memref<!tpu.dma_semaphore, #tpu.memory_space<semaphore_mem>>) src(%dma_wait3A_1457 : memref<8x64xf32, #tpu.memory_space<hbm>>) dst(%dma_wait3A_1455 : memref<8x64xf32, #tpu.memory_space<vmem>>)
      %dma_wait3A_1458 = arith.constant 15 : i32
      %dma_wait3A_1459 = arith.constant 0 : i32
      %dma_wait3A_1460 = arith.constant 0 : i32
      %dma_wait3A_1461 = tpu.memref_slice %arg9[%dma_wait3A_1458, %dma_wait3A_1459, %dma_wait3A_1460] : memref<32x8x64xf32, #tpu.memory_space<vmem>> -> memref<1x8x64xf32, #tpu.memory_space<vmem>>
      %dma_wait3A_1462 = tpu.memref_squeeze %dma_wait3A_1461 : memref<1x8x64xf32, #tpu.memory_space<vmem>> -> memref<8x64xf32, #tpu.memory_space<vmem>>
      %dma_wait3A_1463 = arith.constant 0 : i32
      %dma_wait3A_1464 = tpu.memref_slice %arg4[%multiple_of3A_507, %dma_wait3A_1463] : memref<1000000x64xf32, #tpu.memory_space<hbm>> -> memref<8x64xf32, #tpu.memory_space<hbm>>
      %dma_wait3A_1465 = arith.constant 0 : i32
      %dma_wait3A_1466 = arith.constant 0 : i32
      %dma_wait3A_1467 = tpu.memref_slice %arg9[%dma_wait3A_1458, %dma_wait3A_1465, %dma_wait3A_1466] : memref<32x8x64xf32, #tpu.memory_space<vmem>> -> memref<1x8x64xf32, #tpu.memory_space<vmem>>
      %dma_wait3A_1468 = tpu.memref_squeeze %dma_wait3A_1467 : memref<1x8x64xf32, #tpu.memory_space<vmem>> -> memref<8x64xf32, #tpu.memory_space<vmem>>
      %dma_wait3A_1469 = arith.constant 0 : i32
      %dma_wait3A_1470 = tpu.memref_slice %arg4[%multiple_of3A_507, %dma_wait3A_1469] : memref<1000000x64xf32, #tpu.memory_space<hbm>> -> memref<8x64xf32, #tpu.memory_space<hbm>>
      tpu.wait_dma2 semaphore(%arg12 : memref<!tpu.dma_semaphore, #tpu.memory_space<semaphore_mem>>) src(%dma_wait3A_1470 : memref<8x64xf32, #tpu.memory_space<hbm>>) dst(%dma_wait3A_1468 : memref<8x64xf32, #tpu.memory_space<vmem>>)
      %dma_wait3A_1471 = arith.constant 15 : i32
      %dma_wait3A_1472 = arith.constant 0 : i32
      %dma_wait3A_1473 = arith.constant 0 : i32
      %dma_wait3A_1474 = tpu.memref_slice %arg10[%dma_wait3A_1471, %dma_wait3A_1472, %dma_wait3A_1473] : memref<32x8x64xf32, #tpu.memory_space<vmem>> -> memref<1x8x64xf32, #tpu.memory_space<vmem>>
      %dma_wait3A_1475 = tpu.memref_squeeze %dma_wait3A_1474 : memref<1x8x64xf32, #tpu.memory_space<vmem>> -> memref<8x64xf32, #tpu.memory_space<vmem>>
      %dma_wait3A_1476 = arith.constant 0 : i32
      %dma_wait3A_1477 = tpu.memref_slice %arg5[%multiple_of3A_510, %dma_wait3A_1476] : memref<1000000x64xf32, #tpu.memory_space<hbm>> -> memref<8x64xf32, #tpu.memory_space<hbm>>
      %dma_wait3A_1478 = arith.constant 0 : i32
      %dma_wait3A_1479 = arith.constant 0 : i32
      %dma_wait3A_1480 = tpu.memref_slice %arg10[%dma_wait3A_1471, %dma_wait3A_1478, %dma_wait3A_1479] : memref<32x8x64xf32, #tpu.memory_space<vmem>> -> memref<1x8x64xf32, #tpu.memory_space<vmem>>
      %dma_wait3A_1481 = tpu.memref_squeeze %dma_wait3A_1480 : memref<1x8x64xf32, #tpu.memory_space<vmem>> -> memref<8x64xf32, #tpu.memory_space<vmem>>
      %dma_wait3A_1482 = arith.constant 0 : i32
      %dma_wait3A_1483 = tpu.memref_slice %arg5[%multiple_of3A_510, %dma_wait3A_1482] : memref<1000000x64xf32, #tpu.memory_space<hbm>> -> memref<8x64xf32, #tpu.memory_space<hbm>>
      tpu.wait_dma2 semaphore(%arg12 : memref<!tpu.dma_semaphore, #tpu.memory_space<semaphore_mem>>) src(%dma_wait3A_1483 : memref<8x64xf32, #tpu.memory_space<hbm>>) dst(%dma_wait3A_1481 : memref<8x64xf32, #tpu.memory_space<vmem>>)
      %dma_wait3A_1484 = arith.constant 16 : i32
      %dma_wait3A_1485 = arith.constant 0 : i32
      %dma_wait3A_1486 = arith.constant 0 : i32
      %dma_wait3A_1487 = tpu.memref_slice %arg9[%dma_wait3A_1484, %dma_wait3A_1485, %dma_wait3A_1486] : memref<32x8x64xf32, #tpu.memory_space<vmem>> -> memref<1x8x64xf32, #tpu.memory_space<vmem>>
      %dma_wait3A_1488 = tpu.memref_squeeze %dma_wait3A_1487 : memref<1x8x64xf32, #tpu.memory_space<vmem>> -> memref<8x64xf32, #tpu.memory_space<vmem>>
      %dma_wait3A_1489 = arith.constant 0 : i32
      %dma_wait3A_1490 = tpu.memref_slice %arg4[%multiple_of3A_559, %dma_wait3A_1489] : memref<1000000x64xf32, #tpu.memory_space<hbm>> -> memref<8x64xf32, #tpu.memory_space<hbm>>
      %dma_wait3A_1491 = arith.constant 0 : i32
      %dma_wait3A_1492 = arith.constant 0 : i32
      %dma_wait3A_1493 = tpu.memref_slice %arg9[%dma_wait3A_1484, %dma_wait3A_1491, %dma_wait3A_1492] : memref<32x8x64xf32, #tpu.memory_space<vmem>> -> memref<1x8x64xf32, #tpu.memory_space<vmem>>
      %dma_wait3A_1494 = tpu.memref_squeeze %dma_wait3A_1493 : memref<1x8x64xf32, #tpu.memory_space<vmem>> -> memref<8x64xf32, #tpu.memory_space<vmem>>
      %dma_wait3A_1495 = arith.constant 0 : i32
      %dma_wait3A_1496 = tpu.memref_slice %arg4[%multiple_of3A_559, %dma_wait3A_1495] : memref<1000000x64xf32, #tpu.memory_space<hbm>> -> memref<8x64xf32, #tpu.memory_space<hbm>>
      tpu.wait_dma2 semaphore(%arg12 : memref<!tpu.dma_semaphore, #tpu.memory_space<semaphore_mem>>) src(%dma_wait3A_1496 : memref<8x64xf32, #tpu.memory_space<hbm>>) dst(%dma_wait3A_1494 : memref<8x64xf32, #tpu.memory_space<vmem>>)
      %dma_wait3A_1497 = arith.constant 16 : i32
      %dma_wait3A_1498 = arith.constant 0 : i32
      %dma_wait3A_1499 = arith.constant 0 : i32
      %dma_wait3A_1500 = tpu.memref_slice %arg10[%dma_wait3A_1497, %dma_wait3A_1498, %dma_wait3A_1499] : memref<32x8x64xf32, #tpu.memory_space<vmem>> -> memref<1x8x64xf32, #tpu.memory_space<vmem>>
      %dma_wait3A_1501 = tpu.memref_squeeze %dma_wait3A_1500 : memref<1x8x64xf32, #tpu.memory_space<vmem>> -> memref<8x64xf32, #tpu.memory_space<vmem>>
      %dma_wait3A_1502 = arith.constant 0 : i32
      %dma_wait3A_1503 = tpu.memref_slice %arg5[%multiple_of3A_562, %dma_wait3A_1502] : memref<1000000x64xf32, #tpu.memory_space<hbm>> -> memref<8x64xf32, #tpu.memory_space<hbm>>
      %dma_wait3A_1504 = arith.constant 0 : i32
      %dma_wait3A_1505 = arith.constant 0 : i32
      %dma_wait3A_1506 = tpu.memref_slice %arg10[%dma_wait3A_1497, %dma_wait3A_1504, %dma_wait3A_1505] : memref<32x8x64xf32, #tpu.memory_space<vmem>> -> memref<1x8x64xf32, #tpu.memory_space<vmem>>
      %dma_wait3A_1507 = tpu.memref_squeeze %dma_wait3A_1506 : memref<1x8x64xf32, #tpu.memory_space<vmem>> -> memref<8x64xf32, #tpu.memory_space<vmem>>
      %dma_wait3A_1508 = arith.constant 0 : i32
      %dma_wait3A_1509 = tpu.memref_slice %arg5[%multiple_of3A_562, %dma_wait3A_1508] : memref<1000000x64xf32, #tpu.memory_space<hbm>> -> memref<8x64xf32, #tpu.memory_space<hbm>>
      tpu.wait_dma2 semaphore(%arg12 : memref<!tpu.dma_semaphore, #tpu.memory_space<semaphore_mem>>) src(%dma_wait3A_1509 : memref<8x64xf32, #tpu.memory_space<hbm>>) dst(%dma_wait3A_1507 : memref<8x64xf32, #tpu.memory_space<vmem>>)
      %dma_wait3A_1510 = arith.constant 17 : i32
      %dma_wait3A_1511 = arith.constant 0 : i32
      %dma_wait3A_1512 = arith.constant 0 : i32
      %dma_wait3A_1513 = tpu.memref_slice %arg9[%dma_wait3A_1510, %dma_wait3A_1511, %dma_wait3A_1512] : memref<32x8x64xf32, #tpu.memory_space<vmem>> -> memref<1x8x64xf32, #tpu.memory_space<vmem>>
      %dma_wait3A_1514 = tpu.memref_squeeze %dma_wait3A_1513 : memref<1x8x64xf32, #tpu.memory_space<vmem>> -> memref<8x64xf32, #tpu.memory_space<vmem>>
      %dma_wait3A_1515 = arith.constant 0 : i32
      %dma_wait3A_1516 = tpu.memref_slice %arg4[%multiple_of3A_591, %dma_wait3A_1515] : memref<1000000x64xf32, #tpu.memory_space<hbm>> -> memref<8x64xf32, #tpu.memory_space<hbm>>
      %dma_wait3A_1517 = arith.constant 0 : i32
      %dma_wait3A_1518 = arith.constant 0 : i32
      %dma_wait3A_1519 = tpu.memref_slice %arg9[%dma_wait3A_1510, %dma_wait3A_1517, %dma_wait3A_1518] : memref<32x8x64xf32, #tpu.memory_space<vmem>> -> memref<1x8x64xf32, #tpu.memory_space<vmem>>
      %dma_wait3A_1520 = tpu.memref_squeeze %dma_wait3A_1519 : memref<1x8x64xf32, #tpu.memory_space<vmem>> -> memref<8x64xf32, #tpu.memory_space<vmem>>
      %dma_wait3A_1521 = arith.constant 0 : i32
      %dma_wait3A_1522 = tpu.memref_slice %arg4[%multiple_of3A_591, %dma_wait3A_1521] : memref<1000000x64xf32, #tpu.memory_space<hbm>> -> memref<8x64xf32, #tpu.memory_space<hbm>>
      tpu.wait_dma2 semaphore(%arg12 : memref<!tpu.dma_semaphore, #tpu.memory_space<semaphore_mem>>) src(%dma_wait3A_1522 : memref<8x64xf32, #tpu.memory_space<hbm>>) dst(%dma_wait3A_1520 : memref<8x64xf32, #tpu.memory_space<vmem>>)
      %dma_wait3A_1523 = arith.constant 17 : i32
      %dma_wait3A_1524 = arith.constant 0 : i32
      %dma_wait3A_1525 = arith.constant 0 : i32
      %dma_wait3A_1526 = tpu.memref_slice %arg10[%dma_wait3A_1523, %dma_wait3A_1524, %dma_wait3A_1525] : memref<32x8x64xf32, #tpu.memory_space<vmem>> -> memref<1x8x64xf32, #tpu.memory_space<vmem>>
      %dma_wait3A_1527 = tpu.memref_squeeze %dma_wait3A_1526 : memref<1x8x64xf32, #tpu.memory_space<vmem>> -> memref<8x64xf32, #tpu.memory_space<vmem>>
      %dma_wait3A_1528 = arith.constant 0 : i32
      %dma_wait3A_1529 = tpu.memref_slice %arg5[%multiple_of3A_594, %dma_wait3A_1528] : memref<1000000x64xf32, #tpu.memory_space<hbm>> -> memref<8x64xf32, #tpu.memory_space<hbm>>
      %dma_wait3A_1530 = arith.constant 0 : i32
      %dma_wait3A_1531 = arith.constant 0 : i32
      %dma_wait3A_1532 = tpu.memref_slice %arg10[%dma_wait3A_1523, %dma_wait3A_1530, %dma_wait3A_1531] : memref<32x8x64xf32, #tpu.memory_space<vmem>> -> memref<1x8x64xf32, #tpu.memory_space<vmem>>
      %dma_wait3A_1533 = tpu.memref_squeeze %dma_wait3A_1532 : memref<1x8x64xf32, #tpu.memory_space<vmem>> -> memref<8x64xf32, #tpu.memory_space<vmem>>
      %dma_wait3A_1534 = arith.constant 0 : i32
      %dma_wait3A_1535 = tpu.memref_slice %arg5[%multiple_of3A_594, %dma_wait3A_1534] : memref<1000000x64xf32, #tpu.memory_space<hbm>> -> memref<8x64xf32, #tpu.memory_space<hbm>>
      tpu.wait_dma2 semaphore(%arg12 : memref<!tpu.dma_semaphore, #tpu.memory_space<semaphore_mem>>) src(%dma_wait3A_1535 : memref<8x64xf32, #tpu.memory_space<hbm>>) dst(%dma_wait3A_1533 : memref<8x64xf32, #tpu.memory_space<vmem>>)
      %dma_wait3A_1536 = arith.constant 18 : i32
      %dma_wait3A_1537 = arith.constant 0 : i32
      %dma_wait3A_1538 = arith.constant 0 : i32
      %dma_wait3A_1539 = tpu.memref_slice %arg9[%dma_wait3A_1536, %dma_wait3A_1537, %dma_wait3A_1538] : memref<32x8x64xf32, #tpu.memory_space<vmem>> -> memref<1x8x64xf32, #tpu.memory_space<vmem>>
      %dma_wait3A_1540 = tpu.memref_squeeze %dma_wait3A_1539 : memref<1x8x64xf32, #tpu.memory_space<vmem>> -> memref<8x64xf32, #tpu.memory_space<vmem>>
      %dma_wait3A_1541 = arith.constant 0 : i32
      %dma_wait3A_1542 = tpu.memref_slice %arg4[%multiple_of3A_623, %dma_wait3A_1541] : memref<1000000x64xf32, #tpu.memory_space<hbm>> -> memref<8x64xf32, #tpu.memory_space<hbm>>
      %dma_wait3A_1543 = arith.constant 0 : i32
      %dma_wait3A_1544 = arith.constant 0 : i32
      %dma_wait3A_1545 = tpu.memref_slice %arg9[%dma_wait3A_1536, %dma_wait3A_1543, %dma_wait3A_1544] : memref<32x8x64xf32, #tpu.memory_space<vmem>> -> memref<1x8x64xf32, #tpu.memory_space<vmem>>
      %dma_wait3A_1546 = tpu.memref_squeeze %dma_wait3A_1545 : memref<1x8x64xf32, #tpu.memory_space<vmem>> -> memref<8x64xf32, #tpu.memory_space<vmem>>
      %dma_wait3A_1547 = arith.constant 0 : i32
      %dma_wait3A_1548 = tpu.memref_slice %arg4[%multiple_of3A_623, %dma_wait3A_1547] : memref<1000000x64xf32, #tpu.memory_space<hbm>> -> memref<8x64xf32, #tpu.memory_space<hbm>>
      tpu.wait_dma2 semaphore(%arg12 : memref<!tpu.dma_semaphore, #tpu.memory_space<semaphore_mem>>) src(%dma_wait3A_1548 : memref<8x64xf32, #tpu.memory_space<hbm>>) dst(%dma_wait3A_1546 : memref<8x64xf32, #tpu.memory_space<vmem>>)
      %dma_wait3A_1549 = arith.constant 18 : i32
      %dma_wait3A_1550 = arith.constant 0 : i32
      %dma_wait3A_1551 = arith.constant 0 : i32
      %dma_wait3A_1552 = tpu.memref_slice %arg10[%dma_wait3A_1549, %dma_wait3A_1550, %dma_wait3A_1551] : memref<32x8x64xf32, #tpu.memory_space<vmem>> -> memref<1x8x64xf32, #tpu.memory_space<vmem>>
      %dma_wait3A_1553 = tpu.memref_squeeze %dma_wait3A_1552 : memref<1x8x64xf32, #tpu.memory_space<vmem>> -> memref<8x64xf32, #tpu.memory_space<vmem>>
      %dma_wait3A_1554 = arith.constant 0 : i32
      %dma_wait3A_1555 = tpu.memref_slice %arg5[%multiple_of3A_626, %dma_wait3A_1554] : memref<1000000x64xf32, #tpu.memory_space<hbm>> -> memref<8x64xf32, #tpu.memory_space<hbm>>
      %dma_wait3A_1556 = arith.constant 0 : i32
      %dma_wait3A_1557 = arith.constant 0 : i32
      %dma_wait3A_1558 = tpu.memref_slice %arg10[%dma_wait3A_1549, %dma_wait3A_1556, %dma_wait3A_1557] : memref<32x8x64xf32, #tpu.memory_space<vmem>> -> memref<1x8x64xf32, #tpu.memory_space<vmem>>
      %dma_wait3A_1559 = tpu.memref_squeeze %dma_wait3A_1558 : memref<1x8x64xf32, #tpu.memory_space<vmem>> -> memref<8x64xf32, #tpu.memory_space<vmem>>
      %dma_wait3A_1560 = arith.constant 0 : i32
      %dma_wait3A_1561 = tpu.memref_slice %arg5[%multiple_of3A_626, %dma_wait3A_1560] : memref<1000000x64xf32, #tpu.memory_space<hbm>> -> memref<8x64xf32, #tpu.memory_space<hbm>>
      tpu.wait_dma2 semaphore(%arg12 : memref<!tpu.dma_semaphore, #tpu.memory_space<semaphore_mem>>) src(%dma_wait3A_1561 : memref<8x64xf32, #tpu.memory_space<hbm>>) dst(%dma_wait3A_1559 : memref<8x64xf32, #tpu.memory_space<vmem>>)
      %dma_wait3A_1562 = arith.constant 19 : i32
      %dma_wait3A_1563 = arith.constant 0 : i32
      %dma_wait3A_1564 = arith.constant 0 : i32
      %dma_wait3A_1565 = tpu.memref_slice %arg9[%dma_wait3A_1562, %dma_wait3A_1563, %dma_wait3A_1564] : memref<32x8x64xf32, #tpu.memory_space<vmem>> -> memref<1x8x64xf32, #tpu.memory_space<vmem>>
      %dma_wait3A_1566 = tpu.memref_squeeze %dma_wait3A_1565 : memref<1x8x64xf32, #tpu.memory_space<vmem>> -> memref<8x64xf32, #tpu.memory_space<vmem>>
      %dma_wait3A_1567 = arith.constant 0 : i32
      %dma_wait3A_1568 = tpu.memref_slice %arg4[%multiple_of3A_655, %dma_wait3A_1567] : memref<1000000x64xf32, #tpu.memory_space<hbm>> -> memref<8x64xf32, #tpu.memory_space<hbm>>
      %dma_wait3A_1569 = arith.constant 0 : i32
      %dma_wait3A_1570 = arith.constant 0 : i32
      %dma_wait3A_1571 = tpu.memref_slice %arg9[%dma_wait3A_1562, %dma_wait3A_1569, %dma_wait3A_1570] : memref<32x8x64xf32, #tpu.memory_space<vmem>> -> memref<1x8x64xf32, #tpu.memory_space<vmem>>
      %dma_wait3A_1572 = tpu.memref_squeeze %dma_wait3A_1571 : memref<1x8x64xf32, #tpu.memory_space<vmem>> -> memref<8x64xf32, #tpu.memory_space<vmem>>
      %dma_wait3A_1573 = arith.constant 0 : i32
      %dma_wait3A_1574 = tpu.memref_slice %arg4[%multiple_of3A_655, %dma_wait3A_1573] : memref<1000000x64xf32, #tpu.memory_space<hbm>> -> memref<8x64xf32, #tpu.memory_space<hbm>>
      tpu.wait_dma2 semaphore(%arg12 : memref<!tpu.dma_semaphore, #tpu.memory_space<semaphore_mem>>) src(%dma_wait3A_1574 : memref<8x64xf32, #tpu.memory_space<hbm>>) dst(%dma_wait3A_1572 : memref<8x64xf32, #tpu.memory_space<vmem>>)
      %dma_wait3A_1575 = arith.constant 19 : i32
      %dma_wait3A_1576 = arith.constant 0 : i32
      %dma_wait3A_1577 = arith.constant 0 : i32
      %dma_wait3A_1578 = tpu.memref_slice %arg10[%dma_wait3A_1575, %dma_wait3A_1576, %dma_wait3A_1577] : memref<32x8x64xf32, #tpu.memory_space<vmem>> -> memref<1x8x64xf32, #tpu.memory_space<vmem>>
      %dma_wait3A_1579 = tpu.memref_squeeze %dma_wait3A_1578 : memref<1x8x64xf32, #tpu.memory_space<vmem>> -> memref<8x64xf32, #tpu.memory_space<vmem>>
      %dma_wait3A_1580 = arith.constant 0 : i32
      %dma_wait3A_1581 = tpu.memref_slice %arg5[%multiple_of3A_658, %dma_wait3A_1580] : memref<1000000x64xf32, #tpu.memory_space<hbm>> -> memref<8x64xf32, #tpu.memory_space<hbm>>
      %dma_wait3A_1582 = arith.constant 0 : i32
      %dma_wait3A_1583 = arith.constant 0 : i32
      %dma_wait3A_1584 = tpu.memref_slice %arg10[%dma_wait3A_1575, %dma_wait3A_1582, %dma_wait3A_1583] : memref<32x8x64xf32, #tpu.memory_space<vmem>> -> memref<1x8x64xf32, #tpu.memory_space<vmem>>
      %dma_wait3A_1585 = tpu.memref_squeeze %dma_wait3A_1584 : memref<1x8x64xf32, #tpu.memory_space<vmem>> -> memref<8x64xf32, #tpu.memory_space<vmem>>
      %dma_wait3A_1586 = arith.constant 0 : i32
      %dma_wait3A_1587 = tpu.memref_slice %arg5[%multiple_of3A_658, %dma_wait3A_1586] : memref<1000000x64xf32, #tpu.memory_space<hbm>> -> memref<8x64xf32, #tpu.memory_space<hbm>>
      tpu.wait_dma2 semaphore(%arg12 : memref<!tpu.dma_semaphore, #tpu.memory_space<semaphore_mem>>) src(%dma_wait3A_1587 : memref<8x64xf32, #tpu.memory_space<hbm>>) dst(%dma_wait3A_1585 : memref<8x64xf32, #tpu.memory_space<vmem>>)
      %dma_wait3A_1588 = arith.constant 20 : i32
      %dma_wait3A_1589 = arith.constant 0 : i32
      %dma_wait3A_1590 = arith.constant 0 : i32
      %dma_wait3A_1591 = tpu.memref_slice %arg9[%dma_wait3A_1588, %dma_wait3A_1589, %dma_wait3A_1590] : memref<32x8x64xf32, #tpu.memory_space<vmem>> -> memref<1x8x64xf32, #tpu.memory_space<vmem>>
      %dma_wait3A_1592 = tpu.memref_squeeze %dma_wait3A_1591 : memref<1x8x64xf32, #tpu.memory_space<vmem>> -> memref<8x64xf32, #tpu.memory_space<vmem>>
      %dma_wait3A_1593 = arith.constant 0 : i32
      %dma_wait3A_1594 = tpu.memref_slice %arg4[%multiple_of3A_687, %dma_wait3A_1593] : memref<1000000x64xf32, #tpu.memory_space<hbm>> -> memref<8x64xf32, #tpu.memory_space<hbm>>
      %dma_wait3A_1595 = arith.constant 0 : i32
      %dma_wait3A_1596 = arith.constant 0 : i32
      %dma_wait3A_1597 = tpu.memref_slice %arg9[%dma_wait3A_1588, %dma_wait3A_1595, %dma_wait3A_1596] : memref<32x8x64xf32, #tpu.memory_space<vmem>> -> memref<1x8x64xf32, #tpu.memory_space<vmem>>
      %dma_wait3A_1598 = tpu.memref_squeeze %dma_wait3A_1597 : memref<1x8x64xf32, #tpu.memory_space<vmem>> -> memref<8x64xf32, #tpu.memory_space<vmem>>
      %dma_wait3A_1599 = arith.constant 0 : i32
      %dma_wait3A_1600 = tpu.memref_slice %arg4[%multiple_of3A_687, %dma_wait3A_1599] : memref<1000000x64xf32, #tpu.memory_space<hbm>> -> memref<8x64xf32, #tpu.memory_space<hbm>>
      tpu.wait_dma2 semaphore(%arg12 : memref<!tpu.dma_semaphore, #tpu.memory_space<semaphore_mem>>) src(%dma_wait3A_1600 : memref<8x64xf32, #tpu.memory_space<hbm>>) dst(%dma_wait3A_1598 : memref<8x64xf32, #tpu.memory_space<vmem>>)
      %dma_wait3A_1601 = arith.constant 20 : i32
      %dma_wait3A_1602 = arith.constant 0 : i32
      %dma_wait3A_1603 = arith.constant 0 : i32
      %dma_wait3A_1604 = tpu.memref_slice %arg10[%dma_wait3A_1601, %dma_wait3A_1602, %dma_wait3A_1603] : memref<32x8x64xf32, #tpu.memory_space<vmem>> -> memref<1x8x64xf32, #tpu.memory_space<vmem>>
      %dma_wait3A_1605 = tpu.memref_squeeze %dma_wait3A_1604 : memref<1x8x64xf32, #tpu.memory_space<vmem>> -> memref<8x64xf32, #tpu.memory_space<vmem>>
      %dma_wait3A_1606 = arith.constant 0 : i32
      %dma_wait3A_1607 = tpu.memref_slice %arg5[%multiple_of3A_690, %dma_wait3A_1606] : memref<1000000x64xf32, #tpu.memory_space<hbm>> -> memref<8x64xf32, #tpu.memory_space<hbm>>
      %dma_wait3A_1608 = arith.constant 0 : i32
      %dma_wait3A_1609 = arith.constant 0 : i32
      %dma_wait3A_1610 = tpu.memref_slice %arg10[%dma_wait3A_1601, %dma_wait3A_1608, %dma_wait3A_1609] : memref<32x8x64xf32, #tpu.memory_space<vmem>> -> memref<1x8x64xf32, #tpu.memory_space<vmem>>
      %dma_wait3A_1611 = tpu.memref_squeeze %dma_wait3A_1610 : memref<1x8x64xf32, #tpu.memory_space<vmem>> -> memref<8x64xf32, #tpu.memory_space<vmem>>
      %dma_wait3A_1612 = arith.constant 0 : i32
      %dma_wait3A_1613 = tpu.memref_slice %arg5[%multiple_of3A_690, %dma_wait3A_1612] : memref<1000000x64xf32, #tpu.memory_space<hbm>> -> memref<8x64xf32, #tpu.memory_space<hbm>>
      tpu.wait_dma2 semaphore(%arg12 : memref<!tpu.dma_semaphore, #tpu.memory_space<semaphore_mem>>) src(%dma_wait3A_1613 : memref<8x64xf32, #tpu.memory_space<hbm>>) dst(%dma_wait3A_1611 : memref<8x64xf32, #tpu.memory_space<vmem>>)
      %dma_wait3A_1614 = arith.constant 21 : i32
      %dma_wait3A_1615 = arith.constant 0 : i32
      %dma_wait3A_1616 = arith.constant 0 : i32
      %dma_wait3A_1617 = tpu.memref_slice %arg9[%dma_wait3A_1614, %dma_wait3A_1615, %dma_wait3A_1616] : memref<32x8x64xf32, #tpu.memory_space<vmem>> -> memref<1x8x64xf32, #tpu.memory_space<vmem>>
      %dma_wait3A_1618 = tpu.memref_squeeze %dma_wait3A_1617 : memref<1x8x64xf32, #tpu.memory_space<vmem>> -> memref<8x64xf32, #tpu.memory_space<vmem>>
      %dma_wait3A_1619 = arith.constant 0 : i32
      %dma_wait3A_1620 = tpu.memref_slice %arg4[%multiple_of3A_719, %dma_wait3A_1619] : memref<1000000x64xf32, #tpu.memory_space<hbm>> -> memref<8x64xf32, #tpu.memory_space<hbm>>
      %dma_wait3A_1621 = arith.constant 0 : i32
      %dma_wait3A_1622 = arith.constant 0 : i32
      %dma_wait3A_1623 = tpu.memref_slice %arg9[%dma_wait3A_1614, %dma_wait3A_1621, %dma_wait3A_1622] : memref<32x8x64xf32, #tpu.memory_space<vmem>> -> memref<1x8x64xf32, #tpu.memory_space<vmem>>
      %dma_wait3A_1624 = tpu.memref_squeeze %dma_wait3A_1623 : memref<1x8x64xf32, #tpu.memory_space<vmem>> -> memref<8x64xf32, #tpu.memory_space<vmem>>
      %dma_wait3A_1625 = arith.constant 0 : i32
      %dma_wait3A_1626 = tpu.memref_slice %arg4[%multiple_of3A_719, %dma_wait3A_1625] : memref<1000000x64xf32, #tpu.memory_space<hbm>> -> memref<8x64xf32, #tpu.memory_space<hbm>>
      tpu.wait_dma2 semaphore(%arg12 : memref<!tpu.dma_semaphore, #tpu.memory_space<semaphore_mem>>) src(%dma_wait3A_1626 : memref<8x64xf32, #tpu.memory_space<hbm>>) dst(%dma_wait3A_1624 : memref<8x64xf32, #tpu.memory_space<vmem>>)
      %dma_wait3A_1627 = arith.constant 21 : i32
      %dma_wait3A_1628 = arith.constant 0 : i32
      %dma_wait3A_1629 = arith.constant 0 : i32
      %dma_wait3A_1630 = tpu.memref_slice %arg10[%dma_wait3A_1627, %dma_wait3A_1628, %dma_wait3A_1629] : memref<32x8x64xf32, #tpu.memory_space<vmem>> -> memref<1x8x64xf32, #tpu.memory_space<vmem>>
      %dma_wait3A_1631 = tpu.memref_squeeze %dma_wait3A_1630 : memref<1x8x64xf32, #tpu.memory_space<vmem>> -> memref<8x64xf32, #tpu.memory_space<vmem>>
      %dma_wait3A_1632 = arith.constant 0 : i32
      %dma_wait3A_1633 = tpu.memref_slice %arg5[%multiple_of3A_722, %dma_wait3A_1632] : memref<1000000x64xf32, #tpu.memory_space<hbm>> -> memref<8x64xf32, #tpu.memory_space<hbm>>
      %dma_wait3A_1634 = arith.constant 0 : i32
      %dma_wait3A_1635 = arith.constant 0 : i32
      %dma_wait3A_1636 = tpu.memref_slice %arg10[%dma_wait3A_1627, %dma_wait3A_1634, %dma_wait3A_1635] : memref<32x8x64xf32, #tpu.memory_space<vmem>> -> memref<1x8x64xf32, #tpu.memory_space<vmem>>
      %dma_wait3A_1637 = tpu.memref_squeeze %dma_wait3A_1636 : memref<1x8x64xf32, #tpu.memory_space<vmem>> -> memref<8x64xf32, #tpu.memory_space<vmem>>
      %dma_wait3A_1638 = arith.constant 0 : i32
      %dma_wait3A_1639 = tpu.memref_slice %arg5[%multiple_of3A_722, %dma_wait3A_1638] : memref<1000000x64xf32, #tpu.memory_space<hbm>> -> memref<8x64xf32, #tpu.memory_space<hbm>>
      tpu.wait_dma2 semaphore(%arg12 : memref<!tpu.dma_semaphore, #tpu.memory_space<semaphore_mem>>) src(%dma_wait3A_1639 : memref<8x64xf32, #tpu.memory_space<hbm>>) dst(%dma_wait3A_1637 : memref<8x64xf32, #tpu.memory_space<vmem>>)
      %dma_wait3A_1640 = arith.constant 22 : i32
      %dma_wait3A_1641 = arith.constant 0 : i32
      %dma_wait3A_1642 = arith.constant 0 : i32
      %dma_wait3A_1643 = tpu.memref_slice %arg9[%dma_wait3A_1640, %dma_wait3A_1641, %dma_wait3A_1642] : memref<32x8x64xf32, #tpu.memory_space<vmem>> -> memref<1x8x64xf32, #tpu.memory_space<vmem>>
      %dma_wait3A_1644 = tpu.memref_squeeze %dma_wait3A_1643 : memref<1x8x64xf32, #tpu.memory_space<vmem>> -> memref<8x64xf32, #tpu.memory_space<vmem>>
      %dma_wait3A_1645 = arith.constant 0 : i32
      %dma_wait3A_1646 = tpu.memref_slice %arg4[%multiple_of3A_751, %dma_wait3A_1645] : memref<1000000x64xf32, #tpu.memory_space<hbm>> -> memref<8x64xf32, #tpu.memory_space<hbm>>
      %dma_wait3A_1647 = arith.constant 0 : i32
      %dma_wait3A_1648 = arith.constant 0 : i32
      %dma_wait3A_1649 = tpu.memref_slice %arg9[%dma_wait3A_1640, %dma_wait3A_1647, %dma_wait3A_1648] : memref<32x8x64xf32, #tpu.memory_space<vmem>> -> memref<1x8x64xf32, #tpu.memory_space<vmem>>
      %dma_wait3A_1650 = tpu.memref_squeeze %dma_wait3A_1649 : memref<1x8x64xf32, #tpu.memory_space<vmem>> -> memref<8x64xf32, #tpu.memory_space<vmem>>
      %dma_wait3A_1651 = arith.constant 0 : i32
      %dma_wait3A_1652 = tpu.memref_slice %arg4[%multiple_of3A_751, %dma_wait3A_1651] : memref<1000000x64xf32, #tpu.memory_space<hbm>> -> memref<8x64xf32, #tpu.memory_space<hbm>>
      tpu.wait_dma2 semaphore(%arg12 : memref<!tpu.dma_semaphore, #tpu.memory_space<semaphore_mem>>) src(%dma_wait3A_1652 : memref<8x64xf32, #tpu.memory_space<hbm>>) dst(%dma_wait3A_1650 : memref<8x64xf32, #tpu.memory_space<vmem>>)
      %dma_wait3A_1653 = arith.constant 22 : i32
      %dma_wait3A_1654 = arith.constant 0 : i32
      %dma_wait3A_1655 = arith.constant 0 : i32
      %dma_wait3A_1656 = tpu.memref_slice %arg10[%dma_wait3A_1653, %dma_wait3A_1654, %dma_wait3A_1655] : memref<32x8x64xf32, #tpu.memory_space<vmem>> -> memref<1x8x64xf32, #tpu.memory_space<vmem>>
      %dma_wait3A_1657 = tpu.memref_squeeze %dma_wait3A_1656 : memref<1x8x64xf32, #tpu.memory_space<vmem>> -> memref<8x64xf32, #tpu.memory_space<vmem>>
      %dma_wait3A_1658 = arith.constant 0 : i32
      %dma_wait3A_1659 = tpu.memref_slice %arg5[%multiple_of3A_754, %dma_wait3A_1658] : memref<1000000x64xf32, #tpu.memory_space<hbm>> -> memref<8x64xf32, #tpu.memory_space<hbm>>
      %dma_wait3A_1660 = arith.constant 0 : i32
      %dma_wait3A_1661 = arith.constant 0 : i32
      %dma_wait3A_1662 = tpu.memref_slice %arg10[%dma_wait3A_1653, %dma_wait3A_1660, %dma_wait3A_1661] : memref<32x8x64xf32, #tpu.memory_space<vmem>> -> memref<1x8x64xf32, #tpu.memory_space<vmem>>
      %dma_wait3A_1663 = tpu.memref_squeeze %dma_wait3A_1662 : memref<1x8x64xf32, #tpu.memory_space<vmem>> -> memref<8x64xf32, #tpu.memory_space<vmem>>
      %dma_wait3A_1664 = arith.constant 0 : i32
      %dma_wait3A_1665 = tpu.memref_slice %arg5[%multiple_of3A_754, %dma_wait3A_1664] : memref<1000000x64xf32, #tpu.memory_space<hbm>> -> memref<8x64xf32, #tpu.memory_space<hbm>>
      tpu.wait_dma2 semaphore(%arg12 : memref<!tpu.dma_semaphore, #tpu.memory_space<semaphore_mem>>) src(%dma_wait3A_1665 : memref<8x64xf32, #tpu.memory_space<hbm>>) dst(%dma_wait3A_1663 : memref<8x64xf32, #tpu.memory_space<vmem>>)
      %dma_wait3A_1666 = arith.constant 23 : i32
      %dma_wait3A_1667 = arith.constant 0 : i32
      %dma_wait3A_1668 = arith.constant 0 : i32
      %dma_wait3A_1669 = tpu.memref_slice %arg9[%dma_wait3A_1666, %dma_wait3A_1667, %dma_wait3A_1668] : memref<32x8x64xf32, #tpu.memory_space<vmem>> -> memref<1x8x64xf32, #tpu.memory_space<vmem>>
      %dma_wait3A_1670 = tpu.memref_squeeze %dma_wait3A_1669 : memref<1x8x64xf32, #tpu.memory_space<vmem>> -> memref<8x64xf32, #tpu.memory_space<vmem>>
      %dma_wait3A_1671 = arith.constant 0 : i32
      %dma_wait3A_1672 = tpu.memref_slice %arg4[%multiple_of3A_783, %dma_wait3A_1671] : memref<1000000x64xf32, #tpu.memory_space<hbm>> -> memref<8x64xf32, #tpu.memory_space<hbm>>
      %dma_wait3A_1673 = arith.constant 0 : i32
      %dma_wait3A_1674 = arith.constant 0 : i32
      %dma_wait3A_1675 = tpu.memref_slice %arg9[%dma_wait3A_1666, %dma_wait3A_1673, %dma_wait3A_1674] : memref<32x8x64xf32, #tpu.memory_space<vmem>> -> memref<1x8x64xf32, #tpu.memory_space<vmem>>
      %dma_wait3A_1676 = tpu.memref_squeeze %dma_wait3A_1675 : memref<1x8x64xf32, #tpu.memory_space<vmem>> -> memref<8x64xf32, #tpu.memory_space<vmem>>
      %dma_wait3A_1677 = arith.constant 0 : i32
      %dma_wait3A_1678 = tpu.memref_slice %arg4[%multiple_of3A_783, %dma_wait3A_1677] : memref<1000000x64xf32, #tpu.memory_space<hbm>> -> memref<8x64xf32, #tpu.memory_space<hbm>>
      tpu.wait_dma2 semaphore(%arg12 : memref<!tpu.dma_semaphore, #tpu.memory_space<semaphore_mem>>) src(%dma_wait3A_1678 : memref<8x64xf32, #tpu.memory_space<hbm>>) dst(%dma_wait3A_1676 : memref<8x64xf32, #tpu.memory_space<vmem>>)
      %dma_wait3A_1679 = arith.constant 23 : i32
      %dma_wait3A_1680 = arith.constant 0 : i32
      %dma_wait3A_1681 = arith.constant 0 : i32
      %dma_wait3A_1682 = tpu.memref_slice %arg10[%dma_wait3A_1679, %dma_wait3A_1680, %dma_wait3A_1681] : memref<32x8x64xf32, #tpu.memory_space<vmem>> -> memref<1x8x64xf32, #tpu.memory_space<vmem>>
      %dma_wait3A_1683 = tpu.memref_squeeze %dma_wait3A_1682 : memref<1x8x64xf32, #tpu.memory_space<vmem>> -> memref<8x64xf32, #tpu.memory_space<vmem>>
      %dma_wait3A_1684 = arith.constant 0 : i32
      %dma_wait3A_1685 = tpu.memref_slice %arg5[%multiple_of3A_786, %dma_wait3A_1684] : memref<1000000x64xf32, #tpu.memory_space<hbm>> -> memref<8x64xf32, #tpu.memory_space<hbm>>
      %dma_wait3A_1686 = arith.constant 0 : i32
      %dma_wait3A_1687 = arith.constant 0 : i32
      %dma_wait3A_1688 = tpu.memref_slice %arg10[%dma_wait3A_1679, %dma_wait3A_1686, %dma_wait3A_1687] : memref<32x8x64xf32, #tpu.memory_space<vmem>> -> memref<1x8x64xf32, #tpu.memory_space<vmem>>
      %dma_wait3A_1689 = tpu.memref_squeeze %dma_wait3A_1688 : memref<1x8x64xf32, #tpu.memory_space<vmem>> -> memref<8x64xf32, #tpu.memory_space<vmem>>
      %dma_wait3A_1690 = arith.constant 0 : i32
      %dma_wait3A_1691 = tpu.memref_slice %arg5[%multiple_of3A_786, %dma_wait3A_1690] : memref<1000000x64xf32, #tpu.memory_space<hbm>> -> memref<8x64xf32, #tpu.memory_space<hbm>>
      tpu.wait_dma2 semaphore(%arg12 : memref<!tpu.dma_semaphore, #tpu.memory_space<semaphore_mem>>) src(%dma_wait3A_1691 : memref<8x64xf32, #tpu.memory_space<hbm>>) dst(%dma_wait3A_1689 : memref<8x64xf32, #tpu.memory_space<vmem>>)
      %dma_wait3A_1692 = arith.constant 24 : i32
      %dma_wait3A_1693 = arith.constant 0 : i32
      %dma_wait3A_1694 = arith.constant 0 : i32
      %dma_wait3A_1695 = tpu.memref_slice %arg9[%dma_wait3A_1692, %dma_wait3A_1693, %dma_wait3A_1694] : memref<32x8x64xf32, #tpu.memory_space<vmem>> -> memref<1x8x64xf32, #tpu.memory_space<vmem>>
      %dma_wait3A_1696 = tpu.memref_squeeze %dma_wait3A_1695 : memref<1x8x64xf32, #tpu.memory_space<vmem>> -> memref<8x64xf32, #tpu.memory_space<vmem>>
      %dma_wait3A_1697 = arith.constant 0 : i32
      %dma_wait3A_1698 = tpu.memref_slice %arg4[%multiple_of3A_815, %dma_wait3A_1697] : memref<1000000x64xf32, #tpu.memory_space<hbm>> -> memref<8x64xf32, #tpu.memory_space<hbm>>
      %dma_wait3A_1699 = arith.constant 0 : i32
      %dma_wait3A_1700 = arith.constant 0 : i32
      %dma_wait3A_1701 = tpu.memref_slice %arg9[%dma_wait3A_1692, %dma_wait3A_1699, %dma_wait3A_1700] : memref<32x8x64xf32, #tpu.memory_space<vmem>> -> memref<1x8x64xf32, #tpu.memory_space<vmem>>
      %dma_wait3A_1702 = tpu.memref_squeeze %dma_wait3A_1701 : memref<1x8x64xf32, #tpu.memory_space<vmem>> -> memref<8x64xf32, #tpu.memory_space<vmem>>
      %dma_wait3A_1703 = arith.constant 0 : i32
      %dma_wait3A_1704 = tpu.memref_slice %arg4[%multiple_of3A_815, %dma_wait3A_1703] : memref<1000000x64xf32, #tpu.memory_space<hbm>> -> memref<8x64xf32, #tpu.memory_space<hbm>>
      tpu.wait_dma2 semaphore(%arg12 : memref<!tpu.dma_semaphore, #tpu.memory_space<semaphore_mem>>) src(%dma_wait3A_1704 : memref<8x64xf32, #tpu.memory_space<hbm>>) dst(%dma_wait3A_1702 : memref<8x64xf32, #tpu.memory_space<vmem>>)
      %dma_wait3A_1705 = arith.constant 24 : i32
      %dma_wait3A_1706 = arith.constant 0 : i32
      %dma_wait3A_1707 = arith.constant 0 : i32
      %dma_wait3A_1708 = tpu.memref_slice %arg10[%dma_wait3A_1705, %dma_wait3A_1706, %dma_wait3A_1707] : memref<32x8x64xf32, #tpu.memory_space<vmem>> -> memref<1x8x64xf32, #tpu.memory_space<vmem>>
      %dma_wait3A_1709 = tpu.memref_squeeze %dma_wait3A_1708 : memref<1x8x64xf32, #tpu.memory_space<vmem>> -> memref<8x64xf32, #tpu.memory_space<vmem>>
      %dma_wait3A_1710 = arith.constant 0 : i32
      %dma_wait3A_1711 = tpu.memref_slice %arg5[%multiple_of3A_818, %dma_wait3A_1710] : memref<1000000x64xf32, #tpu.memory_space<hbm>> -> memref<8x64xf32, #tpu.memory_space<hbm>>
      %dma_wait3A_1712 = arith.constant 0 : i32
      %dma_wait3A_1713 = arith.constant 0 : i32
      %dma_wait3A_1714 = tpu.memref_slice %arg10[%dma_wait3A_1705, %dma_wait3A_1712, %dma_wait3A_1713] : memref<32x8x64xf32, #tpu.memory_space<vmem>> -> memref<1x8x64xf32, #tpu.memory_space<vmem>>
      %dma_wait3A_1715 = tpu.memref_squeeze %dma_wait3A_1714 : memref<1x8x64xf32, #tpu.memory_space<vmem>> -> memref<8x64xf32, #tpu.memory_space<vmem>>
      %dma_wait3A_1716 = arith.constant 0 : i32
      %dma_wait3A_1717 = tpu.memref_slice %arg5[%multiple_of3A_818, %dma_wait3A_1716] : memref<1000000x64xf32, #tpu.memory_space<hbm>> -> memref<8x64xf32, #tpu.memory_space<hbm>>
      tpu.wait_dma2 semaphore(%arg12 : memref<!tpu.dma_semaphore, #tpu.memory_space<semaphore_mem>>) src(%dma_wait3A_1717 : memref<8x64xf32, #tpu.memory_space<hbm>>) dst(%dma_wait3A_1715 : memref<8x64xf32, #tpu.memory_space<vmem>>)
      %dma_wait3A_1718 = arith.constant 25 : i32
      %dma_wait3A_1719 = arith.constant 0 : i32
      %dma_wait3A_1720 = arith.constant 0 : i32
      %dma_wait3A_1721 = tpu.memref_slice %arg9[%dma_wait3A_1718, %dma_wait3A_1719, %dma_wait3A_1720] : memref<32x8x64xf32, #tpu.memory_space<vmem>> -> memref<1x8x64xf32, #tpu.memory_space<vmem>>
      %dma_wait3A_1722 = tpu.memref_squeeze %dma_wait3A_1721 : memref<1x8x64xf32, #tpu.memory_space<vmem>> -> memref<8x64xf32, #tpu.memory_space<vmem>>
      %dma_wait3A_1723 = arith.constant 0 : i32
      %dma_wait3A_1724 = tpu.memref_slice %arg4[%multiple_of3A_847, %dma_wait3A_1723] : memref<1000000x64xf32, #tpu.memory_space<hbm>> -> memref<8x64xf32, #tpu.memory_space<hbm>>
      %dma_wait3A_1725 = arith.constant 0 : i32
      %dma_wait3A_1726 = arith.constant 0 : i32
      %dma_wait3A_1727 = tpu.memref_slice %arg9[%dma_wait3A_1718, %dma_wait3A_1725, %dma_wait3A_1726] : memref<32x8x64xf32, #tpu.memory_space<vmem>> -> memref<1x8x64xf32, #tpu.memory_space<vmem>>
      %dma_wait3A_1728 = tpu.memref_squeeze %dma_wait3A_1727 : memref<1x8x64xf32, #tpu.memory_space<vmem>> -> memref<8x64xf32, #tpu.memory_space<vmem>>
      %dma_wait3A_1729 = arith.constant 0 : i32
      %dma_wait3A_1730 = tpu.memref_slice %arg4[%multiple_of3A_847, %dma_wait3A_1729] : memref<1000000x64xf32, #tpu.memory_space<hbm>> -> memref<8x64xf32, #tpu.memory_space<hbm>>
      tpu.wait_dma2 semaphore(%arg12 : memref<!tpu.dma_semaphore, #tpu.memory_space<semaphore_mem>>) src(%dma_wait3A_1730 : memref<8x64xf32, #tpu.memory_space<hbm>>) dst(%dma_wait3A_1728 : memref<8x64xf32, #tpu.memory_space<vmem>>)
      %dma_wait3A_1731 = arith.constant 25 : i32
      %dma_wait3A_1732 = arith.constant 0 : i32
      %dma_wait3A_1733 = arith.constant 0 : i32
      %dma_wait3A_1734 = tpu.memref_slice %arg10[%dma_wait3A_1731, %dma_wait3A_1732, %dma_wait3A_1733] : memref<32x8x64xf32, #tpu.memory_space<vmem>> -> memref<1x8x64xf32, #tpu.memory_space<vmem>>
      %dma_wait3A_1735 = tpu.memref_squeeze %dma_wait3A_1734 : memref<1x8x64xf32, #tpu.memory_space<vmem>> -> memref<8x64xf32, #tpu.memory_space<vmem>>
      %dma_wait3A_1736 = arith.constant 0 : i32
      %dma_wait3A_1737 = tpu.memref_slice %arg5[%multiple_of3A_850, %dma_wait3A_1736] : memref<1000000x64xf32, #tpu.memory_space<hbm>> -> memref<8x64xf32, #tpu.memory_space<hbm>>
      %dma_wait3A_1738 = arith.constant 0 : i32
      %dma_wait3A_1739 = arith.constant 0 : i32
      %dma_wait3A_1740 = tpu.memref_slice %arg10[%dma_wait3A_1731, %dma_wait3A_1738, %dma_wait3A_1739] : memref<32x8x64xf32, #tpu.memory_space<vmem>> -> memref<1x8x64xf32, #tpu.memory_space<vmem>>
      %dma_wait3A_1741 = tpu.memref_squeeze %dma_wait3A_1740 : memref<1x8x64xf32, #tpu.memory_space<vmem>> -> memref<8x64xf32, #tpu.memory_space<vmem>>
      %dma_wait3A_1742 = arith.constant 0 : i32
      %dma_wait3A_1743 = tpu.memref_slice %arg5[%multiple_of3A_850, %dma_wait3A_1742] : memref<1000000x64xf32, #tpu.memory_space<hbm>> -> memref<8x64xf32, #tpu.memory_space<hbm>>
      tpu.wait_dma2 semaphore(%arg12 : memref<!tpu.dma_semaphore, #tpu.memory_space<semaphore_mem>>) src(%dma_wait3A_1743 : memref<8x64xf32, #tpu.memory_space<hbm>>) dst(%dma_wait3A_1741 : memref<8x64xf32, #tpu.memory_space<vmem>>)
      %dma_wait3A_1744 = arith.constant 26 : i32
      %dma_wait3A_1745 = arith.constant 0 : i32
      %dma_wait3A_1746 = arith.constant 0 : i32
      %dma_wait3A_1747 = tpu.memref_slice %arg9[%dma_wait3A_1744, %dma_wait3A_1745, %dma_wait3A_1746] : memref<32x8x64xf32, #tpu.memory_space<vmem>> -> memref<1x8x64xf32, #tpu.memory_space<vmem>>
      %dma_wait3A_1748 = tpu.memref_squeeze %dma_wait3A_1747 : memref<1x8x64xf32, #tpu.memory_space<vmem>> -> memref<8x64xf32, #tpu.memory_space<vmem>>
      %dma_wait3A_1749 = arith.constant 0 : i32
      %dma_wait3A_1750 = tpu.memref_slice %arg4[%multiple_of3A_879, %dma_wait3A_1749] : memref<1000000x64xf32, #tpu.memory_space<hbm>> -> memref<8x64xf32, #tpu.memory_space<hbm>>
      %dma_wait3A_1751 = arith.constant 0 : i32
      %dma_wait3A_1752 = arith.constant 0 : i32
      %dma_wait3A_1753 = tpu.memref_slice %arg9[%dma_wait3A_1744, %dma_wait3A_1751, %dma_wait3A_1752] : memref<32x8x64xf32, #tpu.memory_space<vmem>> -> memref<1x8x64xf32, #tpu.memory_space<vmem>>
      %dma_wait3A_1754 = tpu.memref_squeeze %dma_wait3A_1753 : memref<1x8x64xf32, #tpu.memory_space<vmem>> -> memref<8x64xf32, #tpu.memory_space<vmem>>
      %dma_wait3A_1755 = arith.constant 0 : i32
      %dma_wait3A_1756 = tpu.memref_slice %arg4[%multiple_of3A_879, %dma_wait3A_1755] : memref<1000000x64xf32, #tpu.memory_space<hbm>> -> memref<8x64xf32, #tpu.memory_space<hbm>>
      tpu.wait_dma2 semaphore(%arg12 : memref<!tpu.dma_semaphore, #tpu.memory_space<semaphore_mem>>) src(%dma_wait3A_1756 : memref<8x64xf32, #tpu.memory_space<hbm>>) dst(%dma_wait3A_1754 : memref<8x64xf32, #tpu.memory_space<vmem>>)
      %dma_wait3A_1757 = arith.constant 26 : i32
      %dma_wait3A_1758 = arith.constant 0 : i32
      %dma_wait3A_1759 = arith.constant 0 : i32
      %dma_wait3A_1760 = tpu.memref_slice %arg10[%dma_wait3A_1757, %dma_wait3A_1758, %dma_wait3A_1759] : memref<32x8x64xf32, #tpu.memory_space<vmem>> -> memref<1x8x64xf32, #tpu.memory_space<vmem>>
      %dma_wait3A_1761 = tpu.memref_squeeze %dma_wait3A_1760 : memref<1x8x64xf32, #tpu.memory_space<vmem>> -> memref<8x64xf32, #tpu.memory_space<vmem>>
      %dma_wait3A_1762 = arith.constant 0 : i32
      %dma_wait3A_1763 = tpu.memref_slice %arg5[%multiple_of3A_882, %dma_wait3A_1762] : memref<1000000x64xf32, #tpu.memory_space<hbm>> -> memref<8x64xf32, #tpu.memory_space<hbm>>
      %dma_wait3A_1764 = arith.constant 0 : i32
      %dma_wait3A_1765 = arith.constant 0 : i32
      %dma_wait3A_1766 = tpu.memref_slice %arg10[%dma_wait3A_1757, %dma_wait3A_1764, %dma_wait3A_1765] : memref<32x8x64xf32, #tpu.memory_space<vmem>> -> memref<1x8x64xf32, #tpu.memory_space<vmem>>
      %dma_wait3A_1767 = tpu.memref_squeeze %dma_wait3A_1766 : memref<1x8x64xf32, #tpu.memory_space<vmem>> -> memref<8x64xf32, #tpu.memory_space<vmem>>
      %dma_wait3A_1768 = arith.constant 0 : i32
      %dma_wait3A_1769 = tpu.memref_slice %arg5[%multiple_of3A_882, %dma_wait3A_1768] : memref<1000000x64xf32, #tpu.memory_space<hbm>> -> memref<8x64xf32, #tpu.memory_space<hbm>>
      tpu.wait_dma2 semaphore(%arg12 : memref<!tpu.dma_semaphore, #tpu.memory_space<semaphore_mem>>) src(%dma_wait3A_1769 : memref<8x64xf32, #tpu.memory_space<hbm>>) dst(%dma_wait3A_1767 : memref<8x64xf32, #tpu.memory_space<vmem>>)
      %dma_wait3A_1770 = arith.constant 27 : i32
      %dma_wait3A_1771 = arith.constant 0 : i32
      %dma_wait3A_1772 = arith.constant 0 : i32
      %dma_wait3A_1773 = tpu.memref_slice %arg9[%dma_wait3A_1770, %dma_wait3A_1771, %dma_wait3A_1772] : memref<32x8x64xf32, #tpu.memory_space<vmem>> -> memref<1x8x64xf32, #tpu.memory_space<vmem>>
      %dma_wait3A_1774 = tpu.memref_squeeze %dma_wait3A_1773 : memref<1x8x64xf32, #tpu.memory_space<vmem>> -> memref<8x64xf32, #tpu.memory_space<vmem>>
      %dma_wait3A_1775 = arith.constant 0 : i32
      %dma_wait3A_1776 = tpu.memref_slice %arg4[%multiple_of3A_911, %dma_wait3A_1775] : memref<1000000x64xf32, #tpu.memory_space<hbm>> -> memref<8x64xf32, #tpu.memory_space<hbm>>
      %dma_wait3A_1777 = arith.constant 0 : i32
      %dma_wait3A_1778 = arith.constant 0 : i32
      %dma_wait3A_1779 = tpu.memref_slice %arg9[%dma_wait3A_1770, %dma_wait3A_1777, %dma_wait3A_1778] : memref<32x8x64xf32, #tpu.memory_space<vmem>> -> memref<1x8x64xf32, #tpu.memory_space<vmem>>
      %dma_wait3A_1780 = tpu.memref_squeeze %dma_wait3A_1779 : memref<1x8x64xf32, #tpu.memory_space<vmem>> -> memref<8x64xf32, #tpu.memory_space<vmem>>
      %dma_wait3A_1781 = arith.constant 0 : i32
      %dma_wait3A_1782 = tpu.memref_slice %arg4[%multiple_of3A_911, %dma_wait3A_1781] : memref<1000000x64xf32, #tpu.memory_space<hbm>> -> memref<8x64xf32, #tpu.memory_space<hbm>>
      tpu.wait_dma2 semaphore(%arg12 : memref<!tpu.dma_semaphore, #tpu.memory_space<semaphore_mem>>) src(%dma_wait3A_1782 : memref<8x64xf32, #tpu.memory_space<hbm>>) dst(%dma_wait3A_1780 : memref<8x64xf32, #tpu.memory_space<vmem>>)
      %dma_wait3A_1783 = arith.constant 27 : i32
      %dma_wait3A_1784 = arith.constant 0 : i32
      %dma_wait3A_1785 = arith.constant 0 : i32
      %dma_wait3A_1786 = tpu.memref_slice %arg10[%dma_wait3A_1783, %dma_wait3A_1784, %dma_wait3A_1785] : memref<32x8x64xf32, #tpu.memory_space<vmem>> -> memref<1x8x64xf32, #tpu.memory_space<vmem>>
      %dma_wait3A_1787 = tpu.memref_squeeze %dma_wait3A_1786 : memref<1x8x64xf32, #tpu.memory_space<vmem>> -> memref<8x64xf32, #tpu.memory_space<vmem>>
      %dma_wait3A_1788 = arith.constant 0 : i32
      %dma_wait3A_1789 = tpu.memref_slice %arg5[%multiple_of3A_914, %dma_wait3A_1788] : memref<1000000x64xf32, #tpu.memory_space<hbm>> -> memref<8x64xf32, #tpu.memory_space<hbm>>
      %dma_wait3A_1790 = arith.constant 0 : i32
      %dma_wait3A_1791 = arith.constant 0 : i32
      %dma_wait3A_1792 = tpu.memref_slice %arg10[%dma_wait3A_1783, %dma_wait3A_1790, %dma_wait3A_1791] : memref<32x8x64xf32, #tpu.memory_space<vmem>> -> memref<1x8x64xf32, #tpu.memory_space<vmem>>
      %dma_wait3A_1793 = tpu.memref_squeeze %dma_wait3A_1792 : memref<1x8x64xf32, #tpu.memory_space<vmem>> -> memref<8x64xf32, #tpu.memory_space<vmem>>
      %dma_wait3A_1794 = arith.constant 0 : i32
      %dma_wait3A_1795 = tpu.memref_slice %arg5[%multiple_of3A_914, %dma_wait3A_1794] : memref<1000000x64xf32, #tpu.memory_space<hbm>> -> memref<8x64xf32, #tpu.memory_space<hbm>>
      tpu.wait_dma2 semaphore(%arg12 : memref<!tpu.dma_semaphore, #tpu.memory_space<semaphore_mem>>) src(%dma_wait3A_1795 : memref<8x64xf32, #tpu.memory_space<hbm>>) dst(%dma_wait3A_1793 : memref<8x64xf32, #tpu.memory_space<vmem>>)
      %dma_wait3A_1796 = arith.constant 28 : i32
      %dma_wait3A_1797 = arith.constant 0 : i32
      %dma_wait3A_1798 = arith.constant 0 : i32
      %dma_wait3A_1799 = tpu.memref_slice %arg9[%dma_wait3A_1796, %dma_wait3A_1797, %dma_wait3A_1798] : memref<32x8x64xf32, #tpu.memory_space<vmem>> -> memref<1x8x64xf32, #tpu.memory_space<vmem>>
      %dma_wait3A_1800 = tpu.memref_squeeze %dma_wait3A_1799 : memref<1x8x64xf32, #tpu.memory_space<vmem>> -> memref<8x64xf32, #tpu.memory_space<vmem>>
      %dma_wait3A_1801 = arith.constant 0 : i32
      %dma_wait3A_1802 = tpu.memref_slice %arg4[%multiple_of3A_943, %dma_wait3A_1801] : memref<1000000x64xf32, #tpu.memory_space<hbm>> -> memref<8x64xf32, #tpu.memory_space<hbm>>
      %dma_wait3A_1803 = arith.constant 0 : i32
      %dma_wait3A_1804 = arith.constant 0 : i32
      %dma_wait3A_1805 = tpu.memref_slice %arg9[%dma_wait3A_1796, %dma_wait3A_1803, %dma_wait3A_1804] : memref<32x8x64xf32, #tpu.memory_space<vmem>> -> memref<1x8x64xf32, #tpu.memory_space<vmem>>
      %dma_wait3A_1806 = tpu.memref_squeeze %dma_wait3A_1805 : memref<1x8x64xf32, #tpu.memory_space<vmem>> -> memref<8x64xf32, #tpu.memory_space<vmem>>
      %dma_wait3A_1807 = arith.constant 0 : i32
      %dma_wait3A_1808 = tpu.memref_slice %arg4[%multiple_of3A_943, %dma_wait3A_1807] : memref<1000000x64xf32, #tpu.memory_space<hbm>> -> memref<8x64xf32, #tpu.memory_space<hbm>>
      tpu.wait_dma2 semaphore(%arg12 : memref<!tpu.dma_semaphore, #tpu.memory_space<semaphore_mem>>) src(%dma_wait3A_1808 : memref<8x64xf32, #tpu.memory_space<hbm>>) dst(%dma_wait3A_1806 : memref<8x64xf32, #tpu.memory_space<vmem>>)
      %dma_wait3A_1809 = arith.constant 28 : i32
      %dma_wait3A_1810 = arith.constant 0 : i32
      %dma_wait3A_1811 = arith.constant 0 : i32
      %dma_wait3A_1812 = tpu.memref_slice %arg10[%dma_wait3A_1809, %dma_wait3A_1810, %dma_wait3A_1811] : memref<32x8x64xf32, #tpu.memory_space<vmem>> -> memref<1x8x64xf32, #tpu.memory_space<vmem>>
      %dma_wait3A_1813 = tpu.memref_squeeze %dma_wait3A_1812 : memref<1x8x64xf32, #tpu.memory_space<vmem>> -> memref<8x64xf32, #tpu.memory_space<vmem>>
      %dma_wait3A_1814 = arith.constant 0 : i32
      %dma_wait3A_1815 = tpu.memref_slice %arg5[%multiple_of3A_946, %dma_wait3A_1814] : memref<1000000x64xf32, #tpu.memory_space<hbm>> -> memref<8x64xf32, #tpu.memory_space<hbm>>
      %dma_wait3A_1816 = arith.constant 0 : i32
      %dma_wait3A_1817 = arith.constant 0 : i32
      %dma_wait3A_1818 = tpu.memref_slice %arg10[%dma_wait3A_1809, %dma_wait3A_1816, %dma_wait3A_1817] : memref<32x8x64xf32, #tpu.memory_space<vmem>> -> memref<1x8x64xf32, #tpu.memory_space<vmem>>
      %dma_wait3A_1819 = tpu.memref_squeeze %dma_wait3A_1818 : memref<1x8x64xf32, #tpu.memory_space<vmem>> -> memref<8x64xf32, #tpu.memory_space<vmem>>
      %dma_wait3A_1820 = arith.constant 0 : i32
      %dma_wait3A_1821 = tpu.memref_slice %arg5[%multiple_of3A_946, %dma_wait3A_1820] : memref<1000000x64xf32, #tpu.memory_space<hbm>> -> memref<8x64xf32, #tpu.memory_space<hbm>>
      tpu.wait_dma2 semaphore(%arg12 : memref<!tpu.dma_semaphore, #tpu.memory_space<semaphore_mem>>) src(%dma_wait3A_1821 : memref<8x64xf32, #tpu.memory_space<hbm>>) dst(%dma_wait3A_1819 : memref<8x64xf32, #tpu.memory_space<vmem>>)
      %dma_wait3A_1822 = arith.constant 29 : i32
      %dma_wait3A_1823 = arith.constant 0 : i32
      %dma_wait3A_1824 = arith.constant 0 : i32
      %dma_wait3A_1825 = tpu.memref_slice %arg9[%dma_wait3A_1822, %dma_wait3A_1823, %dma_wait3A_1824] : memref<32x8x64xf32, #tpu.memory_space<vmem>> -> memref<1x8x64xf32, #tpu.memory_space<vmem>>
      %dma_wait3A_1826 = tpu.memref_squeeze %dma_wait3A_1825 : memref<1x8x64xf32, #tpu.memory_space<vmem>> -> memref<8x64xf32, #tpu.memory_space<vmem>>
      %dma_wait3A_1827 = arith.constant 0 : i32
      %dma_wait3A_1828 = tpu.memref_slice %arg4[%multiple_of3A_975, %dma_wait3A_1827] : memref<1000000x64xf32, #tpu.memory_space<hbm>> -> memref<8x64xf32, #tpu.memory_space<hbm>>
      %dma_wait3A_1829 = arith.constant 0 : i32
      %dma_wait3A_1830 = arith.constant 0 : i32
      %dma_wait3A_1831 = tpu.memref_slice %arg9[%dma_wait3A_1822, %dma_wait3A_1829, %dma_wait3A_1830] : memref<32x8x64xf32, #tpu.memory_space<vmem>> -> memref<1x8x64xf32, #tpu.memory_space<vmem>>
      %dma_wait3A_1832 = tpu.memref_squeeze %dma_wait3A_1831 : memref<1x8x64xf32, #tpu.memory_space<vmem>> -> memref<8x64xf32, #tpu.memory_space<vmem>>
      %dma_wait3A_1833 = arith.constant 0 : i32
      %dma_wait3A_1834 = tpu.memref_slice %arg4[%multiple_of3A_975, %dma_wait3A_1833] : memref<1000000x64xf32, #tpu.memory_space<hbm>> -> memref<8x64xf32, #tpu.memory_space<hbm>>
      tpu.wait_dma2 semaphore(%arg12 : memref<!tpu.dma_semaphore, #tpu.memory_space<semaphore_mem>>) src(%dma_wait3A_1834 : memref<8x64xf32, #tpu.memory_space<hbm>>) dst(%dma_wait3A_1832 : memref<8x64xf32, #tpu.memory_space<vmem>>)
      %dma_wait3A_1835 = arith.constant 29 : i32
      %dma_wait3A_1836 = arith.constant 0 : i32
      %dma_wait3A_1837 = arith.constant 0 : i32
      %dma_wait3A_1838 = tpu.memref_slice %arg10[%dma_wait3A_1835, %dma_wait3A_1836, %dma_wait3A_1837] : memref<32x8x64xf32, #tpu.memory_space<vmem>> -> memref<1x8x64xf32, #tpu.memory_space<vmem>>
      %dma_wait3A_1839 = tpu.memref_squeeze %dma_wait3A_1838 : memref<1x8x64xf32, #tpu.memory_space<vmem>> -> memref<8x64xf32, #tpu.memory_space<vmem>>
      %dma_wait3A_1840 = arith.constant 0 : i32
      %dma_wait3A_1841 = tpu.memref_slice %arg5[%multiple_of3A_978, %dma_wait3A_1840] : memref<1000000x64xf32, #tpu.memory_space<hbm>> -> memref<8x64xf32, #tpu.memory_space<hbm>>
      %dma_wait3A_1842 = arith.constant 0 : i32
      %dma_wait3A_1843 = arith.constant 0 : i32
      %dma_wait3A_1844 = tpu.memref_slice %arg10[%dma_wait3A_1835, %dma_wait3A_1842, %dma_wait3A_1843] : memref<32x8x64xf32, #tpu.memory_space<vmem>> -> memref<1x8x64xf32, #tpu.memory_space<vmem>>
      %dma_wait3A_1845 = tpu.memref_squeeze %dma_wait3A_1844 : memref<1x8x64xf32, #tpu.memory_space<vmem>> -> memref<8x64xf32, #tpu.memory_space<vmem>>
      %dma_wait3A_1846 = arith.constant 0 : i32
      %dma_wait3A_1847 = tpu.memref_slice %arg5[%multiple_of3A_978, %dma_wait3A_1846] : memref<1000000x64xf32, #tpu.memory_space<hbm>> -> memref<8x64xf32, #tpu.memory_space<hbm>>
      tpu.wait_dma2 semaphore(%arg12 : memref<!tpu.dma_semaphore, #tpu.memory_space<semaphore_mem>>) src(%dma_wait3A_1847 : memref<8x64xf32, #tpu.memory_space<hbm>>) dst(%dma_wait3A_1845 : memref<8x64xf32, #tpu.memory_space<vmem>>)
      %dma_wait3A_1848 = arith.constant 30 : i32
      %dma_wait3A_1849 = arith.constant 0 : i32
      %dma_wait3A_1850 = arith.constant 0 : i32
      %dma_wait3A_1851 = tpu.memref_slice %arg9[%dma_wait3A_1848, %dma_wait3A_1849, %dma_wait3A_1850] : memref<32x8x64xf32, #tpu.memory_space<vmem>> -> memref<1x8x64xf32, #tpu.memory_space<vmem>>
      %dma_wait3A_1852 = tpu.memref_squeeze %dma_wait3A_1851 : memref<1x8x64xf32, #tpu.memory_space<vmem>> -> memref<8x64xf32, #tpu.memory_space<vmem>>
      %dma_wait3A_1853 = arith.constant 0 : i32
      %dma_wait3A_1854 = tpu.memref_slice %arg4[%multiple_of3A_1007, %dma_wait3A_1853] : memref<1000000x64xf32, #tpu.memory_space<hbm>> -> memref<8x64xf32, #tpu.memory_space<hbm>>
      %dma_wait3A_1855 = arith.constant 0 : i32
      %dma_wait3A_1856 = arith.constant 0 : i32
      %dma_wait3A_1857 = tpu.memref_slice %arg9[%dma_wait3A_1848, %dma_wait3A_1855, %dma_wait3A_1856] : memref<32x8x64xf32, #tpu.memory_space<vmem>> -> memref<1x8x64xf32, #tpu.memory_space<vmem>>
      %dma_wait3A_1858 = tpu.memref_squeeze %dma_wait3A_1857 : memref<1x8x64xf32, #tpu.memory_space<vmem>> -> memref<8x64xf32, #tpu.memory_space<vmem>>
      %dma_wait3A_1859 = arith.constant 0 : i32
      %dma_wait3A_1860 = tpu.memref_slice %arg4[%multiple_of3A_1007, %dma_wait3A_1859] : memref<1000000x64xf32, #tpu.memory_space<hbm>> -> memref<8x64xf32, #tpu.memory_space<hbm>>
      tpu.wait_dma2 semaphore(%arg12 : memref<!tpu.dma_semaphore, #tpu.memory_space<semaphore_mem>>) src(%dma_wait3A_1860 : memref<8x64xf32, #tpu.memory_space<hbm>>) dst(%dma_wait3A_1858 : memref<8x64xf32, #tpu.memory_space<vmem>>)
      %dma_wait3A_1861 = arith.constant 30 : i32
      %dma_wait3A_1862 = arith.constant 0 : i32
      %dma_wait3A_1863 = arith.constant 0 : i32
      %dma_wait3A_1864 = tpu.memref_slice %arg10[%dma_wait3A_1861, %dma_wait3A_1862, %dma_wait3A_1863] : memref<32x8x64xf32, #tpu.memory_space<vmem>> -> memref<1x8x64xf32, #tpu.memory_space<vmem>>
      %dma_wait3A_1865 = tpu.memref_squeeze %dma_wait3A_1864 : memref<1x8x64xf32, #tpu.memory_space<vmem>> -> memref<8x64xf32, #tpu.memory_space<vmem>>
      %dma_wait3A_1866 = arith.constant 0 : i32
      %dma_wait3A_1867 = tpu.memref_slice %arg5[%multiple_of3A_1010, %dma_wait3A_1866] : memref<1000000x64xf32, #tpu.memory_space<hbm>> -> memref<8x64xf32, #tpu.memory_space<hbm>>
      %dma_wait3A_1868 = arith.constant 0 : i32
      %dma_wait3A_1869 = arith.constant 0 : i32
      %dma_wait3A_1870 = tpu.memref_slice %arg10[%dma_wait3A_1861, %dma_wait3A_1868, %dma_wait3A_1869] : memref<32x8x64xf32, #tpu.memory_space<vmem>> -> memref<1x8x64xf32, #tpu.memory_space<vmem>>
      %dma_wait3A_1871 = tpu.memref_squeeze %dma_wait3A_1870 : memref<1x8x64xf32, #tpu.memory_space<vmem>> -> memref<8x64xf32, #tpu.memory_space<vmem>>
      %dma_wait3A_1872 = arith.constant 0 : i32
      %dma_wait3A_1873 = tpu.memref_slice %arg5[%multiple_of3A_1010, %dma_wait3A_1872] : memref<1000000x64xf32, #tpu.memory_space<hbm>> -> memref<8x64xf32, #tpu.memory_space<hbm>>
      tpu.wait_dma2 semaphore(%arg12 : memref<!tpu.dma_semaphore, #tpu.memory_space<semaphore_mem>>) src(%dma_wait3A_1873 : memref<8x64xf32, #tpu.memory_space<hbm>>) dst(%dma_wait3A_1871 : memref<8x64xf32, #tpu.memory_space<vmem>>)
      %dma_wait3A_1874 = arith.constant 31 : i32
      %dma_wait3A_1875 = arith.constant 0 : i32
      %dma_wait3A_1876 = arith.constant 0 : i32
      %dma_wait3A_1877 = tpu.memref_slice %arg9[%dma_wait3A_1874, %dma_wait3A_1875, %dma_wait3A_1876] : memref<32x8x64xf32, #tpu.memory_space<vmem>> -> memref<1x8x64xf32, #tpu.memory_space<vmem>>
      %dma_wait3A_1878 = tpu.memref_squeeze %dma_wait3A_1877 : memref<1x8x64xf32, #tpu.memory_space<vmem>> -> memref<8x64xf32, #tpu.memory_space<vmem>>
      %dma_wait3A_1879 = arith.constant 0 : i32
      %dma_wait3A_1880 = tpu.memref_slice %arg4[%multiple_of3A_1039, %dma_wait3A_1879] : memref<1000000x64xf32, #tpu.memory_space<hbm>> -> memref<8x64xf32, #tpu.memory_space<hbm>>
      %dma_wait3A_1881 = arith.constant 0 : i32
      %dma_wait3A_1882 = arith.constant 0 : i32
      %dma_wait3A_1883 = tpu.memref_slice %arg9[%dma_wait3A_1874, %dma_wait3A_1881, %dma_wait3A_1882] : memref<32x8x64xf32, #tpu.memory_space<vmem>> -> memref<1x8x64xf32, #tpu.memory_space<vmem>>
      %dma_wait3A_1884 = tpu.memref_squeeze %dma_wait3A_1883 : memref<1x8x64xf32, #tpu.memory_space<vmem>> -> memref<8x64xf32, #tpu.memory_space<vmem>>
      %dma_wait3A_1885 = arith.constant 0 : i32
      %dma_wait3A_1886 = tpu.memref_slice %arg4[%multiple_of3A_1039, %dma_wait3A_1885] : memref<1000000x64xf32, #tpu.memory_space<hbm>> -> memref<8x64xf32, #tpu.memory_space<hbm>>
      tpu.wait_dma2 semaphore(%arg12 : memref<!tpu.dma_semaphore, #tpu.memory_space<semaphore_mem>>) src(%dma_wait3A_1886 : memref<8x64xf32, #tpu.memory_space<hbm>>) dst(%dma_wait3A_1884 : memref<8x64xf32, #tpu.memory_space<vmem>>)
      %dma_wait3A_1887 = arith.constant 31 : i32
      %dma_wait3A_1888 = arith.constant 0 : i32
      %dma_wait3A_1889 = arith.constant 0 : i32
      %dma_wait3A_1890 = tpu.memref_slice %arg10[%dma_wait3A_1887, %dma_wait3A_1888, %dma_wait3A_1889] : memref<32x8x64xf32, #tpu.memory_space<vmem>> -> memref<1x8x64xf32, #tpu.memory_space<vmem>>
      %dma_wait3A_1891 = tpu.memref_squeeze %dma_wait3A_1890 : memref<1x8x64xf32, #tpu.memory_space<vmem>> -> memref<8x64xf32, #tpu.memory_space<vmem>>
      %dma_wait3A_1892 = arith.constant 0 : i32
      %dma_wait3A_1893 = tpu.memref_slice %arg5[%multiple_of3A_1042, %dma_wait3A_1892] : memref<1000000x64xf32, #tpu.memory_space<hbm>> -> memref<8x64xf32, #tpu.memory_space<hbm>>
      %dma_wait3A_1894 = arith.constant 0 : i32
      %dma_wait3A_1895 = arith.constant 0 : i32
      %dma_wait3A_1896 = tpu.memref_slice %arg10[%dma_wait3A_1887, %dma_wait3A_1894, %dma_wait3A_1895] : memref<32x8x64xf32, #tpu.memory_space<vmem>> -> memref<1x8x64xf32, #tpu.memory_space<vmem>>
      %dma_wait3A_1897 = tpu.memref_squeeze %dma_wait3A_1896 : memref<1x8x64xf32, #tpu.memory_space<vmem>> -> memref<8x64xf32, #tpu.memory_space<vmem>>
      %dma_wait3A_1898 = arith.constant 0 : i32
      %dma_wait3A_1899 = tpu.memref_slice %arg5[%multiple_of3A_1042, %dma_wait3A_1898] : memref<1000000x64xf32, #tpu.memory_space<hbm>> -> memref<8x64xf32, #tpu.memory_space<hbm>>
      tpu.wait_dma2 semaphore(%arg12 : memref<!tpu.dma_semaphore, #tpu.memory_space<semaphore_mem>>) src(%dma_wait3A_1899 : memref<8x64xf32, #tpu.memory_space<hbm>>) dst(%dma_wait3A_1897 : memref<8x64xf32, #tpu.memory_space<vmem>>)
      %add3A_1900 = arith.constant 0 : i32
      %add3A_1901 = arith.addi %mul3A_10, %add3A_1900 : i32
      %add3A_1902 = arith.constant 0 : i32
      %add3A_1903 = vector.broadcast %add3A_1902 : i32 to vector<16xi32>
      %add3A_1904 = arith.addi %add3A_1903, %iota3A : vector<16xi32>
      %get3A_1905 = arith.index_cast %add3A_1901 : i32 to index
      %get3A_1906 = tpu.vector_load %arg7[%get3A_1905] {strides = array<i32>} : memref<512xi32, #tpu.memory_space<vmem>>, vector<16xi32>,
      %and3A = arith.constant 7 : i32
      %and3A_1907 = vector.broadcast %and3A : i32 to vector<16xi32>
      %and3A_1908 = arith.andi %get3A_1906, %and3A_1907 : vector<16xi32>
      %get3A_1909 = arith.index_cast %add3A_1901 : i32 to index
      %get3A_1910 = tpu.vector_load %arg8[%get3A_1909] {strides = array<i32>} : memref<512xi32, #tpu.memory_space<vmem>>, vector<16xi32>,
      %and3A_1911 = arith.constant 7 : i32
      %and3A_1912 = vector.broadcast %and3A_1911 : i32 to vector<16xi32>
      %and3A_1913 = arith.andi %get3A_1910, %and3A_1912 : vector<16xi32>
      %broadcast_in_dim3A = arith.constant 0.000000e+00 : f32
      %broadcast_in_dim3A_1914 = vector.broadcast %broadcast_in_dim3A : f32 to vector<16xf32>
      %broadcast_in_dim3A_1915 = arith.constant 0 : i32
      %broadcast_in_dim3A_1916 = vector.broadcast %broadcast_in_dim3A_1915 : i32 to vector<16xi32>
      %gather3A = tpu.vector_load_idx %arg9[%add3A_1904, %and3A_1908, %broadcast_in_dim3A_1916] : memref<32x8x64xf32, #tpu.memory_space<vmem>>[vector<16xi32>, vector<16xi32>, vector<16xi32>], vector<16xf32>,
      %gather3A_1917 = tpu.vector_load_idx %arg10[%add3A_1904, %and3A_1913, %broadcast_in_dim3A_1916] : memref<32x8x64xf32, #tpu.memory_space<vmem>>[vector<16xi32>, vector<16xi32>, vector<16xi32>], vector<16xf32>,
      %mul3A_1918 = arith.mulf %gather3A, %gather3A_1917 : vector<16xf32>
      %add3A_1919 = arith.addf %broadcast_in_dim3A_1914, %mul3A_1918 : vector<16xf32>
      %broadcast_in_dim3A_1920 = arith.constant 1 : i32
      %broadcast_in_dim3A_1921 = vector.broadcast %broadcast_in_dim3A_1920 : i32 to vector<16xi32>
      %gather3A_1922 = tpu.vector_load_idx %arg9[%add3A_1904, %and3A_1908, %broadcast_in_dim3A_1921] : memref<32x8x64xf32, #tpu.memory_space<vmem>>[vector<16xi32>, vector<16xi32>, vector<16xi32>], vector<16xf32>,
      %gather3A_1923 = tpu.vector_load_idx %arg10[%add3A_1904, %and3A_1913, %broadcast_in_dim3A_1921] : memref<32x8x64xf32, #tpu.memory_space<vmem>>[vector<16xi32>, vector<16xi32>, vector<16xi32>], vector<16xf32>,
      %mul3A_1924 = arith.mulf %gather3A_1922, %gather3A_1923 : vector<16xf32>
      %add3A_1925 = arith.addf %add3A_1919, %mul3A_1924 : vector<16xf32>
      %broadcast_in_dim3A_1926 = arith.constant 2 : i32
      %broadcast_in_dim3A_1927 = vector.broadcast %broadcast_in_dim3A_1926 : i32 to vector<16xi32>
      %gather3A_1928 = tpu.vector_load_idx %arg9[%add3A_1904, %and3A_1908, %broadcast_in_dim3A_1927] : memref<32x8x64xf32, #tpu.memory_space<vmem>>[vector<16xi32>, vector<16xi32>, vector<16xi32>], vector<16xf32>,
      %gather3A_1929 = tpu.vector_load_idx %arg10[%add3A_1904, %and3A_1913, %broadcast_in_dim3A_1927] : memref<32x8x64xf32, #tpu.memory_space<vmem>>[vector<16xi32>, vector<16xi32>, vector<16xi32>], vector<16xf32>,
      %mul3A_1930 = arith.mulf %gather3A_1928, %gather3A_1929 : vector<16xf32>
      %add3A_1931 = arith.addf %add3A_1925, %mul3A_1930 : vector<16xf32>
      %broadcast_in_dim3A_1932 = arith.constant 3 : i32
      %broadcast_in_dim3A_1933 = vector.broadcast %broadcast_in_dim3A_1932 : i32 to vector<16xi32>
      %gather3A_1934 = tpu.vector_load_idx %arg9[%add3A_1904, %and3A_1908, %broadcast_in_dim3A_1933] : memref<32x8x64xf32, #tpu.memory_space<vmem>>[vector<16xi32>, vector<16xi32>, vector<16xi32>], vector<16xf32>,
      %gather3A_1935 = tpu.vector_load_idx %arg10[%add3A_1904, %and3A_1913, %broadcast_in_dim3A_1933] : memref<32x8x64xf32, #tpu.memory_space<vmem>>[vector<16xi32>, vector<16xi32>, vector<16xi32>], vector<16xf32>,
      %mul3A_1936 = arith.mulf %gather3A_1934, %gather3A_1935 : vector<16xf32>
      %add3A_1937 = arith.addf %add3A_1931, %mul3A_1936 : vector<16xf32>
      %broadcast_in_dim3A_1938 = arith.constant 4 : i32
      %broadcast_in_dim3A_1939 = vector.broadcast %broadcast_in_dim3A_1938 : i32 to vector<16xi32>
      %gather3A_1940 = tpu.vector_load_idx %arg9[%add3A_1904, %and3A_1908, %broadcast_in_dim3A_1939] : memref<32x8x64xf32, #tpu.memory_space<vmem>>[vector<16xi32>, vector<16xi32>, vector<16xi32>], vector<16xf32>,
      %gather3A_1941 = tpu.vector_load_idx %arg10[%add3A_1904, %and3A_1913, %broadcast_in_dim3A_1939] : memref<32x8x64xf32, #tpu.memory_space<vmem>>[vector<16xi32>, vector<16xi32>, vector<16xi32>], vector<16xf32>,
      %mul3A_1942 = arith.mulf %gather3A_1940, %gather3A_1941 : vector<16xf32>
      %add3A_1943 = arith.addf %add3A_1937, %mul3A_1942 : vector<16xf32>
      %broadcast_in_dim3A_1944 = arith.constant 5 : i32
      %broadcast_in_dim3A_1945 = vector.broadcast %broadcast_in_dim3A_1944 : i32 to vector<16xi32>
      %gather3A_1946 = tpu.vector_load_idx %arg9[%add3A_1904, %and3A_1908, %broadcast_in_dim3A_1945] : memref<32x8x64xf32, #tpu.memory_space<vmem>>[vector<16xi32>, vector<16xi32>, vector<16xi32>], vector<16xf32>,
      %gather3A_1947 = tpu.vector_load_idx %arg10[%add3A_1904, %and3A_1913, %broadcast_in_dim3A_1945] : memref<32x8x64xf32, #tpu.memory_space<vmem>>[vector<16xi32>, vector<16xi32>, vector<16xi32>], vector<16xf32>,
      %mul3A_1948 = arith.mulf %gather3A_1946, %gather3A_1947 : vector<16xf32>
      %add3A_1949 = arith.addf %add3A_1943, %mul3A_1948 : vector<16xf32>
      %broadcast_in_dim3A_1950 = arith.constant 6 : i32
      %broadcast_in_dim3A_1951 = vector.broadcast %broadcast_in_dim3A_1950 : i32 to vector<16xi32>
      %gather3A_1952 = tpu.vector_load_idx %arg9[%add3A_1904, %and3A_1908, %broadcast_in_dim3A_1951] : memref<32x8x64xf32, #tpu.memory_space<vmem>>[vector<16xi32>, vector<16xi32>, vector<16xi32>], vector<16xf32>,
      %gather3A_1953 = tpu.vector_load_idx %arg10[%add3A_1904, %and3A_1913, %broadcast_in_dim3A_1951] : memref<32x8x64xf32, #tpu.memory_space<vmem>>[vector<16xi32>, vector<16xi32>, vector<16xi32>], vector<16xf32>,
      %mul3A_1954 = arith.mulf %gather3A_1952, %gather3A_1953 : vector<16xf32>
      %add3A_1955 = arith.addf %add3A_1949, %mul3A_1954 : vector<16xf32>
      %broadcast_in_dim3A_1956 = arith.constant 7 : i32
      %broadcast_in_dim3A_1957 = vector.broadcast %broadcast_in_dim3A_1956 : i32 to vector<16xi32>
      %gather3A_1958 = tpu.vector_load_idx %arg9[%add3A_1904, %and3A_1908, %broadcast_in_dim3A_1957] : memref<32x8x64xf32, #tpu.memory_space<vmem>>[vector<16xi32>, vector<16xi32>, vector<16xi32>], vector<16xf32>,
      %gather3A_1959 = tpu.vector_load_idx %arg10[%add3A_1904, %and3A_1913, %broadcast_in_dim3A_1957] : memref<32x8x64xf32, #tpu.memory_space<vmem>>[vector<16xi32>, vector<16xi32>, vector<16xi32>], vector<16xf32>,
      %mul3A_1960 = arith.mulf %gather3A_1958, %gather3A_1959 : vector<16xf32>
      %add3A_1961 = arith.addf %add3A_1955, %mul3A_1960 : vector<16xf32>
      %broadcast_in_dim3A_1962 = arith.constant 8 : i32
      %broadcast_in_dim3A_1963 = vector.broadcast %broadcast_in_dim3A_1962 : i32 to vector<16xi32>
      %gather3A_1964 = tpu.vector_load_idx %arg9[%add3A_1904, %and3A_1908, %broadcast_in_dim3A_1963] : memref<32x8x64xf32, #tpu.memory_space<vmem>>[vector<16xi32>, vector<16xi32>, vector<16xi32>], vector<16xf32>,
      %gather3A_1965 = tpu.vector_load_idx %arg10[%add3A_1904, %and3A_1913, %broadcast_in_dim3A_1963] : memref<32x8x64xf32, #tpu.memory_space<vmem>>[vector<16xi32>, vector<16xi32>, vector<16xi32>], vector<16xf32>,
      %mul3A_1966 = arith.mulf %gather3A_1964, %gather3A_1965 : vector<16xf32>
      %add3A_1967 = arith.addf %add3A_1961, %mul3A_1966 : vector<16xf32>
      %broadcast_in_dim3A_1968 = arith.constant 9 : i32
      %broadcast_in_dim3A_1969 = vector.broadcast %broadcast_in_dim3A_1968 : i32 to vector<16xi32>
      %gather3A_1970 = tpu.vector_load_idx %arg9[%add3A_1904, %and3A_1908, %broadcast_in_dim3A_1969] : memref<32x8x64xf32, #tpu.memory_space<vmem>>[vector<16xi32>, vector<16xi32>, vector<16xi32>], vector<16xf32>,
      %gather3A_1971 = tpu.vector_load_idx %arg10[%add3A_1904, %and3A_1913, %broadcast_in_dim3A_1969] : memref<32x8x64xf32, #tpu.memory_space<vmem>>[vector<16xi32>, vector<16xi32>, vector<16xi32>], vector<16xf32>,
      %mul3A_1972 = arith.mulf %gather3A_1970, %gather3A_1971 : vector<16xf32>
      %add3A_1973 = arith.addf %add3A_1967, %mul3A_1972 : vector<16xf32>
      %broadcast_in_dim3A_1974 = arith.constant 10 : i32
      %broadcast_in_dim3A_1975 = vector.broadcast %broadcast_in_dim3A_1974 : i32 to vector<16xi32>
      %gather3A_1976 = tpu.vector_load_idx %arg9[%add3A_1904, %and3A_1908, %broadcast_in_dim3A_1975] : memref<32x8x64xf32, #tpu.memory_space<vmem>>[vector<16xi32>, vector<16xi32>, vector<16xi32>], vector<16xf32>,
      %gather3A_1977 = tpu.vector_load_idx %arg10[%add3A_1904, %and3A_1913, %broadcast_in_dim3A_1975] : memref<32x8x64xf32, #tpu.memory_space<vmem>>[vector<16xi32>, vector<16xi32>, vector<16xi32>], vector<16xf32>,
      %mul3A_1978 = arith.mulf %gather3A_1976, %gather3A_1977 : vector<16xf32>
      %add3A_1979 = arith.addf %add3A_1973, %mul3A_1978 : vector<16xf32>
      %broadcast_in_dim3A_1980 = arith.constant 11 : i32
      %broadcast_in_dim3A_1981 = vector.broadcast %broadcast_in_dim3A_1980 : i32 to vector<16xi32>
      %gather3A_1982 = tpu.vector_load_idx %arg9[%add3A_1904, %and3A_1908, %broadcast_in_dim3A_1981] : memref<32x8x64xf32, #tpu.memory_space<vmem>>[vector<16xi32>, vector<16xi32>, vector<16xi32>], vector<16xf32>,
      %gather3A_1983 = tpu.vector_load_idx %arg10[%add3A_1904, %and3A_1913, %broadcast_in_dim3A_1981] : memref<32x8x64xf32, #tpu.memory_space<vmem>>[vector<16xi32>, vector<16xi32>, vector<16xi32>], vector<16xf32>,
      %mul3A_1984 = arith.mulf %gather3A_1982, %gather3A_1983 : vector<16xf32>
      %add3A_1985 = arith.addf %add3A_1979, %mul3A_1984 : vector<16xf32>
      %broadcast_in_dim3A_1986 = arith.constant 12 : i32
      %broadcast_in_dim3A_1987 = vector.broadcast %broadcast_in_dim3A_1986 : i32 to vector<16xi32>
      %gather3A_1988 = tpu.vector_load_idx %arg9[%add3A_1904, %and3A_1908, %broadcast_in_dim3A_1987] : memref<32x8x64xf32, #tpu.memory_space<vmem>>[vector<16xi32>, vector<16xi32>, vector<16xi32>], vector<16xf32>,
      %gather3A_1989 = tpu.vector_load_idx %arg10[%add3A_1904, %and3A_1913, %broadcast_in_dim3A_1987] : memref<32x8x64xf32, #tpu.memory_space<vmem>>[vector<16xi32>, vector<16xi32>, vector<16xi32>], vector<16xf32>,
      %mul3A_1990 = arith.mulf %gather3A_1988, %gather3A_1989 : vector<16xf32>
      %add3A_1991 = arith.addf %add3A_1985, %mul3A_1990 : vector<16xf32>
      %broadcast_in_dim3A_1992 = arith.constant 13 : i32
      %broadcast_in_dim3A_1993 = vector.broadcast %broadcast_in_dim3A_1992 : i32 to vector<16xi32>
      %gather3A_1994 = tpu.vector_load_idx %arg9[%add3A_1904, %and3A_1908, %broadcast_in_dim3A_1993] : memref<32x8x64xf32, #tpu.memory_space<vmem>>[vector<16xi32>, vector<16xi32>, vector<16xi32>], vector<16xf32>,
      %gather3A_1995 = tpu.vector_load_idx %arg10[%add3A_1904, %and3A_1913, %broadcast_in_dim3A_1993] : memref<32x8x64xf32, #tpu.memory_space<vmem>>[vector<16xi32>, vector<16xi32>, vector<16xi32>], vector<16xf32>,
      %mul3A_1996 = arith.mulf %gather3A_1994, %gather3A_1995 : vector<16xf32>
      %add3A_1997 = arith.addf %add3A_1991, %mul3A_1996 : vector<16xf32>
      %broadcast_in_dim3A_1998 = arith.constant 14 : i32
      %broadcast_in_dim3A_1999 = vector.broadcast %broadcast_in_dim3A_1998 : i32 to vector<16xi32>
      %gather3A_2000 = tpu.vector_load_idx %arg9[%add3A_1904, %and3A_1908, %broadcast_in_dim3A_1999] : memref<32x8x64xf32, #tpu.memory_space<vmem>>[vector<16xi32>, vector<16xi32>, vector<16xi32>], vector<16xf32>,
      %gather3A_2001 = tpu.vector_load_idx %arg10[%add3A_1904, %and3A_1913, %broadcast_in_dim3A_1999] : memref<32x8x64xf32, #tpu.memory_space<vmem>>[vector<16xi32>, vector<16xi32>, vector<16xi32>], vector<16xf32>,
      %mul3A_2002 = arith.mulf %gather3A_2000, %gather3A_2001 : vector<16xf32>
      %add3A_2003 = arith.addf %add3A_1997, %mul3A_2002 : vector<16xf32>
      %broadcast_in_dim3A_2004 = arith.constant 15 : i32
      %broadcast_in_dim3A_2005 = vector.broadcast %broadcast_in_dim3A_2004 : i32 to vector<16xi32>
      %gather3A_2006 = tpu.vector_load_idx %arg9[%add3A_1904, %and3A_1908, %broadcast_in_dim3A_2005] : memref<32x8x64xf32, #tpu.memory_space<vmem>>[vector<16xi32>, vector<16xi32>, vector<16xi32>], vector<16xf32>,
      %gather3A_2007 = tpu.vector_load_idx %arg10[%add3A_1904, %and3A_1913, %broadcast_in_dim3A_2005] : memref<32x8x64xf32, #tpu.memory_space<vmem>>[vector<16xi32>, vector<16xi32>, vector<16xi32>], vector<16xf32>,
      %mul3A_2008 = arith.mulf %gather3A_2006, %gather3A_2007 : vector<16xf32>
      %add3A_2009 = arith.addf %add3A_2003, %mul3A_2008 : vector<16xf32>
      %broadcast_in_dim3A_2010 = arith.constant 16 : i32
      %broadcast_in_dim3A_2011 = vector.broadcast %broadcast_in_dim3A_2010 : i32 to vector<16xi32>
      %gather3A_2012 = tpu.vector_load_idx %arg9[%add3A_1904, %and3A_1908, %broadcast_in_dim3A_2011] : memref<32x8x64xf32, #tpu.memory_space<vmem>>[vector<16xi32>, vector<16xi32>, vector<16xi32>], vector<16xf32>,
      %gather3A_2013 = tpu.vector_load_idx %arg10[%add3A_1904, %and3A_1913, %broadcast_in_dim3A_2011] : memref<32x8x64xf32, #tpu.memory_space<vmem>>[vector<16xi32>, vector<16xi32>, vector<16xi32>], vector<16xf32>,
      %mul3A_2014 = arith.mulf %gather3A_2012, %gather3A_2013 : vector<16xf32>
      %add3A_2015 = arith.addf %add3A_2009, %mul3A_2014 : vector<16xf32>
      %broadcast_in_dim3A_2016 = arith.constant 17 : i32
      %broadcast_in_dim3A_2017 = vector.broadcast %broadcast_in_dim3A_2016 : i32 to vector<16xi32>
      %gather3A_2018 = tpu.vector_load_idx %arg9[%add3A_1904, %and3A_1908, %broadcast_in_dim3A_2017] : memref<32x8x64xf32, #tpu.memory_space<vmem>>[vector<16xi32>, vector<16xi32>, vector<16xi32>], vector<16xf32>,
      %gather3A_2019 = tpu.vector_load_idx %arg10[%add3A_1904, %and3A_1913, %broadcast_in_dim3A_2017] : memref<32x8x64xf32, #tpu.memory_space<vmem>>[vector<16xi32>, vector<16xi32>, vector<16xi32>], vector<16xf32>,
      %mul3A_2020 = arith.mulf %gather3A_2018, %gather3A_2019 : vector<16xf32>
      %add3A_2021 = arith.addf %add3A_2015, %mul3A_2020 : vector<16xf32>
      %broadcast_in_dim3A_2022 = arith.constant 18 : i32
      %broadcast_in_dim3A_2023 = vector.broadcast %broadcast_in_dim3A_2022 : i32 to vector<16xi32>
      %gather3A_2024 = tpu.vector_load_idx %arg9[%add3A_1904, %and3A_1908, %broadcast_in_dim3A_2023] : memref<32x8x64xf32, #tpu.memory_space<vmem>>[vector<16xi32>, vector<16xi32>, vector<16xi32>], vector<16xf32>,
      %gather3A_2025 = tpu.vector_load_idx %arg10[%add3A_1904, %and3A_1913, %broadcast_in_dim3A_2023] : memref<32x8x64xf32, #tpu.memory_space<vmem>>[vector<16xi32>, vector<16xi32>, vector<16xi32>], vector<16xf32>,
      %mul3A_2026 = arith.mulf %gather3A_2024, %gather3A_2025 : vector<16xf32>
      %add3A_2027 = arith.addf %add3A_2021, %mul3A_2026 : vector<16xf32>
      %broadcast_in_dim3A_2028 = arith.constant 19 : i32
      %broadcast_in_dim3A_2029 = vector.broadcast %broadcast_in_dim3A_2028 : i32 to vector<16xi32>
      %gather3A_2030 = tpu.vector_load_idx %arg9[%add3A_1904, %and3A_1908, %broadcast_in_dim3A_2029] : memref<32x8x64xf32, #tpu.memory_space<vmem>>[vector<16xi32>, vector<16xi32>, vector<16xi32>], vector<16xf32>,
      %gather3A_2031 = tpu.vector_load_idx %arg10[%add3A_1904, %and3A_1913, %broadcast_in_dim3A_2029] : memref<32x8x64xf32, #tpu.memory_space<vmem>>[vector<16xi32>, vector<16xi32>, vector<16xi32>], vector<16xf32>,
      %mul3A_2032 = arith.mulf %gather3A_2030, %gather3A_2031 : vector<16xf32>
      %add3A_2033 = arith.addf %add3A_2027, %mul3A_2032 : vector<16xf32>
      %broadcast_in_dim3A_2034 = arith.constant 20 : i32
      %broadcast_in_dim3A_2035 = vector.broadcast %broadcast_in_dim3A_2034 : i32 to vector<16xi32>
      %gather3A_2036 = tpu.vector_load_idx %arg9[%add3A_1904, %and3A_1908, %broadcast_in_dim3A_2035] : memref<32x8x64xf32, #tpu.memory_space<vmem>>[vector<16xi32>, vector<16xi32>, vector<16xi32>], vector<16xf32>,
      %gather3A_2037 = tpu.vector_load_idx %arg10[%add3A_1904, %and3A_1913, %broadcast_in_dim3A_2035] : memref<32x8x64xf32, #tpu.memory_space<vmem>>[vector<16xi32>, vector<16xi32>, vector<16xi32>], vector<16xf32>,
      %mul3A_2038 = arith.mulf %gather3A_2036, %gather3A_2037 : vector<16xf32>
      %add3A_2039 = arith.addf %add3A_2033, %mul3A_2038 : vector<16xf32>
      %broadcast_in_dim3A_2040 = arith.constant 21 : i32
      %broadcast_in_dim3A_2041 = vector.broadcast %broadcast_in_dim3A_2040 : i32 to vector<16xi32>
      %gather3A_2042 = tpu.vector_load_idx %arg9[%add3A_1904, %and3A_1908, %broadcast_in_dim3A_2041] : memref<32x8x64xf32, #tpu.memory_space<vmem>>[vector<16xi32>, vector<16xi32>, vector<16xi32>], vector<16xf32>,
      %gather3A_2043 = tpu.vector_load_idx %arg10[%add3A_1904, %and3A_1913, %broadcast_in_dim3A_2041] : memref<32x8x64xf32, #tpu.memory_space<vmem>>[vector<16xi32>, vector<16xi32>, vector<16xi32>], vector<16xf32>,
      %mul3A_2044 = arith.mulf %gather3A_2042, %gather3A_2043 : vector<16xf32>
      %add3A_2045 = arith.addf %add3A_2039, %mul3A_2044 : vector<16xf32>
      %broadcast_in_dim3A_2046 = arith.constant 22 : i32
      %broadcast_in_dim3A_2047 = vector.broadcast %broadcast_in_dim3A_2046 : i32 to vector<16xi32>
      %gather3A_2048 = tpu.vector_load_idx %arg9[%add3A_1904, %and3A_1908, %broadcast_in_dim3A_2047] : memref<32x8x64xf32, #tpu.memory_space<vmem>>[vector<16xi32>, vector<16xi32>, vector<16xi32>], vector<16xf32>,
      %gather3A_2049 = tpu.vector_load_idx %arg10[%add3A_1904, %and3A_1913, %broadcast_in_dim3A_2047] : memref<32x8x64xf32, #tpu.memory_space<vmem>>[vector<16xi32>, vector<16xi32>, vector<16xi32>], vector<16xf32>,
      %mul3A_2050 = arith.mulf %gather3A_2048, %gather3A_2049 : vector<16xf32>
      %add3A_2051 = arith.addf %add3A_2045, %mul3A_2050 : vector<16xf32>
      %broadcast_in_dim3A_2052 = arith.constant 23 : i32
      %broadcast_in_dim3A_2053 = vector.broadcast %broadcast_in_dim3A_2052 : i32 to vector<16xi32>
      %gather3A_2054 = tpu.vector_load_idx %arg9[%add3A_1904, %and3A_1908, %broadcast_in_dim3A_2053] : memref<32x8x64xf32, #tpu.memory_space<vmem>>[vector<16xi32>, vector<16xi32>, vector<16xi32>], vector<16xf32>,
      %gather3A_2055 = tpu.vector_load_idx %arg10[%add3A_1904, %and3A_1913, %broadcast_in_dim3A_2053] : memref<32x8x64xf32, #tpu.memory_space<vmem>>[vector<16xi32>, vector<16xi32>, vector<16xi32>], vector<16xf32>,
      %mul3A_2056 = arith.mulf %gather3A_2054, %gather3A_2055 : vector<16xf32>
      %add3A_2057 = arith.addf %add3A_2051, %mul3A_2056 : vector<16xf32>
      %broadcast_in_dim3A_2058 = arith.constant 24 : i32
      %broadcast_in_dim3A_2059 = vector.broadcast %broadcast_in_dim3A_2058 : i32 to vector<16xi32>
      %gather3A_2060 = tpu.vector_load_idx %arg9[%add3A_1904, %and3A_1908, %broadcast_in_dim3A_2059] : memref<32x8x64xf32, #tpu.memory_space<vmem>>[vector<16xi32>, vector<16xi32>, vector<16xi32>], vector<16xf32>,
      %gather3A_2061 = tpu.vector_load_idx %arg10[%add3A_1904, %and3A_1913, %broadcast_in_dim3A_2059] : memref<32x8x64xf32, #tpu.memory_space<vmem>>[vector<16xi32>, vector<16xi32>, vector<16xi32>], vector<16xf32>,
      %mul3A_2062 = arith.mulf %gather3A_2060, %gather3A_2061 : vector<16xf32>
      %add3A_2063 = arith.addf %add3A_2057, %mul3A_2062 : vector<16xf32>
      %broadcast_in_dim3A_2064 = arith.constant 25 : i32
      %broadcast_in_dim3A_2065 = vector.broadcast %broadcast_in_dim3A_2064 : i32 to vector<16xi32>
      %gather3A_2066 = tpu.vector_load_idx %arg9[%add3A_1904, %and3A_1908, %broadcast_in_dim3A_2065] : memref<32x8x64xf32, #tpu.memory_space<vmem>>[vector<16xi32>, vector<16xi32>, vector<16xi32>], vector<16xf32>,
      %gather3A_2067 = tpu.vector_load_idx %arg10[%add3A_1904, %and3A_1913, %broadcast_in_dim3A_2065] : memref<32x8x64xf32, #tpu.memory_space<vmem>>[vector<16xi32>, vector<16xi32>, vector<16xi32>], vector<16xf32>,
      %mul3A_2068 = arith.mulf %gather3A_2066, %gather3A_2067 : vector<16xf32>
      %add3A_2069 = arith.addf %add3A_2063, %mul3A_2068 : vector<16xf32>
      %broadcast_in_dim3A_2070 = arith.constant 26 : i32
      %broadcast_in_dim3A_2071 = vector.broadcast %broadcast_in_dim3A_2070 : i32 to vector<16xi32>
      %gather3A_2072 = tpu.vector_load_idx %arg9[%add3A_1904, %and3A_1908, %broadcast_in_dim3A_2071] : memref<32x8x64xf32, #tpu.memory_space<vmem>>[vector<16xi32>, vector<16xi32>, vector<16xi32>], vector<16xf32>,
      %gather3A_2073 = tpu.vector_load_idx %arg10[%add3A_1904, %and3A_1913, %broadcast_in_dim3A_2071] : memref<32x8x64xf32, #tpu.memory_space<vmem>>[vector<16xi32>, vector<16xi32>, vector<16xi32>], vector<16xf32>,
      %mul3A_2074 = arith.mulf %gather3A_2072, %gather3A_2073 : vector<16xf32>
      %add3A_2075 = arith.addf %add3A_2069, %mul3A_2074 : vector<16xf32>
      %broadcast_in_dim3A_2076 = arith.constant 27 : i32
      %broadcast_in_dim3A_2077 = vector.broadcast %broadcast_in_dim3A_2076 : i32 to vector<16xi32>
      %gather3A_2078 = tpu.vector_load_idx %arg9[%add3A_1904, %and3A_1908, %broadcast_in_dim3A_2077] : memref<32x8x64xf32, #tpu.memory_space<vmem>>[vector<16xi32>, vector<16xi32>, vector<16xi32>], vector<16xf32>,
      %gather3A_2079 = tpu.vector_load_idx %arg10[%add3A_1904, %and3A_1913, %broadcast_in_dim3A_2077] : memref<32x8x64xf32, #tpu.memory_space<vmem>>[vector<16xi32>, vector<16xi32>, vector<16xi32>], vector<16xf32>,
      %mul3A_2080 = arith.mulf %gather3A_2078, %gather3A_2079 : vector<16xf32>
      %add3A_2081 = arith.addf %add3A_2075, %mul3A_2080 : vector<16xf32>
      %broadcast_in_dim3A_2082 = arith.constant 28 : i32
      %broadcast_in_dim3A_2083 = vector.broadcast %broadcast_in_dim3A_2082 : i32 to vector<16xi32>
      %gather3A_2084 = tpu.vector_load_idx %arg9[%add3A_1904, %and3A_1908, %broadcast_in_dim3A_2083] : memref<32x8x64xf32, #tpu.memory_space<vmem>>[vector<16xi32>, vector<16xi32>, vector<16xi32>], vector<16xf32>,
      %gather3A_2085 = tpu.vector_load_idx %arg10[%add3A_1904, %and3A_1913, %broadcast_in_dim3A_2083] : memref<32x8x64xf32, #tpu.memory_space<vmem>>[vector<16xi32>, vector<16xi32>, vector<16xi32>], vector<16xf32>,
      %mul3A_2086 = arith.mulf %gather3A_2084, %gather3A_2085 : vector<16xf32>
      %add3A_2087 = arith.addf %add3A_2081, %mul3A_2086 : vector<16xf32>
      %broadcast_in_dim3A_2088 = arith.constant 29 : i32
      %broadcast_in_dim3A_2089 = vector.broadcast %broadcast_in_dim3A_2088 : i32 to vector<16xi32>
      %gather3A_2090 = tpu.vector_load_idx %arg9[%add3A_1904, %and3A_1908, %broadcast_in_dim3A_2089] : memref<32x8x64xf32, #tpu.memory_space<vmem>>[vector<16xi32>, vector<16xi32>, vector<16xi32>], vector<16xf32>,
      %gather3A_2091 = tpu.vector_load_idx %arg10[%add3A_1904, %and3A_1913, %broadcast_in_dim3A_2089] : memref<32x8x64xf32, #tpu.memory_space<vmem>>[vector<16xi32>, vector<16xi32>, vector<16xi32>], vector<16xf32>,
      %mul3A_2092 = arith.mulf %gather3A_2090, %gather3A_2091 : vector<16xf32>
      %add3A_2093 = arith.addf %add3A_2087, %mul3A_2092 : vector<16xf32>
      %broadcast_in_dim3A_2094 = arith.constant 30 : i32
      %broadcast_in_dim3A_2095 = vector.broadcast %broadcast_in_dim3A_2094 : i32 to vector<16xi32>
      %gather3A_2096 = tpu.vector_load_idx %arg9[%add3A_1904, %and3A_1908, %broadcast_in_dim3A_2095] : memref<32x8x64xf32, #tpu.memory_space<vmem>>[vector<16xi32>, vector<16xi32>, vector<16xi32>], vector<16xf32>,
      %gather3A_2097 = tpu.vector_load_idx %arg10[%add3A_1904, %and3A_1913, %broadcast_in_dim3A_2095] : memref<32x8x64xf32, #tpu.memory_space<vmem>>[vector<16xi32>, vector<16xi32>, vector<16xi32>], vector<16xf32>,
      %mul3A_2098 = arith.mulf %gather3A_2096, %gather3A_2097 : vector<16xf32>
      %add3A_2099 = arith.addf %add3A_2093, %mul3A_2098 : vector<16xf32>
      %broadcast_in_dim3A_2100 = arith.constant 31 : i32
      %broadcast_in_dim3A_2101 = vector.broadcast %broadcast_in_dim3A_2100 : i32 to vector<16xi32>
      %gather3A_2102 = tpu.vector_load_idx %arg9[%add3A_1904, %and3A_1908, %broadcast_in_dim3A_2101] : memref<32x8x64xf32, #tpu.memory_space<vmem>>[vector<16xi32>, vector<16xi32>, vector<16xi32>], vector<16xf32>,
      %gather3A_2103 = tpu.vector_load_idx %arg10[%add3A_1904, %and3A_1913, %broadcast_in_dim3A_2101] : memref<32x8x64xf32, #tpu.memory_space<vmem>>[vector<16xi32>, vector<16xi32>, vector<16xi32>], vector<16xf32>,
      %mul3A_2104 = arith.mulf %gather3A_2102, %gather3A_2103 : vector<16xf32>
      %add3A_2105 = arith.addf %add3A_2099, %mul3A_2104 : vector<16xf32>
      %broadcast_in_dim3A_2106 = arith.constant 32 : i32
      %broadcast_in_dim3A_2107 = vector.broadcast %broadcast_in_dim3A_2106 : i32 to vector<16xi32>
      %gather3A_2108 = tpu.vector_load_idx %arg9[%add3A_1904, %and3A_1908, %broadcast_in_dim3A_2107] : memref<32x8x64xf32, #tpu.memory_space<vmem>>[vector<16xi32>, vector<16xi32>, vector<16xi32>], vector<16xf32>,
      %gather3A_2109 = tpu.vector_load_idx %arg10[%add3A_1904, %and3A_1913, %broadcast_in_dim3A_2107] : memref<32x8x64xf32, #tpu.memory_space<vmem>>[vector<16xi32>, vector<16xi32>, vector<16xi32>], vector<16xf32>,
      %mul3A_2110 = arith.mulf %gather3A_2108, %gather3A_2109 : vector<16xf32>
      %add3A_2111 = arith.addf %add3A_2105, %mul3A_2110 : vector<16xf32>
      %broadcast_in_dim3A_2112 = arith.constant 33 : i32
      %broadcast_in_dim3A_2113 = vector.broadcast %broadcast_in_dim3A_2112 : i32 to vector<16xi32>
      %gather3A_2114 = tpu.vector_load_idx %arg9[%add3A_1904, %and3A_1908, %broadcast_in_dim3A_2113] : memref<32x8x64xf32, #tpu.memory_space<vmem>>[vector<16xi32>, vector<16xi32>, vector<16xi32>], vector<16xf32>,
      %gather3A_2115 = tpu.vector_load_idx %arg10[%add3A_1904, %and3A_1913, %broadcast_in_dim3A_2113] : memref<32x8x64xf32, #tpu.memory_space<vmem>>[vector<16xi32>, vector<16xi32>, vector<16xi32>], vector<16xf32>,
      %mul3A_2116 = arith.mulf %gather3A_2114, %gather3A_2115 : vector<16xf32>
      %add3A_2117 = arith.addf %add3A_2111, %mul3A_2116 : vector<16xf32>
      %broadcast_in_dim3A_2118 = arith.constant 34 : i32
      %broadcast_in_dim3A_2119 = vector.broadcast %broadcast_in_dim3A_2118 : i32 to vector<16xi32>
      %gather3A_2120 = tpu.vector_load_idx %arg9[%add3A_1904, %and3A_1908, %broadcast_in_dim3A_2119] : memref<32x8x64xf32, #tpu.memory_space<vmem>>[vector<16xi32>, vector<16xi32>, vector<16xi32>], vector<16xf32>,
      %gather3A_2121 = tpu.vector_load_idx %arg10[%add3A_1904, %and3A_1913, %broadcast_in_dim3A_2119] : memref<32x8x64xf32, #tpu.memory_space<vmem>>[vector<16xi32>, vector<16xi32>, vector<16xi32>], vector<16xf32>,
      %mul3A_2122 = arith.mulf %gather3A_2120, %gather3A_2121 : vector<16xf32>
      %add3A_2123 = arith.addf %add3A_2117, %mul3A_2122 : vector<16xf32>
      %broadcast_in_dim3A_2124 = arith.constant 35 : i32
      %broadcast_in_dim3A_2125 = vector.broadcast %broadcast_in_dim3A_2124 : i32 to vector<16xi32>
      %gather3A_2126 = tpu.vector_load_idx %arg9[%add3A_1904, %and3A_1908, %broadcast_in_dim3A_2125] : memref<32x8x64xf32, #tpu.memory_space<vmem>>[vector<16xi32>, vector<16xi32>, vector<16xi32>], vector<16xf32>,
      %gather3A_2127 = tpu.vector_load_idx %arg10[%add3A_1904, %and3A_1913, %broadcast_in_dim3A_2125] : memref<32x8x64xf32, #tpu.memory_space<vmem>>[vector<16xi32>, vector<16xi32>, vector<16xi32>], vector<16xf32>,
      %mul3A_2128 = arith.mulf %gather3A_2126, %gather3A_2127 : vector<16xf32>
      %add3A_2129 = arith.addf %add3A_2123, %mul3A_2128 : vector<16xf32>
      %broadcast_in_dim3A_2130 = arith.constant 36 : i32
      %broadcast_in_dim3A_2131 = vector.broadcast %broadcast_in_dim3A_2130 : i32 to vector<16xi32>
      %gather3A_2132 = tpu.vector_load_idx %arg9[%add3A_1904, %and3A_1908, %broadcast_in_dim3A_2131] : memref<32x8x64xf32, #tpu.memory_space<vmem>>[vector<16xi32>, vector<16xi32>, vector<16xi32>], vector<16xf32>,
      %gather3A_2133 = tpu.vector_load_idx %arg10[%add3A_1904, %and3A_1913, %broadcast_in_dim3A_2131] : memref<32x8x64xf32, #tpu.memory_space<vmem>>[vector<16xi32>, vector<16xi32>, vector<16xi32>], vector<16xf32>,
      %mul3A_2134 = arith.mulf %gather3A_2132, %gather3A_2133 : vector<16xf32>
      %add3A_2135 = arith.addf %add3A_2129, %mul3A_2134 : vector<16xf32>
      %broadcast_in_dim3A_2136 = arith.constant 37 : i32
      %broadcast_in_dim3A_2137 = vector.broadcast %broadcast_in_dim3A_2136 : i32 to vector<16xi32>
      %gather3A_2138 = tpu.vector_load_idx %arg9[%add3A_1904, %and3A_1908, %broadcast_in_dim3A_2137] : memref<32x8x64xf32, #tpu.memory_space<vmem>>[vector<16xi32>, vector<16xi32>, vector<16xi32>], vector<16xf32>,
      %gather3A_2139 = tpu.vector_load_idx %arg10[%add3A_1904, %and3A_1913, %broadcast_in_dim3A_2137] : memref<32x8x64xf32, #tpu.memory_space<vmem>>[vector<16xi32>, vector<16xi32>, vector<16xi32>], vector<16xf32>,
      %mul3A_2140 = arith.mulf %gather3A_2138, %gather3A_2139 : vector<16xf32>
      %add3A_2141 = arith.addf %add3A_2135, %mul3A_2140 : vector<16xf32>
      %broadcast_in_dim3A_2142 = arith.constant 38 : i32
      %broadcast_in_dim3A_2143 = vector.broadcast %broadcast_in_dim3A_2142 : i32 to vector<16xi32>
      %gather3A_2144 = tpu.vector_load_idx %arg9[%add3A_1904, %and3A_1908, %broadcast_in_dim3A_2143] : memref<32x8x64xf32, #tpu.memory_space<vmem>>[vector<16xi32>, vector<16xi32>, vector<16xi32>], vector<16xf32>,
      %gather3A_2145 = tpu.vector_load_idx %arg10[%add3A_1904, %and3A_1913, %broadcast_in_dim3A_2143] : memref<32x8x64xf32, #tpu.memory_space<vmem>>[vector<16xi32>, vector<16xi32>, vector<16xi32>], vector<16xf32>,
      %mul3A_2146 = arith.mulf %gather3A_2144, %gather3A_2145 : vector<16xf32>
      %add3A_2147 = arith.addf %add3A_2141, %mul3A_2146 : vector<16xf32>
      %broadcast_in_dim3A_2148 = arith.constant 39 : i32
      %broadcast_in_dim3A_2149 = vector.broadcast %broadcast_in_dim3A_2148 : i32 to vector<16xi32>
      %gather3A_2150 = tpu.vector_load_idx %arg9[%add3A_1904, %and3A_1908, %broadcast_in_dim3A_2149] : memref<32x8x64xf32, #tpu.memory_space<vmem>>[vector<16xi32>, vector<16xi32>, vector<16xi32>], vector<16xf32>,
      %gather3A_2151 = tpu.vector_load_idx %arg10[%add3A_1904, %and3A_1913, %broadcast_in_dim3A_2149] : memref<32x8x64xf32, #tpu.memory_space<vmem>>[vector<16xi32>, vector<16xi32>, vector<16xi32>], vector<16xf32>,
      %mul3A_2152 = arith.mulf %gather3A_2150, %gather3A_2151 : vector<16xf32>
      %add3A_2153 = arith.addf %add3A_2147, %mul3A_2152 : vector<16xf32>
      %broadcast_in_dim3A_2154 = arith.constant 40 : i32
      %broadcast_in_dim3A_2155 = vector.broadcast %broadcast_in_dim3A_2154 : i32 to vector<16xi32>
      %gather3A_2156 = tpu.vector_load_idx %arg9[%add3A_1904, %and3A_1908, %broadcast_in_dim3A_2155] : memref<32x8x64xf32, #tpu.memory_space<vmem>>[vector<16xi32>, vector<16xi32>, vector<16xi32>], vector<16xf32>,
      %gather3A_2157 = tpu.vector_load_idx %arg10[%add3A_1904, %and3A_1913, %broadcast_in_dim3A_2155] : memref<32x8x64xf32, #tpu.memory_space<vmem>>[vector<16xi32>, vector<16xi32>, vector<16xi32>], vector<16xf32>,
      %mul3A_2158 = arith.mulf %gather3A_2156, %gather3A_2157 : vector<16xf32>
      %add3A_2159 = arith.addf %add3A_2153, %mul3A_2158 : vector<16xf32>
      %broadcast_in_dim3A_2160 = arith.constant 41 : i32
      %broadcast_in_dim3A_2161 = vector.broadcast %broadcast_in_dim3A_2160 : i32 to vector<16xi32>
      %gather3A_2162 = tpu.vector_load_idx %arg9[%add3A_1904, %and3A_1908, %broadcast_in_dim3A_2161] : memref<32x8x64xf32, #tpu.memory_space<vmem>>[vector<16xi32>, vector<16xi32>, vector<16xi32>], vector<16xf32>,
      %gather3A_2163 = tpu.vector_load_idx %arg10[%add3A_1904, %and3A_1913, %broadcast_in_dim3A_2161] : memref<32x8x64xf32, #tpu.memory_space<vmem>>[vector<16xi32>, vector<16xi32>, vector<16xi32>], vector<16xf32>,
      %mul3A_2164 = arith.mulf %gather3A_2162, %gather3A_2163 : vector<16xf32>
      %add3A_2165 = arith.addf %add3A_2159, %mul3A_2164 : vector<16xf32>
      %broadcast_in_dim3A_2166 = arith.constant 42 : i32
      %broadcast_in_dim3A_2167 = vector.broadcast %broadcast_in_dim3A_2166 : i32 to vector<16xi32>
      %gather3A_2168 = tpu.vector_load_idx %arg9[%add3A_1904, %and3A_1908, %broadcast_in_dim3A_2167] : memref<32x8x64xf32, #tpu.memory_space<vmem>>[vector<16xi32>, vector<16xi32>, vector<16xi32>], vector<16xf32>,
      %gather3A_2169 = tpu.vector_load_idx %arg10[%add3A_1904, %and3A_1913, %broadcast_in_dim3A_2167] : memref<32x8x64xf32, #tpu.memory_space<vmem>>[vector<16xi32>, vector<16xi32>, vector<16xi32>], vector<16xf32>,
      %mul3A_2170 = arith.mulf %gather3A_2168, %gather3A_2169 : vector<16xf32>
      %add3A_2171 = arith.addf %add3A_2165, %mul3A_2170 : vector<16xf32>
      %broadcast_in_dim3A_2172 = arith.constant 43 : i32
      %broadcast_in_dim3A_2173 = vector.broadcast %broadcast_in_dim3A_2172 : i32 to vector<16xi32>
      %gather3A_2174 = tpu.vector_load_idx %arg9[%add3A_1904, %and3A_1908, %broadcast_in_dim3A_2173] : memref<32x8x64xf32, #tpu.memory_space<vmem>>[vector<16xi32>, vector<16xi32>, vector<16xi32>], vector<16xf32>,
      %gather3A_2175 = tpu.vector_load_idx %arg10[%add3A_1904, %and3A_1913, %broadcast_in_dim3A_2173] : memref<32x8x64xf32, #tpu.memory_space<vmem>>[vector<16xi32>, vector<16xi32>, vector<16xi32>], vector<16xf32>,
      %mul3A_2176 = arith.mulf %gather3A_2174, %gather3A_2175 : vector<16xf32>
      %add3A_2177 = arith.addf %add3A_2171, %mul3A_2176 : vector<16xf32>
      %broadcast_in_dim3A_2178 = arith.constant 44 : i32
      %broadcast_in_dim3A_2179 = vector.broadcast %broadcast_in_dim3A_2178 : i32 to vector<16xi32>
      %gather3A_2180 = tpu.vector_load_idx %arg9[%add3A_1904, %and3A_1908, %broadcast_in_dim3A_2179] : memref<32x8x64xf32, #tpu.memory_space<vmem>>[vector<16xi32>, vector<16xi32>, vector<16xi32>], vector<16xf32>,
      %gather3A_2181 = tpu.vector_load_idx %arg10[%add3A_1904, %and3A_1913, %broadcast_in_dim3A_2179] : memref<32x8x64xf32, #tpu.memory_space<vmem>>[vector<16xi32>, vector<16xi32>, vector<16xi32>], vector<16xf32>,
      %mul3A_2182 = arith.mulf %gather3A_2180, %gather3A_2181 : vector<16xf32>
      %add3A_2183 = arith.addf %add3A_2177, %mul3A_2182 : vector<16xf32>
      %broadcast_in_dim3A_2184 = arith.constant 45 : i32
      %broadcast_in_dim3A_2185 = vector.broadcast %broadcast_in_dim3A_2184 : i32 to vector<16xi32>
      %gather3A_2186 = tpu.vector_load_idx %arg9[%add3A_1904, %and3A_1908, %broadcast_in_dim3A_2185] : memref<32x8x64xf32, #tpu.memory_space<vmem>>[vector<16xi32>, vector<16xi32>, vector<16xi32>], vector<16xf32>,
      %gather3A_2187 = tpu.vector_load_idx %arg10[%add3A_1904, %and3A_1913, %broadcast_in_dim3A_2185] : memref<32x8x64xf32, #tpu.memory_space<vmem>>[vector<16xi32>, vector<16xi32>, vector<16xi32>], vector<16xf32>,
      %mul3A_2188 = arith.mulf %gather3A_2186, %gather3A_2187 : vector<16xf32>
      %add3A_2189 = arith.addf %add3A_2183, %mul3A_2188 : vector<16xf32>
      %broadcast_in_dim3A_2190 = arith.constant 46 : i32
      %broadcast_in_dim3A_2191 = vector.broadcast %broadcast_in_dim3A_2190 : i32 to vector<16xi32>
      %gather3A_2192 = tpu.vector_load_idx %arg9[%add3A_1904, %and3A_1908, %broadcast_in_dim3A_2191] : memref<32x8x64xf32, #tpu.memory_space<vmem>>[vector<16xi32>, vector<16xi32>, vector<16xi32>], vector<16xf32>,
      %gather3A_2193 = tpu.vector_load_idx %arg10[%add3A_1904, %and3A_1913, %broadcast_in_dim3A_2191] : memref<32x8x64xf32, #tpu.memory_space<vmem>>[vector<16xi32>, vector<16xi32>, vector<16xi32>], vector<16xf32>,
      %mul3A_2194 = arith.mulf %gather3A_2192, %gather3A_2193 : vector<16xf32>
      %add3A_2195 = arith.addf %add3A_2189, %mul3A_2194 : vector<16xf32>
      %broadcast_in_dim3A_2196 = arith.constant 47 : i32
      %broadcast_in_dim3A_2197 = vector.broadcast %broadcast_in_dim3A_2196 : i32 to vector<16xi32>
      %gather3A_2198 = tpu.vector_load_idx %arg9[%add3A_1904, %and3A_1908, %broadcast_in_dim3A_2197] : memref<32x8x64xf32, #tpu.memory_space<vmem>>[vector<16xi32>, vector<16xi32>, vector<16xi32>], vector<16xf32>,
      %gather3A_2199 = tpu.vector_load_idx %arg10[%add3A_1904, %and3A_1913, %broadcast_in_dim3A_2197] : memref<32x8x64xf32, #tpu.memory_space<vmem>>[vector<16xi32>, vector<16xi32>, vector<16xi32>], vector<16xf32>,
      %mul3A_2200 = arith.mulf %gather3A_2198, %gather3A_2199 : vector<16xf32>
      %add3A_2201 = arith.addf %add3A_2195, %mul3A_2200 : vector<16xf32>
      %broadcast_in_dim3A_2202 = arith.constant 48 : i32
      %broadcast_in_dim3A_2203 = vector.broadcast %broadcast_in_dim3A_2202 : i32 to vector<16xi32>
      %gather3A_2204 = tpu.vector_load_idx %arg9[%add3A_1904, %and3A_1908, %broadcast_in_dim3A_2203] : memref<32x8x64xf32, #tpu.memory_space<vmem>>[vector<16xi32>, vector<16xi32>, vector<16xi32>], vector<16xf32>,
      %gather3A_2205 = tpu.vector_load_idx %arg10[%add3A_1904, %and3A_1913, %broadcast_in_dim3A_2203] : memref<32x8x64xf32, #tpu.memory_space<vmem>>[vector<16xi32>, vector<16xi32>, vector<16xi32>], vector<16xf32>,
      %mul3A_2206 = arith.mulf %gather3A_2204, %gather3A_2205 : vector<16xf32>
      %add3A_2207 = arith.addf %add3A_2201, %mul3A_2206 : vector<16xf32>
      %broadcast_in_dim3A_2208 = arith.constant 49 : i32
      %broadcast_in_dim3A_2209 = vector.broadcast %broadcast_in_dim3A_2208 : i32 to vector<16xi32>
      %gather3A_2210 = tpu.vector_load_idx %arg9[%add3A_1904, %and3A_1908, %broadcast_in_dim3A_2209] : memref<32x8x64xf32, #tpu.memory_space<vmem>>[vector<16xi32>, vector<16xi32>, vector<16xi32>], vector<16xf32>,
      %gather3A_2211 = tpu.vector_load_idx %arg10[%add3A_1904, %and3A_1913, %broadcast_in_dim3A_2209] : memref<32x8x64xf32, #tpu.memory_space<vmem>>[vector<16xi32>, vector<16xi32>, vector<16xi32>], vector<16xf32>,
      %mul3A_2212 = arith.mulf %gather3A_2210, %gather3A_2211 : vector<16xf32>
      %add3A_2213 = arith.addf %add3A_2207, %mul3A_2212 : vector<16xf32>
      %broadcast_in_dim3A_2214 = arith.constant 50 : i32
      %broadcast_in_dim3A_2215 = vector.broadcast %broadcast_in_dim3A_2214 : i32 to vector<16xi32>
      %gather3A_2216 = tpu.vector_load_idx %arg9[%add3A_1904, %and3A_1908, %broadcast_in_dim3A_2215] : memref<32x8x64xf32, #tpu.memory_space<vmem>>[vector<16xi32>, vector<16xi32>, vector<16xi32>], vector<16xf32>,
      %gather3A_2217 = tpu.vector_load_idx %arg10[%add3A_1904, %and3A_1913, %broadcast_in_dim3A_2215] : memref<32x8x64xf32, #tpu.memory_space<vmem>>[vector<16xi32>, vector<16xi32>, vector<16xi32>], vector<16xf32>,
      %mul3A_2218 = arith.mulf %gather3A_2216, %gather3A_2217 : vector<16xf32>
      %add3A_2219 = arith.addf %add3A_2213, %mul3A_2218 : vector<16xf32>
      %broadcast_in_dim3A_2220 = arith.constant 51 : i32
      %broadcast_in_dim3A_2221 = vector.broadcast %broadcast_in_dim3A_2220 : i32 to vector<16xi32>
      %gather3A_2222 = tpu.vector_load_idx %arg9[%add3A_1904, %and3A_1908, %broadcast_in_dim3A_2221] : memref<32x8x64xf32, #tpu.memory_space<vmem>>[vector<16xi32>, vector<16xi32>, vector<16xi32>], vector<16xf32>,
      %gather3A_2223 = tpu.vector_load_idx %arg10[%add3A_1904, %and3A_1913, %broadcast_in_dim3A_2221] : memref<32x8x64xf32, #tpu.memory_space<vmem>>[vector<16xi32>, vector<16xi32>, vector<16xi32>], vector<16xf32>,
      %mul3A_2224 = arith.mulf %gather3A_2222, %gather3A_2223 : vector<16xf32>
      %add3A_2225 = arith.addf %add3A_2219, %mul3A_2224 : vector<16xf32>
      %broadcast_in_dim3A_2226 = arith.constant 52 : i32
      %broadcast_in_dim3A_2227 = vector.broadcast %broadcast_in_dim3A_2226 : i32 to vector<16xi32>
      %gather3A_2228 = tpu.vector_load_idx %arg9[%add3A_1904, %and3A_1908, %broadcast_in_dim3A_2227] : memref<32x8x64xf32, #tpu.memory_space<vmem>>[vector<16xi32>, vector<16xi32>, vector<16xi32>], vector<16xf32>,
      %gather3A_2229 = tpu.vector_load_idx %arg10[%add3A_1904, %and3A_1913, %broadcast_in_dim3A_2227] : memref<32x8x64xf32, #tpu.memory_space<vmem>>[vector<16xi32>, vector<16xi32>, vector<16xi32>], vector<16xf32>,
      %mul3A_2230 = arith.mulf %gather3A_2228, %gather3A_2229 : vector<16xf32>
      %add3A_2231 = arith.addf %add3A_2225, %mul3A_2230 : vector<16xf32>
      %broadcast_in_dim3A_2232 = arith.constant 53 : i32
      %broadcast_in_dim3A_2233 = vector.broadcast %broadcast_in_dim3A_2232 : i32 to vector<16xi32>
      %gather3A_2234 = tpu.vector_load_idx %arg9[%add3A_1904, %and3A_1908, %broadcast_in_dim3A_2233] : memref<32x8x64xf32, #tpu.memory_space<vmem>>[vector<16xi32>, vector<16xi32>, vector<16xi32>], vector<16xf32>,
      %gather3A_2235 = tpu.vector_load_idx %arg10[%add3A_1904, %and3A_1913, %broadcast_in_dim3A_2233] : memref<32x8x64xf32, #tpu.memory_space<vmem>>[vector<16xi32>, vector<16xi32>, vector<16xi32>], vector<16xf32>,
      %mul3A_2236 = arith.mulf %gather3A_2234, %gather3A_2235 : vector<16xf32>
      %add3A_2237 = arith.addf %add3A_2231, %mul3A_2236 : vector<16xf32>
      %broadcast_in_dim3A_2238 = arith.constant 54 : i32
      %broadcast_in_dim3A_2239 = vector.broadcast %broadcast_in_dim3A_2238 : i32 to vector<16xi32>
      %gather3A_2240 = tpu.vector_load_idx %arg9[%add3A_1904, %and3A_1908, %broadcast_in_dim3A_2239] : memref<32x8x64xf32, #tpu.memory_space<vmem>>[vector<16xi32>, vector<16xi32>, vector<16xi32>], vector<16xf32>,
      %gather3A_2241 = tpu.vector_load_idx %arg10[%add3A_1904, %and3A_1913, %broadcast_in_dim3A_2239] : memref<32x8x64xf32, #tpu.memory_space<vmem>>[vector<16xi32>, vector<16xi32>, vector<16xi32>], vector<16xf32>,
      %mul3A_2242 = arith.mulf %gather3A_2240, %gather3A_2241 : vector<16xf32>
      %add3A_2243 = arith.addf %add3A_2237, %mul3A_2242 : vector<16xf32>
      %broadcast_in_dim3A_2244 = arith.constant 55 : i32
      %broadcast_in_dim3A_2245 = vector.broadcast %broadcast_in_dim3A_2244 : i32 to vector<16xi32>
      %gather3A_2246 = tpu.vector_load_idx %arg9[%add3A_1904, %and3A_1908, %broadcast_in_dim3A_2245] : memref<32x8x64xf32, #tpu.memory_space<vmem>>[vector<16xi32>, vector<16xi32>, vector<16xi32>], vector<16xf32>,
      %gather3A_2247 = tpu.vector_load_idx %arg10[%add3A_1904, %and3A_1913, %broadcast_in_dim3A_2245] : memref<32x8x64xf32, #tpu.memory_space<vmem>>[vector<16xi32>, vector<16xi32>, vector<16xi32>], vector<16xf32>,
      %mul3A_2248 = arith.mulf %gather3A_2246, %gather3A_2247 : vector<16xf32>
      %add3A_2249 = arith.addf %add3A_2243, %mul3A_2248 : vector<16xf32>
      %broadcast_in_dim3A_2250 = arith.constant 56 : i32
      %broadcast_in_dim3A_2251 = vector.broadcast %broadcast_in_dim3A_2250 : i32 to vector<16xi32>
      %gather3A_2252 = tpu.vector_load_idx %arg9[%add3A_1904, %and3A_1908, %broadcast_in_dim3A_2251] : memref<32x8x64xf32, #tpu.memory_space<vmem>>[vector<16xi32>, vector<16xi32>, vector<16xi32>], vector<16xf32>,
      %gather3A_2253 = tpu.vector_load_idx %arg10[%add3A_1904, %and3A_1913, %broadcast_in_dim3A_2251] : memref<32x8x64xf32, #tpu.memory_space<vmem>>[vector<16xi32>, vector<16xi32>, vector<16xi32>], vector<16xf32>,
      %mul3A_2254 = arith.mulf %gather3A_2252, %gather3A_2253 : vector<16xf32>
      %add3A_2255 = arith.addf %add3A_2249, %mul3A_2254 : vector<16xf32>
      %broadcast_in_dim3A_2256 = arith.constant 57 : i32
      %broadcast_in_dim3A_2257 = vector.broadcast %broadcast_in_dim3A_2256 : i32 to vector<16xi32>
      %gather3A_2258 = tpu.vector_load_idx %arg9[%add3A_1904, %and3A_1908, %broadcast_in_dim3A_2257] : memref<32x8x64xf32, #tpu.memory_space<vmem>>[vector<16xi32>, vector<16xi32>, vector<16xi32>], vector<16xf32>,
      %gather3A_2259 = tpu.vector_load_idx %arg10[%add3A_1904, %and3A_1913, %broadcast_in_dim3A_2257] : memref<32x8x64xf32, #tpu.memory_space<vmem>>[vector<16xi32>, vector<16xi32>, vector<16xi32>], vector<16xf32>,
      %mul3A_2260 = arith.mulf %gather3A_2258, %gather3A_2259 : vector<16xf32>
      %add3A_2261 = arith.addf %add3A_2255, %mul3A_2260 : vector<16xf32>
      %broadcast_in_dim3A_2262 = arith.constant 58 : i32
      %broadcast_in_dim3A_2263 = vector.broadcast %broadcast_in_dim3A_2262 : i32 to vector<16xi32>
      %gather3A_2264 = tpu.vector_load_idx %arg9[%add3A_1904, %and3A_1908, %broadcast_in_dim3A_2263] : memref<32x8x64xf32, #tpu.memory_space<vmem>>[vector<16xi32>, vector<16xi32>, vector<16xi32>], vector<16xf32>,
      %gather3A_2265 = tpu.vector_load_idx %arg10[%add3A_1904, %and3A_1913, %broadcast_in_dim3A_2263] : memref<32x8x64xf32, #tpu.memory_space<vmem>>[vector<16xi32>, vector<16xi32>, vector<16xi32>], vector<16xf32>,
      %mul3A_2266 = arith.mulf %gather3A_2264, %gather3A_2265 : vector<16xf32>
      %add3A_2267 = arith.addf %add3A_2261, %mul3A_2266 : vector<16xf32>
      %broadcast_in_dim3A_2268 = arith.constant 59 : i32
      %broadcast_in_dim3A_2269 = vector.broadcast %broadcast_in_dim3A_2268 : i32 to vector<16xi32>
      %gather3A_2270 = tpu.vector_load_idx %arg9[%add3A_1904, %and3A_1908, %broadcast_in_dim3A_2269] : memref<32x8x64xf32, #tpu.memory_space<vmem>>[vector<16xi32>, vector<16xi32>, vector<16xi32>], vector<16xf32>,
      %gather3A_2271 = tpu.vector_load_idx %arg10[%add3A_1904, %and3A_1913, %broadcast_in_dim3A_2269] : memref<32x8x64xf32, #tpu.memory_space<vmem>>[vector<16xi32>, vector<16xi32>, vector<16xi32>], vector<16xf32>,
      %mul3A_2272 = arith.mulf %gather3A_2270, %gather3A_2271 : vector<16xf32>
      %add3A_2273 = arith.addf %add3A_2267, %mul3A_2272 : vector<16xf32>
      %broadcast_in_dim3A_2274 = arith.constant 60 : i32
      %broadcast_in_dim3A_2275 = vector.broadcast %broadcast_in_dim3A_2274 : i32 to vector<16xi32>
      %gather3A_2276 = tpu.vector_load_idx %arg9[%add3A_1904, %and3A_1908, %broadcast_in_dim3A_2275] : memref<32x8x64xf32, #tpu.memory_space<vmem>>[vector<16xi32>, vector<16xi32>, vector<16xi32>], vector<16xf32>,
      %gather3A_2277 = tpu.vector_load_idx %arg10[%add3A_1904, %and3A_1913, %broadcast_in_dim3A_2275] : memref<32x8x64xf32, #tpu.memory_space<vmem>>[vector<16xi32>, vector<16xi32>, vector<16xi32>], vector<16xf32>,
      %mul3A_2278 = arith.mulf %gather3A_2276, %gather3A_2277 : vector<16xf32>
      %add3A_2279 = arith.addf %add3A_2273, %mul3A_2278 : vector<16xf32>
      %broadcast_in_dim3A_2280 = arith.constant 61 : i32
      %broadcast_in_dim3A_2281 = vector.broadcast %broadcast_in_dim3A_2280 : i32 to vector<16xi32>
      %gather3A_2282 = tpu.vector_load_idx %arg9[%add3A_1904, %and3A_1908, %broadcast_in_dim3A_2281] : memref<32x8x64xf32, #tpu.memory_space<vmem>>[vector<16xi32>, vector<16xi32>, vector<16xi32>], vector<16xf32>,
      %gather3A_2283 = tpu.vector_load_idx %arg10[%add3A_1904, %and3A_1913, %broadcast_in_dim3A_2281] : memref<32x8x64xf32, #tpu.memory_space<vmem>>[vector<16xi32>, vector<16xi32>, vector<16xi32>], vector<16xf32>,
      %mul3A_2284 = arith.mulf %gather3A_2282, %gather3A_2283 : vector<16xf32>
      %add3A_2285 = arith.addf %add3A_2279, %mul3A_2284 : vector<16xf32>
      %broadcast_in_dim3A_2286 = arith.constant 62 : i32
      %broadcast_in_dim3A_2287 = vector.broadcast %broadcast_in_dim3A_2286 : i32 to vector<16xi32>
      %gather3A_2288 = tpu.vector_load_idx %arg9[%add3A_1904, %and3A_1908, %broadcast_in_dim3A_2287] : memref<32x8x64xf32, #tpu.memory_space<vmem>>[vector<16xi32>, vector<16xi32>, vector<16xi32>], vector<16xf32>,
      %gather3A_2289 = tpu.vector_load_idx %arg10[%add3A_1904, %and3A_1913, %broadcast_in_dim3A_2287] : memref<32x8x64xf32, #tpu.memory_space<vmem>>[vector<16xi32>, vector<16xi32>, vector<16xi32>], vector<16xf32>,
      %mul3A_2290 = arith.mulf %gather3A_2288, %gather3A_2289 : vector<16xf32>
      %add3A_2291 = arith.addf %add3A_2285, %mul3A_2290 : vector<16xf32>
      %broadcast_in_dim3A_2292 = arith.constant 63 : i32
      %broadcast_in_dim3A_2293 = vector.broadcast %broadcast_in_dim3A_2292 : i32 to vector<16xi32>
      %gather3A_2294 = tpu.vector_load_idx %arg9[%add3A_1904, %and3A_1908, %broadcast_in_dim3A_2293] : memref<32x8x64xf32, #tpu.memory_space<vmem>>[vector<16xi32>, vector<16xi32>, vector<16xi32>], vector<16xf32>,
      %gather3A_2295 = tpu.vector_load_idx %arg10[%add3A_1904, %and3A_1913, %broadcast_in_dim3A_2293] : memref<32x8x64xf32, #tpu.memory_space<vmem>>[vector<16xi32>, vector<16xi32>, vector<16xi32>], vector<16xf32>,
      %mul3A_2296 = arith.mulf %gather3A_2294, %gather3A_2295 : vector<16xf32>
      %add3A_2297 = arith.addf %add3A_2291, %mul3A_2296 : vector<16xf32>
      %swap3A = arith.index_cast %add3A_1901 : i32 to index
      %swap3A_2298 = tpu.vector_load %arg11[%swap3A] {strides = array<i32>} : memref<512xf32, #tpu.memory_space<vmem>>, vector<16xf32>,
      tpu.vector_store %arg11[%swap3A], %add3A_2297 {strides = array<i32>} : memref<512xf32, #tpu.memory_space<vmem>>, vector<16xf32>,
      %add3A_2299 = arith.constant 16 : i32
      %add3A_2300 = arith.addi %mul3A_10, %add3A_2299 : i32
      %add3A_2301 = arith.constant 16 : i32
      %add3A_2302 = vector.broadcast %add3A_2301 : i32 to vector<16xi32>
      %add3A_2303 = arith.addi %add3A_2302, %iota3A : vector<16xi32>
      %get3A_2304 = arith.index_cast %add3A_2300 : i32 to index
      %get3A_2305 = tpu.vector_load %arg7[%get3A_2304] {strides = array<i32>} : memref<512xi32, #tpu.memory_space<vmem>>, vector<16xi32>,
      %and3A_2306 = arith.constant 7 : i32
      %and3A_2307 = vector.broadcast %and3A_2306 : i32 to vector<16xi32>
      %and3A_2308 = arith.andi %get3A_2305, %and3A_2307 : vector<16xi32>
      %get3A_2309 = arith.index_cast %add3A_2300 : i32 to index
      %get3A_2310 = tpu.vector_load %arg8[%get3A_2309] {strides = array<i32>} : memref<512xi32, #tpu.memory_space<vmem>>, vector<16xi32>,
      %and3A_2311 = arith.constant 7 : i32
      %and3A_2312 = vector.broadcast %and3A_2311 : i32 to vector<16xi32>
      %and3A_2313 = arith.andi %get3A_2310, %and3A_2312 : vector<16xi32>
      %broadcast_in_dim3A_2314 = arith.constant 0.000000e+00 : f32
      %broadcast_in_dim3A_2315 = vector.broadcast %broadcast_in_dim3A_2314 : f32 to vector<16xf32>
      %broadcast_in_dim3A_2316 = arith.constant 0 : i32
      %broadcast_in_dim3A_2317 = vector.broadcast %broadcast_in_dim3A_2316 : i32 to vector<16xi32>
      %gather3A_2318 = tpu.vector_load_idx %arg9[%add3A_2303, %and3A_2308, %broadcast_in_dim3A_2317] : memref<32x8x64xf32, #tpu.memory_space<vmem>>[vector<16xi32>, vector<16xi32>, vector<16xi32>], vector<16xf32>,
      %gather3A_2319 = tpu.vector_load_idx %arg10[%add3A_2303, %and3A_2313, %broadcast_in_dim3A_2317] : memref<32x8x64xf32, #tpu.memory_space<vmem>>[vector<16xi32>, vector<16xi32>, vector<16xi32>], vector<16xf32>,
      %mul3A_2320 = arith.mulf %gather3A_2318, %gather3A_2319 : vector<16xf32>
      %add3A_2321 = arith.addf %broadcast_in_dim3A_2315, %mul3A_2320 : vector<16xf32>
      %broadcast_in_dim3A_2322 = arith.constant 1 : i32
      %broadcast_in_dim3A_2323 = vector.broadcast %broadcast_in_dim3A_2322 : i32 to vector<16xi32>
      %gather3A_2324 = tpu.vector_load_idx %arg9[%add3A_2303, %and3A_2308, %broadcast_in_dim3A_2323] : memref<32x8x64xf32, #tpu.memory_space<vmem>>[vector<16xi32>, vector<16xi32>, vector<16xi32>], vector<16xf32>,
      %gather3A_2325 = tpu.vector_load_idx %arg10[%add3A_2303, %and3A_2313, %broadcast_in_dim3A_2323] : memref<32x8x64xf32, #tpu.memory_space<vmem>>[vector<16xi32>, vector<16xi32>, vector<16xi32>], vector<16xf32>,
      %mul3A_2326 = arith.mulf %gather3A_2324, %gather3A_2325 : vector<16xf32>
      %add3A_2327 = arith.addf %add3A_2321, %mul3A_2326 : vector<16xf32>
      %broadcast_in_dim3A_2328 = arith.constant 2 : i32
      %broadcast_in_dim3A_2329 = vector.broadcast %broadcast_in_dim3A_2328 : i32 to vector<16xi32>
      %gather3A_2330 = tpu.vector_load_idx %arg9[%add3A_2303, %and3A_2308, %broadcast_in_dim3A_2329] : memref<32x8x64xf32, #tpu.memory_space<vmem>>[vector<16xi32>, vector<16xi32>, vector<16xi32>], vector<16xf32>,
      %gather3A_2331 = tpu.vector_load_idx %arg10[%add3A_2303, %and3A_2313, %broadcast_in_dim3A_2329] : memref<32x8x64xf32, #tpu.memory_space<vmem>>[vector<16xi32>, vector<16xi32>, vector<16xi32>], vector<16xf32>,
      %mul3A_2332 = arith.mulf %gather3A_2330, %gather3A_2331 : vector<16xf32>
      %add3A_2333 = arith.addf %add3A_2327, %mul3A_2332 : vector<16xf32>
      %broadcast_in_dim3A_2334 = arith.constant 3 : i32
      %broadcast_in_dim3A_2335 = vector.broadcast %broadcast_in_dim3A_2334 : i32 to vector<16xi32>
      %gather3A_2336 = tpu.vector_load_idx %arg9[%add3A_2303, %and3A_2308, %broadcast_in_dim3A_2335] : memref<32x8x64xf32, #tpu.memory_space<vmem>>[vector<16xi32>, vector<16xi32>, vector<16xi32>], vector<16xf32>,
      %gather3A_2337 = tpu.vector_load_idx %arg10[%add3A_2303, %and3A_2313, %broadcast_in_dim3A_2335] : memref<32x8x64xf32, #tpu.memory_space<vmem>>[vector<16xi32>, vector<16xi32>, vector<16xi32>], vector<16xf32>,
      %mul3A_2338 = arith.mulf %gather3A_2336, %gather3A_2337 : vector<16xf32>
      %add3A_2339 = arith.addf %add3A_2333, %mul3A_2338 : vector<16xf32>
      %broadcast_in_dim3A_2340 = arith.constant 4 : i32
      %broadcast_in_dim3A_2341 = vector.broadcast %broadcast_in_dim3A_2340 : i32 to vector<16xi32>
      %gather3A_2342 = tpu.vector_load_idx %arg9[%add3A_2303, %and3A_2308, %broadcast_in_dim3A_2341] : memref<32x8x64xf32, #tpu.memory_space<vmem>>[vector<16xi32>, vector<16xi32>, vector<16xi32>], vector<16xf32>,
      %gather3A_2343 = tpu.vector_load_idx %arg10[%add3A_2303, %and3A_2313, %broadcast_in_dim3A_2341] : memref<32x8x64xf32, #tpu.memory_space<vmem>>[vector<16xi32>, vector<16xi32>, vector<16xi32>], vector<16xf32>,
      %mul3A_2344 = arith.mulf %gather3A_2342, %gather3A_2343 : vector<16xf32>
      %add3A_2345 = arith.addf %add3A_2339, %mul3A_2344 : vector<16xf32>
      %broadcast_in_dim3A_2346 = arith.constant 5 : i32
      %broadcast_in_dim3A_2347 = vector.broadcast %broadcast_in_dim3A_2346 : i32 to vector<16xi32>
      %gather3A_2348 = tpu.vector_load_idx %arg9[%add3A_2303, %and3A_2308, %broadcast_in_dim3A_2347] : memref<32x8x64xf32, #tpu.memory_space<vmem>>[vector<16xi32>, vector<16xi32>, vector<16xi32>], vector<16xf32>,
      %gather3A_2349 = tpu.vector_load_idx %arg10[%add3A_2303, %and3A_2313, %broadcast_in_dim3A_2347] : memref<32x8x64xf32, #tpu.memory_space<vmem>>[vector<16xi32>, vector<16xi32>, vector<16xi32>], vector<16xf32>,
      %mul3A_2350 = arith.mulf %gather3A_2348, %gather3A_2349 : vector<16xf32>
      %add3A_2351 = arith.addf %add3A_2345, %mul3A_2350 : vector<16xf32>
      %broadcast_in_dim3A_2352 = arith.constant 6 : i32
      %broadcast_in_dim3A_2353 = vector.broadcast %broadcast_in_dim3A_2352 : i32 to vector<16xi32>
      %gather3A_2354 = tpu.vector_load_idx %arg9[%add3A_2303, %and3A_2308, %broadcast_in_dim3A_2353] : memref<32x8x64xf32, #tpu.memory_space<vmem>>[vector<16xi32>, vector<16xi32>, vector<16xi32>], vector<16xf32>,
      %gather3A_2355 = tpu.vector_load_idx %arg10[%add3A_2303, %and3A_2313, %broadcast_in_dim3A_2353] : memref<32x8x64xf32, #tpu.memory_space<vmem>>[vector<16xi32>, vector<16xi32>, vector<16xi32>], vector<16xf32>,
      %mul3A_2356 = arith.mulf %gather3A_2354, %gather3A_2355 : vector<16xf32>
      %add3A_2357 = arith.addf %add3A_2351, %mul3A_2356 : vector<16xf32>
      %broadcast_in_dim3A_2358 = arith.constant 7 : i32
      %broadcast_in_dim3A_2359 = vector.broadcast %broadcast_in_dim3A_2358 : i32 to vector<16xi32>
      %gather3A_2360 = tpu.vector_load_idx %arg9[%add3A_2303, %and3A_2308, %broadcast_in_dim3A_2359] : memref<32x8x64xf32, #tpu.memory_space<vmem>>[vector<16xi32>, vector<16xi32>, vector<16xi32>], vector<16xf32>,
      %gather3A_2361 = tpu.vector_load_idx %arg10[%add3A_2303, %and3A_2313, %broadcast_in_dim3A_2359] : memref<32x8x64xf32, #tpu.memory_space<vmem>>[vector<16xi32>, vector<16xi32>, vector<16xi32>], vector<16xf32>,
      %mul3A_2362 = arith.mulf %gather3A_2360, %gather3A_2361 : vector<16xf32>
      %add3A_2363 = arith.addf %add3A_2357, %mul3A_2362 : vector<16xf32>
      %broadcast_in_dim3A_2364 = arith.constant 8 : i32
      %broadcast_in_dim3A_2365 = vector.broadcast %broadcast_in_dim3A_2364 : i32 to vector<16xi32>
      %gather3A_2366 = tpu.vector_load_idx %arg9[%add3A_2303, %and3A_2308, %broadcast_in_dim3A_2365] : memref<32x8x64xf32, #tpu.memory_space<vmem>>[vector<16xi32>, vector<16xi32>, vector<16xi32>], vector<16xf32>,
      %gather3A_2367 = tpu.vector_load_idx %arg10[%add3A_2303, %and3A_2313, %broadcast_in_dim3A_2365] : memref<32x8x64xf32, #tpu.memory_space<vmem>>[vector<16xi32>, vector<16xi32>, vector<16xi32>], vector<16xf32>,
      %mul3A_2368 = arith.mulf %gather3A_2366, %gather3A_2367 : vector<16xf32>
      %add3A_2369 = arith.addf %add3A_2363, %mul3A_2368 : vector<16xf32>
      %broadcast_in_dim3A_2370 = arith.constant 9 : i32
      %broadcast_in_dim3A_2371 = vector.broadcast %broadcast_in_dim3A_2370 : i32 to vector<16xi32>
      %gather3A_2372 = tpu.vector_load_idx %arg9[%add3A_2303, %and3A_2308, %broadcast_in_dim3A_2371] : memref<32x8x64xf32, #tpu.memory_space<vmem>>[vector<16xi32>, vector<16xi32>, vector<16xi32>], vector<16xf32>,
      %gather3A_2373 = tpu.vector_load_idx %arg10[%add3A_2303, %and3A_2313, %broadcast_in_dim3A_2371] : memref<32x8x64xf32, #tpu.memory_space<vmem>>[vector<16xi32>, vector<16xi32>, vector<16xi32>], vector<16xf32>,
      %mul3A_2374 = arith.mulf %gather3A_2372, %gather3A_2373 : vector<16xf32>
      %add3A_2375 = arith.addf %add3A_2369, %mul3A_2374 : vector<16xf32>
      %broadcast_in_dim3A_2376 = arith.constant 10 : i32
      %broadcast_in_dim3A_2377 = vector.broadcast %broadcast_in_dim3A_2376 : i32 to vector<16xi32>
      %gather3A_2378 = tpu.vector_load_idx %arg9[%add3A_2303, %and3A_2308, %broadcast_in_dim3A_2377] : memref<32x8x64xf32, #tpu.memory_space<vmem>>[vector<16xi32>, vector<16xi32>, vector<16xi32>], vector<16xf32>,
      %gather3A_2379 = tpu.vector_load_idx %arg10[%add3A_2303, %and3A_2313, %broadcast_in_dim3A_2377] : memref<32x8x64xf32, #tpu.memory_space<vmem>>[vector<16xi32>, vector<16xi32>, vector<16xi32>], vector<16xf32>,
      %mul3A_2380 = arith.mulf %gather3A_2378, %gather3A_2379 : vector<16xf32>
      %add3A_2381 = arith.addf %add3A_2375, %mul3A_2380 : vector<16xf32>
      %broadcast_in_dim3A_2382 = arith.constant 11 : i32
      %broadcast_in_dim3A_2383 = vector.broadcast %broadcast_in_dim3A_2382 : i32 to vector<16xi32>
      %gather3A_2384 = tpu.vector_load_idx %arg9[%add3A_2303, %and3A_2308, %broadcast_in_dim3A_2383] : memref<32x8x64xf32, #tpu.memory_space<vmem>>[vector<16xi32>, vector<16xi32>, vector<16xi32>], vector<16xf32>,
      %gather3A_2385 = tpu.vector_load_idx %arg10[%add3A_2303, %and3A_2313, %broadcast_in_dim3A_2383] : memref<32x8x64xf32, #tpu.memory_space<vmem>>[vector<16xi32>, vector<16xi32>, vector<16xi32>], vector<16xf32>,
      %mul3A_2386 = arith.mulf %gather3A_2384, %gather3A_2385 : vector<16xf32>
      %add3A_2387 = arith.addf %add3A_2381, %mul3A_2386 : vector<16xf32>
      %broadcast_in_dim3A_2388 = arith.constant 12 : i32
      %broadcast_in_dim3A_2389 = vector.broadcast %broadcast_in_dim3A_2388 : i32 to vector<16xi32>
      %gather3A_2390 = tpu.vector_load_idx %arg9[%add3A_2303, %and3A_2308, %broadcast_in_dim3A_2389] : memref<32x8x64xf32, #tpu.memory_space<vmem>>[vector<16xi32>, vector<16xi32>, vector<16xi32>], vector<16xf32>,
      %gather3A_2391 = tpu.vector_load_idx %arg10[%add3A_2303, %and3A_2313, %broadcast_in_dim3A_2389] : memref<32x8x64xf32, #tpu.memory_space<vmem>>[vector<16xi32>, vector<16xi32>, vector<16xi32>], vector<16xf32>,
      %mul3A_2392 = arith.mulf %gather3A_2390, %gather3A_2391 : vector<16xf32>
      %add3A_2393 = arith.addf %add3A_2387, %mul3A_2392 : vector<16xf32>
      %broadcast_in_dim3A_2394 = arith.constant 13 : i32
      %broadcast_in_dim3A_2395 = vector.broadcast %broadcast_in_dim3A_2394 : i32 to vector<16xi32>
      %gather3A_2396 = tpu.vector_load_idx %arg9[%add3A_2303, %and3A_2308, %broadcast_in_dim3A_2395] : memref<32x8x64xf32, #tpu.memory_space<vmem>>[vector<16xi32>, vector<16xi32>, vector<16xi32>], vector<16xf32>,
      %gather3A_2397 = tpu.vector_load_idx %arg10[%add3A_2303, %and3A_2313, %broadcast_in_dim3A_2395] : memref<32x8x64xf32, #tpu.memory_space<vmem>>[vector<16xi32>, vector<16xi32>, vector<16xi32>], vector<16xf32>,
      %mul3A_2398 = arith.mulf %gather3A_2396, %gather3A_2397 : vector<16xf32>
      %add3A_2399 = arith.addf %add3A_2393, %mul3A_2398 : vector<16xf32>
      %broadcast_in_dim3A_2400 = arith.constant 14 : i32
      %broadcast_in_dim3A_2401 = vector.broadcast %broadcast_in_dim3A_2400 : i32 to vector<16xi32>
      %gather3A_2402 = tpu.vector_load_idx %arg9[%add3A_2303, %and3A_2308, %broadcast_in_dim3A_2401] : memref<32x8x64xf32, #tpu.memory_space<vmem>>[vector<16xi32>, vector<16xi32>, vector<16xi32>], vector<16xf32>,
      %gather3A_2403 = tpu.vector_load_idx %arg10[%add3A_2303, %and3A_2313, %broadcast_in_dim3A_2401] : memref<32x8x64xf32, #tpu.memory_space<vmem>>[vector<16xi32>, vector<16xi32>, vector<16xi32>], vector<16xf32>,
      %mul3A_2404 = arith.mulf %gather3A_2402, %gather3A_2403 : vector<16xf32>
      %add3A_2405 = arith.addf %add3A_2399, %mul3A_2404 : vector<16xf32>
      %broadcast_in_dim3A_2406 = arith.constant 15 : i32
      %broadcast_in_dim3A_2407 = vector.broadcast %broadcast_in_dim3A_2406 : i32 to vector<16xi32>
      %gather3A_2408 = tpu.vector_load_idx %arg9[%add3A_2303, %and3A_2308, %broadcast_in_dim3A_2407] : memref<32x8x64xf32, #tpu.memory_space<vmem>>[vector<16xi32>, vector<16xi32>, vector<16xi32>], vector<16xf32>,
      %gather3A_2409 = tpu.vector_load_idx %arg10[%add3A_2303, %and3A_2313, %broadcast_in_dim3A_2407] : memref<32x8x64xf32, #tpu.memory_space<vmem>>[vector<16xi32>, vector<16xi32>, vector<16xi32>], vector<16xf32>,
      %mul3A_2410 = arith.mulf %gather3A_2408, %gather3A_2409 : vector<16xf32>
      %add3A_2411 = arith.addf %add3A_2405, %mul3A_2410 : vector<16xf32>
      %broadcast_in_dim3A_2412 = arith.constant 16 : i32
      %broadcast_in_dim3A_2413 = vector.broadcast %broadcast_in_dim3A_2412 : i32 to vector<16xi32>
      %gather3A_2414 = tpu.vector_load_idx %arg9[%add3A_2303, %and3A_2308, %broadcast_in_dim3A_2413] : memref<32x8x64xf32, #tpu.memory_space<vmem>>[vector<16xi32>, vector<16xi32>, vector<16xi32>], vector<16xf32>,
      %gather3A_2415 = tpu.vector_load_idx %arg10[%add3A_2303, %and3A_2313, %broadcast_in_dim3A_2413] : memref<32x8x64xf32, #tpu.memory_space<vmem>>[vector<16xi32>, vector<16xi32>, vector<16xi32>], vector<16xf32>,
      %mul3A_2416 = arith.mulf %gather3A_2414, %gather3A_2415 : vector<16xf32>
      %add3A_2417 = arith.addf %add3A_2411, %mul3A_2416 : vector<16xf32>
      %broadcast_in_dim3A_2418 = arith.constant 17 : i32
      %broadcast_in_dim3A_2419 = vector.broadcast %broadcast_in_dim3A_2418 : i32 to vector<16xi32>
      %gather3A_2420 = tpu.vector_load_idx %arg9[%add3A_2303, %and3A_2308, %broadcast_in_dim3A_2419] : memref<32x8x64xf32, #tpu.memory_space<vmem>>[vector<16xi32>, vector<16xi32>, vector<16xi32>], vector<16xf32>,
      %gather3A_2421 = tpu.vector_load_idx %arg10[%add3A_2303, %and3A_2313, %broadcast_in_dim3A_2419] : memref<32x8x64xf32, #tpu.memory_space<vmem>>[vector<16xi32>, vector<16xi32>, vector<16xi32>], vector<16xf32>,
      %mul3A_2422 = arith.mulf %gather3A_2420, %gather3A_2421 : vector<16xf32>
      %add3A_2423 = arith.addf %add3A_2417, %mul3A_2422 : vector<16xf32>
      %broadcast_in_dim3A_2424 = arith.constant 18 : i32
      %broadcast_in_dim3A_2425 = vector.broadcast %broadcast_in_dim3A_2424 : i32 to vector<16xi32>
      %gather3A_2426 = tpu.vector_load_idx %arg9[%add3A_2303, %and3A_2308, %broadcast_in_dim3A_2425] : memref<32x8x64xf32, #tpu.memory_space<vmem>>[vector<16xi32>, vector<16xi32>, vector<16xi32>], vector<16xf32>,
      %gather3A_2427 = tpu.vector_load_idx %arg10[%add3A_2303, %and3A_2313, %broadcast_in_dim3A_2425] : memref<32x8x64xf32, #tpu.memory_space<vmem>>[vector<16xi32>, vector<16xi32>, vector<16xi32>], vector<16xf32>,
      %mul3A_2428 = arith.mulf %gather3A_2426, %gather3A_2427 : vector<16xf32>
      %add3A_2429 = arith.addf %add3A_2423, %mul3A_2428 : vector<16xf32>
      %broadcast_in_dim3A_2430 = arith.constant 19 : i32
      %broadcast_in_dim3A_2431 = vector.broadcast %broadcast_in_dim3A_2430 : i32 to vector<16xi32>
      %gather3A_2432 = tpu.vector_load_idx %arg9[%add3A_2303, %and3A_2308, %broadcast_in_dim3A_2431] : memref<32x8x64xf32, #tpu.memory_space<vmem>>[vector<16xi32>, vector<16xi32>, vector<16xi32>], vector<16xf32>,
      %gather3A_2433 = tpu.vector_load_idx %arg10[%add3A_2303, %and3A_2313, %broadcast_in_dim3A_2431] : memref<32x8x64xf32, #tpu.memory_space<vmem>>[vector<16xi32>, vector<16xi32>, vector<16xi32>], vector<16xf32>,
      %mul3A_2434 = arith.mulf %gather3A_2432, %gather3A_2433 : vector<16xf32>
      %add3A_2435 = arith.addf %add3A_2429, %mul3A_2434 : vector<16xf32>
      %broadcast_in_dim3A_2436 = arith.constant 20 : i32
      %broadcast_in_dim3A_2437 = vector.broadcast %broadcast_in_dim3A_2436 : i32 to vector<16xi32>
      %gather3A_2438 = tpu.vector_load_idx %arg9[%add3A_2303, %and3A_2308, %broadcast_in_dim3A_2437] : memref<32x8x64xf32, #tpu.memory_space<vmem>>[vector<16xi32>, vector<16xi32>, vector<16xi32>], vector<16xf32>,
      %gather3A_2439 = tpu.vector_load_idx %arg10[%add3A_2303, %and3A_2313, %broadcast_in_dim3A_2437] : memref<32x8x64xf32, #tpu.memory_space<vmem>>[vector<16xi32>, vector<16xi32>, vector<16xi32>], vector<16xf32>,
      %mul3A_2440 = arith.mulf %gather3A_2438, %gather3A_2439 : vector<16xf32>
      %add3A_2441 = arith.addf %add3A_2435, %mul3A_2440 : vector<16xf32>
      %broadcast_in_dim3A_2442 = arith.constant 21 : i32
      %broadcast_in_dim3A_2443 = vector.broadcast %broadcast_in_dim3A_2442 : i32 to vector<16xi32>
      %gather3A_2444 = tpu.vector_load_idx %arg9[%add3A_2303, %and3A_2308, %broadcast_in_dim3A_2443] : memref<32x8x64xf32, #tpu.memory_space<vmem>>[vector<16xi32>, vector<16xi32>, vector<16xi32>], vector<16xf32>,
      %gather3A_2445 = tpu.vector_load_idx %arg10[%add3A_2303, %and3A_2313, %broadcast_in_dim3A_2443] : memref<32x8x64xf32, #tpu.memory_space<vmem>>[vector<16xi32>, vector<16xi32>, vector<16xi32>], vector<16xf32>,
      %mul3A_2446 = arith.mulf %gather3A_2444, %gather3A_2445 : vector<16xf32>
      %add3A_2447 = arith.addf %add3A_2441, %mul3A_2446 : vector<16xf32>
      %broadcast_in_dim3A_2448 = arith.constant 22 : i32
      %broadcast_in_dim3A_2449 = vector.broadcast %broadcast_in_dim3A_2448 : i32 to vector<16xi32>
      %gather3A_2450 = tpu.vector_load_idx %arg9[%add3A_2303, %and3A_2308, %broadcast_in_dim3A_2449] : memref<32x8x64xf32, #tpu.memory_space<vmem>>[vector<16xi32>, vector<16xi32>, vector<16xi32>], vector<16xf32>,
      %gather3A_2451 = tpu.vector_load_idx %arg10[%add3A_2303, %and3A_2313, %broadcast_in_dim3A_2449] : memref<32x8x64xf32, #tpu.memory_space<vmem>>[vector<16xi32>, vector<16xi32>, vector<16xi32>], vector<16xf32>,
      %mul3A_2452 = arith.mulf %gather3A_2450, %gather3A_2451 : vector<16xf32>
      %add3A_2453 = arith.addf %add3A_2447, %mul3A_2452 : vector<16xf32>
      %broadcast_in_dim3A_2454 = arith.constant 23 : i32
      %broadcast_in_dim3A_2455 = vector.broadcast %broadcast_in_dim3A_2454 : i32 to vector<16xi32>
      %gather3A_2456 = tpu.vector_load_idx %arg9[%add3A_2303, %and3A_2308, %broadcast_in_dim3A_2455] : memref<32x8x64xf32, #tpu.memory_space<vmem>>[vector<16xi32>, vector<16xi32>, vector<16xi32>], vector<16xf32>,
      %gather3A_2457 = tpu.vector_load_idx %arg10[%add3A_2303, %and3A_2313, %broadcast_in_dim3A_2455] : memref<32x8x64xf32, #tpu.memory_space<vmem>>[vector<16xi32>, vector<16xi32>, vector<16xi32>], vector<16xf32>,
      %mul3A_2458 = arith.mulf %gather3A_2456, %gather3A_2457 : vector<16xf32>
      %add3A_2459 = arith.addf %add3A_2453, %mul3A_2458 : vector<16xf32>
      %broadcast_in_dim3A_2460 = arith.constant 24 : i32
      %broadcast_in_dim3A_2461 = vector.broadcast %broadcast_in_dim3A_2460 : i32 to vector<16xi32>
      %gather3A_2462 = tpu.vector_load_idx %arg9[%add3A_2303, %and3A_2308, %broadcast_in_dim3A_2461] : memref<32x8x64xf32, #tpu.memory_space<vmem>>[vector<16xi32>, vector<16xi32>, vector<16xi32>], vector<16xf32>,
      %gather3A_2463 = tpu.vector_load_idx %arg10[%add3A_2303, %and3A_2313, %broadcast_in_dim3A_2461] : memref<32x8x64xf32, #tpu.memory_space<vmem>>[vector<16xi32>, vector<16xi32>, vector<16xi32>], vector<16xf32>,
      %mul3A_2464 = arith.mulf %gather3A_2462, %gather3A_2463 : vector<16xf32>
      %add3A_2465 = arith.addf %add3A_2459, %mul3A_2464 : vector<16xf32>
      %broadcast_in_dim3A_2466 = arith.constant 25 : i32
      %broadcast_in_dim3A_2467 = vector.broadcast %broadcast_in_dim3A_2466 : i32 to vector<16xi32>
      %gather3A_2468 = tpu.vector_load_idx %arg9[%add3A_2303, %and3A_2308, %broadcast_in_dim3A_2467] : memref<32x8x64xf32, #tpu.memory_space<vmem>>[vector<16xi32>, vector<16xi32>, vector<16xi32>], vector<16xf32>,
      %gather3A_2469 = tpu.vector_load_idx %arg10[%add3A_2303, %and3A_2313, %broadcast_in_dim3A_2467] : memref<32x8x64xf32, #tpu.memory_space<vmem>>[vector<16xi32>, vector<16xi32>, vector<16xi32>], vector<16xf32>,
      %mul3A_2470 = arith.mulf %gather3A_2468, %gather3A_2469 : vector<16xf32>
      %add3A_2471 = arith.addf %add3A_2465, %mul3A_2470 : vector<16xf32>
      %broadcast_in_dim3A_2472 = arith.constant 26 : i32
      %broadcast_in_dim3A_2473 = vector.broadcast %broadcast_in_dim3A_2472 : i32 to vector<16xi32>
      %gather3A_2474 = tpu.vector_load_idx %arg9[%add3A_2303, %and3A_2308, %broadcast_in_dim3A_2473] : memref<32x8x64xf32, #tpu.memory_space<vmem>>[vector<16xi32>, vector<16xi32>, vector<16xi32>], vector<16xf32>,
      %gather3A_2475 = tpu.vector_load_idx %arg10[%add3A_2303, %and3A_2313, %broadcast_in_dim3A_2473] : memref<32x8x64xf32, #tpu.memory_space<vmem>>[vector<16xi32>, vector<16xi32>, vector<16xi32>], vector<16xf32>,
      %mul3A_2476 = arith.mulf %gather3A_2474, %gather3A_2475 : vector<16xf32>
      %add3A_2477 = arith.addf %add3A_2471, %mul3A_2476 : vector<16xf32>
      %broadcast_in_dim3A_2478 = arith.constant 27 : i32
      %broadcast_in_dim3A_2479 = vector.broadcast %broadcast_in_dim3A_2478 : i32 to vector<16xi32>
      %gather3A_2480 = tpu.vector_load_idx %arg9[%add3A_2303, %and3A_2308, %broadcast_in_dim3A_2479] : memref<32x8x64xf32, #tpu.memory_space<vmem>>[vector<16xi32>, vector<16xi32>, vector<16xi32>], vector<16xf32>,
      %gather3A_2481 = tpu.vector_load_idx %arg10[%add3A_2303, %and3A_2313, %broadcast_in_dim3A_2479] : memref<32x8x64xf32, #tpu.memory_space<vmem>>[vector<16xi32>, vector<16xi32>, vector<16xi32>], vector<16xf32>,
      %mul3A_2482 = arith.mulf %gather3A_2480, %gather3A_2481 : vector<16xf32>
      %add3A_2483 = arith.addf %add3A_2477, %mul3A_2482 : vector<16xf32>
      %broadcast_in_dim3A_2484 = arith.constant 28 : i32
      %broadcast_in_dim3A_2485 = vector.broadcast %broadcast_in_dim3A_2484 : i32 to vector<16xi32>
      %gather3A_2486 = tpu.vector_load_idx %arg9[%add3A_2303, %and3A_2308, %broadcast_in_dim3A_2485] : memref<32x8x64xf32, #tpu.memory_space<vmem>>[vector<16xi32>, vector<16xi32>, vector<16xi32>], vector<16xf32>,
      %gather3A_2487 = tpu.vector_load_idx %arg10[%add3A_2303, %and3A_2313, %broadcast_in_dim3A_2485] : memref<32x8x64xf32, #tpu.memory_space<vmem>>[vector<16xi32>, vector<16xi32>, vector<16xi32>], vector<16xf32>,
      %mul3A_2488 = arith.mulf %gather3A_2486, %gather3A_2487 : vector<16xf32>
      %add3A_2489 = arith.addf %add3A_2483, %mul3A_2488 : vector<16xf32>
      %broadcast_in_dim3A_2490 = arith.constant 29 : i32
      %broadcast_in_dim3A_2491 = vector.broadcast %broadcast_in_dim3A_2490 : i32 to vector<16xi32>
      %gather3A_2492 = tpu.vector_load_idx %arg9[%add3A_2303, %and3A_2308, %broadcast_in_dim3A_2491] : memref<32x8x64xf32, #tpu.memory_space<vmem>>[vector<16xi32>, vector<16xi32>, vector<16xi32>], vector<16xf32>,
      %gather3A_2493 = tpu.vector_load_idx %arg10[%add3A_2303, %and3A_2313, %broadcast_in_dim3A_2491] : memref<32x8x64xf32, #tpu.memory_space<vmem>>[vector<16xi32>, vector<16xi32>, vector<16xi32>], vector<16xf32>,
      %mul3A_2494 = arith.mulf %gather3A_2492, %gather3A_2493 : vector<16xf32>
      %add3A_2495 = arith.addf %add3A_2489, %mul3A_2494 : vector<16xf32>
      %broadcast_in_dim3A_2496 = arith.constant 30 : i32
      %broadcast_in_dim3A_2497 = vector.broadcast %broadcast_in_dim3A_2496 : i32 to vector<16xi32>
      %gather3A_2498 = tpu.vector_load_idx %arg9[%add3A_2303, %and3A_2308, %broadcast_in_dim3A_2497] : memref<32x8x64xf32, #tpu.memory_space<vmem>>[vector<16xi32>, vector<16xi32>, vector<16xi32>], vector<16xf32>,
      %gather3A_2499 = tpu.vector_load_idx %arg10[%add3A_2303, %and3A_2313, %broadcast_in_dim3A_2497] : memref<32x8x64xf32, #tpu.memory_space<vmem>>[vector<16xi32>, vector<16xi32>, vector<16xi32>], vector<16xf32>,
      %mul3A_2500 = arith.mulf %gather3A_2498, %gather3A_2499 : vector<16xf32>
      %add3A_2501 = arith.addf %add3A_2495, %mul3A_2500 : vector<16xf32>
      %broadcast_in_dim3A_2502 = arith.constant 31 : i32
      %broadcast_in_dim3A_2503 = vector.broadcast %broadcast_in_dim3A_2502 : i32 to vector<16xi32>
      %gather3A_2504 = tpu.vector_load_idx %arg9[%add3A_2303, %and3A_2308, %broadcast_in_dim3A_2503] : memref<32x8x64xf32, #tpu.memory_space<vmem>>[vector<16xi32>, vector<16xi32>, vector<16xi32>], vector<16xf32>,
      %gather3A_2505 = tpu.vector_load_idx %arg10[%add3A_2303, %and3A_2313, %broadcast_in_dim3A_2503] : memref<32x8x64xf32, #tpu.memory_space<vmem>>[vector<16xi32>, vector<16xi32>, vector<16xi32>], vector<16xf32>,
      %mul3A_2506 = arith.mulf %gather3A_2504, %gather3A_2505 : vector<16xf32>
      %add3A_2507 = arith.addf %add3A_2501, %mul3A_2506 : vector<16xf32>
      %broadcast_in_dim3A_2508 = arith.constant 32 : i32
      %broadcast_in_dim3A_2509 = vector.broadcast %broadcast_in_dim3A_2508 : i32 to vector<16xi32>
      %gather3A_2510 = tpu.vector_load_idx %arg9[%add3A_2303, %and3A_2308, %broadcast_in_dim3A_2509] : memref<32x8x64xf32, #tpu.memory_space<vmem>>[vector<16xi32>, vector<16xi32>, vector<16xi32>], vector<16xf32>,
      %gather3A_2511 = tpu.vector_load_idx %arg10[%add3A_2303, %and3A_2313, %broadcast_in_dim3A_2509] : memref<32x8x64xf32, #tpu.memory_space<vmem>>[vector<16xi32>, vector<16xi32>, vector<16xi32>], vector<16xf32>,
      %mul3A_2512 = arith.mulf %gather3A_2510, %gather3A_2511 : vector<16xf32>
      %add3A_2513 = arith.addf %add3A_2507, %mul3A_2512 : vector<16xf32>
      %broadcast_in_dim3A_2514 = arith.constant 33 : i32
      %broadcast_in_dim3A_2515 = vector.broadcast %broadcast_in_dim3A_2514 : i32 to vector<16xi32>
      %gather3A_2516 = tpu.vector_load_idx %arg9[%add3A_2303, %and3A_2308, %broadcast_in_dim3A_2515] : memref<32x8x64xf32, #tpu.memory_space<vmem>>[vector<16xi32>, vector<16xi32>, vector<16xi32>], vector<16xf32>,
      %gather3A_2517 = tpu.vector_load_idx %arg10[%add3A_2303, %and3A_2313, %broadcast_in_dim3A_2515] : memref<32x8x64xf32, #tpu.memory_space<vmem>>[vector<16xi32>, vector<16xi32>, vector<16xi32>], vector<16xf32>,
      %mul3A_2518 = arith.mulf %gather3A_2516, %gather3A_2517 : vector<16xf32>
      %add3A_2519 = arith.addf %add3A_2513, %mul3A_2518 : vector<16xf32>
      %broadcast_in_dim3A_2520 = arith.constant 34 : i32
      %broadcast_in_dim3A_2521 = vector.broadcast %broadcast_in_dim3A_2520 : i32 to vector<16xi32>
      %gather3A_2522 = tpu.vector_load_idx %arg9[%add3A_2303, %and3A_2308, %broadcast_in_dim3A_2521] : memref<32x8x64xf32, #tpu.memory_space<vmem>>[vector<16xi32>, vector<16xi32>, vector<16xi32>], vector<16xf32>,
      %gather3A_2523 = tpu.vector_load_idx %arg10[%add3A_2303, %and3A_2313, %broadcast_in_dim3A_2521] : memref<32x8x64xf32, #tpu.memory_space<vmem>>[vector<16xi32>, vector<16xi32>, vector<16xi32>], vector<16xf32>,
      %mul3A_2524 = arith.mulf %gather3A_2522, %gather3A_2523 : vector<16xf32>
      %add3A_2525 = arith.addf %add3A_2519, %mul3A_2524 : vector<16xf32>
      %broadcast_in_dim3A_2526 = arith.constant 35 : i32
      %broadcast_in_dim3A_2527 = vector.broadcast %broadcast_in_dim3A_2526 : i32 to vector<16xi32>
      %gather3A_2528 = tpu.vector_load_idx %arg9[%add3A_2303, %and3A_2308, %broadcast_in_dim3A_2527] : memref<32x8x64xf32, #tpu.memory_space<vmem>>[vector<16xi32>, vector<16xi32>, vector<16xi32>], vector<16xf32>,
      %gather3A_2529 = tpu.vector_load_idx %arg10[%add3A_2303, %and3A_2313, %broadcast_in_dim3A_2527] : memref<32x8x64xf32, #tpu.memory_space<vmem>>[vector<16xi32>, vector<16xi32>, vector<16xi32>], vector<16xf32>,
      %mul3A_2530 = arith.mulf %gather3A_2528, %gather3A_2529 : vector<16xf32>
      %add3A_2531 = arith.addf %add3A_2525, %mul3A_2530 : vector<16xf32>
      %broadcast_in_dim3A_2532 = arith.constant 36 : i32
      %broadcast_in_dim3A_2533 = vector.broadcast %broadcast_in_dim3A_2532 : i32 to vector<16xi32>
      %gather3A_2534 = tpu.vector_load_idx %arg9[%add3A_2303, %and3A_2308, %broadcast_in_dim3A_2533] : memref<32x8x64xf32, #tpu.memory_space<vmem>>[vector<16xi32>, vector<16xi32>, vector<16xi32>], vector<16xf32>,
      %gather3A_2535 = tpu.vector_load_idx %arg10[%add3A_2303, %and3A_2313, %broadcast_in_dim3A_2533] : memref<32x8x64xf32, #tpu.memory_space<vmem>>[vector<16xi32>, vector<16xi32>, vector<16xi32>], vector<16xf32>,
      %mul3A_2536 = arith.mulf %gather3A_2534, %gather3A_2535 : vector<16xf32>
      %add3A_2537 = arith.addf %add3A_2531, %mul3A_2536 : vector<16xf32>
      %broadcast_in_dim3A_2538 = arith.constant 37 : i32
      %broadcast_in_dim3A_2539 = vector.broadcast %broadcast_in_dim3A_2538 : i32 to vector<16xi32>
      %gather3A_2540 = tpu.vector_load_idx %arg9[%add3A_2303, %and3A_2308, %broadcast_in_dim3A_2539] : memref<32x8x64xf32, #tpu.memory_space<vmem>>[vector<16xi32>, vector<16xi32>, vector<16xi32>], vector<16xf32>,
      %gather3A_2541 = tpu.vector_load_idx %arg10[%add3A_2303, %and3A_2313, %broadcast_in_dim3A_2539] : memref<32x8x64xf32, #tpu.memory_space<vmem>>[vector<16xi32>, vector<16xi32>, vector<16xi32>], vector<16xf32>,
      %mul3A_2542 = arith.mulf %gather3A_2540, %gather3A_2541 : vector<16xf32>
      %add3A_2543 = arith.addf %add3A_2537, %mul3A_2542 : vector<16xf32>
      %broadcast_in_dim3A_2544 = arith.constant 38 : i32
      %broadcast_in_dim3A_2545 = vector.broadcast %broadcast_in_dim3A_2544 : i32 to vector<16xi32>
      %gather3A_2546 = tpu.vector_load_idx %arg9[%add3A_2303, %and3A_2308, %broadcast_in_dim3A_2545] : memref<32x8x64xf32, #tpu.memory_space<vmem>>[vector<16xi32>, vector<16xi32>, vector<16xi32>], vector<16xf32>,
      %gather3A_2547 = tpu.vector_load_idx %arg10[%add3A_2303, %and3A_2313, %broadcast_in_dim3A_2545] : memref<32x8x64xf32, #tpu.memory_space<vmem>>[vector<16xi32>, vector<16xi32>, vector<16xi32>], vector<16xf32>,
      %mul3A_2548 = arith.mulf %gather3A_2546, %gather3A_2547 : vector<16xf32>
      %add3A_2549 = arith.addf %add3A_2543, %mul3A_2548 : vector<16xf32>
      %broadcast_in_dim3A_2550 = arith.constant 39 : i32
      %broadcast_in_dim3A_2551 = vector.broadcast %broadcast_in_dim3A_2550 : i32 to vector<16xi32>
      %gather3A_2552 = tpu.vector_load_idx %arg9[%add3A_2303, %and3A_2308, %broadcast_in_dim3A_2551] : memref<32x8x64xf32, #tpu.memory_space<vmem>>[vector<16xi32>, vector<16xi32>, vector<16xi32>], vector<16xf32>,
      %gather3A_2553 = tpu.vector_load_idx %arg10[%add3A_2303, %and3A_2313, %broadcast_in_dim3A_2551] : memref<32x8x64xf32, #tpu.memory_space<vmem>>[vector<16xi32>, vector<16xi32>, vector<16xi32>], vector<16xf32>,
      %mul3A_2554 = arith.mulf %gather3A_2552, %gather3A_2553 : vector<16xf32>
      %add3A_2555 = arith.addf %add3A_2549, %mul3A_2554 : vector<16xf32>
      %broadcast_in_dim3A_2556 = arith.constant 40 : i32
      %broadcast_in_dim3A_2557 = vector.broadcast %broadcast_in_dim3A_2556 : i32 to vector<16xi32>
      %gather3A_2558 = tpu.vector_load_idx %arg9[%add3A_2303, %and3A_2308, %broadcast_in_dim3A_2557] : memref<32x8x64xf32, #tpu.memory_space<vmem>>[vector<16xi32>, vector<16xi32>, vector<16xi32>], vector<16xf32>,
      %gather3A_2559 = tpu.vector_load_idx %arg10[%add3A_2303, %and3A_2313, %broadcast_in_dim3A_2557] : memref<32x8x64xf32, #tpu.memory_space<vmem>>[vector<16xi32>, vector<16xi32>, vector<16xi32>], vector<16xf32>,
      %mul3A_2560 = arith.mulf %gather3A_2558, %gather3A_2559 : vector<16xf32>
      %add3A_2561 = arith.addf %add3A_2555, %mul3A_2560 : vector<16xf32>
      %broadcast_in_dim3A_2562 = arith.constant 41 : i32
      %broadcast_in_dim3A_2563 = vector.broadcast %broadcast_in_dim3A_2562 : i32 to vector<16xi32>
      %gather3A_2564 = tpu.vector_load_idx %arg9[%add3A_2303, %and3A_2308, %broadcast_in_dim3A_2563] : memref<32x8x64xf32, #tpu.memory_space<vmem>>[vector<16xi32>, vector<16xi32>, vector<16xi32>], vector<16xf32>,
      %gather3A_2565 = tpu.vector_load_idx %arg10[%add3A_2303, %and3A_2313, %broadcast_in_dim3A_2563] : memref<32x8x64xf32, #tpu.memory_space<vmem>>[vector<16xi32>, vector<16xi32>, vector<16xi32>], vector<16xf32>,
      %mul3A_2566 = arith.mulf %gather3A_2564, %gather3A_2565 : vector<16xf32>
      %add3A_2567 = arith.addf %add3A_2561, %mul3A_2566 : vector<16xf32>
      %broadcast_in_dim3A_2568 = arith.constant 42 : i32
      %broadcast_in_dim3A_2569 = vector.broadcast %broadcast_in_dim3A_2568 : i32 to vector<16xi32>
      %gather3A_2570 = tpu.vector_load_idx %arg9[%add3A_2303, %and3A_2308, %broadcast_in_dim3A_2569] : memref<32x8x64xf32, #tpu.memory_space<vmem>>[vector<16xi32>, vector<16xi32>, vector<16xi32>], vector<16xf32>,
      %gather3A_2571 = tpu.vector_load_idx %arg10[%add3A_2303, %and3A_2313, %broadcast_in_dim3A_2569] : memref<32x8x64xf32, #tpu.memory_space<vmem>>[vector<16xi32>, vector<16xi32>, vector<16xi32>], vector<16xf32>,
      %mul3A_2572 = arith.mulf %gather3A_2570, %gather3A_2571 : vector<16xf32>
      %add3A_2573 = arith.addf %add3A_2567, %mul3A_2572 : vector<16xf32>
      %broadcast_in_dim3A_2574 = arith.constant 43 : i32
      %broadcast_in_dim3A_2575 = vector.broadcast %broadcast_in_dim3A_2574 : i32 to vector<16xi32>
      %gather3A_2576 = tpu.vector_load_idx %arg9[%add3A_2303, %and3A_2308, %broadcast_in_dim3A_2575] : memref<32x8x64xf32, #tpu.memory_space<vmem>>[vector<16xi32>, vector<16xi32>, vector<16xi32>], vector<16xf32>,
      %gather3A_2577 = tpu.vector_load_idx %arg10[%add3A_2303, %and3A_2313, %broadcast_in_dim3A_2575] : memref<32x8x64xf32, #tpu.memory_space<vmem>>[vector<16xi32>, vector<16xi32>, vector<16xi32>], vector<16xf32>,
      %mul3A_2578 = arith.mulf %gather3A_2576, %gather3A_2577 : vector<16xf32>
      %add3A_2579 = arith.addf %add3A_2573, %mul3A_2578 : vector<16xf32>
      %broadcast_in_dim3A_2580 = arith.constant 44 : i32
      %broadcast_in_dim3A_2581 = vector.broadcast %broadcast_in_dim3A_2580 : i32 to vector<16xi32>
      %gather3A_2582 = tpu.vector_load_idx %arg9[%add3A_2303, %and3A_2308, %broadcast_in_dim3A_2581] : memref<32x8x64xf32, #tpu.memory_space<vmem>>[vector<16xi32>, vector<16xi32>, vector<16xi32>], vector<16xf32>,
      %gather3A_2583 = tpu.vector_load_idx %arg10[%add3A_2303, %and3A_2313, %broadcast_in_dim3A_2581] : memref<32x8x64xf32, #tpu.memory_space<vmem>>[vector<16xi32>, vector<16xi32>, vector<16xi32>], vector<16xf32>,
      %mul3A_2584 = arith.mulf %gather3A_2582, %gather3A_2583 : vector<16xf32>
      %add3A_2585 = arith.addf %add3A_2579, %mul3A_2584 : vector<16xf32>
      %broadcast_in_dim3A_2586 = arith.constant 45 : i32
      %broadcast_in_dim3A_2587 = vector.broadcast %broadcast_in_dim3A_2586 : i32 to vector<16xi32>
      %gather3A_2588 = tpu.vector_load_idx %arg9[%add3A_2303, %and3A_2308, %broadcast_in_dim3A_2587] : memref<32x8x64xf32, #tpu.memory_space<vmem>>[vector<16xi32>, vector<16xi32>, vector<16xi32>], vector<16xf32>,
      %gather3A_2589 = tpu.vector_load_idx %arg10[%add3A_2303, %and3A_2313, %broadcast_in_dim3A_2587] : memref<32x8x64xf32, #tpu.memory_space<vmem>>[vector<16xi32>, vector<16xi32>, vector<16xi32>], vector<16xf32>,
      %mul3A_2590 = arith.mulf %gather3A_2588, %gather3A_2589 : vector<16xf32>
      %add3A_2591 = arith.addf %add3A_2585, %mul3A_2590 : vector<16xf32>
      %broadcast_in_dim3A_2592 = arith.constant 46 : i32
      %broadcast_in_dim3A_2593 = vector.broadcast %broadcast_in_dim3A_2592 : i32 to vector<16xi32>
      %gather3A_2594 = tpu.vector_load_idx %arg9[%add3A_2303, %and3A_2308, %broadcast_in_dim3A_2593] : memref<32x8x64xf32, #tpu.memory_space<vmem>>[vector<16xi32>, vector<16xi32>, vector<16xi32>], vector<16xf32>,
      %gather3A_2595 = tpu.vector_load_idx %arg10[%add3A_2303, %and3A_2313, %broadcast_in_dim3A_2593] : memref<32x8x64xf32, #tpu.memory_space<vmem>>[vector<16xi32>, vector<16xi32>, vector<16xi32>], vector<16xf32>,
      %mul3A_2596 = arith.mulf %gather3A_2594, %gather3A_2595 : vector<16xf32>
      %add3A_2597 = arith.addf %add3A_2591, %mul3A_2596 : vector<16xf32>
      %broadcast_in_dim3A_2598 = arith.constant 47 : i32
      %broadcast_in_dim3A_2599 = vector.broadcast %broadcast_in_dim3A_2598 : i32 to vector<16xi32>
      %gather3A_2600 = tpu.vector_load_idx %arg9[%add3A_2303, %and3A_2308, %broadcast_in_dim3A_2599] : memref<32x8x64xf32, #tpu.memory_space<vmem>>[vector<16xi32>, vector<16xi32>, vector<16xi32>], vector<16xf32>,
      %gather3A_2601 = tpu.vector_load_idx %arg10[%add3A_2303, %and3A_2313, %broadcast_in_dim3A_2599] : memref<32x8x64xf32, #tpu.memory_space<vmem>>[vector<16xi32>, vector<16xi32>, vector<16xi32>], vector<16xf32>,
      %mul3A_2602 = arith.mulf %gather3A_2600, %gather3A_2601 : vector<16xf32>
      %add3A_2603 = arith.addf %add3A_2597, %mul3A_2602 : vector<16xf32>
      %broadcast_in_dim3A_2604 = arith.constant 48 : i32
      %broadcast_in_dim3A_2605 = vector.broadcast %broadcast_in_dim3A_2604 : i32 to vector<16xi32>
      %gather3A_2606 = tpu.vector_load_idx %arg9[%add3A_2303, %and3A_2308, %broadcast_in_dim3A_2605] : memref<32x8x64xf32, #tpu.memory_space<vmem>>[vector<16xi32>, vector<16xi32>, vector<16xi32>], vector<16xf32>,
      %gather3A_2607 = tpu.vector_load_idx %arg10[%add3A_2303, %and3A_2313, %broadcast_in_dim3A_2605] : memref<32x8x64xf32, #tpu.memory_space<vmem>>[vector<16xi32>, vector<16xi32>, vector<16xi32>], vector<16xf32>,
      %mul3A_2608 = arith.mulf %gather3A_2606, %gather3A_2607 : vector<16xf32>
      %add3A_2609 = arith.addf %add3A_2603, %mul3A_2608 : vector<16xf32>
      %broadcast_in_dim3A_2610 = arith.constant 49 : i32
      %broadcast_in_dim3A_2611 = vector.broadcast %broadcast_in_dim3A_2610 : i32 to vector<16xi32>
      %gather3A_2612 = tpu.vector_load_idx %arg9[%add3A_2303, %and3A_2308, %broadcast_in_dim3A_2611] : memref<32x8x64xf32, #tpu.memory_space<vmem>>[vector<16xi32>, vector<16xi32>, vector<16xi32>], vector<16xf32>,
      %gather3A_2613 = tpu.vector_load_idx %arg10[%add3A_2303, %and3A_2313, %broadcast_in_dim3A_2611] : memref<32x8x64xf32, #tpu.memory_space<vmem>>[vector<16xi32>, vector<16xi32>, vector<16xi32>], vector<16xf32>,
      %mul3A_2614 = arith.mulf %gather3A_2612, %gather3A_2613 : vector<16xf32>
      %add3A_2615 = arith.addf %add3A_2609, %mul3A_2614 : vector<16xf32>
      %broadcast_in_dim3A_2616 = arith.constant 50 : i32
      %broadcast_in_dim3A_2617 = vector.broadcast %broadcast_in_dim3A_2616 : i32 to vector<16xi32>
      %gather3A_2618 = tpu.vector_load_idx %arg9[%add3A_2303, %and3A_2308, %broadcast_in_dim3A_2617] : memref<32x8x64xf32, #tpu.memory_space<vmem>>[vector<16xi32>, vector<16xi32>, vector<16xi32>], vector<16xf32>,
      %gather3A_2619 = tpu.vector_load_idx %arg10[%add3A_2303, %and3A_2313, %broadcast_in_dim3A_2617] : memref<32x8x64xf32, #tpu.memory_space<vmem>>[vector<16xi32>, vector<16xi32>, vector<16xi32>], vector<16xf32>,
      %mul3A_2620 = arith.mulf %gather3A_2618, %gather3A_2619 : vector<16xf32>
      %add3A_2621 = arith.addf %add3A_2615, %mul3A_2620 : vector<16xf32>
      %broadcast_in_dim3A_2622 = arith.constant 51 : i32
      %broadcast_in_dim3A_2623 = vector.broadcast %broadcast_in_dim3A_2622 : i32 to vector<16xi32>
      %gather3A_2624 = tpu.vector_load_idx %arg9[%add3A_2303, %and3A_2308, %broadcast_in_dim3A_2623] : memref<32x8x64xf32, #tpu.memory_space<vmem>>[vector<16xi32>, vector<16xi32>, vector<16xi32>], vector<16xf32>,
      %gather3A_2625 = tpu.vector_load_idx %arg10[%add3A_2303, %and3A_2313, %broadcast_in_dim3A_2623] : memref<32x8x64xf32, #tpu.memory_space<vmem>>[vector<16xi32>, vector<16xi32>, vector<16xi32>], vector<16xf32>,
      %mul3A_2626 = arith.mulf %gather3A_2624, %gather3A_2625 : vector<16xf32>
      %add3A_2627 = arith.addf %add3A_2621, %mul3A_2626 : vector<16xf32>
      %broadcast_in_dim3A_2628 = arith.constant 52 : i32
      %broadcast_in_dim3A_2629 = vector.broadcast %broadcast_in_dim3A_2628 : i32 to vector<16xi32>
      %gather3A_2630 = tpu.vector_load_idx %arg9[%add3A_2303, %and3A_2308, %broadcast_in_dim3A_2629] : memref<32x8x64xf32, #tpu.memory_space<vmem>>[vector<16xi32>, vector<16xi32>, vector<16xi32>], vector<16xf32>,
      %gather3A_2631 = tpu.vector_load_idx %arg10[%add3A_2303, %and3A_2313, %broadcast_in_dim3A_2629] : memref<32x8x64xf32, #tpu.memory_space<vmem>>[vector<16xi32>, vector<16xi32>, vector<16xi32>], vector<16xf32>,
      %mul3A_2632 = arith.mulf %gather3A_2630, %gather3A_2631 : vector<16xf32>
      %add3A_2633 = arith.addf %add3A_2627, %mul3A_2632 : vector<16xf32>
      %broadcast_in_dim3A_2634 = arith.constant 53 : i32
      %broadcast_in_dim3A_2635 = vector.broadcast %broadcast_in_dim3A_2634 : i32 to vector<16xi32>
      %gather3A_2636 = tpu.vector_load_idx %arg9[%add3A_2303, %and3A_2308, %broadcast_in_dim3A_2635] : memref<32x8x64xf32, #tpu.memory_space<vmem>>[vector<16xi32>, vector<16xi32>, vector<16xi32>], vector<16xf32>,
      %gather3A_2637 = tpu.vector_load_idx %arg10[%add3A_2303, %and3A_2313, %broadcast_in_dim3A_2635] : memref<32x8x64xf32, #tpu.memory_space<vmem>>[vector<16xi32>, vector<16xi32>, vector<16xi32>], vector<16xf32>,
      %mul3A_2638 = arith.mulf %gather3A_2636, %gather3A_2637 : vector<16xf32>
      %add3A_2639 = arith.addf %add3A_2633, %mul3A_2638 : vector<16xf32>
      %broadcast_in_dim3A_2640 = arith.constant 54 : i32
      %broadcast_in_dim3A_2641 = vector.broadcast %broadcast_in_dim3A_2640 : i32 to vector<16xi32>
      %gather3A_2642 = tpu.vector_load_idx %arg9[%add3A_2303, %and3A_2308, %broadcast_in_dim3A_2641] : memref<32x8x64xf32, #tpu.memory_space<vmem>>[vector<16xi32>, vector<16xi32>, vector<16xi32>], vector<16xf32>,
      %gather3A_2643 = tpu.vector_load_idx %arg10[%add3A_2303, %and3A_2313, %broadcast_in_dim3A_2641] : memref<32x8x64xf32, #tpu.memory_space<vmem>>[vector<16xi32>, vector<16xi32>, vector<16xi32>], vector<16xf32>,
      %mul3A_2644 = arith.mulf %gather3A_2642, %gather3A_2643 : vector<16xf32>
      %add3A_2645 = arith.addf %add3A_2639, %mul3A_2644 : vector<16xf32>
      %broadcast_in_dim3A_2646 = arith.constant 55 : i32
      %broadcast_in_dim3A_2647 = vector.broadcast %broadcast_in_dim3A_2646 : i32 to vector<16xi32>
      %gather3A_2648 = tpu.vector_load_idx %arg9[%add3A_2303, %and3A_2308, %broadcast_in_dim3A_2647] : memref<32x8x64xf32, #tpu.memory_space<vmem>>[vector<16xi32>, vector<16xi32>, vector<16xi32>], vector<16xf32>,
      %gather3A_2649 = tpu.vector_load_idx %arg10[%add3A_2303, %and3A_2313, %broadcast_in_dim3A_2647] : memref<32x8x64xf32, #tpu.memory_space<vmem>>[vector<16xi32>, vector<16xi32>, vector<16xi32>], vector<16xf32>,
      %mul3A_2650 = arith.mulf %gather3A_2648, %gather3A_2649 : vector<16xf32>
      %add3A_2651 = arith.addf %add3A_2645, %mul3A_2650 : vector<16xf32>
      %broadcast_in_dim3A_2652 = arith.constant 56 : i32
      %broadcast_in_dim3A_2653 = vector.broadcast %broadcast_in_dim3A_2652 : i32 to vector<16xi32>
      %gather3A_2654 = tpu.vector_load_idx %arg9[%add3A_2303, %and3A_2308, %broadcast_in_dim3A_2653] : memref<32x8x64xf32, #tpu.memory_space<vmem>>[vector<16xi32>, vector<16xi32>, vector<16xi32>], vector<16xf32>,
      %gather3A_2655 = tpu.vector_load_idx %arg10[%add3A_2303, %and3A_2313, %broadcast_in_dim3A_2653] : memref<32x8x64xf32, #tpu.memory_space<vmem>>[vector<16xi32>, vector<16xi32>, vector<16xi32>], vector<16xf32>,
      %mul3A_2656 = arith.mulf %gather3A_2654, %gather3A_2655 : vector<16xf32>
      %add3A_2657 = arith.addf %add3A_2651, %mul3A_2656 : vector<16xf32>
      %broadcast_in_dim3A_2658 = arith.constant 57 : i32
      %broadcast_in_dim3A_2659 = vector.broadcast %broadcast_in_dim3A_2658 : i32 to vector<16xi32>
      %gather3A_2660 = tpu.vector_load_idx %arg9[%add3A_2303, %and3A_2308, %broadcast_in_dim3A_2659] : memref<32x8x64xf32, #tpu.memory_space<vmem>>[vector<16xi32>, vector<16xi32>, vector<16xi32>], vector<16xf32>,
      %gather3A_2661 = tpu.vector_load_idx %arg10[%add3A_2303, %and3A_2313, %broadcast_in_dim3A_2659] : memref<32x8x64xf32, #tpu.memory_space<vmem>>[vector<16xi32>, vector<16xi32>, vector<16xi32>], vector<16xf32>,
      %mul3A_2662 = arith.mulf %gather3A_2660, %gather3A_2661 : vector<16xf32>
      %add3A_2663 = arith.addf %add3A_2657, %mul3A_2662 : vector<16xf32>
      %broadcast_in_dim3A_2664 = arith.constant 58 : i32
      %broadcast_in_dim3A_2665 = vector.broadcast %broadcast_in_dim3A_2664 : i32 to vector<16xi32>
      %gather3A_2666 = tpu.vector_load_idx %arg9[%add3A_2303, %and3A_2308, %broadcast_in_dim3A_2665] : memref<32x8x64xf32, #tpu.memory_space<vmem>>[vector<16xi32>, vector<16xi32>, vector<16xi32>], vector<16xf32>,
      %gather3A_2667 = tpu.vector_load_idx %arg10[%add3A_2303, %and3A_2313, %broadcast_in_dim3A_2665] : memref<32x8x64xf32, #tpu.memory_space<vmem>>[vector<16xi32>, vector<16xi32>, vector<16xi32>], vector<16xf32>,
      %mul3A_2668 = arith.mulf %gather3A_2666, %gather3A_2667 : vector<16xf32>
      %add3A_2669 = arith.addf %add3A_2663, %mul3A_2668 : vector<16xf32>
      %broadcast_in_dim3A_2670 = arith.constant 59 : i32
      %broadcast_in_dim3A_2671 = vector.broadcast %broadcast_in_dim3A_2670 : i32 to vector<16xi32>
      %gather3A_2672 = tpu.vector_load_idx %arg9[%add3A_2303, %and3A_2308, %broadcast_in_dim3A_2671] : memref<32x8x64xf32, #tpu.memory_space<vmem>>[vector<16xi32>, vector<16xi32>, vector<16xi32>], vector<16xf32>,
      %gather3A_2673 = tpu.vector_load_idx %arg10[%add3A_2303, %and3A_2313, %broadcast_in_dim3A_2671] : memref<32x8x64xf32, #tpu.memory_space<vmem>>[vector<16xi32>, vector<16xi32>, vector<16xi32>], vector<16xf32>,
      %mul3A_2674 = arith.mulf %gather3A_2672, %gather3A_2673 : vector<16xf32>
      %add3A_2675 = arith.addf %add3A_2669, %mul3A_2674 : vector<16xf32>
      %broadcast_in_dim3A_2676 = arith.constant 60 : i32
      %broadcast_in_dim3A_2677 = vector.broadcast %broadcast_in_dim3A_2676 : i32 to vector<16xi32>
      %gather3A_2678 = tpu.vector_load_idx %arg9[%add3A_2303, %and3A_2308, %broadcast_in_dim3A_2677] : memref<32x8x64xf32, #tpu.memory_space<vmem>>[vector<16xi32>, vector<16xi32>, vector<16xi32>], vector<16xf32>,
      %gather3A_2679 = tpu.vector_load_idx %arg10[%add3A_2303, %and3A_2313, %broadcast_in_dim3A_2677] : memref<32x8x64xf32, #tpu.memory_space<vmem>>[vector<16xi32>, vector<16xi32>, vector<16xi32>], vector<16xf32>,
      %mul3A_2680 = arith.mulf %gather3A_2678, %gather3A_2679 : vector<16xf32>
      %add3A_2681 = arith.addf %add3A_2675, %mul3A_2680 : vector<16xf32>
      %broadcast_in_dim3A_2682 = arith.constant 61 : i32
      %broadcast_in_dim3A_2683 = vector.broadcast %broadcast_in_dim3A_2682 : i32 to vector<16xi32>
      %gather3A_2684 = tpu.vector_load_idx %arg9[%add3A_2303, %and3A_2308, %broadcast_in_dim3A_2683] : memref<32x8x64xf32, #tpu.memory_space<vmem>>[vector<16xi32>, vector<16xi32>, vector<16xi32>], vector<16xf32>,
      %gather3A_2685 = tpu.vector_load_idx %arg10[%add3A_2303, %and3A_2313, %broadcast_in_dim3A_2683] : memref<32x8x64xf32, #tpu.memory_space<vmem>>[vector<16xi32>, vector<16xi32>, vector<16xi32>], vector<16xf32>,
      %mul3A_2686 = arith.mulf %gather3A_2684, %gather3A_2685 : vector<16xf32>
      %add3A_2687 = arith.addf %add3A_2681, %mul3A_2686 : vector<16xf32>
      %broadcast_in_dim3A_2688 = arith.constant 62 : i32
      %broadcast_in_dim3A_2689 = vector.broadcast %broadcast_in_dim3A_2688 : i32 to vector<16xi32>
      %gather3A_2690 = tpu.vector_load_idx %arg9[%add3A_2303, %and3A_2308, %broadcast_in_dim3A_2689] : memref<32x8x64xf32, #tpu.memory_space<vmem>>[vector<16xi32>, vector<16xi32>, vector<16xi32>], vector<16xf32>,
      %gather3A_2691 = tpu.vector_load_idx %arg10[%add3A_2303, %and3A_2313, %broadcast_in_dim3A_2689] : memref<32x8x64xf32, #tpu.memory_space<vmem>>[vector<16xi32>, vector<16xi32>, vector<16xi32>], vector<16xf32>,
      %mul3A_2692 = arith.mulf %gather3A_2690, %gather3A_2691 : vector<16xf32>
      %add3A_2693 = arith.addf %add3A_2687, %mul3A_2692 : vector<16xf32>
      %broadcast_in_dim3A_2694 = arith.constant 63 : i32
      %broadcast_in_dim3A_2695 = vector.broadcast %broadcast_in_dim3A_2694 : i32 to vector<16xi32>
      %gather3A_2696 = tpu.vector_load_idx %arg9[%add3A_2303, %and3A_2308, %broadcast_in_dim3A_2695] : memref<32x8x64xf32, #tpu.memory_space<vmem>>[vector<16xi32>, vector<16xi32>, vector<16xi32>], vector<16xf32>,
      %gather3A_2697 = tpu.vector_load_idx %arg10[%add3A_2303, %and3A_2313, %broadcast_in_dim3A_2695] : memref<32x8x64xf32, #tpu.memory_space<vmem>>[vector<16xi32>, vector<16xi32>, vector<16xi32>], vector<16xf32>,
      %mul3A_2698 = arith.mulf %gather3A_2696, %gather3A_2697 : vector<16xf32>
      %add3A_2699 = arith.addf %add3A_2693, %mul3A_2698 : vector<16xf32>
      %swap3A_2700 = arith.index_cast %add3A_2300 : i32 to index
      %swap3A_2701 = tpu.vector_load %arg11[%swap3A_2700] {strides = array<i32>} : memref<512xf32, #tpu.memory_space<vmem>>, vector<16xf32>,
      tpu.vector_store %arg11[%swap3A_2700], %add3A_2699 {strides = array<i32>} : memref<512xf32, #tpu.memory_space<vmem>>, vector<16xf32>,
    }
    %scan3A_7 = arith.constant 16 : i32
    "tpu.region"() ({
      %run_scoped3A = tpu.sem_alloc : memref<!tpu.dma_semaphore, #tpu.memory_space<semaphore_mem>>
      %dma_start3A = tpu.memref_slice %arg6[%mul3A_2] : memref<16384xf32, #tpu.memory_space<hbm>> -> memref<512xf32, #tpu.memory_space<hbm>>
      %dma_start3A_8 = tpu.memref_slice %arg6[%mul3A_2] : memref<16384xf32, #tpu.memory_space<hbm>> -> memref<512xf32, #tpu.memory_space<hbm>>
      tpu.enqueue_dma source(%arg11 : memref<512xf32, #tpu.memory_space<vmem>>) target(%dma_start3A_8 : memref<512xf32, #tpu.memory_space<hbm>>) target_semaphore(%run_scoped3A : memref<!tpu.dma_semaphore, #tpu.memory_space<semaphore_mem>>)
      %dma_wait3A = tpu.memref_slice %arg6[%mul3A_2] : memref<16384xf32, #tpu.memory_space<hbm>> -> memref<512xf32, #tpu.memory_space<hbm>>
      %dma_wait3A_9 = tpu.memref_slice %arg6[%mul3A_2] : memref<16384xf32, #tpu.memory_space<hbm>> -> memref<512xf32, #tpu.memory_space<hbm>>
      tpu.wait_dma2 semaphore(%run_scoped3A : memref<!tpu.dma_semaphore, #tpu.memory_space<semaphore_mem>>) src(%arg11 : memref<512xf32, #tpu.memory_space<vmem>>) dst(%dma_wait3A_9 : memref<512xf32, #tpu.memory_space<hbm>>)
      tpu.yield
    }) : () -> ()
    return
  }
}

</mosaic_0001>

<sc_bundles>
// kernel: kernel.3.cloned.1.call-start
scs
__scs_entry_jumppad:
0x0: {  	(pc) =	sbr.rel $0x88, $3  }
0x1: {  	(tag) =	ssettag $0x0;
	lr =	simm.s32 $0x1  }
0x2: {  	[smem:$0x3F9D] =	sst lr;
	_ =	strace $0xD0000000  }
0x3: {  	_ = 	snop  }
0x4: {  	_ = 	snop  }
0x5: {  	_ = 	snop  }
0x6: {  	_ = 	snop  }
0x7: {  	_ = 	snop  }
__scs_overlays_trampoline_lowered:
0x8: {  	[smem:$0x3FAC] =	sst s0  }
0x9: {  	[smem:$0x3FAD] =	sst s1  }
0xa: {  	[smem:$0x3FAE] =	sst s2  }
0xb: {  	[smem:$0x3FAF] =	sst s3  }
0xc: {  	[smem:$0x3FB0] =	sst s4  }
0xd: {  	[smem:$0x3FB1] =	sst s5  }
0xe: {  	[smem:$0x3FB2] =	sst s6  }
0xf: {  	[smem:$0x3FB3] =	sst s7  }
0x10: {  	[smem:$0x3FB4] =	sst s8  }
0x11: {  	[smem:$0x3FB5] =	sst s9;
	s0 =	simm.s32 @!p0 $0x0  }
0x12: {  	s1 =	sld [smem:$0x3F9B];
	s0 =	simm.s32 @p0 $0x1  }
0x13: {  	[smem:$0x3FB6] =	sst s0;
	s0 =	simm.s32 @!p1 $0x0  }
0x14: {  	s2 =	sld [smem:$0x3F9A];
	s0 =	simm.s32 @p1 $0x1  }
0x15: {  	[smem:$0x3FB7] =	sst s0;
	s0 =	simm.s32 @!p2 $0x0  }
0x16: {  	s3 =	sld [smem:$0x3FDB];
	s0 =	simm.s32 @p2 $0x1  }
0x17: {  	s4 =	simm.s32 $0x1BF5;
	[smem:$0x3FB9] =	sst s0  }
0x18: {  	s0 =	sld [smem:$0x3F9C];
	_ =	swait.ge [sflag:s4], $0x0  }
0x19: {  	s7 =	sld [smem:$0x3F9D]  }
0x1a: {  	s8 =	sadd.s32 $0xFFFFE003, lr  }
0x1b: {  	s9 =	sadd.s32 $0xFFFFFEF7, lr;
	s5 =	simm.s32 $0xFFFFFFFF;
	p2 =	slt.u32 s8, $0xFFFFF086  }
0x1c: {  	p1 =	slt.u32 s9, $0xF7A;
	s5 =	simm.s32 @!p2 $0x0  }
0x1d: {  	s5 =	simm.s32 @p1 $0x1;
	p0 =	seq.s32 s7, s2  }
0x1e: {  	s7 =	smul.u32 @!p0 $0xF7A, s2;
	p2 =	seq.s32 @!p0 s5, $0x0  }
0x1f: {  	s9 =	smul.u32 $0xF7A, s1;
	s8 =	simm.s32 @!p0 $0x1BF5;
	p2 =	por !p2, p0  }
0x20: {  	[sflag:s8] =	ssyncset.s32 @!p0 $0xFFFFF086;
	s6 =	sadd.s32 @!p0 s3, s7;
	s7 =	simm.s32 @!p0 $0x108  }
0x21: {  	s3 =	sadd.s32 s3, s9;
	s6 =	sadd.s32 @!p0 $0x88, s6;
	s7 =	simm.s32 @p2 $0x1082  }
0x22: {  	[simem:s7], [sflag:s8] =	dma.local @!p0 [hbm:s6], $0xF7A  }
0x23: {  	s9 =	sor.u32 $0xD0000000, s2;
	s6 =	simm.s32 $0x108;
	_ =	swait.ge @!p0 [sflag:s8], $0x0  }
0x24: {  	s3 =	sadd.s32 $0x88, s3;
	s6 =	simm.s32 @!p1 $0x1082;
	[sflag:s4] =	ssyncset.s32 $0xFFFFF086  }
0x25: {  	[simem:s6], [sflag:s4] =	dma.local [hbm:s3], $0xF7A  }
0x26: {  	[smem:$0x3F9D] =	sst s1;
	(tag) =	ssettag s2;
	_ =	strace s9  }
0x27: {  	s1 =	sld [smem:$0x3FAD]  }
0x28: {  	s2 =	sld [smem:$0x3FAE]  }
0x29: {  	s4 =	sld [smem:$0x3FB0]  }
0x2a: {  	p0 =	seq.s32 s5, $0x0;
	s5 =	sld [smem:$0x3FB1]  }
0x2b: {  	s6 =	sld [smem:$0x3FB2]  }
0x2c: {  	s7 =	sld [smem:$0x3FB3]  }
0x2d: {  	s3 =	simm.s32 $0x108;
	s8 =	sld [smem:$0x3FB4]  }
0x2e: {  	s3 =	simm.s32 @!p0 $0x1082;
	s9 =	sld [smem:$0x3FB5]  }
0x2f: {  	lr =	sadd.s32 s0, s3;
	s0 =	sld [smem:$0x3FAC]  }
0x30: {  	s3 =	sld [smem:$0x3FAF]  }
0x31: {  	[smem:$0x3FB8] =	sst s10  }
0x32: {  	s10 =	sld [smem:$0x3FB6];
	_ =	sdelay $0x3  }
0x33: {  	p0 =	seq.s32 s10, $0x1;
	s10 =	sld [smem:$0x3FB8];
	_ =	sdelay $0x3  }
0x34: {  	[smem:$0x3FB8] =	sst s10  }
0x35: {  	s10 =	sld [smem:$0x3FB7];
	_ =	sdelay $0x3  }
0x36: {  	p1 =	seq.s32 s10, $0x1;
	s10 =	sld [smem:$0x3FB8];
	_ =	sdelay $0x3  }
0x37: {  	[smem:$0x3FB8] =	sst s10  }
0x38: {  	s10 =	sld [smem:$0x3FB9]  }
0x39: {  	_ = 	snop;
	(pc) =	sbr.ind lr, $3  }
0x3a: {  	_ = 	snop  }
0x3b: {  	_ = 	snop  }
0x3c: {  	p2 =	seq.s32 s10, $0x1;
	s10 =	sld [smem:$0x3FB8]  }
0x3d: {  	_ =	shalt  }
0x3e: {  	_ =	shalt  }
0x3f: {  	_ =	shalt  }
0x40: {  	_ =	shalt  }
0x41: {  	_ =	shalt  }
0x42: {  	_ =	shalt  }
0x43: {  	_ =	shalt  }
0x44: {  	_ =	shalt  }
0x45: {  	_ =	shalt  }
0x46: {  	_ =	shalt  }
0x47: {  	_ =	shalt  }
0x48: {  	_ =	shalt  }
0x49: {  	_ =	shalt  }
0x4a: {  	_ =	shalt  }
0x4b: {  	_ =	shalt  }
0x4c: {  	_ =	shalt  }
0x4d: {  	_ =	shalt  }
0x4e: {  	_ =	shalt  }
0x4f: {  	_ =	shalt  }
0x50: {  	_ =	shalt  }
0x51: {  	_ =	shalt  }
0x52: {  	_ =	shalt  }
0x53: {  	_ =	shalt  }
0x54: {  	_ =	shalt  }
0x55: {  	_ =	shalt  }
0x56: {  	_ =	shalt  }
0x57: {  	_ =	shalt  }
0x58: {  	_ =	shalt  }
0x59: {  	_ =	shalt  }
0x5a: {  	_ =	shalt  }
0x5b: {  	_ =	shalt  }
0x5c: {  	_ =	shalt  }
0x5d: {  	_ =	shalt  }
0x5e: {  	_ =	shalt  }
0x5f: {  	_ =	shalt  }
0x60: {  	_ =	shalt  }
0x61: {  	_ =	shalt  }
0x62: {  	_ =	shalt  }
0x63: {  	_ =	shalt  }
0x64: {  	_ =	shalt  }
0x65: {  	_ =	shalt  }
0x66: {  	_ =	shalt  }
0x67: {  	_ =	shalt  }
0x68: {  	_ =	shalt  }
0x69: {  	_ =	shalt  }
0x6a: {  	_ =	shalt  }
0x6b: {  	_ =	shalt  }
0x6c: {  	_ =	shalt  }
0x6d: {  	_ =	shalt  }
0x6e: {  	_ =	shalt  }
0x6f: {  	_ =	shalt  }
0x70: {  	_ =	shalt  }
0x71: {  	_ =	shalt  }
0x72: {  	_ =	shalt  }
0x73: {  	_ =	shalt  }
0x74: {  	_ =	shalt  }
0x75: {  	_ =	shalt  }
0x76: {  	_ =	shalt  }
0x77: {  	_ =	shalt  }
0x78: {  	_ =	shalt  }
0x79: {  	_ =	shalt  }
0x7a: {  	_ =	shalt  }
0x7b: {  	_ =	shalt  }
0x7c: {  	_ =	shalt  }
0x7d: {  	_ =	shalt  }
0x7e: {  	_ =	shalt  }
0x7f: {  	_ =	shalt  }
0x80: {  	_ =	shalt  }
0x81: {  	_ =	shalt  }
0x82: {  	_ =	shalt  }
0x83: {  	_ =	shalt  }
0x84: {  	_ =	shalt  }
0x85: {  	_ =	shalt  }
0x86: {  	_ =	shalt  }
0x87: {  	_ =	shalt  }
.Lfunc_end0:
.L_simem_size_0:
called_computation_lowered:
.L_overlay_start_0:
0x88: {  	s2 =	sld [smem:$0x3FD9]  }
0x89: {  	s3 =	sld [smem:$0x3FFE];
	_ =	sdelay $0x1  }
0x8a: {  	s1 =	srdreg.scid  }
0x8b: {  	s0 =	sand.u32 $0x1, s1  }
0x8c: {  	s17 =	sshll.u32 s0, $0xA;
	s2 =	sadd.s32 s3, s2  }
0x8d: {  	s2 =	sadd.s32 s2, s17  }
0x8e: {  	[smem:$0x3FC4] =	sst s2  }
0x8f: {  	_ = 	snop  }
0x90: {  	s2 =	sld [smem:$0x3FC9]  }
0x91: {  	s18 =	sld [smem:$0x3FC8]  }
0x92: {  	s4 =	sld [smem:$0x3FD0];
	(tm) =	ssettm $0x1  }
0x93: {  	s5 =	sld [smem:$0x3FFB];
	_ =	sdelay $0x3  }
0x94: {  	_ =	strace s5  }
0x95: {  	s5 =	sld [smem:$0x3FFC];
	_ =	sdelay $0x3  }
0x96: {  	_ =	strace s5  }
0x97: {  	s5 =	sld [smem:$0x3FFD];
	_ =	sdelay $0x3  }
0x98: {  	_ =	strace s5  }
0x99: {  	_ =	strace $0x8FFFFFFF  }
0x9a: {  	s19 =	sld [smem:$0x3FDB];
	_ =	sdelay $0x1  }
0x9b: {  	s6 =	simm.s32 $_scs_section_size  }
0x9c: {  	s7 =	simm.s32 $_size__tile_overlayer_lowered;
	s8 =	simm.s32 $_tile_overlayer_lowered  }
0x9d: {  	s22 =	simm.s32 $0x1BFF;
	s21 =	sshll.u32 s8, $0x1;
	s5 =	sadd.s32 s6, s19  }
0x9e: {  	s9 =	simm.s32 $0x0;
	s20 =	sshll.u32 s7, $0x1;
	s7 =	sadd.s32 s21, s5  }
0x9f: {  	[timem:s9], [sflag:s22] =	dma.local [hbm:s7], s20  }
0xa0: {  	_ =	swait.ge [sflag:s22], s20  }
0xa1: {  	s6 =	ssub.s32 $0x0, s20;
	[sflag:s22] =	ssyncset.done $0x0  }
0xa2: {  	[sflag:s22] =	ssyncadd.s32 s6;
	_ =	sdelay $0x1  }
0xa3: {  	s23 =	simm.s32 $0x1B8B  }
0xa4: {  	_ =	swait.ge [sflag:s23], $0x1  }
0xa5: {  	[sflag:s23] =	ssyncset.done $0x0  }
0xa6: {  	s25 =	simm.s32 $0x1B8E;
	s24 =	sld [smem:$0x3FFE];
	[sflag:s23] =	ssyncadd.s32 $0xFFFFFFFF  }
0xa7: {  	s26 =	simm.s32 $execute0_lowered;
	[smem:$0x3FD2] =	sst s25  }
0xa8: {  	s7 =	sshll.u32 s26, $0x1;
	_ =	strace $0x80000046;
	[dreg:$0x1] =	wrdreg $0xFFFFFFFF  }
0xa9: {  	s28 =	simm.s32 $_size_execute0_lowered;
	s5 =	sadd.s32 s5, s7;
	[dreg:$0x0] =	wrdreg $0x0  }
0xaa: {  	s7 =	sshll.u32 s28, $0x1;
	[dreg:$0x2] =	wrdreg s5  }
0xab: {  	[dreg:$0x3] =	wrdreg s7  }
0xac: {  	[dreg:$0x4] =	wrdreg $0xC0  }
0xad: {  	_ =	task [dreg:s9], $0x5FFFF  }
0xae: {  	[dreg:$0x1] =	wrdreg $0xFFFFFFFF  }
0xaf: {  	[dreg:$0x0] =	wrdreg $0x60  }
0xb0: {  	[dreg:$0x2] =	wrdreg s2  }
0xb1: {  	[dreg:$0x3] =	wrdreg s18  }
0xb2: {  	[dreg:$0x4] =	wrdreg s24  }
0xb3: {  	[dreg:$0x5] =	wrdreg s4  }
0xb4: {  	[dreg:$0x6] =	wrdreg $0x9  }
0xb5: {  	_ =	task.clear_ibuf [dreg:s9], $0x7FFFF;
	_ =	strace $0x90000046  }
0xb6: {  	s29 =	simm.s32 $0x9;
	_ =	strace $0x80000048  }
0xb7: {  	_ =	swait.ge [sflag:s29], $0x1  }
0xb8: {  	[sflag:s29] =	ssyncadd.s32 $0xFFFFFFFF  }
0xb9: {  	_ =	strace $0x90000048  }
0xba: {  	_ =	sfence  }
0xbb: {  	s30 =	sld [smem:$0x0];
	_ =	sdelay $0x2  }
0xbc: {  	s31 =	sshll.u32 s1, $0xD;
	s1 =	sshrl.u32 s1, $0x2  }
0xbd: {  	s3 =	sand.u32 $0x4000, s31;
	s1 =	sadd.s32 s1, s30  }
0xbe: {  	s0 =	sor.u32 s3, s0;
	s1 =	sshll.u32 s1, $0x11  }
0xbf: {  	s0 =	sor.u32 s1, s0  }
0xc0: {  	s0 =	sadd.s32 $0x8F2B, s0  }
0xc1: {  	[sflag:s0] =	ssyncadd.remote.s32 $0x1  }
0xc2: {  	_ =	sfence.sel $0xFFFF  }
0xc3: {  	[dreg:$0x0] =	wrdreg $0xFFFFFFFF;
	(pc) =	sbr.abs _section_cstart, $3  }
0xc4: {  	[dreg:$0x1] =	wrdreg $0xFFFFFFFF  }
0xc5: {  	_ =	task.clear_ibuf [dreg:s9], $0x2FFFF;
	_ =	strace $0x9FFFFFFF  }
0xc6: {  	(tm) =	ssettm $0x7FFFFFFF  }
0xc7: {  	_ =	shalt  }
tec
execute0_lowered:
.L_overlay_start_1:
0x0: {  	(tag) =	ssettag $0x1  }
0x1: {  	s5 =	rddreg [dreg:$0x0]  }
0x2: {  	s6 =	rddreg [dreg:$0x1]  }
0x3: {  	s3 =	rddreg [dreg:$0x2]  }
0x4: {  	s7 =	rddreg [dreg:$0x3]  }
0x5: {  	s0 =	rddreg [dreg:$0x4];
	s1 =	simm.s32 $0x0  }
0x6: {  	s2 =	simm.s32 $0x800;
	[smem:$0x7FF] =	sst s1  }
0x7: {  	s20 =	simm.s32 $0x8800;
	_ =	strace $0x80000047;
	[dreg:$0x5] =	wrdreg s2  }
0x8: {  	s21 =	simm.s32 $0xC00;
	[dreg:$0x6] =	wrdreg s20  }
0x9: {  	s22 =	simm.s32 $0x8C00;
	[dreg:$0x7] =	wrdreg s21  }
0xa: {  	s23 =	simm.s32 $0x1000;
	[dreg:$0x8] =	wrdreg s22  }
0xb: {  	s24 =	simm.s32 $0x9000;
	[dreg:$0x9] =	wrdreg s23  }
0xc: {  	s25 =	simm.s32 $0x1400;
	[dreg:$0xa] =	wrdreg s24  }
0xd: {  	s26 =	simm.s32 $0x9400;
	[dreg:$0xb] =	wrdreg s25  }
0xe: {  	s28 =	simm.s32 $0x1800;
	[dreg:$0xc] =	wrdreg s26  }
0xf: {  	s29 =	simm.s32 $0x9800;
	[dreg:$0xd] =	wrdreg s28  }
0x10: {  	s30 =	simm.s32 $0x1C00;
	[dreg:$0xe] =	wrdreg s29  }
0x11: {  	s31 =	simm.s32 $0x9C00;
	[dreg:$0xf] =	wrdreg s30  }
0x12: {  	s4 =	simm.s32 $0x2000;
	[dreg:$0x10] =	wrdreg s31  }
0x13: {  	s8 =	simm.s32 $0xA000;
	[dreg:$0x11] =	wrdreg s4  }
0x14: {  	s9 =	simm.s32 $0x2400;
	[dreg:$0x12] =	wrdreg s8  }
0x15: {  	s10 =	simm.s32 $0xA400;
	[dreg:$0x13] =	wrdreg s9  }
0x16: {  	s11 =	simm.s32 $0x2800;
	[dreg:$0x14] =	wrdreg s10  }
0x17: {  	s12 =	simm.s32 $0xA800;
	[dreg:$0x15] =	wrdreg s11  }
0x18: {  	s13 =	simm.s32 $0x2C00;
	[dreg:$0x16] =	wrdreg s12  }
0x19: {  	s14 =	simm.s32 $0xAC00;
	[dreg:$0x17] =	wrdreg s13  }
0x1a: {  	s15 =	simm.s32 $0x3000;
	[dreg:$0x18] =	wrdreg s14  }
0x1b: {  	s16 =	simm.s32 $0xB000;
	[dreg:$0x19] =	wrdreg s15  }
0x1c: {  	s17 =	simm.s32 $0x3400;
	[dreg:$0x1a] =	wrdreg s16  }
0x1d: {  	s18 =	simm.s32 $0xB400;
	[dreg:$0x1b] =	wrdreg s17  }
0x1e: {  	s19 =	simm.s32 $0x3800;
	[dreg:$0x1c] =	wrdreg s18  }
0x1f: {  	[dreg:$0x1d] =	wrdreg s19;
	s20 =	simm.s32 $0xB800  }
0x20: {  	s21 =	simm.s32 $0x3C00;
	[dreg:$0x1e] =	wrdreg s20  }
0x21: {  	s22 =	simm.s32 $0xBC00;
	[dreg:$0x1f] =	wrdreg s21  }
0x22: {  	s23 =	simm.s32 $0x4000;
	[smem:$0x7DB] =	sst s22  }
0x23: {  	s24 =	simm.s32 $0xC000;
	[smem:$0x7DC] =	sst s23  }
0x24: {  	s25 =	simm.s32 $0x4400;
	[smem:$0x7DD] =	sst s24  }
0x25: {  	s26 =	simm.s32 $0xC400;
	[smem:$0x7DE] =	sst s25  }
0x26: {  	s28 =	simm.s32 $0x4800;
	[smem:$0x7DF] =	sst s26  }
0x27: {  	s29 =	simm.s32 $0xC800;
	[smem:$0x7E0] =	sst s28  }
0x28: {  	s30 =	simm.s32 $0x4C00;
	[smem:$0x7E1] =	sst s29  }
0x29: {  	s31 =	simm.s32 $0xCC00;
	[smem:$0x7E2] =	sst s30  }
0x2a: {  	s4 =	simm.s32 $0x5000;
	[smem:$0x7E3] =	sst s31  }
0x2b: {  	s8 =	simm.s32 $0xD000;
	[smem:$0x7E4] =	sst s4  }
0x2c: {  	s9 =	simm.s32 $0x5400;
	[smem:$0x7E5] =	sst s8  }
0x2d: {  	s10 =	simm.s32 $0xD400;
	[smem:$0x7E6] =	sst s9  }
0x2e: {  	s11 =	simm.s32 $0x5800;
	[smem:$0x7E7] =	sst s10  }
0x2f: {  	s12 =	simm.s32 $0xD800;
	[smem:$0x7E8] =	sst s11  }
0x30: {  	v0 =	vlaneseq.u32;
	s13 =	simm.s32 $0x5C00;
	[smem:$0x7E9] =	sst s12  }
0x31: {  	v0 =	vmul.u32 $0x400, v0;
	s14 =	simm.s32 $0xDC00;
	[smem:$0x7EA] =	sst s13  }
0x32: {  	s15 =	simm.s32 $0xE000;
	[smem:$0x7EB] =	sst s14  }
0x33: {  	s16 =	simm.s32 $0x6400;
	v6 =	vor.u32 $0x1, v0;
	[smem:$0x7ED] =	sst s15  }
0x34: {  	s2 =	sadd.s32 $0x400, s3;
	s17 =	simm.s32 $0x6800;
	v8 =	vor.u32 $0x2, v0;
	v10 =	vor.u32 $0x3, v0;
	v12 =	vor.u32 $0x4, v0;
	[smem:$0x7EE] =	sst s16  }
0x35: {  	s3 =	sadd.s32 $0xF42800, s3;
	s18 =	simm.s32 $0xE800;
	v14 =	vor.u32 $0x5, v0;
	v15 =	vor.u32 $0x6, v0;
	v24 =	vor.u32 $0x9, v0;
	[smem:$0x7F0] =	sst s17  }
0x36: {  	s19 =	simm.s32 $0x6C00;
	v25 =	vor.u32 $0xA, v0;
	v26 =	vor.u32 $0xB, v0;
	v27 =	vor.u32 $0xC, v0;
	[smem:$0x7F1] =	sst s18  }
0x37: {  	s4 =	simm.s32 $0x6000;
	v28 =	vor.u32 $0xD, v0;
	v29 =	vor.u32 $0xE, v0;
	v30 =	vor.u32 $0xF, v0;
	[smem:$0x7F2] =	sst s19  }
0x38: {  	s9 =	simm.s32 $0xE400;
	v31 =	vor.u32 $0x10, v0;
	v32 =	vor.u32 $0x11, v0;
	v1 =	vor.u32 $0x37, v0;
	[smem:$0x7EC] =	sst s4  }
0x39: {  	v33 =	vor.u32 $0x12, v0;
	v34 =	vor.u32 $0x13, v0;
	v35 =	vor.u32 $0x14, v0;
	s20 =	simm.s32 $0xEC00;
	[smem:$0x7EF] =	sst s9;
	[tilespmem:$0x1FF00] =	vst v1  }
0x3a: {  	v36 =	vor.u32 $0x15, v0;
	v37 =	vor.u32 $0x16, v0;
	v38 =	vor.u32 $0x17, v0;
	s21 =	simm.s32 $0x7000;
	[smem:$0x7F3] =	sst s20;
	[tilespmem:$0x1FF90] =	vst v6  }
0x3b: {  	v39 =	vor.u32 $0x18, v0;
	v40 =	vor.u32 $0x19, v0;
	v41 =	vor.u32 $0x1A, v0;
	s23 =	simm.s32 $0xF000;
	[smem:$0x7F4] =	sst s21;
	[tilespmem:$0x1FFA0] =	vst v8  }
0x3c: {  	v42 =	vor.u32 $0x1B, v0;
	v43 =	vor.u32 $0x1C, v0;
	v44 =	vor.u32 $0x1D, v0;
	s24 =	simm.s32 $0x7400;
	[smem:$0x7F5] =	sst s23;
	[tilespmem:$0x1FFB0] =	vst v10  }
0x3d: {  	v45 =	vor.u32 $0x1E, v0;
	v46 =	vor.u32 $0x1F, v0;
	v47 =	vor.u32 $0x20, v0;
	s25 =	simm.s32 $0xF400;
	[smem:$0x7F6] =	sst s24;
	[tilespmem:$0x1FFC0] =	vst v12  }
0x3e: {  	s8 =	srdreg.scid;
	v48 =	vor.u32 $0x21, v0;
	v49 =	vor.u32 $0x22, v0;
	v50 =	vor.u32 $0x23, v0;
	s26 =	simm.s32 $0x7800;
	[smem:$0x7F7] =	sst s25;
	[tilespmem:$0x1FFD0] =	vst v14  }
0x3f: {  	v51 =	vor.u32 $0x24, v0;
	s28 =	simm.s32 $0xF800;
	s29 =	simm.s32 $0x7C00;
	v22 =	vor.u32 $0x36, v0;
	[smem:$0x7F8] =	sst s26;
	[tilespmem:$0x1FFE0] =	vst v15  }
0x40: {  	v16 =	vor.u32 $0x7, v0;
	v52 =	vor.u32 $0x25, v0;
	s30 =	simm.s32 $0xFC00;
	s31 =	simm.s32 $0x8000;
	[smem:$0x7F9] =	sst s28;
	v1 =	vor.u32 $0x38, v0;
	[tilespmem:$0x1FFF0] =	vst v22  }
0x41: {  	v23 =	vor.u32 $0x8, v0;
	v53 =	vor.u32 $0x26, v0;
	s13 =	simm.s32 $0x10000;
	s12 =	simm.s32 $0x8400;
	[smem:$0x7FA] =	sst s29;
	[tilespmem:$0x1FF10] =	vst v1;
	v1 =	vor.u32 $0x39, v0  }
0x42: {  	v54 =	vor.u32 $0x27, v0;
	v55 =	vor.u32 $0x28, v0;
	s14 =	simm.s32 $0x10400;
	s15 =	simm.s32 $0x0;
	[smem:$0x7FB] =	sst s30;
	[tilespmem:$0x1FF20] =	vst v1;
	v1 =	vor.u32 $0x3A, v0  }
0x43: {  	v56 =	vor.u32 $0x29, v0;
	v57 =	vor.u32 $0x2A, v0;
	s4 =	stileid.u32;
	s8 =	sand.u32 $0x1, s8;
	[smem:$0x7FC] =	sst s31;
	[tilespmem:$0x1FF30] =	vst v1;
	v1 =	vor.u32 $0x3B, v0  }
0x44: {  	v58 =	vor.u32 $0x2B, v0;
	v59 =	vor.u32 $0x2C, v0;
	s9 =	simm.s32 $0x2;
	[smem:$0x7FD] =	sst s13;
	s10 =	ssub.s32 $0x2, s8;
	[tilespmem:$0x1FF40] =	vst v1;
	v1 =	vor.u32 $0x3C, v0  }
0x45: {  	v60 =	vor.u32 $0x2D, v0;
	v61 =	vor.u32 $0x2E, v0;
	s22 =	sshll.u32 s4, $0x7;
	s8 =	sshll.u32 s8, $0x6;
	s11 =	sshrl.u32 s10, $0x1;
	[tilespmem:$0x1FF50] =	vst v1;
	v1 =	vor.u32 $0x3D, v0  }
0x46: {  	v62 =	vor.u32 $0x2F, v0;
	v63 =	vor.u32 $0x30, v0;
	s13 =	simm.s32 $0x1;
	s8 =	sor.u32 s8, s22;
	s10 =	ssub.s32 s10, s11;
	[tilespmem:$0x1FF60] =	vst v1;
	v1 =	vor.u32 $0x3E, v0  }
0x47: {  	v17 =	vor.u32 $0x31, v0;
	v18 =	vor.u32 $0x32, v0;
	s5 =	sadd.s32 s5, s8;
	s6 =	sadd.s32 s6, s8;
	s7 =	sadd.s32 s7, s8;
	[tilespmem:$0x1FF70] =	vst v1;
	v1 =	vor.u32 $0x3F, v0  }
0x48: {  	v19 =	vor.u32 $0x33, v0;
	v20 =	vor.u32 $0x34, v0;
	v21 =	vor.u32 $0x35, v0;
	s11 =	simm.s32 $0x400;
	s8 =	smax.u32 s10, $0x1;
	s10 =	simm.s32 $0x200;
	[tilespmem:$0x1FF80] =	vst v1  }
.LBB2_1:
0x49: {  	[tilespmem:s1], [sflag:$0x2] =	stream.linear.gather [hbm4b:s5+s1], $0x200, $0x38;
	[tilespmem:$0x10600] =	vst v63  }
0x4a: {  	_ =	swait.ge [sflag:s9], $0x200  }
0x4b: {  	[sflag:s9] =	ssyncset.done $0x0  }
0x4c: {  	[sflag:s9] =	ssyncadd.s32 $0xFFFFFE00  }
0x4d: {  	[tilespmem:s10], [sflag:$0x2] =	stream.linear.gather [hbm4b:s6+s1], $0x200, $0x38;
	[tilespmem:$0x10600] =	vst v63  }
0x4e: {  	_ =	swait.ge [sflag:s9], $0x200  }
0x4f: {  	[sflag:s9] =	ssyncset.done $0x0  }
0x50: {  	s16 =	simm.s32 $0x0;
	[sflag:s9] =	ssyncadd.s32 $0xFFFFFE00  }
.LBB2_2:
0x51: {  	s17 =	sshra.s32 s16, $0x2  }
0x52: {  	v1 =	vld [tilespmem:s17+$0x0];
	_ =	sdelay $0x1  }
0x53: {  	v2 =	vld [tilespmem:s17+$0x200];
	_ =	sdelay $0x2  }
0x54: {  	v1 =	vand.u32 $0xFFFFFFF8, v1  }
0x55: {  	v1 =	vshll.u32 v1, $0x4  }
0x56: {  	v2 =	vand.u32 $0xFFFFFFF8, v2;
	v1 =	vadd.s32 s2, v1  }
0x57: {  	v2 =	vshll.u32 v2, $0x4;
	(v2sf) =	vpush v1, $0x0  }
0x58: {  	v2 =	vadd.s32 s3, v2  }
0x59: {  	(v2sf) =	vpush v2, $0x0;
	_ =	sdelay $0x1  }
0x5a: {  	(v2sf) =	vpush v1, $0x1;
	_ =	sdelay $0x1  }
0x5b: {  	(v2sf) =	vpush v2, $0x1;
	_ =	sdelay $0x1  }
0x5c: {  	(v2sf) =	vpush v1, $0x2;
	_ =	sdelay $0x1  }
0x5d: {  	(v2sf) =	vpush v2, $0x2;
	_ =	sdelay $0x1  }
0x5e: {  	(v2sf) =	vpush v1, $0x3;
	_ =	sdelay $0x1  }
0x5f: {  	(v2sf) =	vpush v2, $0x3  }
0x60: {  	s18 =	spop (v2sf)  }
0x61: {  	(v2sf) =	vpush v1, $0x4;
	[tilespmem:s11], [sflag:$0x1] =	stream.linear.gather [hbm4b:s18+s1], $0x400, $0x38;
	[tilespmem:$0x10600] =	vst v63  }
0x62: {  	s19 =	rddreg [dreg:$0x5];
	s23 =	spop (v2sf)  }
0x63: {  	(v2sf) =	vpush v2, $0x4;
	[tilespmem:s12], [sflag:$0x1] =	stream.linear.gather [hbm4b:s23+s1], $0x400, $0x38;
	[tilespmem:$0x10600] =	vst v63  }
0x64: {  	s20 =	rddreg [dreg:$0x6];
	s24 =	spop (v2sf)  }
0x65: {  	(v2sf) =	vpush v1, $0x5;
	[tilespmem:s19], [sflag:$0x1] =	stream.linear.gather [hbm4b:s24+s1], $0x400, $0x38;
	[tilespmem:$0x10600] =	vst v63  }
0x66: {  	s26 =	rddreg [dreg:$0x7];
	s25 =	spop (v2sf)  }
0x67: {  	(v2sf) =	vpush v2, $0x5;
	[tilespmem:s20], [sflag:$0x1] =	stream.linear.gather [hbm4b:s25+s1], $0x400, $0x38;
	[tilespmem:$0x10600] =	vst v63  }
0x68: {  	s29 =	rddreg [dreg:$0x8];
	s28 =	spop (v2sf)  }
0x69: {  	(v2sf) =	vpush v1, $0x6;
	[tilespmem:s26], [sflag:$0x1] =	stream.linear.gather [hbm4b:s28+s1], $0x400, $0x38;
	[tilespmem:$0x10600] =	vst v63  }
0x6a: {  	s31 =	rddreg [dreg:$0x9];
	s30 =	spop (v2sf)  }
0x6b: {  	(v2sf) =	vpush v2, $0x6;
	[tilespmem:s29], [sflag:$0x1] =	stream.linear.gather [hbm4b:s30+s1], $0x400, $0x38;
	[tilespmem:$0x10600] =	vst v63  }
0x6c: {  	s22 =	rddreg [dreg:$0xa];
	s21 =	spop (v2sf)  }
0x6d: {  	(v2sf) =	vpush v1, $0x7;
	[tilespmem:s31], [sflag:$0x1] =	stream.linear.gather [hbm4b:s21+s1], $0x400, $0x38;
	[tilespmem:$0x10600] =	vst v63  }
0x6e: {  	s24 =	rddreg [dreg:$0xb];
	s23 =	spop (v2sf)  }
0x6f: {  	(v2sf) =	vpush v2, $0x7;
	[tilespmem:s22], [sflag:$0x1] =	stream.linear.gather [hbm4b:s23+s1], $0x400, $0x38;
	[tilespmem:$0x10600] =	vst v63  }
0x70: {  	s26 =	rddreg [dreg:$0xc];
	s25 =	spop (v2sf)  }
0x71: {  	(v2sf) =	vpush v1, $0x8;
	[tilespmem:s24], [sflag:$0x1] =	stream.linear.gather [hbm4b:s25+s1], $0x400, $0x38;
	[tilespmem:$0x10600] =	vst v63  }
0x72: {  	s29 =	rddreg [dreg:$0xd];
	s28 =	spop (v2sf)  }
0x73: {  	(v2sf) =	vpush v2, $0x8;
	[tilespmem:s26], [sflag:$0x1] =	stream.linear.gather [hbm4b:s28+s1], $0x400, $0x38;
	[tilespmem:$0x10600] =	vst v63  }
0x74: {  	s31 =	rddreg [dreg:$0xe];
	s30 =	spop (v2sf)  }
0x75: {  	(v2sf) =	vpush v1, $0x9;
	[tilespmem:s29], [sflag:$0x1] =	stream.linear.gather [hbm4b:s30+s1], $0x400, $0x38;
	[tilespmem:$0x10600] =	vst v63  }
0x76: {  	s22 =	rddreg [dreg:$0xf];
	s21 =	spop (v2sf)  }
0x77: {  	(v2sf) =	vpush v2, $0x9;
	[tilespmem:s31], [sflag:$0x1] =	stream.linear.gather [hbm4b:s21+s1], $0x400, $0x38;
	[tilespmem:$0x10600] =	vst v63  }
0x78: {  	s24 =	rddreg [dreg:$0x10];
	s23 =	spop (v2sf)  }
0x79: {  	(v2sf) =	vpush v1, $0xA;
	[tilespmem:s22], [sflag:$0x1] =	stream.linear.gather [hbm4b:s23+s1], $0x400, $0x38;
	[tilespmem:$0x10600] =	vst v63  }
0x7a: {  	s26 =	rddreg [dreg:$0x11];
	s25 =	spop (v2sf)  }
0x7b: {  	(v2sf) =	vpush v2, $0xA;
	[tilespmem:s24], [sflag:$0x1] =	stream.linear.gather [hbm4b:s25+s1], $0x400, $0x38;
	[tilespmem:$0x10600] =	vst v63  }
0x7c: {  	s28 =	spop (v2sf);
	s29 =	rddreg [dreg:$0x12]  }
0x7d: {  	(v2sf) =	vpush v1, $0xB;
	[tilespmem:s26], [sflag:$0x1] =	stream.linear.gather [hbm4b:s28+s1], $0x400, $0x38;
	[tilespmem:$0x10600] =	vst v63  }
0x7e: {  	s30 =	spop (v2sf);
	s31 =	rddreg [dreg:$0x13]  }
0x7f: {  	(v2sf) =	vpush v2, $0xB;
	[tilespmem:s29], [sflag:$0x1] =	stream.linear.gather [hbm4b:s30+s1], $0x400, $0x38;
	[tilespmem:$0x10600] =	vst v63  }
0x80: {  	s22 =	rddreg [dreg:$0x14];
	s21 =	spop (v2sf)  }
0x81: {  	(v2sf) =	vpush v1, $0xC;
	[tilespmem:s31], [sflag:$0x1] =	stream.linear.gather [hbm4b:s21+s1], $0x400, $0x38;
	[tilespmem:$0x10600] =	vst v63  }
0x82: {  	s24 =	rddreg [dreg:$0x15];
	s23 =	spop (v2sf)  }
0x83: {  	(v2sf) =	vpush v2, $0xC;
	[tilespmem:s22], [sflag:$0x1] =	stream.linear.gather [hbm4b:s23+s1], $0x400, $0x38;
	[tilespmem:$0x10600] =	vst v63  }
0x84: {  	s26 =	rddreg [dreg:$0x16];
	s25 =	spop (v2sf)  }
0x85: {  	(v2sf) =	vpush v1, $0xD;
	[tilespmem:s24], [sflag:$0x1] =	stream.linear.gather [hbm4b:s25+s1], $0x400, $0x38;
	[tilespmem:$0x10600] =	vst v63  }
0x86: {  	s29 =	rddreg [dreg:$0x17];
	s28 =	spop (v2sf)  }
0x87: {  	(v2sf) =	vpush v2, $0xD;
	[tilespmem:s26], [sflag:$0x1] =	stream.linear.gather [hbm4b:s28+s1], $0x400, $0x38;
	[tilespmem:$0x10600] =	vst v63  }
0x88: {  	s31 =	rddreg [dreg:$0x18];
	s30 =	spop (v2sf)  }
0x89: {  	(v2sf) =	vpush v1, $0xE;
	[tilespmem:s29], [sflag:$0x1] =	stream.linear.gather [hbm4b:s30+s1], $0x400, $0x38;
	[tilespmem:$0x10600] =	vst v63  }
0x8a: {  	s21 =	spop (v2sf);
	s22 =	rddreg [dreg:$0x19]  }
0x8b: {  	(v2sf) =	vpush v2, $0xE;
	[tilespmem:s31], [sflag:$0x1] =	stream.linear.gather [hbm4b:s21+s1], $0x400, $0x38;
	[tilespmem:$0x10600] =	vst v63  }
0x8c: {  	s23 =	spop (v2sf);
	s24 =	rddreg [dreg:$0x1a]  }
0x8d: {  	(v2sf) =	vpush v1, $0xF;
	[tilespmem:s22], [sflag:$0x1] =	stream.linear.gather [hbm4b:s23+s1], $0x400, $0x38;
	[tilespmem:$0x10600] =	vst v63  }
0x8e: {  	s25 =	spop (v2sf);
	s26 =	rddreg [dreg:$0x1b]  }
0x8f: {  	(v2sf) =	vpush v2, $0xF;
	[tilespmem:s24], [sflag:$0x1] =	stream.linear.gather [hbm4b:s25+s1], $0x400, $0x38;
	[tilespmem:$0x10600] =	vst v63  }
0x90: {  	s29 =	rddreg [dreg:$0x1c];
	s28 =	spop (v2sf)  }
0x91: {  	[tilespmem:s26], [sflag:$0x1] =	stream.linear.gather [hbm4b:s28+s1], $0x400, $0x38;
	[tilespmem:$0x10600] =	vst v63  }
0x92: {  	s31 =	rddreg [dreg:$0x1d];
	s30 =	spop (v2sf)  }
0x93: {  	[tilespmem:s29], [sflag:$0x1] =	stream.linear.gather [hbm4b:s30+s1], $0x400, $0x38;
	[tilespmem:$0x10600] =	vst v63  }
0x94: {  	s22 =	rddreg [dreg:$0x1e];
	s21 =	spop (v2sf)  }
0x95: {  	[tilespmem:s31], [sflag:$0x1] =	stream.linear.gather [hbm4b:s21+s1], $0x400, $0x38;
	[tilespmem:$0x10600] =	vst v63  }
0x96: {  	s24 =	rddreg [dreg:$0x1f];
	s23 =	spop (v2sf)  }
0x97: {  	[tilespmem:s22], [sflag:$0x1] =	stream.linear.gather [hbm4b:s23+s1], $0x400, $0x38;
	[tilespmem:$0x10600] =	vst v63  }
0x98: {  	s25 =	spop (v2sf);
	s26 =	sld [smem:$0x7DB]  }
0x99: {  	[tilespmem:s24], [sflag:$0x1] =	stream.linear.gather [hbm4b:s25+s1], $0x400, $0x38;
	[tilespmem:$0x10600] =	vst v63  }
0x9a: {  	s28 =	spop (v2sf);
	s29 =	sld [smem:$0x7DC]  }
0x9b: {  	[tilespmem:s26], [sflag:$0x1] =	stream.linear.gather [hbm4b:s28+s1], $0x400, $0x38;
	[tilespmem:$0x10600] =	vst v63  }
0x9c: {  	s30 =	spop (v2sf);
	s31 =	sld [smem:$0x7DD]  }
0x9d: {  	[tilespmem:s29], [sflag:$0x1] =	stream.linear.gather [hbm4b:s30+s1], $0x400, $0x38;
	[tilespmem:$0x10600] =	vst v63  }
0x9e: {  	s19 =	spop (v2sf)  }
0x9f: {  	[tilespmem:s31], [sflag:$0x1] =	stream.linear.gather [hbm4b:s19+s1], $0x400, $0x38;
	[tilespmem:$0x10600] =	vst v63  }
0xa0: {  	v1 =	vld [tilespmem:s17+$0x10];
	_ =	sdelay $0x1  }
0xa1: {  	v2 =	vld [tilespmem:s17+$0x210];
	_ =	sdelay $0x2  }
0xa2: {  	v1 =	vand.u32 $0xFFFFFFF8, v1  }
0xa3: {  	v1 =	vshll.u32 v1, $0x4  }
0xa4: {  	v2 =	vand.u32 $0xFFFFFFF8, v2;
	v1 =	vadd.s32 s2, v1  }
0xa5: {  	v2 =	vshll.u32 v2, $0x4;
	(v2sf) =	vpush v1, $0x0  }
0xa6: {  	v2 =	vadd.s32 s3, v2  }
0xa7: {  	(v2sf) =	vpush v2, $0x0  }
0xa8: {  	(v2sf) =	vpush v1, $0x1;
	_ =	sdelay $0x1  }
0xa9: {  	(v2sf) =	vpush v2, $0x1;
	_ =	sdelay $0x1  }
0xaa: {  	(v2sf) =	vpush v1, $0x2;
	_ =	sdelay $0x1  }
0xab: {  	(v2sf) =	vpush v2, $0x2;
	_ =	sdelay $0x1  }
0xac: {  	(v2sf) =	vpush v1, $0x3;
	_ =	sdelay $0x1  }
0xad: {  	s20 =	sld [smem:$0x7DE];
	(v2sf) =	vpush v2, $0x3;
	_ =	sdelay $0x1  }
0xae: {  	s22 =	sld [smem:$0x7DF];
	s21 =	spop (v2sf)  }
0xaf: {  	[tilespmem:s20], [sflag:$0x1] =	stream.linear.gather [hbm4b:s21+s1], $0x400, $0x38;
	[tilespmem:$0x10600] =	vst v63  }
0xb0: {  	(v2sf) =	vpush v1, $0x4;
	s23 =	spop (v2sf)  }
0xb1: {  	s24 =	sld [smem:$0x7E0];
	s25 =	spop (v2sf)  }
0xb2: {  	(v2sf) =	vpush v2, $0x4;
	[tilespmem:s22], [sflag:$0x1] =	stream.linear.gather [hbm4b:s23+s1], $0x400, $0x38;
	[tilespmem:$0x10600] =	vst v63  }
0xb3: {  	s26 =	sld [smem:$0x7E1];
	s28 =	spop (v2sf)  }
0xb4: {  	(v2sf) =	vpush v1, $0x5;
	[tilespmem:s24], [sflag:$0x1] =	stream.linear.gather [hbm4b:s25+s1], $0x400, $0x38;
	[tilespmem:$0x10600] =	vst v63  }
0xb5: {  	s30 =	sld [smem:$0x7E2];
	s29 =	spop (v2sf)  }
0xb6: {  	(v2sf) =	vpush v2, $0x5;
	[tilespmem:s26], [sflag:$0x1] =	stream.linear.gather [hbm4b:s28+s1], $0x400, $0x38;
	[tilespmem:$0x10600] =	vst v63  }
0xb7: {  	s31 =	sld [smem:$0x7E3];
	s19 =	spop (v2sf)  }
0xb8: {  	(v2sf) =	vpush v1, $0x6;
	[tilespmem:s30], [sflag:$0x1] =	stream.linear.gather [hbm4b:s29+s1], $0x400, $0x38;
	[tilespmem:$0x10600] =	vst v63  }
0xb9: {  	s21 =	sld [smem:$0x7E4];
	s22 =	spop (v2sf)  }
0xba: {  	(v2sf) =	vpush v2, $0x6;
	[tilespmem:s31], [sflag:$0x1] =	stream.linear.gather [hbm4b:s19+s1], $0x400, $0x38;
	[tilespmem:$0x10600] =	vst v63  }
0xbb: {  	s23 =	sld [smem:$0x7E5];
	s24 =	spop (v2sf)  }
0xbc: {  	(v2sf) =	vpush v1, $0x7;
	[tilespmem:s21], [sflag:$0x1] =	stream.linear.gather [hbm4b:s22+s1], $0x400, $0x38;
	[tilespmem:$0x10600] =	vst v63  }
0xbd: {  	s19 =	sld [smem:$0x7E6]  }
0xbe: {  	[tilespmem:s23], [sflag:$0x1] =	stream.linear.gather [hbm4b:s24+s1], $0x400, $0x38;
	(v2sf) =	vpush v2, $0x7;
	[tilespmem:$0x10600] =	vst v63  }
0xbf: {  	s25 =	spop (v2sf);
	s26 =	sld [smem:$0x7E7]  }
0xc0: {  	(v2sf) =	vpush v1, $0x8;
	[tilespmem:s19], [sflag:$0x1] =	stream.linear.gather [hbm4b:s25+s1], $0x400, $0x38;
	[tilespmem:$0x10600] =	vst v63  }
0xc1: {  	s29 =	sld [smem:$0x7E8];
	s28 =	spop (v2sf)  }
0xc2: {  	(v2sf) =	vpush v2, $0x8;
	[tilespmem:s26], [sflag:$0x1] =	stream.linear.gather [hbm4b:s28+s1], $0x400, $0x38;
	[tilespmem:$0x10600] =	vst v63  }
0xc3: {  	s31 =	sld [smem:$0x7E9];
	s30 =	spop (v2sf)  }
0xc4: {  	(v2sf) =	vpush v1, $0x9;
	[tilespmem:s29], [sflag:$0x1] =	stream.linear.gather [hbm4b:s30+s1], $0x400, $0x38;
	[tilespmem:$0x10600] =	vst v63  }
0xc5: {  	s22 =	sld [smem:$0x7EA];
	s21 =	spop (v2sf)  }
0xc6: {  	(v2sf) =	vpush v2, $0x9;
	[tilespmem:s31], [sflag:$0x1] =	stream.linear.gather [hbm4b:s21+s1], $0x400, $0x38;
	[tilespmem:$0x10600] =	vst v63  }
0xc7: {  	s24 =	sld [smem:$0x7EB];
	s23 =	spop (v2sf)  }
0xc8: {  	(v2sf) =	vpush v1, $0xA;
	[tilespmem:s22], [sflag:$0x1] =	stream.linear.gather [hbm4b:s23+s1], $0x400, $0x38;
	[tilespmem:$0x10600] =	vst v63  }
0xc9: {  	s26 =	sld [smem:$0x7EC];
	s25 =	spop (v2sf)  }
0xca: {  	(v2sf) =	vpush v2, $0xA;
	[tilespmem:s24], [sflag:$0x1] =	stream.linear.gather [hbm4b:s25+s1], $0x400, $0x38;
	[tilespmem:$0x10600] =	vst v63  }
0xcb: {  	s28 =	spop (v2sf);
	s29 =	sld [smem:$0x7ED]  }
0xcc: {  	(v2sf) =	vpush v1, $0xB;
	[tilespmem:s26], [sflag:$0x1] =	stream.linear.gather [hbm4b:s28+s1], $0x400, $0x38;
	[tilespmem:$0x10600] =	vst v63  }
0xcd: {  	s31 =	sld [smem:$0x7EE];
	s30 =	spop (v2sf)  }
0xce: {  	(v2sf) =	vpush v2, $0xB;
	[tilespmem:s29], [sflag:$0x1] =	stream.linear.gather [hbm4b:s30+s1], $0x400, $0x38;
	[tilespmem:$0x10600] =	vst v63  }
0xcf: {  	s22 =	sld [smem:$0x7EF];
	s21 =	spop (v2sf)  }
0xd0: {  	(v2sf) =	vpush v1, $0xC;
	[tilespmem:s31], [sflag:$0x1] =	stream.linear.gather [hbm4b:s21+s1], $0x400, $0x38;
	[tilespmem:$0x10600] =	vst v63  }
0xd1: {  	s24 =	sld [smem:$0x7F0];
	s23 =	spop (v2sf)  }
0xd2: {  	(v2sf) =	vpush v2, $0xC;
	[tilespmem:s22], [sflag:$0x1] =	stream.linear.gather [hbm4b:s23+s1], $0x400, $0x38;
	[tilespmem:$0x10600] =	vst v63  }
0xd3: {  	s26 =	sld [smem:$0x7F1];
	s25 =	spop (v2sf)  }
0xd4: {  	(v2sf) =	vpush v1, $0xD;
	[tilespmem:s24], [sflag:$0x1] =	stream.linear.gather [hbm4b:s25+s1], $0x400, $0x38;
	[tilespmem:$0x10600] =	vst v63  }
0xd5: {  	s29 =	sld [smem:$0x7F2];
	s28 =	spop (v2sf)  }
0xd6: {  	(v2sf) =	vpush v2, $0xD;
	[tilespmem:s26], [sflag:$0x1] =	stream.linear.gather [hbm4b:s28+s1], $0x400, $0x38;
	[tilespmem:$0x10600] =	vst v63  }
0xd7: {  	s31 =	sld [smem:$0x7F3];
	s30 =	spop (v2sf)  }
0xd8: {  	(v2sf) =	vpush v1, $0xE;
	[tilespmem:s29], [sflag:$0x1] =	stream.linear.gather [hbm4b:s30+s1], $0x400, $0x38;
	[tilespmem:$0x10600] =	vst v63  }
0xd9: {  	s21 =	spop (v2sf);
	s22 =	sld [smem:$0x7F4]  }
0xda: {  	(v2sf) =	vpush v2, $0xE;
	[tilespmem:s31], [sflag:$0x1] =	stream.linear.gather [hbm4b:s21+s1], $0x400, $0x38;
	[tilespmem:$0x10600] =	vst v63  }
0xdb: {  	s23 =	spop (v2sf);
	s24 =	sld [smem:$0x7F5]  }
0xdc: {  	(v2sf) =	vpush v1, $0xF;
	[tilespmem:s22], [sflag:$0x1] =	stream.linear.gather [hbm4b:s23+s1], $0x400, $0x38;
	[tilespmem:$0x10600] =	vst v63  }
0xdd: {  	s26 =	sld [smem:$0x7F6];
	s25 =	spop (v2sf)  }
0xde: {  	(v2sf) =	vpush v2, $0xF;
	[tilespmem:s24], [sflag:$0x1] =	stream.linear.gather [hbm4b:s25+s1], $0x400, $0x38;
	[tilespmem:$0x10600] =	vst v63  }
0xdf: {  	s29 =	sld [smem:$0x7F7];
	s28 =	spop (v2sf)  }
0xe0: {  	[tilespmem:s26], [sflag:$0x1] =	stream.linear.gather [hbm4b:s28+s1], $0x400, $0x38;
	[tilespmem:$0x10600] =	vst v63  }
0xe1: {  	s31 =	sld [smem:$0x7F8];
	s30 =	spop (v2sf)  }
0xe2: {  	[tilespmem:s29], [sflag:$0x1] =	stream.linear.gather [hbm4b:s30+s1], $0x400, $0x38;
	[tilespmem:$0x10600] =	vst v63  }
0xe3: {  	s21 =	sld [smem:$0x7F9];
	s20 =	spop (v2sf)  }
0xe4: {  	[tilespmem:s31], [sflag:$0x1] =	stream.linear.gather [hbm4b:s20+s1], $0x400, $0x38;
	[tilespmem:$0x10600] =	vst v63  }
0xe5: {  	s23 =	sld [smem:$0x7FA];
	s22 =	spop (v2sf)  }
0xe6: {  	[tilespmem:s21], [sflag:$0x1] =	stream.linear.gather [hbm4b:s22+s1], $0x400, $0x38;
	[tilespmem:$0x10600] =	vst v63  }
0xe7: {  	s25 =	sld [smem:$0x7FB];
	s24 =	spop (v2sf)  }
0xe8: {  	[tilespmem:s23], [sflag:$0x1] =	stream.linear.gather [hbm4b:s24+s1], $0x400, $0x38;
	[tilespmem:$0x10600] =	vst v63  }
0xe9: {  	s28 =	sld [smem:$0x7FC];
	s26 =	spop (v2sf)  }
0xea: {  	[tilespmem:s25], [sflag:$0x1] =	stream.linear.gather [hbm4b:s26+s1], $0x400, $0x38;
	[tilespmem:$0x10600] =	vst v63  }
0xeb: {  	s29 =	spop (v2sf);
	s30 =	sld [smem:$0x7FD]  }
0xec: {  	[tilespmem:s28], [sflag:$0x1] =	stream.linear.gather [hbm4b:s29+s1], $0x400, $0x38;
	[tilespmem:$0x10600] =	vst v63  }
0xed: {  	s31 =	spop (v2sf)  }
0xee: {  	[tilespmem:s30], [sflag:$0x1] =	stream.linear.gather [hbm4b:s31+s1], $0x400, $0x38;
	[tilespmem:$0x10600] =	vst v63  }
0xef: {  	_ =	swait.ge [sflag:s13], $0x400  }
0xf0: {  	[sflag:s13] =	ssyncset.done $0x0  }
0xf1: {  	[sflag:s13] =	ssyncadd.s32 $0xFFFFFC00  }
0xf2: {  	_ =	swait.ge [sflag:s13], $0x400  }
0xf3: {  	[sflag:s13] =	ssyncset.done $0x0  }
0xf4: {  	[sflag:s13] =	ssyncadd.s32 $0xFFFFFC00  }
0xf5: {  	_ =	swait.ge [sflag:s13], $0x400  }
0xf6: {  	[sflag:s13] =	ssyncset.done $0x0  }
0xf7: {  	[sflag:s13] =	ssyncadd.s32 $0xFFFFFC00  }
0xf8: {  	_ =	swait.ge [sflag:s13], $0x400  }
0xf9: {  	[sflag:s13] =	ssyncset.done $0x0  }
0xfa: {  	[sflag:s13] =	ssyncadd.s32 $0xFFFFFC00  }
0xfb: {  	_ =	swait.ge [sflag:s13], $0x400  }
0xfc: {  	[sflag:s13] =	ssyncset.done $0x0  }
0xfd: {  	[sflag:s13] =	ssyncadd.s32 $0xFFFFFC00  }
0xfe: {  	_ =	swait.ge [sflag:s13], $0x400  }
0xff: {  	[sflag:s13] =	ssyncset.done $0x0  }
0x100: {  	[sflag:s13] =	ssyncadd.s32 $0xFFFFFC00  }
0x101: {  	_ =	swait.ge [sflag:s13], $0x400  }
0x102: {  	[sflag:s13] =	ssyncset.done $0x0  }
0x103: {  	[sflag:s13] =	ssyncadd.s32 $0xFFFFFC00  }
0x104: {  	_ =	swait.ge [sflag:s13], $0x400  }
0x105: {  	[sflag:s13] =	ssyncset.done $0x0  }
0x106: {  	[sflag:s13] =	ssyncadd.s32 $0xFFFFFC00  }
0x107: {  	_ =	swait.ge [sflag:s13], $0x400  }
0x108: {  	[sflag:s13] =	ssyncset.done $0x0  }
0x109: {  	[sflag:s13] =	ssyncadd.s32 $0xFFFFFC00  }
0x10a: {  	_ =	swait.ge [sflag:s13], $0x400  }
0x10b: {  	[sflag:s13] =	ssyncset.done $0x0  }
0x10c: {  	[sflag:s13] =	ssyncadd.s32 $0xFFFFFC00  }
0x10d: {  	_ =	swait.ge [sflag:s13], $0x400  }
0x10e: {  	[sflag:s13] =	ssyncset.done $0x0  }
0x10f: {  	[sflag:s13] =	ssyncadd.s32 $0xFFFFFC00  }
0x110: {  	_ =	swait.ge [sflag:s13], $0x400  }
0x111: {  	[sflag:s13] =	ssyncset.done $0x0  }
0x112: {  	[sflag:s13] =	ssyncadd.s32 $0xFFFFFC00  }
0x113: {  	_ =	swait.ge [sflag:s13], $0x400  }
0x114: {  	[sflag:s13] =	ssyncset.done $0x0  }
0x115: {  	[sflag:s13] =	ssyncadd.s32 $0xFFFFFC00  }
0x116: {  	_ =	swait.ge [sflag:s13], $0x400  }
0x117: {  	[sflag:s13] =	ssyncset.done $0x0  }
0x118: {  	[sflag:s13] =	ssyncadd.s32 $0xFFFFFC00  }
0x119: {  	_ =	swait.ge [sflag:s13], $0x400  }
0x11a: {  	[sflag:s13] =	ssyncset.done $0x0  }
0x11b: {  	[sflag:s13] =	ssyncadd.s32 $0xFFFFFC00  }
0x11c: {  	_ =	swait.ge [sflag:s13], $0x400  }
0x11d: {  	[sflag:s13] =	ssyncset.done $0x0  }
0x11e: {  	[sflag:s13] =	ssyncadd.s32 $0xFFFFFC00  }
0x11f: {  	_ =	swait.ge [sflag:s13], $0x400  }
0x120: {  	[sflag:s13] =	ssyncset.done $0x0  }
0x121: {  	[sflag:s13] =	ssyncadd.s32 $0xFFFFFC00  }
0x122: {  	_ =	swait.ge [sflag:s13], $0x400  }
0x123: {  	[sflag:s13] =	ssyncset.done $0x0  }
0x124: {  	[sflag:s13] =	ssyncadd.s32 $0xFFFFFC00  }
0x125: {  	_ =	swait.ge [sflag:s13], $0x400  }
0x126: {  	[sflag:s13] =	ssyncset.done $0x0  }
0x127: {  	[sflag:s13] =	ssyncadd.s32 $0xFFFFFC00  }
0x128: {  	_ =	swait.ge [sflag:s13], $0x400  }
0x129: {  	[sflag:s13] =	ssyncset.done $0x0  }
0x12a: {  	[sflag:s13] =	ssyncadd.s32 $0xFFFFFC00  }
0x12b: {  	_ =	swait.ge [sflag:s13], $0x400  }
0x12c: {  	[sflag:s13] =	ssyncset.done $0x0  }
0x12d: {  	[sflag:s13] =	ssyncadd.s32 $0xFFFFFC00  }
0x12e: {  	_ =	swait.ge [sflag:s13], $0x400  }
0x12f: {  	[sflag:s13] =	ssyncset.done $0x0  }
0x130: {  	[sflag:s13] =	ssyncadd.s32 $0xFFFFFC00  }
0x131: {  	_ =	swait.ge [sflag:s13], $0x400  }
0x132: {  	[sflag:s13] =	ssyncset.done $0x0  }
0x133: {  	[sflag:s13] =	ssyncadd.s32 $0xFFFFFC00  }
0x134: {  	_ =	swait.ge [sflag:s13], $0x400  }
0x135: {  	[sflag:s13] =	ssyncset.done $0x0  }
0x136: {  	[sflag:s13] =	ssyncadd.s32 $0xFFFFFC00  }
0x137: {  	_ =	swait.ge [sflag:s13], $0x400  }
0x138: {  	[sflag:s13] =	ssyncset.done $0x0  }
0x139: {  	[sflag:s13] =	ssyncadd.s32 $0xFFFFFC00  }
0x13a: {  	_ =	swait.ge [sflag:s13], $0x400  }
0x13b: {  	[sflag:s13] =	ssyncset.done $0x0  }
0x13c: {  	[sflag:s13] =	ssyncadd.s32 $0xFFFFFC00  }
0x13d: {  	_ =	swait.ge [sflag:s13], $0x400  }
0x13e: {  	[sflag:s13] =	ssyncset.done $0x0  }
0x13f: {  	[sflag:s13] =	ssyncadd.s32 $0xFFFFFC00  }
0x140: {  	_ =	swait.ge [sflag:s13], $0x400  }
0x141: {  	[sflag:s13] =	ssyncset.done $0x0  }
0x142: {  	[sflag:s13] =	ssyncadd.s32 $0xFFFFFC00  }
0x143: {  	_ =	swait.ge [sflag:s13], $0x400  }
0x144: {  	[sflag:s13] =	ssyncset.done $0x0  }
0x145: {  	[sflag:s13] =	ssyncadd.s32 $0xFFFFFC00  }
0x146: {  	_ =	swait.ge [sflag:s13], $0x400  }
0x147: {  	[sflag:s13] =	ssyncset.done $0x0  }
0x148: {  	[sflag:s13] =	ssyncadd.s32 $0xFFFFFC00  }
0x149: {  	_ =	swait.ge [sflag:s13], $0x400  }
0x14a: {  	[sflag:s13] =	ssyncset.done $0x0  }
0x14b: {  	[sflag:s13] =	ssyncadd.s32 $0xFFFFFC00  }
0x14c: {  	_ =	swait.ge [sflag:s13], $0x400  }
0x14d: {  	[sflag:s13] =	ssyncset.done $0x0  }
0x14e: {  	[sflag:s13] =	ssyncadd.s32 $0xFFFFFC00  }
0x14f: {  	_ =	swait.ge [sflag:s13], $0x400  }
0x150: {  	[sflag:s13] =	ssyncset.done $0x0  }
0x151: {  	[sflag:s13] =	ssyncadd.s32 $0xFFFFFC00  }
0x152: {  	_ =	swait.ge [sflag:s13], $0x400  }
0x153: {  	[sflag:s13] =	ssyncset.done $0x0  }
0x154: {  	[sflag:s13] =	ssyncadd.s32 $0xFFFFFC00  }
0x155: {  	_ =	swait.ge [sflag:s13], $0x400  }
0x156: {  	[sflag:s13] =	ssyncset.done $0x0  }
0x157: {  	[sflag:s13] =	ssyncadd.s32 $0xFFFFFC00  }
0x158: {  	_ =	swait.ge [sflag:s13], $0x400  }
0x159: {  	[sflag:s13] =	ssyncset.done $0x0  }
0x15a: {  	[sflag:s13] =	ssyncadd.s32 $0xFFFFFC00  }
0x15b: {  	_ =	swait.ge [sflag:s13], $0x400  }
0x15c: {  	[sflag:s13] =	ssyncset.done $0x0  }
0x15d: {  	[sflag:s13] =	ssyncadd.s32 $0xFFFFFC00  }
0x15e: {  	_ =	swait.ge [sflag:s13], $0x400  }
0x15f: {  	[sflag:s13] =	ssyncset.done $0x0  }
0x160: {  	[sflag:s13] =	ssyncadd.s32 $0xFFFFFC00  }
0x161: {  	_ =	swait.ge [sflag:s13], $0x400  }
0x162: {  	[sflag:s13] =	ssyncset.done $0x0  }
0x163: {  	[sflag:s13] =	ssyncadd.s32 $0xFFFFFC00  }
0x164: {  	_ =	swait.ge [sflag:s13], $0x400  }
0x165: {  	[sflag:s13] =	ssyncset.done $0x0  }
0x166: {  	[sflag:s13] =	ssyncadd.s32 $0xFFFFFC00  }
0x167: {  	_ =	swait.ge [sflag:s13], $0x400  }
0x168: {  	[sflag:s13] =	ssyncset.done $0x0  }
0x169: {  	[sflag:s13] =	ssyncadd.s32 $0xFFFFFC00  }
0x16a: {  	_ =	swait.ge [sflag:s13], $0x400  }
0x16b: {  	[sflag:s13] =	ssyncset.done $0x0  }
0x16c: {  	[sflag:s13] =	ssyncadd.s32 $0xFFFFFC00  }
0x16d: {  	_ =	swait.ge [sflag:s13], $0x400  }
0x16e: {  	[sflag:s13] =	ssyncset.done $0x0  }
0x16f: {  	[sflag:s13] =	ssyncadd.s32 $0xFFFFFC00  }
0x170: {  	_ =	swait.ge [sflag:s13], $0x400  }
0x171: {  	[sflag:s13] =	ssyncset.done $0x0  }
0x172: {  	[sflag:s13] =	ssyncadd.s32 $0xFFFFFC00  }
0x173: {  	_ =	swait.ge [sflag:s13], $0x400  }
0x174: {  	[sflag:s13] =	ssyncset.done $0x0  }
0x175: {  	[sflag:s13] =	ssyncadd.s32 $0xFFFFFC00  }
0x176: {  	_ =	swait.ge [sflag:s13], $0x400  }
0x177: {  	[sflag:s13] =	ssyncset.done $0x0  }
0x178: {  	[sflag:s13] =	ssyncadd.s32 $0xFFFFFC00  }
0x179: {  	_ =	swait.ge [sflag:s13], $0x400  }
0x17a: {  	[sflag:s13] =	ssyncset.done $0x0  }
0x17b: {  	[sflag:s13] =	ssyncadd.s32 $0xFFFFFC00  }
0x17c: {  	_ =	swait.ge [sflag:s13], $0x400  }
0x17d: {  	[sflag:s13] =	ssyncset.done $0x0  }
0x17e: {  	[sflag:s13] =	ssyncadd.s32 $0xFFFFFC00  }
0x17f: {  	_ =	swait.ge [sflag:s13], $0x400  }
0x180: {  	[sflag:s13] =	ssyncset.done $0x0  }
0x181: {  	[sflag:s13] =	ssyncadd.s32 $0xFFFFFC00  }
0x182: {  	_ =	swait.ge [sflag:s13], $0x400  }
0x183: {  	[sflag:s13] =	ssyncset.done $0x0  }
0x184: {  	[sflag:s13] =	ssyncadd.s32 $0xFFFFFC00  }
0x185: {  	_ =	swait.ge [sflag:s13], $0x400  }
0x186: {  	[sflag:s13] =	ssyncset.done $0x0  }
0x187: {  	[sflag:s13] =	ssyncadd.s32 $0xFFFFFC00  }
0x188: {  	_ =	swait.ge [sflag:s13], $0x400  }
0x189: {  	[sflag:s13] =	ssyncset.done $0x0  }
0x18a: {  	[sflag:s13] =	ssyncadd.s32 $0xFFFFFC00  }
0x18b: {  	_ =	swait.ge [sflag:s13], $0x400  }
0x18c: {  	[sflag:s13] =	ssyncset.done $0x0  }
0x18d: {  	[sflag:s13] =	ssyncadd.s32 $0xFFFFFC00  }
0x18e: {  	_ =	swait.ge [sflag:s13], $0x400  }
0x18f: {  	[sflag:s13] =	ssyncset.done $0x0  }
0x190: {  	[sflag:s13] =	ssyncadd.s32 $0xFFFFFC00  }
0x191: {  	_ =	swait.ge [sflag:s13], $0x400  }
0x192: {  	[sflag:s13] =	ssyncset.done $0x0  }
0x193: {  	[sflag:s13] =	ssyncadd.s32 $0xFFFFFC00  }
0x194: {  	_ =	swait.ge [sflag:s13], $0x400  }
0x195: {  	[sflag:s13] =	ssyncset.done $0x0  }
0x196: {  	[sflag:s13] =	ssyncadd.s32 $0xFFFFFC00  }
0x197: {  	_ =	swait.ge [sflag:s13], $0x400  }
0x198: {  	[sflag:s13] =	ssyncset.done $0x0  }
0x199: {  	[sflag:s13] =	ssyncadd.s32 $0xFFFFFC00  }
0x19a: {  	_ =	swait.ge [sflag:s13], $0x400  }
0x19b: {  	[sflag:s13] =	ssyncset.done $0x0  }
0x19c: {  	[sflag:s13] =	ssyncadd.s32 $0xFFFFFC00  }
0x19d: {  	_ =	swait.ge [sflag:s13], $0x400  }
0x19e: {  	[sflag:s13] =	ssyncset.done $0x0  }
0x19f: {  	[sflag:s13] =	ssyncadd.s32 $0xFFFFFC00  }
0x1a0: {  	_ =	swait.ge [sflag:s13], $0x400  }
0x1a1: {  	[sflag:s13] =	ssyncset.done $0x0  }
0x1a2: {  	[sflag:s13] =	ssyncadd.s32 $0xFFFFFC00  }
0x1a3: {  	_ =	swait.ge [sflag:s13], $0x400  }
0x1a4: {  	[sflag:s13] =	ssyncset.done $0x0  }
0x1a5: {  	[sflag:s13] =	ssyncadd.s32 $0xFFFFFC00  }
0x1a6: {  	_ =	swait.ge [sflag:s13], $0x400  }
0x1a7: {  	[sflag:s13] =	ssyncset.done $0x0  }
0x1a8: {  	[sflag:s13] =	ssyncadd.s32 $0xFFFFFC00  }
0x1a9: {  	_ =	swait.ge [sflag:s13], $0x400  }
0x1aa: {  	[sflag:s13] =	ssyncset.done $0x0  }
0x1ab: {  	[sflag:s13] =	ssyncadd.s32 $0xFFFFFC00  }
0x1ac: {  	_ =	swait.ge [sflag:s13], $0x400  }
0x1ad: {  	[sflag:s13] =	ssyncset.done $0x0  }
0x1ae: {  	[sflag:s13] =	ssyncadd.s32 $0xFFFFFC00  }
0x1af: {  	v1 =	vld [tilespmem:s17+$0x0];
	_ =	sdelay $0x1  }
0x1b0: {  	v3 =	vld [tilespmem:s17+$0x200];
	_ =	sdelay $0x2  }
0x1b1: {  	v1 =	vshll.u32 v1, $0x7  }
0x1b2: {  	v2 =	vand.u32 $0x380, v1  }
0x1b3: {  	v1 =	vshll.u32 v3, $0x7;
	v5 =	vor.u32 v6, v2;
	v6 =	vld [tilespmem:$0x1FF90]  }
0x1b4: {  	v3 =	vor.u32 v0, v2;
	v1 =	vand.u32 $0x380, v1;
	v7 =	vor.u32 v8, v2;
	v8 =	vld [tilespmem:$0x1FFA0]  }
0x1b5: {  	v4 =	vor.u32 v0, v1  }
0x1b6: {  	v9 =	vor.u32 v10, v2;
	v10 =	vld [tilespmem:$0x1FFB0];
	_ =	sdelay $0x1  }
0x1b7: {  	v11 =	vor.u32 v12, v2;
	v12 =	vld [tilespmem:$0x1FFC0];
	v6 =	vor.u32 v6, v1  }
0x1b8: {  	v3 =	vld.idx.msk [tilespmem:v3+s11+$0x0], $0xffff;
	v8 =	vor.u32 v8, v1  }
0x1b9: {  	v4 =	vld.idx.msk [tilespmem:v4+s12+$0x0], $0xffff  }
0x1ba: {  	v5 =	vld.idx.msk [tilespmem:v5+s11+$0x0], $0xffff;
	v10 =	vor.u32 v10, v1  }
0x1bb: {  	v7 =	vld.idx.msk [tilespmem:v7+s11+$0x0], $0xffff  }
0x1bc: {  	v6 =	vld.idx.msk [tilespmem:v6+s12+$0x0], $0xffff  }
0x1bd: {  	v12 =	vor.u32 v12, v1;
	v8 =	vld.idx.msk [tilespmem:v8+s12+$0x0], $0xffff  }
0x1be: {  	v3 =	vmul.f32 v4, v3;
	v4 =	vld.idx.msk [tilespmem:v9+s11+$0x0], $0xffff;
	v9 =	vor.u32 v14, v1  }
0x1bf: {  	v13 =	vor.u32 v14, v2;
	v10 =	vld.idx.msk [tilespmem:v10+s12+$0x0], $0xffff  }
0x1c0: {  	v14 =	vor.u32 v15, v2  }
0x1c1: {  	v3 =	vadd.f32 $0.0e+00, v3;
	v5 =	vmul.f32 v6, v5;
	v6 =	vld.idx.msk [tilespmem:v11+s11+$0x0], $0xffff;
	v11 =	vor.u32 v15, v1  }
0x1c2: {  	v12 =	vld.idx.msk [tilespmem:v12+s12+$0x0], $0xffff;
	v15 =	vor.u32 v16, v2  }
0x1c3: {  	v9 =	vld.idx.msk [tilespmem:v9+s12+$0x0], $0xffff;
	v3 =	vadd.f32 v5, v3;
	v5 =	vmul.f32 v8, v7;
	v8 =	vor.u32 v16, v1  }
0x1c4: {  	v4 =	vmul.f32 v10, v4;
	v10 =	vor.u32 v23, v1;
	v7 =	vld.idx.msk [tilespmem:v13+s11+$0x0], $0xffff  }
0x1c5: {  	v13 =	vor.u32 v23, v2;
	v3 =	vadd.f32 v5, v3;
	v5 =	vld.idx.msk [tilespmem:v14+s11+$0x0], $0xffff  }
0x1c6: {  	v14 =	vor.u32 v24, v2;
	v11 =	vld.idx.msk [tilespmem:v11+s12+$0x0], $0xffff  }
0x1c7: {  	v3 =	vadd.f32 v4, v3;
	v4 =	vmul.f32 v12, v6;
	v6 =	vld.idx.msk [tilespmem:v15+s11+$0x0], $0xffff;
	v12 =	vor.u32 v24, v1  }
0x1c8: {  	v15 =	vor.u32 v25, v2;
	v8 =	vld.idx.msk [tilespmem:v8+s12+$0x0], $0xffff  }
0x1c9: {  	v10 =	vld.idx.msk [tilespmem:v10+s12+$0x0], $0xffff;
	v3 =	vadd.f32 v4, v3;
	v4 =	vmul.f32 v9, v7;
	v9 =	vor.u32 v25, v1  }
0x1ca: {  	v7 =	vld.idx.msk [tilespmem:v13+s11+$0x0], $0xffff;
	v13 =	vor.u32 v26, v2  }
0x1cb: {  	v3 =	vadd.f32 v4, v3;
	v4 =	vmul.f32 v11, v5;
	v5 =	vld.idx.msk [tilespmem:v14+s11+$0x0], $0xffff;
	v11 =	vor.u32 v26, v1  }
0x1cc: {  	v14 =	vor.u32 v27, v2;
	v12 =	vld.idx.msk [tilespmem:v12+s12+$0x0], $0xffff  }
0x1cd: {  	v3 =	vadd.f32 v4, v3;
	v4 =	vmul.f32 v8, v6;
	v6 =	vld.idx.msk [tilespmem:v15+s11+$0x0], $0xffff;
	v8 =	vor.u32 v27, v1  }
0x1ce: {  	v15 =	vor.u32 v28, v2;
	v9 =	vld.idx.msk [tilespmem:v9+s12+$0x0], $0xffff  }
0x1cf: {  	v3 =	vadd.f32 v4, v3;
	v4 =	vmul.f32 v10, v7;
	v7 =	vld.idx.msk [tilespmem:v13+s11+$0x0], $0xffff;
	v10 =	vor.u32 v28, v1  }
0x1d0: {  	v13 =	vor.u32 v29, v2;
	v11 =	vld.idx.msk [tilespmem:v11+s12+$0x0], $0xffff  }
0x1d1: {  	v3 =	vadd.f32 v4, v3;
	v4 =	vmul.f32 v12, v5;
	v5 =	vld.idx.msk [tilespmem:v14+s11+$0x0], $0xffff;
	v12 =	vor.u32 v29, v1  }
0x1d2: {  	v14 =	vor.u32 v30, v2;
	v8 =	vld.idx.msk [tilespmem:v8+s12+$0x0], $0xffff  }
0x1d3: {  	v3 =	vadd.f32 v4, v3;
	v4 =	vmul.f32 v9, v6;
	v6 =	vld.idx.msk [tilespmem:v15+s11+$0x0], $0xffff;
	v9 =	vor.u32 v30, v1  }
0x1d4: {  	v15 =	vor.u32 v31, v2;
	v10 =	vld.idx.msk [tilespmem:v10+s12+$0x0], $0xffff  }
0x1d5: {  	v3 =	vadd.f32 v4, v3;
	v4 =	vmul.f32 v11, v7;
	v7 =	vld.idx.msk [tilespmem:v13+s11+$0x0], $0xffff;
	v11 =	vor.u32 v31, v1  }
0x1d6: {  	v13 =	vor.u32 v32, v2;
	v12 =	vld.idx.msk [tilespmem:v12+s12+$0x0], $0xffff  }
0x1d7: {  	v3 =	vadd.f32 v4, v3;
	v4 =	vmul.f32 v8, v5;
	v5 =	vld.idx.msk [tilespmem:v14+s11+$0x0], $0xffff;
	v8 =	vor.u32 v32, v1  }
0x1d8: {  	v14 =	vor.u32 v33, v2;
	v9 =	vld.idx.msk [tilespmem:v9+s12+$0x0], $0xffff  }
0x1d9: {  	v3 =	vadd.f32 v4, v3;
	v4 =	vmul.f32 v10, v6;
	v6 =	vld.idx.msk [tilespmem:v15+s11+$0x0], $0xffff;
	v10 =	vor.u32 v33, v1  }
0x1da: {  	v15 =	vor.u32 v34, v2;
	v11 =	vld.idx.msk [tilespmem:v11+s12+$0x0], $0xffff  }
0x1db: {  	v3 =	vadd.f32 v4, v3;
	v4 =	vmul.f32 v12, v7;
	v7 =	vld.idx.msk [tilespmem:v13+s11+$0x0], $0xffff;
	v12 =	vor.u32 v34, v1  }
0x1dc: {  	v13 =	vor.u32 v35, v2;
	v8 =	vld.idx.msk [tilespmem:v8+s12+$0x0], $0xffff  }
0x1dd: {  	v3 =	vadd.f32 v4, v3;
	v4 =	vmul.f32 v9, v5;
	v5 =	vld.idx.msk [tilespmem:v14+s11+$0x0], $0xffff;
	v9 =	vor.u32 v35, v1  }
0x1de: {  	v14 =	vor.u32 v36, v2;
	v10 =	vld.idx.msk [tilespmem:v10+s12+$0x0], $0xffff  }
0x1df: {  	v3 =	vadd.f32 v4, v3;
	v4 =	vmul.f32 v11, v6;
	v6 =	vld.idx.msk [tilespmem:v15+s11+$0x0], $0xffff;
	v11 =	vor.u32 v36, v1  }
0x1e0: {  	v15 =	vor.u32 v37, v2;
	v12 =	vld.idx.msk [tilespmem:v12+s12+$0x0], $0xffff  }
0x1e1: {  	v3 =	vadd.f32 v4, v3;
	v4 =	vmul.f32 v8, v7;
	v7 =	vld.idx.msk [tilespmem:v13+s11+$0x0], $0xffff;
	v8 =	vor.u32 v37, v1  }
0x1e2: {  	v13 =	vor.u32 v38, v2;
	v9 =	vld.idx.msk [tilespmem:v9+s12+$0x0], $0xffff  }
0x1e3: {  	v3 =	vadd.f32 v4, v3;
	v4 =	vmul.f32 v10, v5;
	v5 =	vld.idx.msk [tilespmem:v14+s11+$0x0], $0xffff;
	v10 =	vor.u32 v38, v1  }
0x1e4: {  	v14 =	vor.u32 v39, v2;
	v11 =	vld.idx.msk [tilespmem:v11+s12+$0x0], $0xffff  }
0x1e5: {  	v3 =	vadd.f32 v4, v3;
	v4 =	vmul.f32 v12, v6;
	v6 =	vld.idx.msk [tilespmem:v15+s11+$0x0], $0xffff;
	v12 =	vor.u32 v39, v1  }
0x1e6: {  	v15 =	vor.u32 v40, v2;
	v8 =	vld.idx.msk [tilespmem:v8+s12+$0x0], $0xffff  }
0x1e7: {  	v3 =	vadd.f32 v4, v3;
	v4 =	vmul.f32 v9, v7;
	v7 =	vld.idx.msk [tilespmem:v13+s11+$0x0], $0xffff;
	v9 =	vor.u32 v40, v1  }
0x1e8: {  	v13 =	vor.u32 v41, v2;
	v10 =	vld.idx.msk [tilespmem:v10+s12+$0x0], $0xffff  }
0x1e9: {  	v3 =	vadd.f32 v4, v3;
	v4 =	vmul.f32 v11, v5;
	v5 =	vld.idx.msk [tilespmem:v14+s11+$0x0], $0xffff;
	v11 =	vor.u32 v41, v1  }
0x1ea: {  	v14 =	vor.u32 v42, v2;
	v12 =	vld.idx.msk [tilespmem:v12+s12+$0x0], $0xffff  }
0x1eb: {  	v3 =	vadd.f32 v4, v3;
	v4 =	vmul.f32 v8, v6;
	v6 =	vld.idx.msk [tilespmem:v15+s11+$0x0], $0xffff;
	v8 =	vor.u32 v42, v1  }
0x1ec: {  	v15 =	vor.u32 v43, v2;
	v9 =	vld.idx.msk [tilespmem:v9+s12+$0x0], $0xffff  }
0x1ed: {  	v3 =	vadd.f32 v4, v3;
	v4 =	vmul.f32 v10, v7;
	v7 =	vld.idx.msk [tilespmem:v13+s11+$0x0], $0xffff;
	v10 =	vor.u32 v43, v1  }
0x1ee: {  	v13 =	vor.u32 v44, v2;
	v11 =	vld.idx.msk [tilespmem:v11+s12+$0x0], $0xffff  }
0x1ef: {  	v3 =	vadd.f32 v4, v3;
	v4 =	vmul.f32 v12, v5;
	v5 =	vld.idx.msk [tilespmem:v14+s11+$0x0], $0xffff;
	v12 =	vor.u32 v44, v1  }
0x1f0: {  	v14 =	vor.u32 v45, v2;
	v8 =	vld.idx.msk [tilespmem:v8+s12+$0x0], $0xffff  }
0x1f1: {  	v3 =	vadd.f32 v4, v3;
	v4 =	vmul.f32 v9, v6;
	v6 =	vld.idx.msk [tilespmem:v15+s11+$0x0], $0xffff;
	v9 =	vor.u32 v45, v1  }
0x1f2: {  	v15 =	vor.u32 v46, v2;
	v10 =	vld.idx.msk [tilespmem:v10+s12+$0x0], $0xffff  }
0x1f3: {  	v3 =	vadd.f32 v4, v3;
	v4 =	vmul.f32 v11, v7;
	v7 =	vld.idx.msk [tilespmem:v13+s11+$0x0], $0xffff;
	v11 =	vor.u32 v46, v1  }
0x1f4: {  	v13 =	vor.u32 v47, v2;
	v12 =	vld.idx.msk [tilespmem:v12+s12+$0x0], $0xffff  }
0x1f5: {  	v3 =	vadd.f32 v4, v3;
	v4 =	vmul.f32 v8, v5;
	v5 =	vld.idx.msk [tilespmem:v14+s11+$0x0], $0xffff;
	v8 =	vor.u32 v47, v1  }
0x1f6: {  	v14 =	vor.u32 v48, v2;
	v9 =	vld.idx.msk [tilespmem:v9+s12+$0x0], $0xffff  }
0x1f7: {  	v3 =	vadd.f32 v4, v3;
	v4 =	vmul.f32 v10, v6;
	v6 =	vld.idx.msk [tilespmem:v15+s11+$0x0], $0xffff;
	v10 =	vor.u32 v48, v1  }
0x1f8: {  	v15 =	vor.u32 v49, v2;
	v11 =	vld.idx.msk [tilespmem:v11+s12+$0x0], $0xffff  }
0x1f9: {  	v3 =	vadd.f32 v4, v3;
	v4 =	vmul.f32 v12, v7;
	v7 =	vld.idx.msk [tilespmem:v13+s11+$0x0], $0xffff;
	v12 =	vor.u32 v49, v1  }
0x1fa: {  	v13 =	vor.u32 v50, v2;
	v8 =	vld.idx.msk [tilespmem:v8+s12+$0x0], $0xffff  }
0x1fb: {  	v3 =	vadd.f32 v4, v3;
	v4 =	vmul.f32 v9, v5;
	v5 =	vld.idx.msk [tilespmem:v14+s11+$0x0], $0xffff;
	v9 =	vor.u32 v50, v1  }
0x1fc: {  	v14 =	vor.u32 v51, v2;
	v10 =	vld.idx.msk [tilespmem:v10+s12+$0x0], $0xffff  }
0x1fd: {  	v3 =	vadd.f32 v4, v3;
	v4 =	vmul.f32 v11, v6;
	v6 =	vld.idx.msk [tilespmem:v15+s11+$0x0], $0xffff;
	v11 =	vor.u32 v51, v1  }
0x1fe: {  	v15 =	vor.u32 v52, v2;
	v12 =	vld.idx.msk [tilespmem:v12+s12+$0x0], $0xffff  }
0x1ff: {  	v3 =	vadd.f32 v4, v3;
	v4 =	vmul.f32 v8, v7;
	v7 =	vld.idx.msk [tilespmem:v13+s11+$0x0], $0xffff;
	v8 =	vor.u32 v52, v1  }
0x200: {  	v13 =	vor.u32 v53, v2;
	v9 =	vld.idx.msk [tilespmem:v9+s12+$0x0], $0xffff  }
0x201: {  	v3 =	vadd.f32 v4, v3;
	v4 =	vmul.f32 v10, v5;
	v5 =	vld.idx.msk [tilespmem:v14+s11+$0x0], $0xffff;
	v10 =	vor.u32 v53, v1  }
0x202: {  	v14 =	vor.u32 v54, v2;
	v11 =	vld.idx.msk [tilespmem:v11+s12+$0x0], $0xffff  }
0x203: {  	v3 =	vadd.f32 v4, v3;
	v4 =	vmul.f32 v12, v6;
	v6 =	vld.idx.msk [tilespmem:v15+s11+$0x0], $0xffff;
	v12 =	vor.u32 v54, v1  }
0x204: {  	v15 =	vor.u32 v55, v2;
	v8 =	vld.idx.msk [tilespmem:v8+s12+$0x0], $0xffff  }
0x205: {  	v3 =	vadd.f32 v4, v3;
	v4 =	vmul.f32 v9, v7;
	v7 =	vld.idx.msk [tilespmem:v13+s11+$0x0], $0xffff;
	v9 =	vor.u32 v55, v1  }
0x206: {  	v13 =	vor.u32 v56, v2;
	v10 =	vld.idx.msk [tilespmem:v10+s12+$0x0], $0xffff  }
0x207: {  	v3 =	vadd.f32 v4, v3;
	v4 =	vmul.f32 v11, v5;
	v5 =	vld.idx.msk [tilespmem:v14+s11+$0x0], $0xffff;
	v11 =	vor.u32 v56, v1  }
0x208: {  	v14 =	vor.u32 v57, v2;
	v12 =	vld.idx.msk [tilespmem:v12+s12+$0x0], $0xffff  }
0x209: {  	v3 =	vadd.f32 v4, v3;
	v4 =	vmul.f32 v8, v6;
	v6 =	vld.idx.msk [tilespmem:v15+s11+$0x0], $0xffff;
	v8 =	vor.u32 v57, v1  }
0x20a: {  	v15 =	vor.u32 v58, v2;
	v9 =	vld.idx.msk [tilespmem:v9+s12+$0x0], $0xffff  }
0x20b: {  	v3 =	vadd.f32 v4, v3;
	v4 =	vmul.f32 v10, v7;
	v7 =	vld.idx.msk [tilespmem:v13+s11+$0x0], $0xffff;
	v10 =	vor.u32 v58, v1  }
0x20c: {  	v13 =	vor.u32 v59, v2;
	v11 =	vld.idx.msk [tilespmem:v11+s12+$0x0], $0xffff  }
0x20d: {  	v3 =	vadd.f32 v4, v3;
	v4 =	vmul.f32 v12, v5;
	v5 =	vld.idx.msk [tilespmem:v14+s11+$0x0], $0xffff;
	v12 =	vor.u32 v59, v1  }
0x20e: {  	v14 =	vor.u32 v60, v2;
	v8 =	vld.idx.msk [tilespmem:v8+s12+$0x0], $0xffff  }
0x20f: {  	v3 =	vadd.f32 v4, v3;
	v4 =	vmul.f32 v9, v6;
	v6 =	vld.idx.msk [tilespmem:v15+s11+$0x0], $0xffff;
	v9 =	vor.u32 v60, v1  }
0x210: {  	v15 =	vor.u32 v61, v2;
	v10 =	vld.idx.msk [tilespmem:v10+s12+$0x0], $0xffff  }
0x211: {  	v3 =	vadd.f32 v4, v3;
	v4 =	vmul.f32 v11, v7;
	v7 =	vld.idx.msk [tilespmem:v13+s11+$0x0], $0xffff;
	v11 =	vor.u32 v61, v1  }
0x212: {  	v13 =	vor.u32 v62, v2;
	v12 =	vld.idx.msk [tilespmem:v12+s12+$0x0], $0xffff  }
0x213: {  	v3 =	vadd.f32 v4, v3;
	v4 =	vmul.f32 v8, v5;
	v5 =	vld.idx.msk [tilespmem:v14+s11+$0x0], $0xffff;
	v8 =	vor.u32 v62, v1  }
0x214: {  	v14 =	vor.u32 v63, v2;
	v9 =	vld.idx.msk [tilespmem:v9+s12+$0x0], $0xffff  }
0x215: {  	v3 =	vadd.f32 v4, v3;
	v4 =	vmul.f32 v10, v6;
	v6 =	vld.idx.msk [tilespmem:v15+s11+$0x0], $0xffff;
	v10 =	vor.u32 v63, v1  }
0x216: {  	v15 =	vor.u32 v17, v2;
	v11 =	vld.idx.msk [tilespmem:v11+s12+$0x0], $0xffff  }
0x217: {  	v3 =	vadd.f32 v4, v3;
	v4 =	vmul.f32 v12, v7;
	v7 =	vld.idx.msk [tilespmem:v13+s11+$0x0], $0xffff;
	v12 =	vor.u32 v17, v1  }
0x218: {  	v8 =	vld.idx.msk [tilespmem:v8+s12+$0x0], $0xffff  }
0x219: {  	v13 =	vor.u32 v18, v2;
	v3 =	vadd.f32 v4, v3;
	v4 =	vmul.f32 v9, v5;
	v5 =	vld.idx.msk [tilespmem:v14+s11+$0x0], $0xffff  }
0x21a: {  	v9 =	vor.u32 v18, v1;
	v10 =	vld.idx.msk [tilespmem:v10+s12+$0x0], $0xffff  }
0x21b: {  	v14 =	vor.u32 v19, v2;
	v3 =	vadd.f32 v4, v3;
	v4 =	vmul.f32 v11, v6;
	v6 =	vld.idx.msk [tilespmem:v15+s11+$0x0], $0xffff  }
0x21c: {  	v12 =	vld.idx.msk [tilespmem:v12+s12+$0x0], $0xffff  }
0x21d: {  	v3 =	vadd.f32 v4, v3;
	v4 =	vmul.f32 v8, v7  }
0x21e: {  	v7 =	vld.idx.msk [tilespmem:v13+s11+$0x0], $0xffff  }
0x21f: {  	v11 =	vor.u32 v19, v1;
	v9 =	vld.idx.msk [tilespmem:v9+s12+$0x0], $0xffff;
	v3 =	vadd.f32 v4, v3;
	v4 =	vmul.f32 v10, v5  }
0x220: {  	v15 =	vor.u32 v20, v2;
	v5 =	vld.idx.msk [tilespmem:v14+s11+$0x0], $0xffff;
	v14 =	vor.u32 v22, v2  }
0x221: {  	v3 =	vadd.f32 v4, v3;
	v4 =	vmul.f32 v12, v6;
	v12 =	vor.u32 v22, v1;
	v22 =	vld [tilespmem:$0x1FF00];
	_ =	sdelay $0x2  }
0x222: {  	v8 =	vor.u32 v20, v1;
	v11 =	vld.idx.msk [tilespmem:v11+s12+$0x0], $0xffff  }
0x223: {  	v13 =	vor.u32 v21, v2;
	v6 =	vld.idx.msk [tilespmem:v15+s11+$0x0], $0xffff;
	v3 =	vadd.f32 v4, v3  }
0x224: {  	v4 =	vmul.f32 v9, v7;
	v15 =	vor.u32 v22, v2;
	v9 =	vor.u32 v22, v1;
	v22 =	vld [tilespmem:$0x1FF10];
	_ =	sdelay $0x2  }
0x225: {  	v10 =	vor.u32 v21, v1;
	v8 =	vld.idx.msk [tilespmem:v8+s12+$0x0], $0xffff  }
0x226: {  	v7 =	vld.idx.msk [tilespmem:v13+s11+$0x0], $0xffff;
	v3 =	vadd.f32 v4, v3  }
0x227: {  	v4 =	vmul.f32 v11, v5;
	v13 =	vor.u32 v22, v2;
	v11 =	vor.u32 v22, v1;
	v22 =	vld [tilespmem:$0x1FF20];
	_ =	sdelay $0x2  }
0x228: {  	v10 =	vld.idx.msk [tilespmem:v10+s12+$0x0], $0xffff  }
0x229: {  	v5 =	vld.idx.msk [tilespmem:v14+s11+$0x0], $0xffff;
	v3 =	vadd.f32 v4, v3  }
0x22a: {  	v4 =	vmul.f32 v8, v6;
	v14 =	vor.u32 v22, v2;
	v8 =	vor.u32 v22, v1;
	v22 =	vld [tilespmem:$0x1FF30];
	_ =	sdelay $0x2  }
0x22b: {  	v12 =	vld.idx.msk [tilespmem:v12+s12+$0x0], $0xffff  }
0x22c: {  	v3 =	vadd.f32 v4, v3;
	v6 =	vld.idx.msk [tilespmem:v15+s11+$0x0], $0xffff  }
0x22d: {  	v4 =	vmul.f32 v10, v7;
	v15 =	vor.u32 v22, v2;
	v10 =	vor.u32 v22, v1;
	v22 =	vld [tilespmem:$0x1FF40];
	_ =	sdelay $0x2  }
0x22e: {  	v9 =	vld.idx.msk [tilespmem:v9+s12+$0x0], $0xffff  }
0x22f: {  	v3 =	vadd.f32 v4, v3;
	v7 =	vld.idx.msk [tilespmem:v13+s11+$0x0], $0xffff  }
0x230: {  	v4 =	vmul.f32 v12, v5;
	v13 =	vor.u32 v22, v2;
	v12 =	vor.u32 v22, v1;
	v22 =	vld [tilespmem:$0x1FF50];
	_ =	sdelay $0x2  }
0x231: {  	v11 =	vld.idx.msk [tilespmem:v11+s12+$0x0], $0xffff  }
0x232: {  	v3 =	vadd.f32 v4, v3;
	v5 =	vld.idx.msk [tilespmem:v14+s11+$0x0], $0xffff  }
0x233: {  	v4 =	vmul.f32 v9, v6;
	v14 =	vor.u32 v22, v2;
	v9 =	vor.u32 v22, v1;
	v22 =	vld [tilespmem:$0x1FF60];
	_ =	sdelay $0x1  }
0x234: {  	v8 =	vld.idx.msk [tilespmem:v8+s12+$0x0], $0xffff;
	_ =	sdelay $0x1  }
0x235: {  	v3 =	vadd.f32 v4, v3;
	v6 =	vld.idx.msk [tilespmem:v15+s11+$0x0], $0xffff  }
0x236: {  	v4 =	vmul.f32 v11, v7;
	v15 =	vor.u32 v22, v2;
	v11 =	vor.u32 v22, v1;
	v22 =	vld [tilespmem:$0x1FF70]  }
0x237: {  	v10 =	vld.idx.msk [tilespmem:v10+s12+$0x0], $0xffff  }
0x238: {  	v3 =	vadd.f32 v4, v3;
	v4 =	vmul.f32 v8, v5;
	v5 =	vld.idx.msk [tilespmem:v14+s11+$0x0], $0xffff  }
0x239: {  	v14 =	vld [tilespmem:$0x1FF80]  }
0x23a: {  	v7 =	vld.idx.msk [tilespmem:v13+s11+$0x0], $0xffff  }
0x23b: {  	v12 =	vld.idx.msk [tilespmem:v12+s12+$0x0], $0xffff;
	v13 =	vor.u32 v22, v2  }
0x23c: {  	v8 =	vor.u32 v22, v1  }
0x23d: {  	v9 =	vld.idx.msk [tilespmem:v9+s12+$0x0], $0xffff  }
0x23e: {  	v3 =	vadd.f32 v4, v3;
	v4 =	vmul.f32 v10, v6;
	v2 =	vor.u32 v14, v2;
	v6 =	vld.idx.msk [tilespmem:v15+s11+$0x0], $0xffff  }
0x23f: {  	v10 =	vld.idx.msk [tilespmem:v11+s12+$0x0], $0xffff  }
0x240: {  	v3 =	vadd.f32 v4, v3;
	v4 =	vmul.f32 v12, v7;
	v1 =	vor.u32 v14, v1;
	v7 =	vld.idx.msk [tilespmem:v13+s11+$0x0], $0xffff  }
0x241: {  	v8 =	vld.idx.msk [tilespmem:v8+s12+$0x0], $0xffff  }
0x242: {  	v3 =	vadd.f32 v4, v3;
	v4 =	vmul.f32 v9, v5;
	v5 =	vld [tilespmem:s17+$0x10]  }
0x243: {  	v2 =	vld.idx.msk [tilespmem:v2+s11+$0x0], $0xffff  }
0x244: {  	v3 =	vadd.f32 v4, v3;
	v4 =	vmul.f32 v10, v6;
	v6 =	vld [tilespmem:s17+$0x210]  }
0x245: {  	v9 =	vld.idx.msk [tilespmem:v1+s12+$0x0], $0xffff  }
0x246: {  	v1 =	vadd.f32 v4, v3;
	v3 =	vmul.f32 v8, v7;
	_ =	sdelay $0x1  }
0x247: {  	v3 =	vadd.f32 v3, v1;
	v1 =	vshll.u32 v5, $0x7  }
0x248: {  	v4 =	vor.u32 $0x4000, v0;
	v5 =	vshll.u32 v6, $0x7;
	v1 =	vand.u32 $0x380, v1  }
0x249: {  	v6 =	vmul.f32 v9, v2;
	v2 =	vand.u32 $0x380, v5;
	v7 =	vor.u32 v4, v1  }
0x24a: {  	v11 =	vor.u32 $0x4004, v0;
	v14 =	vor.u32 $0x4006, v0;
	v22 =	vmovc v21;
	v4 =	vor.u32 v4, v2  }
0x24b: {  	v21 =	vmovc v20;
	v20 =	vmovc v19;
	v19 =	vmov v18;
	v5 =	vor.u32 $0x4001, v0;
	v3 =	vadd.f32 v6, v3  }
0x24c: {  	v18 =	vmovc v17;
	v17 =	vmovc v63;
	v63 =	vmov v62;
	v62 =	vmov v61;
	v6 =	vor.u32 v5, v1  }
0x24d: {  	v61 =	vmovc v60;
	v60 =	vmovc v59;
	v59 =	vmov v58;
	[tilespmem:s17+$0x10400] =	vst v3;
	v3 =	vor.u32 v5, v2;
	v5 =	vor.u32 $0x4002, v0  }
0x24e: {  	v58 =	vmovc v57;
	v57 =	vmovc v56;
	v56 =	vmov v55;
	v55 =	vmov v54;
	v8 =	vor.u32 v5, v1;
	v7 =	vld.idx.msk [tilespmem:v7+s11+$0x0], $0xffff  }
0x24f: {  	v54 =	vmovc v53;
	v53 =	vmovc v52;
	v52 =	vmov v51;
	v9 =	vor.u32 $0x4003, v0;
	v5 =	vor.u32 v5, v2;
	v4 =	vld.idx.msk [tilespmem:v4+s12+$0x0], $0xffff  }
0x250: {  	v51 =	vmovc v50;
	v50 =	vmovc v49;
	v49 =	vmov v48;
	v48 =	vmov v47;
	v10 =	vor.u32 v9, v1  }
0x251: {  	v47 =	vmovc v46;
	v46 =	vmovc v45;
	v45 =	vmov v44;
	v44 =	vmov v43;
	v9 =	vor.u32 v9, v2;
	v6 =	vld.idx.msk [tilespmem:v6+s11+$0x0], $0xffff  }
0x252: {  	v43 =	vmovc v42;
	v42 =	vmovc v41;
	v41 =	vmov v40;
	v40 =	vmov v39;
	v12 =	vor.u32 v11, v1;
	v3 =	vld.idx.msk [tilespmem:v3+s12+$0x0], $0xffff  }
0x253: {  	v39 =	vmovc v38;
	v38 =	vmovc v37;
	v37 =	vmov v36;
	v13 =	vor.u32 $0x4005, v0;
	v11 =	vor.u32 v11, v2;
	v8 =	vld.idx.msk [tilespmem:v8+s11+$0x0], $0xffff  }
0x254: {  	v36 =	vmovc v35;
	v35 =	vmov v34;
	v5 =	vld.idx.msk [tilespmem:v5+s12+$0x0], $0xffff;
	v4 =	vmul.f32 v4, v7;
	v7 =	vor.u32 v13, v1  }
0x255: {  	v34 =	vmovc v33;
	v33 =	vmovc v32;
	v32 =	vmov v31;
	v31 =	vmov v30;
	v10 =	vld.idx.msk [tilespmem:v10+s11+$0x0], $0xffff;
	v13 =	vor.u32 v13, v2  }
0x256: {  	v30 =	vmovc v29;
	v29 =	vmovc v28;
	v28 =	vmov v27;
	v15 =	vor.u32 v14, v1;
	v9 =	vld.idx.msk [tilespmem:v9+s12+$0x0], $0xffff;
	v4 =	vadd.f32 $0.0e+00, v4  }
0x257: {  	v27 =	vmovc v26;
	v3 =	vmul.f32 v3, v6;
	v6 =	vld.idx.msk [tilespmem:v12+s11+$0x0], $0xffff;
	v12 =	vor.u32 v14, v2;
	v14 =	vor.u32 $0x4007, v0  }
0x258: {  	v26 =	vmovc v25;
	v25 =	vmovc v24;
	v24 =	vmov v23;
	v23 =	vmov v16;
	v11 =	vld.idx.msk [tilespmem:v11+s12+$0x0], $0xffff;
	v16 =	vor.u32 v14, v1  }
0x259: {  	v3 =	vadd.f32 v3, v4;
	v4 =	vmul.f32 v5, v8;
	v5 =	vld.idx.msk [tilespmem:v7+s11+$0x0], $0xffff;
	v7 =	vor.u32 v14, v2  }
0x25a: {  	v8 =	vld.idx.msk [tilespmem:v13+s12+$0x0], $0xffff;
	v13 =	vor.u32 $0x4008, v0  }
0x25b: {  	v3 =	vadd.f32 v4, v3;
	v4 =	vmul.f32 v9, v10;
	v9 =	vld.idx.msk [tilespmem:v15+s11+$0x0], $0xffff;
	v10 =	vor.u32 v13, v1  }
0x25c: {  	v14 =	vor.u32 $0x4009, v0;
	v13 =	vor.u32 v13, v2;
	v12 =	vld.idx.msk [tilespmem:v12+s12+$0x0], $0xffff  }
0x25d: {  	v3 =	vadd.f32 v4, v3;
	v4 =	vmul.f32 v11, v6;
	v6 =	vld.idx.msk [tilespmem:v16+s11+$0x0], $0xffff;
	v11 =	vor.u32 v14, v1  }
0x25e: {  	v15 =	vor.u32 $0x400A, v0;
	v14 =	vor.u32 v14, v2;
	v7 =	vld.idx.msk [tilespmem:v7+s12+$0x0], $0xffff  }
0x25f: {  	v3 =	vadd.f32 v4, v3;
	v4 =	vmul.f32 v8, v5;
	v5 =	vor.u32 v15, v1  }
0x260: {  	v8 =	vld.idx.msk [tilespmem:v10+s11+$0x0], $0xffff;
	v10 =	vor.u32 v15, v2;
	v15 =	vor.u32 $0x400B, v0  }
0x261: {  	v3 =	vadd.f32 v4, v3;
	v4 =	vmul.f32 v12, v9;
	v9 =	vld.idx.msk [tilespmem:v13+s12+$0x0], $0xffff;
	v12 =	vor.u32 v15, v1  }
0x262: {  	v13 =	vor.u32 v15, v2;
	v15 =	vor.u32 $0x400C, v0;
	v11 =	vld.idx.msk [tilespmem:v11+s11+$0x0], $0xffff  }
0x263: {  	v3 =	vadd.f32 v4, v3;
	v4 =	vmul.f32 v7, v6;
	v6 =	vld.idx.msk [tilespmem:v14+s12+$0x0], $0xffff;
	v7 =	vor.u32 v15, v1  }
0x264: {  	v5 =	vld.idx.msk [tilespmem:v5+s11+$0x0], $0xffff;
	v14 =	vor.u32 v15, v2;
	v15 =	vor.u32 $0x400D, v0  }
0x265: {  	v3 =	vadd.f32 v4, v3;
	v4 =	vld.idx.msk [tilespmem:v10+s12+$0x0], $0xffff;
	v10 =	vor.u32 v15, v1  }
0x266: {  	v8 =	vmul.f32 v9, v8;
	v9 =	vld.idx.msk [tilespmem:v12+s11+$0x0], $0xffff;
	v12 =	vor.u32 v15, v2;
	v15 =	vor.u32 $0x400E, v0  }
0x267: {  	v13 =	vld.idx.msk [tilespmem:v13+s12+$0x0], $0xffff;
	v16 =	vor.u32 v15, v1  }
0x268: {  	v3 =	vadd.f32 v8, v3;
	v8 =	vor.u32 v15, v2;
	v6 =	vmul.f32 v6, v11;
	v7 =	vld.idx.msk [tilespmem:v7+s11+$0x0], $0xffff  }
0x269: {  	v11 =	vld.idx.msk [tilespmem:v14+s12+$0x0], $0xffff;
	v14 =	vor.u32 $0x400F, v0  }
0x26a: {  	v3 =	vadd.f32 v6, v3;
	v4 =	vmul.f32 v4, v5;
	v5 =	vld.idx.msk [tilespmem:v10+s11+$0x0], $0xffff;
	v6 =	vor.u32 v14, v1  }
0x26b: {  	v10 =	vld.idx.msk [tilespmem:v12+s12+$0x0], $0xffff;
	v12 =	vor.u32 v14, v2;
	v14 =	vor.u32 $0x4010, v0  }
0x26c: {  	v3 =	vadd.f32 v4, v3;
	v4 =	vmul.f32 v13, v9;
	v9 =	vld.idx.msk [tilespmem:v16+s11+$0x0], $0xffff;
	v13 =	vor.u32 v14, v1  }
0x26d: {  	v15 =	vor.u32 $0x4011, v0;
	v8 =	vld.idx.msk [tilespmem:v8+s12+$0x0], $0xffff;
	v14 =	vor.u32 v14, v2  }
0x26e: {  	v3 =	vadd.f32 v4, v3;
	v4 =	vmul.f32 v11, v7;
	v7 =	vor.u32 v15, v1  }
0x26f: {  	v11 =	vor.u32 v15, v2;
	v15 =	vor.u32 $0x4012, v0;
	v6 =	vld.idx.msk [tilespmem:v6+s11+$0x0], $0xffff  }
0x270: {  	v3 =	vadd.f32 v4, v3;
	v4 =	vmul.f32 v10, v5;
	v5 =	vld.idx.msk [tilespmem:v12+s12+$0x0], $0xffff;
	v10 =	vor.u32 v15, v1  }
0x271: {  	v12 =	vld.idx.msk [tilespmem:v13+s11+$0x0], $0xffff;
	v13 =	vor.u32 v15, v2;
	v15 =	vor.u32 $0x4013, v0  }
0x272: {  	v3 =	vadd.f32 v4, v3;
	v4 =	vmul.f32 v8, v9;
	v8 =	vld.idx.msk [tilespmem:v14+s12+$0x0], $0xffff;
	v9 =	vor.u32 v15, v1  }
0x273: {  	v14 =	vor.u32 v15, v2;
	v15 =	vor.u32 $0x4014, v0;
	v7 =	vld.idx.msk [tilespmem:v7+s11+$0x0], $0xffff  }
0x274: {  	v3 =	vadd.f32 v4, v3;
	v4 =	vld.idx.msk [tilespmem:v11+s12+$0x0], $0xffff;
	v11 =	vor.u32 v15, v1  }
0x275: {  	v5 =	vmul.f32 v5, v6;
	v6 =	vld.idx.msk [tilespmem:v10+s11+$0x0], $0xffff;
	v10 =	vor.u32 v15, v2;
	v15 =	vor.u32 $0x4015, v0  }
0x276: {  	v13 =	vld.idx.msk [tilespmem:v13+s12+$0x0], $0xffff;
	v16 =	vor.u32 v15, v1  }
0x277: {  	v3 =	vadd.f32 v5, v3;
	v5 =	vmul.f32 v8, v12;
	v8 =	vld.idx.msk [tilespmem:v9+s11+$0x0], $0xffff;
	v9 =	vor.u32 v15, v2  }
0x278: {  	v12 =	vld.idx.msk [tilespmem:v14+s12+$0x0], $0xffff;
	v14 =	vor.u32 $0x4016, v0  }
0x279: {  	v3 =	vadd.f32 v5, v3;
	v4 =	vmul.f32 v4, v7;
	v5 =	vld.idx.msk [tilespmem:v11+s11+$0x0], $0xffff;
	v7 =	vor.u32 v14, v1  }
0x27a: {  	v11 =	vor.u32 v14, v2;
	v14 =	vor.u32 $0x4017, v0;
	v10 =	vld.idx.msk [tilespmem:v10+s12+$0x0], $0xffff  }
0x27b: {  	v3 =	vadd.f32 v4, v3;
	v4 =	vmul.f32 v13, v6;
	v6 =	vld.idx.msk [tilespmem:v16+s11+$0x0], $0xffff;
	v13 =	vor.u32 v14, v1  }
0x27c: {  	v15 =	vor.u32 $0x4018, v0;
	v14 =	vor.u32 v14, v2;
	v9 =	vld.idx.msk [tilespmem:v9+s12+$0x0], $0xffff  }
0x27d: {  	v3 =	vadd.f32 v4, v3;
	v4 =	vmul.f32 v12, v8;
	v8 =	vor.u32 v15, v1  }
0x27e: {  	v12 =	vor.u32 v15, v2;
	v15 =	vor.u32 $0x4019, v0;
	v7 =	vld.idx.msk [tilespmem:v7+s11+$0x0], $0xffff  }
0x27f: {  	v3 =	vadd.f32 v4, v3;
	v4 =	vmul.f32 v10, v5;
	v5 =	vld.idx.msk [tilespmem:v11+s12+$0x0], $0xffff;
	v10 =	vor.u32 v15, v1  }
0x280: {  	v11 =	vld.idx.msk [tilespmem:v13+s11+$0x0], $0xffff;
	v13 =	vor.u32 v15, v2;
	v15 =	vor.u32 $0x401A, v0  }
0x281: {  	v3 =	vadd.f32 v4, v3;
	v4 =	vmul.f32 v9, v6;
	v6 =	vld.idx.msk [tilespmem:v14+s12+$0x0], $0xffff;
	v9 =	vor.u32 v15, v1  }
0x282: {  	v14 =	vor.u32 v15, v2;
	v15 =	vor.u32 $0x401B, v0;
	v8 =	vld.idx.msk [tilespmem:v8+s11+$0x0], $0xffff  }
0x283: {  	v3 =	vadd.f32 v4, v3;
	v4 =	vld.idx.msk [tilespmem:v12+s12+$0x0], $0xffff;
	v12 =	vor.u32 v15, v1  }
0x284: {  	v5 =	vmul.f32 v5, v7;
	v7 =	vld.idx.msk [tilespmem:v10+s11+$0x0], $0xffff;
	v10 =	vor.u32 v15, v2;
	v15 =	vor.u32 $0x401C, v0  }
0x285: {  	v13 =	vld.idx.msk [tilespmem:v13+s12+$0x0], $0xffff;
	v16 =	vor.u32 v15, v1  }
0x286: {  	v3 =	vadd.f32 v5, v3;
	v5 =	vmul.f32 v6, v11;
	v6 =	vld.idx.msk [tilespmem:v9+s11+$0x0], $0xffff;
	v9 =	vor.u32 v15, v2  }
0x287: {  	v11 =	vld.idx.msk [tilespmem:v14+s12+$0x0], $0xffff;
	v14 =	vor.u32 $0x401D, v0  }
0x288: {  	v3 =	vadd.f32 v5, v3;
	v4 =	vmul.f32 v4, v8;
	v5 =	vld.idx.msk [tilespmem:v12+s11+$0x0], $0xffff;
	v8 =	vor.u32 v14, v1  }
0x289: {  	v12 =	vor.u32 v14, v2;
	v14 =	vor.u32 $0x401E, v0;
	v10 =	vld.idx.msk [tilespmem:v10+s12+$0x0], $0xffff  }
0x28a: {  	v3 =	vadd.f32 v4, v3;
	v4 =	vmul.f32 v13, v7;
	v7 =	vld.idx.msk [tilespmem:v16+s11+$0x0], $0xffff;
	v13 =	vor.u32 v14, v1  }
0x28b: {  	v15 =	vor.u32 $0x401F, v0;
	v14 =	vor.u32 v14, v2;
	v9 =	vld.idx.msk [tilespmem:v9+s12+$0x0], $0xffff  }
0x28c: {  	v3 =	vadd.f32 v4, v3;
	v4 =	vmul.f32 v11, v6;
	v6 =	vor.u32 v15, v1  }
0x28d: {  	v11 =	vor.u32 v15, v2;
	v15 =	vor.u32 $0x4020, v0;
	v8 =	vld.idx.msk [tilespmem:v8+s11+$0x0], $0xffff  }
0x28e: {  	v3 =	vadd.f32 v4, v3;
	v4 =	vmul.f32 v10, v5;
	v5 =	vld.idx.msk [tilespmem:v12+s12+$0x0], $0xffff;
	v10 =	vor.u32 v15, v1  }
0x28f: {  	v12 =	vld.idx.msk [tilespmem:v13+s11+$0x0], $0xffff;
	v13 =	vor.u32 v15, v2;
	v15 =	vor.u32 $0x4021, v0  }
0x290: {  	v3 =	vadd.f32 v4, v3;
	v4 =	vmul.f32 v9, v7;
	v7 =	vld.idx.msk [tilespmem:v14+s12+$0x0], $0xffff;
	v9 =	vor.u32 v15, v1  }
0x291: {  	v14 =	vor.u32 v15, v2;
	v15 =	vor.u32 $0x4022, v0;
	v6 =	vld.idx.msk [tilespmem:v6+s11+$0x0], $0xffff  }
0x292: {  	v3 =	vadd.f32 v4, v3;
	v4 =	vld.idx.msk [tilespmem:v11+s12+$0x0], $0xffff;
	v11 =	vor.u32 v15, v1  }
0x293: {  	v5 =	vmul.f32 v5, v8;
	v8 =	vld.idx.msk [tilespmem:v10+s11+$0x0], $0xffff;
	v10 =	vor.u32 v15, v2;
	v15 =	vor.u32 $0x4023, v0  }
0x294: {  	v13 =	vld.idx.msk [tilespmem:v13+s12+$0x0], $0xffff;
	v16 =	vor.u32 v15, v1  }
0x295: {  	v3 =	vadd.f32 v5, v3;
	v5 =	vmul.f32 v7, v12;
	v7 =	vld.idx.msk [tilespmem:v9+s11+$0x0], $0xffff;
	v9 =	vor.u32 v15, v2  }
0x296: {  	v12 =	vld.idx.msk [tilespmem:v14+s12+$0x0], $0xffff;
	v14 =	vor.u32 $0x4024, v0  }
0x297: {  	v3 =	vadd.f32 v5, v3;
	v4 =	vmul.f32 v4, v6;
	v5 =	vld.idx.msk [tilespmem:v11+s11+$0x0], $0xffff;
	v6 =	vor.u32 v14, v1  }
0x298: {  	v11 =	vor.u32 v14, v2;
	v14 =	vor.u32 $0x4025, v0;
	v10 =	vld.idx.msk [tilespmem:v10+s12+$0x0], $0xffff  }
0x299: {  	v3 =	vadd.f32 v4, v3;
	v4 =	vmul.f32 v13, v8;
	v8 =	vld.idx.msk [tilespmem:v16+s11+$0x0], $0xffff;
	v13 =	vor.u32 v14, v1  }
0x29a: {  	v15 =	vor.u32 $0x4026, v0;
	v14 =	vor.u32 v14, v2;
	v9 =	vld.idx.msk [tilespmem:v9+s12+$0x0], $0xffff  }
0x29b: {  	v3 =	vadd.f32 v4, v3;
	v4 =	vmul.f32 v12, v7;
	v7 =	vor.u32 v15, v1  }
0x29c: {  	v12 =	vor.u32 v15, v2;
	v15 =	vor.u32 $0x4027, v0;
	v6 =	vld.idx.msk [tilespmem:v6+s11+$0x0], $0xffff  }
0x29d: {  	v3 =	vadd.f32 v4, v3;
	v4 =	vmul.f32 v10, v5;
	v5 =	vld.idx.msk [tilespmem:v11+s12+$0x0], $0xffff;
	v10 =	vor.u32 v15, v1  }
0x29e: {  	v11 =	vld.idx.msk [tilespmem:v13+s11+$0x0], $0xffff;
	v13 =	vor.u32 v15, v2;
	v15 =	vor.u32 $0x4028, v0  }
0x29f: {  	v3 =	vadd.f32 v4, v3;
	v4 =	vmul.f32 v9, v8;
	v8 =	vld.idx.msk [tilespmem:v14+s12+$0x0], $0xffff;
	v9 =	vor.u32 v15, v1  }
0x2a0: {  	v14 =	vor.u32 v15, v2;
	v15 =	vor.u32 $0x4029, v0;
	v7 =	vld.idx.msk [tilespmem:v7+s11+$0x0], $0xffff  }
0x2a1: {  	v3 =	vadd.f32 v4, v3;
	v4 =	vld.idx.msk [tilespmem:v12+s12+$0x0], $0xffff;
	v12 =	vor.u32 v15, v1  }
0x2a2: {  	v5 =	vmul.f32 v5, v6;
	v6 =	vld.idx.msk [tilespmem:v10+s11+$0x0], $0xffff;
	v10 =	vor.u32 v15, v2;
	v15 =	vor.u32 $0x402A, v0  }
0x2a3: {  	v13 =	vld.idx.msk [tilespmem:v13+s12+$0x0], $0xffff;
	v16 =	vor.u32 v15, v1  }
0x2a4: {  	v3 =	vadd.f32 v5, v3;
	v5 =	vmul.f32 v8, v11;
	v8 =	vld.idx.msk [tilespmem:v9+s11+$0x0], $0xffff;
	v9 =	vor.u32 v15, v2  }
0x2a5: {  	v11 =	vld.idx.msk [tilespmem:v14+s12+$0x0], $0xffff;
	v14 =	vor.u32 $0x402B, v0  }
0x2a6: {  	v3 =	vadd.f32 v5, v3;
	v4 =	vmul.f32 v4, v7;
	v5 =	vld.idx.msk [tilespmem:v12+s11+$0x0], $0xffff;
	v7 =	vor.u32 v14, v1  }
0x2a7: {  	v12 =	vor.u32 v14, v2;
	v14 =	vor.u32 $0x402C, v0;
	v10 =	vld.idx.msk [tilespmem:v10+s12+$0x0], $0xffff  }
0x2a8: {  	v3 =	vadd.f32 v4, v3;
	v4 =	vmul.f32 v13, v6;
	v6 =	vld.idx.msk [tilespmem:v16+s11+$0x0], $0xffff;
	v13 =	vor.u32 v14, v1  }
0x2a9: {  	v15 =	vor.u32 $0x402D, v0;
	v14 =	vor.u32 v14, v2;
	v9 =	vld.idx.msk [tilespmem:v9+s12+$0x0], $0xffff  }
0x2aa: {  	v3 =	vadd.f32 v4, v3;
	v4 =	vmul.f32 v11, v8;
	v8 =	vor.u32 v15, v1  }
0x2ab: {  	v11 =	vor.u32 v15, v2;
	v15 =	vor.u32 $0x402E, v0;
	v7 =	vld.idx.msk [tilespmem:v7+s11+$0x0], $0xffff  }
0x2ac: {  	v3 =	vadd.f32 v4, v3;
	v4 =	vmul.f32 v10, v5;
	v5 =	vld.idx.msk [tilespmem:v12+s12+$0x0], $0xffff;
	v10 =	vor.u32 v15, v1  }
0x2ad: {  	v12 =	vld.idx.msk [tilespmem:v13+s11+$0x0], $0xffff;
	v13 =	vor.u32 v15, v2;
	v15 =	vor.u32 $0x402F, v0  }
0x2ae: {  	v3 =	vadd.f32 v4, v3;
	v4 =	vmul.f32 v9, v6;
	v6 =	vld.idx.msk [tilespmem:v14+s12+$0x0], $0xffff;
	v9 =	vor.u32 v15, v1  }
0x2af: {  	v14 =	vor.u32 v15, v2;
	v15 =	vor.u32 $0x4030, v0;
	v8 =	vld.idx.msk [tilespmem:v8+s11+$0x0], $0xffff  }
0x2b0: {  	v3 =	vadd.f32 v4, v3;
	v4 =	vld.idx.msk [tilespmem:v11+s12+$0x0], $0xffff;
	v11 =	vor.u32 v15, v1  }
0x2b1: {  	v5 =	vmul.f32 v5, v7;
	v7 =	vld.idx.msk [tilespmem:v10+s11+$0x0], $0xffff;
	v10 =	vor.u32 v15, v2;
	v15 =	vor.u32 $0x4031, v0  }
0x2b2: {  	v13 =	vld.idx.msk [tilespmem:v13+s12+$0x0], $0xffff;
	v16 =	vor.u32 v15, v1  }
0x2b3: {  	v3 =	vadd.f32 v5, v3;
	v5 =	vmul.f32 v6, v12;
	v6 =	vld.idx.msk [tilespmem:v9+s11+$0x0], $0xffff;
	v9 =	vor.u32 v15, v2  }
0x2b4: {  	v12 =	vld.idx.msk [tilespmem:v14+s12+$0x0], $0xffff;
	v14 =	vor.u32 $0x4032, v0  }
0x2b5: {  	v3 =	vadd.f32 v5, v3;
	v4 =	vmul.f32 v4, v8;
	v5 =	vld.idx.msk [tilespmem:v11+s11+$0x0], $0xffff;
	v8 =	vor.u32 v14, v1  }
0x2b6: {  	v11 =	vor.u32 v14, v2;
	v14 =	vor.u32 $0x4033, v0;
	v10 =	vld.idx.msk [tilespmem:v10+s12+$0x0], $0xffff  }
0x2b7: {  	v3 =	vadd.f32 v4, v3;
	v4 =	vmul.f32 v13, v7;
	v7 =	vld.idx.msk [tilespmem:v16+s11+$0x0], $0xffff;
	v13 =	vor.u32 v14, v1  }
0x2b8: {  	v15 =	vor.u32 $0x4034, v0;
	v14 =	vor.u32 v14, v2;
	v9 =	vld.idx.msk [tilespmem:v9+s12+$0x0], $0xffff  }
0x2b9: {  	v3 =	vadd.f32 v4, v3;
	v4 =	vmul.f32 v12, v6;
	v6 =	vor.u32 v15, v1  }
0x2ba: {  	v12 =	vor.u32 v15, v2;
	v15 =	vor.u32 $0x4035, v0;
	v8 =	vld.idx.msk [tilespmem:v8+s11+$0x0], $0xffff  }
0x2bb: {  	v3 =	vadd.f32 v4, v3;
	v4 =	vmul.f32 v10, v5;
	v5 =	vld.idx.msk [tilespmem:v11+s12+$0x0], $0xffff;
	v10 =	vor.u32 v15, v1  }
0x2bc: {  	v11 =	vld.idx.msk [tilespmem:v13+s11+$0x0], $0xffff;
	v13 =	vor.u32 v15, v2;
	v15 =	vor.u32 $0x4036, v0  }
0x2bd: {  	v3 =	vadd.f32 v4, v3;
	v4 =	vmul.f32 v9, v7;
	v7 =	vld.idx.msk [tilespmem:v14+s12+$0x0], $0xffff;
	v9 =	vor.u32 v15, v1  }
0x2be: {  	v14 =	vor.u32 v15, v2;
	v15 =	vor.u32 $0x4037, v0;
	v6 =	vld.idx.msk [tilespmem:v6+s11+$0x0], $0xffff  }
0x2bf: {  	v3 =	vadd.f32 v4, v3;
	v4 =	vld.idx.msk [tilespmem:v12+s12+$0x0], $0xffff;
	v12 =	vor.u32 v15, v1  }
0x2c0: {  	v5 =	vmul.f32 v5, v8;
	v8 =	vld.idx.msk [tilespmem:v10+s11+$0x0], $0xffff;
	v10 =	vor.u32 v15, v2;
	v15 =	vor.u32 $0x4038, v0  }
0x2c1: {  	v13 =	vld.idx.msk [tilespmem:v13+s12+$0x0], $0xffff;
	v16 =	vor.u32 v15, v1  }
0x2c2: {  	v3 =	vadd.f32 v5, v3;
	v5 =	vmul.f32 v7, v11;
	v7 =	vld.idx.msk [tilespmem:v9+s11+$0x0], $0xffff;
	v9 =	vor.u32 v15, v2  }
0x2c3: {  	v11 =	vld.idx.msk [tilespmem:v14+s12+$0x0], $0xffff;
	v14 =	vor.u32 $0x4039, v0  }
0x2c4: {  	v3 =	vadd.f32 v5, v3;
	v4 =	vmul.f32 v4, v6;
	v5 =	vld.idx.msk [tilespmem:v12+s11+$0x0], $0xffff;
	v6 =	vor.u32 v14, v1  }
0x2c5: {  	v12 =	vor.u32 v14, v2;
	v14 =	vor.u32 $0x403A, v0;
	v10 =	vld.idx.msk [tilespmem:v10+s12+$0x0], $0xffff  }
0x2c6: {  	v3 =	vadd.f32 v4, v3;
	v4 =	vmul.f32 v13, v8;
	v8 =	vld.idx.msk [tilespmem:v16+s11+$0x0], $0xffff;
	v13 =	vor.u32 v14, v1  }
0x2c7: {  	v15 =	vor.u32 $0x403B, v0;
	v14 =	vor.u32 v14, v2;
	v9 =	vld.idx.msk [tilespmem:v9+s12+$0x0], $0xffff  }
0x2c8: {  	v16 =	vmovc v23;
	v3 =	vadd.f32 v4, v3;
	v4 =	vmul.f32 v11, v7;
	v7 =	vor.u32 v15, v1  }
0x2c9: {  	v23 =	vmovc v24;
	v24 =	vmovc v25;
	v25 =	vmov v26;
	v11 =	vor.u32 v15, v2;
	v15 =	vor.u32 $0x403C, v0;
	v6 =	vld.idx.msk [tilespmem:v6+s11+$0x0], $0xffff  }
0x2ca: {  	v3 =	vadd.f32 v4, v3;
	v4 =	vmul.f32 v10, v5;
	v5 =	vld.idx.msk [tilespmem:v12+s12+$0x0], $0xffff;
	v10 =	vor.u32 v15, v1  }
0x2cb: {  	v26 =	vmovc v27;
	v27 =	vmovc v28;
	v28 =	vmov v29;
	v12 =	vld.idx.msk [tilespmem:v13+s11+$0x0], $0xffff;
	v13 =	vor.u32 v15, v2;
	v15 =	vor.u32 $0x403D, v0  }
0x2cc: {  	v3 =	vadd.f32 v4, v3;
	v4 =	vmul.f32 v9, v8;
	v8 =	vld.idx.msk [tilespmem:v14+s12+$0x0], $0xffff;
	v9 =	vor.u32 v15, v1  }
0x2cd: {  	v29 =	vmovc v30;
	v30 =	vmovc v31;
	v31 =	vmov v32;
	v14 =	vor.u32 v15, v2;
	v15 =	vor.u32 $0x403E, v0;
	v7 =	vld.idx.msk [tilespmem:v7+s11+$0x0], $0xffff  }
0x2ce: {  	v32 =	vmovc v33;
	v33 =	vmov v34;
	v3 =	vadd.f32 v4, v3;
	v4 =	vld.idx.msk [tilespmem:v11+s12+$0x0], $0xffff;
	v11 =	vor.u32 v15, v1  }
0x2cf: {  	v34 =	vmovc v35;
	v5 =	vmul.f32 v5, v6;
	v6 =	vld.idx.msk [tilespmem:v10+s11+$0x0], $0xffff;
	v10 =	vor.u32 v15, v2;
	v15 =	vor.u32 $0x403F, v0  }
0x2d0: {  	v35 =	vmovc v36;
	v36 =	vmovc v37;
	v37 =	vmov v38;
	v38 =	vmov v39;
	v13 =	vld.idx.msk [tilespmem:v13+s12+$0x0], $0xffff;
	v1 =	vor.u32 v15, v1  }
0x2d1: {  	v2 =	vor.u32 v15, v2;
	v3 =	vadd.f32 v5, v3;
	v5 =	vmul.f32 v8, v12;
	v8 =	vld.idx.msk [tilespmem:v9+s11+$0x0], $0xffff  }
0x2d2: {  	v39 =	vmovc v40;
	v40 =	vmovc v41;
	v41 =	vmov v42;
	v42 =	vmov v43;
	v43 =	vmov v44;
	v9 =	vld.idx.msk [tilespmem:v14+s12+$0x0], $0xffff  }
0x2d3: {  	v44 =	vmovc v45;
	v45 =	vmov v46;
	v3 =	vadd.f32 v5, v3;
	v4 =	vmul.f32 v4, v7;
	v5 =	vld.idx.msk [tilespmem:v11+s11+$0x0], $0xffff  }
0x2d4: {  	v46 =	vmovc v47;
	v47 =	vmovc v48;
	v48 =	vmov v49;
	v49 =	vmov v50;
	v50 =	vmov v51;
	v7 =	vld.idx.msk [tilespmem:v10+s12+$0x0], $0xffff  }
0x2d5: {  	v51 =	vmovc v52;
	v52 =	vmov v53;
	v3 =	vadd.f32 v4, v3;
	v4 =	vmul.f32 v13, v6;
	v1 =	vld.idx.msk [tilespmem:v1+s11+$0x0], $0xffff  }
0x2d6: {  	v53 =	vmovc v54;
	v54 =	vmovc v55;
	v55 =	vmov v56;
	v56 =	vmov v57;
	v57 =	vmov v58;
	v2 =	vld.idx.msk [tilespmem:v2+s12+$0x0], $0xffff  }
0x2d7: {  	v58 =	vmovc v59;
	v59 =	vmovc v60;
	v60 =	vmov v61;
	v3 =	vadd.f32 v4, v3;
	v4 =	vmul.f32 v9, v8  }
0x2d8: {  	v61 =	vmovc v62;
	v62 =	vmovc v63;
	v63 =	vmov v17;
	v17 =	vmov v18;
	v18 =	vmov v19  }
0x2d9: {  	v19 =	vmovc v20;
	v20 =	vmovc v21;
	v21 =	vmov v22;
	v22 =	vld [tilespmem:$0x1FFF0];
	v3 =	vadd.f32 v4, v3;
	v4 =	vmul.f32 v7, v5  }
0x2da: {  	p0 =	sne.s32 s16, $0x780;
	v15 =	vld [tilespmem:$0x1FFE0]  }
.Ltmp0:
0x2db: {  	v12 =	vld [tilespmem:$0x1FFC0];
	v1 =	vmul.f32 v2, v1;
	v3 =	vadd.f32 v4, v3;
	(pc) =	sbr.rel @p0 .LBB2_2-.Ltmp0, $4  }
0x2dc: {  	v14 =	vld [tilespmem:$0x1FFD0]  }
0x2dd: {  	v10 =	vld [tilespmem:$0x1FFB0];
	v1 =	vadd.f32 v1, v3  }
0x2de: {  	v6 =	vld [tilespmem:$0x1FF90]  }
0x2df: {  	s16 =	sadd.s32 $0x80, s16;
	v8 =	vld [tilespmem:$0x1FFA0];
	[tilespmem:s17+$0x10410] =	vst v1  }
0x2e0: {  	s15 =	sadd.s32 $0x1, s15  }
0x2e1: {  	p0 =	sne.s32 s15, s8  }
.Ltmp1:
0x2e2: {  	_ = 	snop;
	(pc) =	sbr.rel @p0 .LBB2_1-.Ltmp1, $4  }
0x2e3: {  	[hbm4b:s7+s1] =	stream.linear.scatter [tilespmem:s14], [sflag:$0x2], $0x200, $0x38;
	[tilespmem:$0x10600] =	vst v63  }
0x2e4: {  	_ =	swait.ge [sflag:s9], $0x200  }
0x2e5: {  	[sflag:s9] =	ssyncset.done $0x0  }
0x2e6: {  	[sflag:s9] =	ssyncadd.s32 $0xFFFFFE00  }
0x2e7: {  	_ =	sfence.sel $0x180000  }
0x2e8: {  	[bflag:$0x0] =	sbarrier.arrive $0xFFFF  }
0x2e9: {  	p0 =	sne.s32 s4, $0x0;
	_ =	strace $0x90000047  }
0x2ea: {  	s0 =	sadd.s32 @!p0 $0x100000, s0;
	[bflag:$0x2] =	sbarrier.arrive $0xFFFF  }
0x2eb: {  	[sflag:s0] =	ssyncadd.tile.s32 @!p0 $0x1;
	_ =	shalt  }
.Lfunc_end2:
_tile_overlayer_lowered:
.L_overlay_start_2:
0x2ec: {  	(tag) =	ssettag $0x2  }
0x2ed: {  	s0 =	rddreg [dreg:$0x0];
	s2 =	stileid.u32  }
0x2ee: {  	s1 =	rddreg [dreg:$0x1];
	p0 =	sne.s32 s2, $0x0  }
0x2ef: {  	s3 =	rddreg [dreg:$0x2];
	[bflag:$0x3] =	sbarrier.arrive $0xFFFF;
	s2 =	simm.s32 @!p0 $0x1C02  }
0x2f0: {  	[timem:s3], [sflag:s2] =	dma.local @!p0 [hbm:s0], s1  }
0x2f1: {  	s0 =	simm.s32 @!p0 $0x2  }
0x2f2: {  	_ =	swait.ge @!p0 [sflag:s0], s1  }
0x2f3: {  	s1 =	ssub.s32 @!p0 $0x0, s1;
	[sflag:s0] =	ssyncset.done @!p0 $0x0  }
0x2f4: {  	[sflag:s0] =	ssyncadd.s32 @!p0 s1  }
0x2f5: {  	[bflag:$0x3] =	sbarrier.arrive $0xFFFF  }
0x2f6: {  	_ =	shalt  }

</sc_bundles>
